<compile_context>
chip_gen: v7x
topology: tpu7x:2x2x1
jax: 0.10.2.dev20260603
libtpu: 0.0.44.dev20260713+nightly
codegen_flags: <defaults>
</compile_context>

<pallas_src>
import functools

import jax
import jax.numpy as jnp
from jax import lax
from jax.experimental import pallas as pl
from jax.experimental.pallas import tpu as pltpu
from jax.experimental.pallas import tpu_sc as plsc

NPTS = 4096
KNB = 5
_NC, _NS = 2, 16
_NW = _NC * _NS
_PPW = NPTS // _NW



def _knn_body(xr_ref, xa_ref, idx_ref, *, c_use):
    xr = xr_ref[...][:, :c_use]
    xa = xa_ref[...][:, :c_use]
    d2 = lax.dot_general(xr.astype(jnp.bfloat16), xa.astype(jnp.bfloat16),
                         (((1,), (1,)), ((), ())),
                         preferred_element_type=jnp.float32)
    nr = jnp.sum(xr * xr, axis=1, keepdims=True)
    na = jnp.sum(xa * xa, axis=1)[None, :]
    p = 2.0 * d2 - nr - na
    iota = lax.broadcasted_iota(jnp.int32, p.shape, 1)
    cols = []
    for t in range(KNB):
        a = jnp.argmax(p, axis=1, keepdims=True).astype(jnp.int32)
        cols.append(a)
        if t < KNB - 1:
            p = jnp.where(iota == a, -jnp.inf, p)
    idx_ref[...] = jnp.concatenate(cols, axis=1)


def _knn(f, c_use, rblk=512):
    n, c = f.shape
    return pl.pallas_call(
        functools.partial(_knn_body, c_use=c_use),
        grid=(n // rblk,),
        in_specs=[pl.BlockSpec((rblk, c), lambda i: (i, 0)),
                  pl.BlockSpec((n, c), lambda i: (0, 0))],
        out_specs=pl.BlockSpec((rblk, KNB), lambda i: (i, 0)),
        out_shape=jax.ShapeDtypeStruct((n, KNB), jnp.int32),
    )(f, f)



@functools.cache
def _gather_rows_fn(c=128):
    mesh = plsc.VectorSubcoreMesh(core_axis_name="c", subcore_axis_name="s")

    @functools.partial(
        pl.kernel,
        out_type=jax.ShapeDtypeStruct((KNB * NPTS, c), jnp.float32),
        mesh=mesh,
        scratch_types=[
            pltpu.VMEM((KNB, _PPW), jnp.int32),
            pltpu.VMEM((KNB, _PPW, c), jnp.float32),
            pltpu.SemaphoreType.DMA,
        ],
    )
    def kern(idxt_hbm, f_hbm, fj_hbm, idx_v, rows, sem):
        wid = lax.axis_index("s") * _NC + lax.axis_index("c")
        base = wid * _PPW
        for j in range(KNB):
            pltpu.sync_copy(idxt_hbm.at[pl.ds(j * NPTS + base, _PPW)],
                            idx_v.at[j])
        cps = [pltpu.async_copy(f_hbm.at[idx_v.at[j]], rows.at[j], sem)
               for j in range(KNB)]
        for cp in cps:
            cp.wait()
        for j in range(KNB):
            pltpu.sync_copy(rows.at[j], fj_hbm.at[pl.ds(j * NPTS + base, _PPW)])

    return kern



def _edge_exact_stage1(fj3, f, w, c_real, rblk=512):
    n, cp = f.shape
    o = w.shape[0]
    nb = n // rblk

    def body(fj_ref, f_ref, w_ref, my_ref, y_ref):
        fj = fj_ref[...][:, :, :c_real]
        fv = f_ref[...][:, :c_real]
        d = fj - fv[None]
        e = jnp.concatenate(
            [d, jnp.broadcast_to(fv[None], (KNB, rblk, c_real))], axis=2)
        e2 = e.reshape(KNB * rblk, 2 * c_real)
        y = lax.dot_general(e2.astype(jnp.bfloat16),
                            w_ref[...].astype(jnp.bfloat16),
                            (((1,), (1,)), ((), ())),
                            preferred_element_type=jnp.float32)
        y3 = y.reshape(KNB, rblk, o)
        my_ref[...] = jnp.max(y3, axis=0)
        y_ref[...] = y3

    return pl.pallas_call(
        body,
        grid=(nb,),
        in_specs=[pl.BlockSpec((KNB, rblk, cp), lambda i: (0, i, 0)),
                  pl.BlockSpec((rblk, cp), lambda i: (i, 0)),
                  pl.BlockSpec((o, 2 * c_real), lambda i: (0, 0))],
        out_specs=[pl.BlockSpec((rblk, o), lambda i: (i, 0)),
                   pl.BlockSpec((KNB, rblk, o), lambda i: (0, i, 0))],
        out_shape=[jax.ShapeDtypeStruct((n, o), jnp.float32),
                   jax.ShapeDtypeStruct((KNB, n, o), jnp.float32)],
    )(fj3, f, w)


def _edge_finalize_body(my_ref, mu_ref, var_ref, o_ref):
    my = my_ref[...]
    y = (my - mu_ref[...]) / jnp.sqrt(var_ref[...] + 1e-5)
    y = jnp.where(y >= 0.0, y, 0.2 * y)
    o = y.shape[1]
    opad = o_ref.shape[1]
    if opad > o:
        y = jnp.concatenate(
            [y, jnp.zeros((y.shape[0], opad - o), jnp.float32)], axis=1)
    o_ref[...] = y


def _edgeconv_exact(f, c_real, w, idxt, o_pad=None):
    n, cp = f.shape
    o = w.shape[0]
    o_pad = o_pad or o
    fj = _gather_rows_fn(cp)(idxt.reshape(-1), f)
    fj3 = fj.reshape(KNB, n, cp)
    my, y3 = _edge_exact_stage1(fj3, f, w, c_real)
    y4 = jnp.transpose(y3, (2, 1, 0))[None]
    y4 = lax.optimization_barrier(y4)
    mu = jnp.mean(y4, axis=(0, 2, 3), keepdims=True).reshape(1, o)
    var = jnp.var(y4, axis=(0, 2, 3), keepdims=True).reshape(1, o)
    y = (my - mu) / jnp.sqrt(var + 1e-5)
    y = jnp.where(y >= 0, y, 0.2 * y)
    if o_pad > o:
        y = jnp.pad(y, ((0, 0), (0, o_pad - o)))
    return y



def _conv1d(parts, creal, w):
    n = parts[0].shape[0]
    o = w.shape[0]
    nparts = len(parts)

    def body(*refs):
        w_ref = refs[nparts]
        o_ref = refs[nparts + 1]
        xcat = jnp.concatenate(
            [refs[i][...][:, :creal[i]] for i in range(nparts)], axis=1)
        y = lax.dot_general(xcat.astype(jnp.bfloat16),
                            w_ref[...].astype(jnp.bfloat16),
                            (((1,), (1,)), ((), ())),
                            preferred_element_type=jnp.float32)
        mean = jnp.sum(y, axis=0, keepdims=True) / n
        ey2 = jnp.sum(y * y, axis=0, keepdims=True) / n
        var = ey2 - mean * mean
        yv = (y - mean) * lax.rsqrt(var + 1e-5)
        o_ref[...] = jnp.where(yv >= 0.0, yv, 0.2 * yv)

    return pl.pallas_call(
        body,
        out_shape=jax.ShapeDtypeStruct((n, o), jnp.float32),
    )(*parts, w)




def kernel(x, W1s, W2s, W3s, W1c, W2c, W3c, Was, Wac, Wa):
    sem128 = jnp.pad(x[:, :10], ((0, 0), (0, 118)))
    cen128 = jnp.pad(x[:, 13:16], ((0, 0), (0, 125)))

    idx0t = jnp.transpose(_knn(cen128, 8))

    s1 = _edgeconv_exact(sem128, 10, W1s, idx0t, o_pad=128)
    s2 = _edgeconv_exact(s1, 64, W2s, jnp.transpose(_knn(s1, 64)), o_pad=128)
    s3 = _edgeconv_exact(s2, 64, W3s, jnp.transpose(_knn(s2, 64)))
    sf = _conv1d([s1, s2, s3], (64, 64, 128), Was)

    c1 = _edgeconv_exact(cen128, 3, W1c, idx0t, o_pad=128)
    c2 = _edgeconv_exact(c1, 64, W2c, jnp.transpose(_knn(c1, 64)), o_pad=128)
    c3 = _edgeconv_exact(c2, 64, W3c, jnp.transpose(_knn(c2, 64)))
    cf = _conv1d([c1, c2, c3], (64, 64, 128), Wac)

    return _conv1d([sf, cf], (128, 128), Wa)

# --- scband reference (transcript-rebuilt; emitter-appended) ---
"""Pipeline reference for scband-sgnet-51831665328280 (READ-ONLY COPY).

The authoritative reference and input builder live on the scoring server;
editing this copy changes nothing except your own understanding.
"""

import jax, jax.numpy as jnp
import numpy as np

N = 4096
C_IN = 16
K = 5


def knn(x, k):
    # x: [B, C, N]; returns indices of k largest negative-squared-distances (nearest neighbors)
    inner = -2.0 * jnp.einsum('bcn,bcm->bnm', x, x)
    xx = jnp.sum(x ** 2, axis=1, keepdims=True)  # [B,1,N]
    pairwise = -xx - inner - jnp.transpose(xx, (0, 2, 1))
    idx = jax.lax.top_k(pairwise, k)[1]  # [B, N, k]
    return idx


def get_graph_feature(x, k, idx=None, xyz=False, first_layer=False, centroid=None):
    B, C, Np = x.shape
    if idx is None:
        if xyz:
            idx = knn(x[:, :3, :], k)
        elif first_layer:
            idx = knn(centroid[:, :3, :], k)
        else:
            idx = knn(x, k)
    x_t = jnp.transpose(x, (0, 2, 1))  # [B, N, C]
    feature = x_t[jnp.arange(B)[:, None, None], idx]  # [B, N, k, C] gather
    xc = jnp.broadcast_to(x_t[:, :, None, :], (B, Np, k, C))
    feature = jnp.concatenate([feature - xc, xc], axis=3)  # [B, N, k, 2C]
    return jnp.transpose(feature, (0, 3, 1, 2))  # [B, 2C, N, k]


def _bn(x, axes):
    mean = jnp.mean(x, axis=axes, keepdims=True)
    var = jnp.var(x, axis=axes, keepdims=True)
    return (x - mean) / jnp.sqrt(var + 1e-5)


def _lrelu(x):
    return jnp.where(x >= 0, x, 0.2 * x)


def conv2d_block(x, W):
    # Conv2d kernel_size=1 bias=False + BatchNorm2d(train stats, gamma=1, beta=0) + LeakyReLU(0.2)
    y = jnp.einsum('oc,bcnk->bonk', W, x)
    return _lrelu(_bn(y, (0, 2, 3)))


def conv1d_block(x, W):
    y = jnp.einsum('oc,bcn->bon', W, x)
    return _lrelu(_bn(y, (0, 2)))


def setup_inputs(seed: int = 0) -> dict:
    key = jax.random.key(seed)
    ks = jax.random.split(key, 10)

    def w(kk, o, i):
        return jax.random.normal(kk, (o, i), dtype=jnp.float32) * (1.0 / np.sqrt(i))

    return {
        'x': jax.random.normal(ks[0], (N, C_IN), dtype=jnp.float32),
        'W1s': w(ks[1], 64, 20),
        'W2s': w(ks[2], 64, 128),
        'W3s': w(ks[3], 128, 128),
        'W1c': w(ks[4], 64, 6),
        'W2c': w(ks[5], 64, 128),
        'W3c': w(ks[6], 128, 128),
        'Was': w(ks[7], 128, 256),
        'Wac': w(ks[8], 128, 256),
        'Wa': w(ks[9], 256, 256),
    }


def reference(x, W1s, W2s, W3s, W1c, W2c, W3c, Was, Wac, Wa):
    xb = jnp.transpose(x[None], (0, 2, 1))  # [1, C_IN, N]
    semantic = xb[:, :10, :]
    centroid = xb[:, 13:16, :]
    k = K

    s = get_graph_feature(semantic, k, first_layer=True, centroid=centroid)
    s = conv2d_block(s, W1s)
    s1 = s.max(axis=-1)
    s = get_graph_feature(s1, k)
    s = conv2d_block(s, W2s)
    s2 = s.max(axis=-1)
    s = get_graph_feature(s2, k)
    s = conv2d_block(s, W3s)
    s3 = s.max(axis=-1)
    semantic_final = conv1d_block(jnp.concatenate([s1, s2, s3], axis=1), Was)

    c = get_graph_feature(centroid, k, xyz=True)
    c = conv2d_block(c, W1c)
    c1 = c.max(axis=-1)
    c = get_graph_feature(c1, k)
    c = conv2d_block(c, W2c)
    c2 = c.max(axis=-1)
    c = get_graph_feature(c2, k)
    c = conv2d_block(c, W3c)
    c3 = c.max(axis=-1)
    centroid_final = conv1d_block(jnp.concatenate([c1, c2, c3], axis=1), Wac)

    out = conv1d_block(jnp.concatenate([semantic_final, centroid_final], axis=1), Wa)
    out = jnp.transpose(out, (0, 2, 1))[0]  # [N, 256]
    return out

if __name__ == "__main__":
    import jax
    _d = setup_inputs()
    print(jax.jit(kernel)(*tuple(_d.values())))

</pallas_src>

<mosaic_0001>
#map = affine_map<(d0, d1) -> (0)>
#map1 = affine_map<(d0, d1) -> (0, 0)>
module attributes {stable_mosaic.version = 14 : i64} {
  func.func @kern(%arg0: i32, %arg1: i32, %arg2: memref<20480xi32, #tpu.memory_space<hbm>>, %arg3: memref<4096x128xf32, #tpu.memory_space<hbm>>, %arg4: memref<20480x128xf32, #tpu.memory_space<hbm>>, %arg5: memref<5x128xi32, #tpu.memory_space<vmem>>, %arg6: memref<5x128x128xf32, #tpu.memory_space<vmem>>, %arg7: memref<!tpu.dma_semaphore, #tpu.memory_space<semaphore_mem>>) attributes {dimension_semantics = [#tpu.dimension_semantics<core_parallel>, #tpu.dimension_semantics<subcore_parallel>], iteration_bounds = array<i64: 2, 16>, scalar_prefetch = 0 : i64, scratch_operands = 3 : i64, tpu.core_type = #tpu.core_type<sc_vector_subcore>, window_params = [{transform_indices = #map}, {transform_indices = #map1}, {transform_indices = #map1}]} {
    %mul3A = arith.constant 2 : i32
    %mul3A_0 = arith.muli %arg1, %mul3A : i32
    %add3A = arith.addi %mul3A_0, %arg0 : i32
    %mul3A_1 = arith.constant 128 : i32
    %mul3A_2 = arith.muli %add3A, %mul3A_1 : i32
    %add3A_3 = arith.constant 0 : i32
    %add3A_4 = arith.addi %add3A_3, %mul3A_2 : i32
    %run_scoped3A = arith.constant 0 : i32
    "tpu.region"() ({
      %run_scoped3A_150 = tpu.sem_alloc : memref<!tpu.dma_semaphore, #tpu.memory_space<semaphore_mem>>
      %dma_start3A_151 = arith.constant 0 : i32
      %dma_start3A_152 = tpu.memref_slice %arg5[%run_scoped3A, %dma_start3A_151] : memref<5x128xi32, #tpu.memory_space<vmem>> -> memref<1x128xi32, #tpu.memory_space<vmem>>
      %dma_start3A_153 = tpu.memref_squeeze %dma_start3A_152 : memref<1x128xi32, #tpu.memory_space<vmem>> -> memref<128xi32, #tpu.memory_space<vmem>>
      %dma_start3A_154 = tpu.memref_slice %arg2[%add3A_4] : memref<20480xi32, #tpu.memory_space<hbm>> -> memref<128xi32, #tpu.memory_space<hbm>>
      %dma_start3A_155 = arith.constant 0 : i32
      %dma_start3A_156 = tpu.memref_slice %arg5[%run_scoped3A, %dma_start3A_155] : memref<5x128xi32, #tpu.memory_space<vmem>> -> memref<1x128xi32, #tpu.memory_space<vmem>>
      %dma_start3A_157 = tpu.memref_squeeze %dma_start3A_156 : memref<1x128xi32, #tpu.memory_space<vmem>> -> memref<128xi32, #tpu.memory_space<vmem>>
      %dma_start3A_158 = tpu.memref_slice %arg2[%add3A_4] : memref<20480xi32, #tpu.memory_space<hbm>> -> memref<128xi32, #tpu.memory_space<hbm>>
      tpu.enqueue_dma source(%dma_start3A_158 : memref<128xi32, #tpu.memory_space<hbm>>) target(%dma_start3A_157 : memref<128xi32, #tpu.memory_space<vmem>>) target_semaphore(%run_scoped3A_150 : memref<!tpu.dma_semaphore, #tpu.memory_space<semaphore_mem>>)
      %dma_wait3A_159 = arith.constant 0 : i32
      %dma_wait3A_160 = tpu.memref_slice %arg5[%run_scoped3A, %dma_wait3A_159] : memref<5x128xi32, #tpu.memory_space<vmem>> -> memref<1x128xi32, #tpu.memory_space<vmem>>
      %dma_wait3A_161 = tpu.memref_squeeze %dma_wait3A_160 : memref<1x128xi32, #tpu.memory_space<vmem>> -> memref<128xi32, #tpu.memory_space<vmem>>
      %dma_wait3A_162 = tpu.memref_slice %arg2[%add3A_4] : memref<20480xi32, #tpu.memory_space<hbm>> -> memref<128xi32, #tpu.memory_space<hbm>>
      %dma_wait3A_163 = arith.constant 0 : i32
      %dma_wait3A_164 = tpu.memref_slice %arg5[%run_scoped3A, %dma_wait3A_163] : memref<5x128xi32, #tpu.memory_space<vmem>> -> memref<1x128xi32, #tpu.memory_space<vmem>>
      %dma_wait3A_165 = tpu.memref_squeeze %dma_wait3A_164 : memref<1x128xi32, #tpu.memory_space<vmem>> -> memref<128xi32, #tpu.memory_space<vmem>>
      %dma_wait3A_166 = tpu.memref_slice %arg2[%add3A_4] : memref<20480xi32, #tpu.memory_space<hbm>> -> memref<128xi32, #tpu.memory_space<hbm>>
      tpu.wait_dma2 semaphore(%run_scoped3A_150 : memref<!tpu.dma_semaphore, #tpu.memory_space<semaphore_mem>>) src(%dma_wait3A_166 : memref<128xi32, #tpu.memory_space<hbm>>) dst(%dma_wait3A_165 : memref<128xi32, #tpu.memory_space<vmem>>)
      tpu.yield
    }) : () -> ()
    %add3A_5 = arith.constant 4096 : i32
    %add3A_6 = arith.addi %add3A_5, %mul3A_2 : i32
    %run_scoped3A_7 = arith.constant 1 : i32
    "tpu.region"() ({
      %run_scoped3A_150 = tpu.sem_alloc : memref<!tpu.dma_semaphore, #tpu.memory_space<semaphore_mem>>
      %dma_start3A_151 = arith.constant 0 : i32
      %dma_start3A_152 = tpu.memref_slice %arg5[%run_scoped3A_7, %dma_start3A_151] : memref<5x128xi32, #tpu.memory_space<vmem>> -> memref<1x128xi32, #tpu.memory_space<vmem>>
      %dma_start3A_153 = tpu.memref_squeeze %dma_start3A_152 : memref<1x128xi32, #tpu.memory_space<vmem>> -> memref<128xi32, #tpu.memory_space<vmem>>
      %dma_start3A_154 = tpu.memref_slice %arg2[%add3A_6] : memref<20480xi32, #tpu.memory_space<hbm>> -> memref<128xi32, #tpu.memory_space<hbm>>
      %dma_start3A_155 = arith.constant 0 : i32
      %dma_start3A_156 = tpu.memref_slice %arg5[%run_scoped3A_7, %dma_start3A_155] : memref<5x128xi32, #tpu.memory_space<vmem>> -> memref<1x128xi32, #tpu.memory_space<vmem>>
      %dma_start3A_157 = tpu.memref_squeeze %dma_start3A_156 : memref<1x128xi32, #tpu.memory_space<vmem>> -> memref<128xi32, #tpu.memory_space<vmem>>
      %dma_start3A_158 = tpu.memref_slice %arg2[%add3A_6] : memref<20480xi32, #tpu.memory_space<hbm>> -> memref<128xi32, #tpu.memory_space<hbm>>
      tpu.enqueue_dma source(%dma_start3A_158 : memref<128xi32, #tpu.memory_space<hbm>>) target(%dma_start3A_157 : memref<128xi32, #tpu.memory_space<vmem>>) target_semaphore(%run_scoped3A_150 : memref<!tpu.dma_semaphore, #tpu.memory_space<semaphore_mem>>)
      %dma_wait3A_159 = arith.constant 0 : i32
      %dma_wait3A_160 = tpu.memref_slice %arg5[%run_scoped3A_7, %dma_wait3A_159] : memref<5x128xi32, #tpu.memory_space<vmem>> -> memref<1x128xi32, #tpu.memory_space<vmem>>
      %dma_wait3A_161 = tpu.memref_squeeze %dma_wait3A_160 : memref<1x128xi32, #tpu.memory_space<vmem>> -> memref<128xi32, #tpu.memory_space<vmem>>
      %dma_wait3A_162 = tpu.memref_slice %arg2[%add3A_6] : memref<20480xi32, #tpu.memory_space<hbm>> -> memref<128xi32, #tpu.memory_space<hbm>>
      %dma_wait3A_163 = arith.constant 0 : i32
      %dma_wait3A_164 = tpu.memref_slice %arg5[%run_scoped3A_7, %dma_wait3A_163] : memref<5x128xi32, #tpu.memory_space<vmem>> -> memref<1x128xi32, #tpu.memory_space<vmem>>
      %dma_wait3A_165 = tpu.memref_squeeze %dma_wait3A_164 : memref<1x128xi32, #tpu.memory_space<vmem>> -> memref<128xi32, #tpu.memory_space<vmem>>
      %dma_wait3A_166 = tpu.memref_slice %arg2[%add3A_6] : memref<20480xi32, #tpu.memory_space<hbm>> -> memref<128xi32, #tpu.memory_space<hbm>>
      tpu.wait_dma2 semaphore(%run_scoped3A_150 : memref<!tpu.dma_semaphore, #tpu.memory_space<semaphore_mem>>) src(%dma_wait3A_166 : memref<128xi32, #tpu.memory_space<hbm>>) dst(%dma_wait3A_165 : memref<128xi32, #tpu.memory_space<vmem>>)
      tpu.yield
    }) : () -> ()
    %add3A_8 = arith.constant 8192 : i32
    %add3A_9 = arith.addi %add3A_8, %mul3A_2 : i32
    %run_scoped3A_10 = arith.constant 2 : i32
    "tpu.region"() ({
      %run_scoped3A_150 = tpu.sem_alloc : memref<!tpu.dma_semaphore, #tpu.memory_space<semaphore_mem>>
      %dma_start3A_151 = arith.constant 0 : i32
      %dma_start3A_152 = tpu.memref_slice %arg5[%run_scoped3A_10, %dma_start3A_151] : memref<5x128xi32, #tpu.memory_space<vmem>> -> memref<1x128xi32, #tpu.memory_space<vmem>>
      %dma_start3A_153 = tpu.memref_squeeze %dma_start3A_152 : memref<1x128xi32, #tpu.memory_space<vmem>> -> memref<128xi32, #tpu.memory_space<vmem>>
      %dma_start3A_154 = tpu.memref_slice %arg2[%add3A_9] : memref<20480xi32, #tpu.memory_space<hbm>> -> memref<128xi32, #tpu.memory_space<hbm>>
      %dma_start3A_155 = arith.constant 0 : i32
      %dma_start3A_156 = tpu.memref_slice %arg5[%run_scoped3A_10, %dma_start3A_155] : memref<5x128xi32, #tpu.memory_space<vmem>> -> memref<1x128xi32, #tpu.memory_space<vmem>>
      %dma_start3A_157 = tpu.memref_squeeze %dma_start3A_156 : memref<1x128xi32, #tpu.memory_space<vmem>> -> memref<128xi32, #tpu.memory_space<vmem>>
      %dma_start3A_158 = tpu.memref_slice %arg2[%add3A_9] : memref<20480xi32, #tpu.memory_space<hbm>> -> memref<128xi32, #tpu.memory_space<hbm>>
      tpu.enqueue_dma source(%dma_start3A_158 : memref<128xi32, #tpu.memory_space<hbm>>) target(%dma_start3A_157 : memref<128xi32, #tpu.memory_space<vmem>>) target_semaphore(%run_scoped3A_150 : memref<!tpu.dma_semaphore, #tpu.memory_space<semaphore_mem>>)
      %dma_wait3A_159 = arith.constant 0 : i32
      %dma_wait3A_160 = tpu.memref_slice %arg5[%run_scoped3A_10, %dma_wait3A_159] : memref<5x128xi32, #tpu.memory_space<vmem>> -> memref<1x128xi32, #tpu.memory_space<vmem>>
      %dma_wait3A_161 = tpu.memref_squeeze %dma_wait3A_160 : memref<1x128xi32, #tpu.memory_space<vmem>> -> memref<128xi32, #tpu.memory_space<vmem>>
      %dma_wait3A_162 = tpu.memref_slice %arg2[%add3A_9] : memref<20480xi32, #tpu.memory_space<hbm>> -> memref<128xi32, #tpu.memory_space<hbm>>
      %dma_wait3A_163 = arith.constant 0 : i32
      %dma_wait3A_164 = tpu.memref_slice %arg5[%run_scoped3A_10, %dma_wait3A_163] : memref<5x128xi32, #tpu.memory_space<vmem>> -> memref<1x128xi32, #tpu.memory_space<vmem>>
      %dma_wait3A_165 = tpu.memref_squeeze %dma_wait3A_164 : memref<1x128xi32, #tpu.memory_space<vmem>> -> memref<128xi32, #tpu.memory_space<vmem>>
      %dma_wait3A_166 = tpu.memref_slice %arg2[%add3A_9] : memref<20480xi32, #tpu.memory_space<hbm>> -> memref<128xi32, #tpu.memory_space<hbm>>
      tpu.wait_dma2 semaphore(%run_scoped3A_150 : memref<!tpu.dma_semaphore, #tpu.memory_space<semaphore_mem>>) src(%dma_wait3A_166 : memref<128xi32, #tpu.memory_space<hbm>>) dst(%dma_wait3A_165 : memref<128xi32, #tpu.memory_space<vmem>>)
      tpu.yield
    }) : () -> ()
    %add3A_11 = arith.constant 12288 : i32
    %add3A_12 = arith.addi %add3A_11, %mul3A_2 : i32
    %run_scoped3A_13 = arith.constant 3 : i32
    "tpu.region"() ({
      %run_scoped3A_150 = tpu.sem_alloc : memref<!tpu.dma_semaphore, #tpu.memory_space<semaphore_mem>>
      %dma_start3A_151 = arith.constant 0 : i32
      %dma_start3A_152 = tpu.memref_slice %arg5[%run_scoped3A_13, %dma_start3A_151] : memref<5x128xi32, #tpu.memory_space<vmem>> -> memref<1x128xi32, #tpu.memory_space<vmem>>
      %dma_start3A_153 = tpu.memref_squeeze %dma_start3A_152 : memref<1x128xi32, #tpu.memory_space<vmem>> -> memref<128xi32, #tpu.memory_space<vmem>>
      %dma_start3A_154 = tpu.memref_slice %arg2[%add3A_12] : memref<20480xi32, #tpu.memory_space<hbm>> -> memref<128xi32, #tpu.memory_space<hbm>>
      %dma_start3A_155 = arith.constant 0 : i32
      %dma_start3A_156 = tpu.memref_slice %arg5[%run_scoped3A_13, %dma_start3A_155] : memref<5x128xi32, #tpu.memory_space<vmem>> -> memref<1x128xi32, #tpu.memory_space<vmem>>
      %dma_start3A_157 = tpu.memref_squeeze %dma_start3A_156 : memref<1x128xi32, #tpu.memory_space<vmem>> -> memref<128xi32, #tpu.memory_space<vmem>>
      %dma_start3A_158 = tpu.memref_slice %arg2[%add3A_12] : memref<20480xi32, #tpu.memory_space<hbm>> -> memref<128xi32, #tpu.memory_space<hbm>>
      tpu.enqueue_dma source(%dma_start3A_158 : memref<128xi32, #tpu.memory_space<hbm>>) target(%dma_start3A_157 : memref<128xi32, #tpu.memory_space<vmem>>) target_semaphore(%run_scoped3A_150 : memref<!tpu.dma_semaphore, #tpu.memory_space<semaphore_mem>>)
      %dma_wait3A_159 = arith.constant 0 : i32
      %dma_wait3A_160 = tpu.memref_slice %arg5[%run_scoped3A_13, %dma_wait3A_159] : memref<5x128xi32, #tpu.memory_space<vmem>> -> memref<1x128xi32, #tpu.memory_space<vmem>>
      %dma_wait3A_161 = tpu.memref_squeeze %dma_wait3A_160 : memref<1x128xi32, #tpu.memory_space<vmem>> -> memref<128xi32, #tpu.memory_space<vmem>>
      %dma_wait3A_162 = tpu.memref_slice %arg2[%add3A_12] : memref<20480xi32, #tpu.memory_space<hbm>> -> memref<128xi32, #tpu.memory_space<hbm>>
      %dma_wait3A_163 = arith.constant 0 : i32
      %dma_wait3A_164 = tpu.memref_slice %arg5[%run_scoped3A_13, %dma_wait3A_163] : memref<5x128xi32, #tpu.memory_space<vmem>> -> memref<1x128xi32, #tpu.memory_space<vmem>>
      %dma_wait3A_165 = tpu.memref_squeeze %dma_wait3A_164 : memref<1x128xi32, #tpu.memory_space<vmem>> -> memref<128xi32, #tpu.memory_space<vmem>>
      %dma_wait3A_166 = tpu.memref_slice %arg2[%add3A_12] : memref<20480xi32, #tpu.memory_space<hbm>> -> memref<128xi32, #tpu.memory_space<hbm>>
      tpu.wait_dma2 semaphore(%run_scoped3A_150 : memref<!tpu.dma_semaphore, #tpu.memory_space<semaphore_mem>>) src(%dma_wait3A_166 : memref<128xi32, #tpu.memory_space<hbm>>) dst(%dma_wait3A_165 : memref<128xi32, #tpu.memory_space<vmem>>)
      tpu.yield
    }) : () -> ()
    %add3A_14 = arith.constant 16384 : i32
    %add3A_15 = arith.addi %add3A_14, %mul3A_2 : i32
    %run_scoped3A_16 = arith.constant 4 : i32
    "tpu.region"() ({
      %run_scoped3A_150 = tpu.sem_alloc : memref<!tpu.dma_semaphore, #tpu.memory_space<semaphore_mem>>
      %dma_start3A_151 = arith.constant 0 : i32
      %dma_start3A_152 = tpu.memref_slice %arg5[%run_scoped3A_16, %dma_start3A_151] : memref<5x128xi32, #tpu.memory_space<vmem>> -> memref<1x128xi32, #tpu.memory_space<vmem>>
      %dma_start3A_153 = tpu.memref_squeeze %dma_start3A_152 : memref<1x128xi32, #tpu.memory_space<vmem>> -> memref<128xi32, #tpu.memory_space<vmem>>
      %dma_start3A_154 = tpu.memref_slice %arg2[%add3A_15] : memref<20480xi32, #tpu.memory_space<hbm>> -> memref<128xi32, #tpu.memory_space<hbm>>
      %dma_start3A_155 = arith.constant 0 : i32
      %dma_start3A_156 = tpu.memref_slice %arg5[%run_scoped3A_16, %dma_start3A_155] : memref<5x128xi32, #tpu.memory_space<vmem>> -> memref<1x128xi32, #tpu.memory_space<vmem>>
      %dma_start3A_157 = tpu.memref_squeeze %dma_start3A_156 : memref<1x128xi32, #tpu.memory_space<vmem>> -> memref<128xi32, #tpu.memory_space<vmem>>
      %dma_start3A_158 = tpu.memref_slice %arg2[%add3A_15] : memref<20480xi32, #tpu.memory_space<hbm>> -> memref<128xi32, #tpu.memory_space<hbm>>
      tpu.enqueue_dma source(%dma_start3A_158 : memref<128xi32, #tpu.memory_space<hbm>>) target(%dma_start3A_157 : memref<128xi32, #tpu.memory_space<vmem>>) target_semaphore(%run_scoped3A_150 : memref<!tpu.dma_semaphore, #tpu.memory_space<semaphore_mem>>)
      %dma_wait3A_159 = arith.constant 0 : i32
      %dma_wait3A_160 = tpu.memref_slice %arg5[%run_scoped3A_16, %dma_wait3A_159] : memref<5x128xi32, #tpu.memory_space<vmem>> -> memref<1x128xi32, #tpu.memory_space<vmem>>
      %dma_wait3A_161 = tpu.memref_squeeze %dma_wait3A_160 : memref<1x128xi32, #tpu.memory_space<vmem>> -> memref<128xi32, #tpu.memory_space<vmem>>
      %dma_wait3A_162 = tpu.memref_slice %arg2[%add3A_15] : memref<20480xi32, #tpu.memory_space<hbm>> -> memref<128xi32, #tpu.memory_space<hbm>>
      %dma_wait3A_163 = arith.constant 0 : i32
      %dma_wait3A_164 = tpu.memref_slice %arg5[%run_scoped3A_16, %dma_wait3A_163] : memref<5x128xi32, #tpu.memory_space<vmem>> -> memref<1x128xi32, #tpu.memory_space<vmem>>
      %dma_wait3A_165 = tpu.memref_squeeze %dma_wait3A_164 : memref<1x128xi32, #tpu.memory_space<vmem>> -> memref<128xi32, #tpu.memory_space<vmem>>
      %dma_wait3A_166 = tpu.memref_slice %arg2[%add3A_15] : memref<20480xi32, #tpu.memory_space<hbm>> -> memref<128xi32, #tpu.memory_space<hbm>>
      tpu.wait_dma2 semaphore(%run_scoped3A_150 : memref<!tpu.dma_semaphore, #tpu.memory_space<semaphore_mem>>) src(%dma_wait3A_166 : memref<128xi32, #tpu.memory_space<hbm>>) dst(%dma_wait3A_165 : memref<128xi32, #tpu.memory_space<vmem>>)
      tpu.yield
    }) : () -> ()
    %dma_start3A = arith.constant 0 : i32
    %dma_start3A_17 = arith.constant 0 : i32
    %dma_start3A_18 = arith.constant 0 : i32
    %dma_start3A_19 = arith.constant 0 : i32
    %dma_start3A_20 = tpu.memref_slice %arg6[%dma_start3A_17, %dma_start3A_18, %dma_start3A_19] : memref<5x128x128xf32, #tpu.memory_space<vmem>> -> memref<1x128x128xf32, #tpu.memory_space<vmem>>
    %dma_start3A_21 = tpu.memref_squeeze %dma_start3A_20 : memref<1x128x128xf32, #tpu.memory_space<vmem>> -> memref<128x128xf32, #tpu.memory_space<vmem>>
    %dma_start3A_22 = arith.constant 0 : i32
    %dma_start3A_23 = tpu.memref_slice %arg5[%dma_start3A, %dma_start3A_22] : memref<5x128xi32, #tpu.memory_space<vmem>> -> memref<1x128xi32, #tpu.memory_space<vmem>>
    %dma_start3A_24 = tpu.memref_squeeze %dma_start3A_23 : memref<1x128xi32, #tpu.memory_space<vmem>> -> memref<128xi32, #tpu.memory_space<vmem>>
    %dma_start3A_25 = arith.constant 0 : i32
    %dma_start3A_26 = arith.constant 0 : i32
    %dma_start3A_27 = tpu.memref_slice %arg3[%dma_start3A_25, %dma_start3A_26] : memref<4096x128xf32, #tpu.memory_space<hbm>> -> memref<4096x128xf32, #tpu.memory_space<hbm>>
    tpu.enqueue_indirect_dma source(%dma_start3A_27 : memref<4096x128xf32, #tpu.memory_space<hbm>>) target(%dma_start3A_21 : memref<128x128xf32, #tpu.memory_space<vmem>>) offsets(%dma_start3A_24 : memref<128xi32, #tpu.memory_space<vmem>>) semaphore(%arg7 : memref<!tpu.dma_semaphore, #tpu.memory_space<semaphore_mem>>)
    %dma_start3A_28 = arith.constant 1 : i32
    %dma_start3A_29 = arith.constant 1 : i32
    %dma_start3A_30 = arith.constant 0 : i32
    %dma_start3A_31 = arith.constant 0 : i32
    %dma_start3A_32 = tpu.memref_slice %arg6[%dma_start3A_29, %dma_start3A_30, %dma_start3A_31] : memref<5x128x128xf32, #tpu.memory_space<vmem>> -> memref<1x128x128xf32, #tpu.memory_space<vmem>>
    %dma_start3A_33 = tpu.memref_squeeze %dma_start3A_32 : memref<1x128x128xf32, #tpu.memory_space<vmem>> -> memref<128x128xf32, #tpu.memory_space<vmem>>
    %dma_start3A_34 = arith.constant 0 : i32
    %dma_start3A_35 = tpu.memref_slice %arg5[%dma_start3A_28, %dma_start3A_34] : memref<5x128xi32, #tpu.memory_space<vmem>> -> memref<1x128xi32, #tpu.memory_space<vmem>>
    %dma_start3A_36 = tpu.memref_squeeze %dma_start3A_35 : memref<1x128xi32, #tpu.memory_space<vmem>> -> memref<128xi32, #tpu.memory_space<vmem>>
    %dma_start3A_37 = arith.constant 0 : i32
    %dma_start3A_38 = arith.constant 0 : i32
    %dma_start3A_39 = tpu.memref_slice %arg3[%dma_start3A_37, %dma_start3A_38] : memref<4096x128xf32, #tpu.memory_space<hbm>> -> memref<4096x128xf32, #tpu.memory_space<hbm>>
    tpu.enqueue_indirect_dma source(%dma_start3A_39 : memref<4096x128xf32, #tpu.memory_space<hbm>>) target(%dma_start3A_33 : memref<128x128xf32, #tpu.memory_space<vmem>>) offsets(%dma_start3A_36 : memref<128xi32, #tpu.memory_space<vmem>>) semaphore(%arg7 : memref<!tpu.dma_semaphore, #tpu.memory_space<semaphore_mem>>)
    %dma_start3A_40 = arith.constant 2 : i32
    %dma_start3A_41 = arith.constant 2 : i32
    %dma_start3A_42 = arith.constant 0 : i32
    %dma_start3A_43 = arith.constant 0 : i32
    %dma_start3A_44 = tpu.memref_slice %arg6[%dma_start3A_41, %dma_start3A_42, %dma_start3A_43] : memref<5x128x128xf32, #tpu.memory_space<vmem>> -> memref<1x128x128xf32, #tpu.memory_space<vmem>>
    %dma_start3A_45 = tpu.memref_squeeze %dma_start3A_44 : memref<1x128x128xf32, #tpu.memory_space<vmem>> -> memref<128x128xf32, #tpu.memory_space<vmem>>
    %dma_start3A_46 = arith.constant 0 : i32
    %dma_start3A_47 = tpu.memref_slice %arg5[%dma_start3A_40, %dma_start3A_46] : memref<5x128xi32, #tpu.memory_space<vmem>> -> memref<1x128xi32, #tpu.memory_space<vmem>>
    %dma_start3A_48 = tpu.memref_squeeze %dma_start3A_47 : memref<1x128xi32, #tpu.memory_space<vmem>> -> memref<128xi32, #tpu.memory_space<vmem>>
    %dma_start3A_49 = arith.constant 0 : i32
    %dma_start3A_50 = arith.constant 0 : i32
    %dma_start3A_51 = tpu.memref_slice %arg3[%dma_start3A_49, %dma_start3A_50] : memref<4096x128xf32, #tpu.memory_space<hbm>> -> memref<4096x128xf32, #tpu.memory_space<hbm>>
    tpu.enqueue_indirect_dma source(%dma_start3A_51 : memref<4096x128xf32, #tpu.memory_space<hbm>>) target(%dma_start3A_45 : memref<128x128xf32, #tpu.memory_space<vmem>>) offsets(%dma_start3A_48 : memref<128xi32, #tpu.memory_space<vmem>>) semaphore(%arg7 : memref<!tpu.dma_semaphore, #tpu.memory_space<semaphore_mem>>)
    %dma_start3A_52 = arith.constant 3 : i32
    %dma_start3A_53 = arith.constant 3 : i32
    %dma_start3A_54 = arith.constant 0 : i32
    %dma_start3A_55 = arith.constant 0 : i32
    %dma_start3A_56 = tpu.memref_slice %arg6[%dma_start3A_53, %dma_start3A_54, %dma_start3A_55] : memref<5x128x128xf32, #tpu.memory_space<vmem>> -> memref<1x128x128xf32, #tpu.memory_space<vmem>>
    %dma_start3A_57 = tpu.memref_squeeze %dma_start3A_56 : memref<1x128x128xf32, #tpu.memory_space<vmem>> -> memref<128x128xf32, #tpu.memory_space<vmem>>
    %dma_start3A_58 = arith.constant 0 : i32
    %dma_start3A_59 = tpu.memref_slice %arg5[%dma_start3A_52, %dma_start3A_58] : memref<5x128xi32, #tpu.memory_space<vmem>> -> memref<1x128xi32, #tpu.memory_space<vmem>>
    %dma_start3A_60 = tpu.memref_squeeze %dma_start3A_59 : memref<1x128xi32, #tpu.memory_space<vmem>> -> memref<128xi32, #tpu.memory_space<vmem>>
    %dma_start3A_61 = arith.constant 0 : i32
    %dma_start3A_62 = arith.constant 0 : i32
    %dma_start3A_63 = tpu.memref_slice %arg3[%dma_start3A_61, %dma_start3A_62] : memref<4096x128xf32, #tpu.memory_space<hbm>> -> memref<4096x128xf32, #tpu.memory_space<hbm>>
    tpu.enqueue_indirect_dma source(%dma_start3A_63 : memref<4096x128xf32, #tpu.memory_space<hbm>>) target(%dma_start3A_57 : memref<128x128xf32, #tpu.memory_space<vmem>>) offsets(%dma_start3A_60 : memref<128xi32, #tpu.memory_space<vmem>>) semaphore(%arg7 : memref<!tpu.dma_semaphore, #tpu.memory_space<semaphore_mem>>)
    %dma_start3A_64 = arith.constant 4 : i32
    %dma_start3A_65 = arith.constant 4 : i32
    %dma_start3A_66 = arith.constant 0 : i32
    %dma_start3A_67 = arith.constant 0 : i32
    %dma_start3A_68 = tpu.memref_slice %arg6[%dma_start3A_65, %dma_start3A_66, %dma_start3A_67] : memref<5x128x128xf32, #tpu.memory_space<vmem>> -> memref<1x128x128xf32, #tpu.memory_space<vmem>>
    %dma_start3A_69 = tpu.memref_squeeze %dma_start3A_68 : memref<1x128x128xf32, #tpu.memory_space<vmem>> -> memref<128x128xf32, #tpu.memory_space<vmem>>
    %dma_start3A_70 = arith.constant 0 : i32
    %dma_start3A_71 = tpu.memref_slice %arg5[%dma_start3A_64, %dma_start3A_70] : memref<5x128xi32, #tpu.memory_space<vmem>> -> memref<1x128xi32, #tpu.memory_space<vmem>>
    %dma_start3A_72 = tpu.memref_squeeze %dma_start3A_71 : memref<1x128xi32, #tpu.memory_space<vmem>> -> memref<128xi32, #tpu.memory_space<vmem>>
    %dma_start3A_73 = arith.constant 0 : i32
    %dma_start3A_74 = arith.constant 0 : i32
    %dma_start3A_75 = tpu.memref_slice %arg3[%dma_start3A_73, %dma_start3A_74] : memref<4096x128xf32, #tpu.memory_space<hbm>> -> memref<4096x128xf32, #tpu.memory_space<hbm>>
    tpu.enqueue_indirect_dma source(%dma_start3A_75 : memref<4096x128xf32, #tpu.memory_space<hbm>>) target(%dma_start3A_69 : memref<128x128xf32, #tpu.memory_space<vmem>>) offsets(%dma_start3A_72 : memref<128xi32, #tpu.memory_space<vmem>>) semaphore(%arg7 : memref<!tpu.dma_semaphore, #tpu.memory_space<semaphore_mem>>)
    %dma_wait3A = arith.constant 0 : i32
    %dma_wait3A_76 = arith.constant 0 : i32
    %dma_wait3A_77 = arith.constant 0 : i32
    %dma_wait3A_78 = arith.constant 0 : i32
    %dma_wait3A_79 = tpu.memref_slice %arg6[%dma_wait3A_76, %dma_wait3A_77, %dma_wait3A_78] : memref<5x128x128xf32, #tpu.memory_space<vmem>> -> memref<1x128x128xf32, #tpu.memory_space<vmem>>
    %dma_wait3A_80 = tpu.memref_squeeze %dma_wait3A_79 : memref<1x128x128xf32, #tpu.memory_space<vmem>> -> memref<128x128xf32, #tpu.memory_space<vmem>>
    %dma_wait3A_81 = arith.constant 0 : i32
    %dma_wait3A_82 = tpu.memref_slice %arg5[%dma_wait3A, %dma_wait3A_81] : memref<5x128xi32, #tpu.memory_space<vmem>> -> memref<1x128xi32, #tpu.memory_space<vmem>>
    %dma_wait3A_83 = tpu.memref_squeeze %dma_wait3A_82 : memref<1x128xi32, #tpu.memory_space<vmem>> -> memref<128xi32, #tpu.memory_space<vmem>>
    %dma_wait3A_84 = arith.constant 0 : i32
    %dma_wait3A_85 = arith.constant 0 : i32
    %dma_wait3A_86 = tpu.memref_slice %arg3[%dma_wait3A_84, %dma_wait3A_85] : memref<4096x128xf32, #tpu.memory_space<hbm>> -> memref<4096x128xf32, #tpu.memory_space<hbm>>
    tpu.wait_indirect_dma semaphore(%arg7 : memref<!tpu.dma_semaphore, #tpu.memory_space<semaphore_mem>>) src(%dma_wait3A_86 : memref<4096x128xf32, #tpu.memory_space<hbm>>) dst(%dma_wait3A_80 : memref<128x128xf32, #tpu.memory_space<vmem>>)
    %dma_wait3A_87 = arith.constant 1 : i32
    %dma_wait3A_88 = arith.constant 1 : i32
    %dma_wait3A_89 = arith.constant 0 : i32
    %dma_wait3A_90 = arith.constant 0 : i32
    %dma_wait3A_91 = tpu.memref_slice %arg6[%dma_wait3A_88, %dma_wait3A_89, %dma_wait3A_90] : memref<5x128x128xf32, #tpu.memory_space<vmem>> -> memref<1x128x128xf32, #tpu.memory_space<vmem>>
    %dma_wait3A_92 = tpu.memref_squeeze %dma_wait3A_91 : memref<1x128x128xf32, #tpu.memory_space<vmem>> -> memref<128x128xf32, #tpu.memory_space<vmem>>
    %dma_wait3A_93 = arith.constant 0 : i32
    %dma_wait3A_94 = tpu.memref_slice %arg5[%dma_wait3A_87, %dma_wait3A_93] : memref<5x128xi32, #tpu.memory_space<vmem>> -> memref<1x128xi32, #tpu.memory_space<vmem>>
    %dma_wait3A_95 = tpu.memref_squeeze %dma_wait3A_94 : memref<1x128xi32, #tpu.memory_space<vmem>> -> memref<128xi32, #tpu.memory_space<vmem>>
    %dma_wait3A_96 = arith.constant 0 : i32
    %dma_wait3A_97 = arith.constant 0 : i32
    %dma_wait3A_98 = tpu.memref_slice %arg3[%dma_wait3A_96, %dma_wait3A_97] : memref<4096x128xf32, #tpu.memory_space<hbm>> -> memref<4096x128xf32, #tpu.memory_space<hbm>>
    tpu.wait_indirect_dma semaphore(%arg7 : memref<!tpu.dma_semaphore, #tpu.memory_space<semaphore_mem>>) src(%dma_wait3A_98 : memref<4096x128xf32, #tpu.memory_space<hbm>>) dst(%dma_wait3A_92 : memref<128x128xf32, #tpu.memory_space<vmem>>)
    %dma_wait3A_99 = arith.constant 2 : i32
    %dma_wait3A_100 = arith.constant 2 : i32
    %dma_wait3A_101 = arith.constant 0 : i32
    %dma_wait3A_102 = arith.constant 0 : i32
    %dma_wait3A_103 = tpu.memref_slice %arg6[%dma_wait3A_100, %dma_wait3A_101, %dma_wait3A_102] : memref<5x128x128xf32, #tpu.memory_space<vmem>> -> memref<1x128x128xf32, #tpu.memory_space<vmem>>
    %dma_wait3A_104 = tpu.memref_squeeze %dma_wait3A_103 : memref<1x128x128xf32, #tpu.memory_space<vmem>> -> memref<128x128xf32, #tpu.memory_space<vmem>>
    %dma_wait3A_105 = arith.constant 0 : i32
    %dma_wait3A_106 = tpu.memref_slice %arg5[%dma_wait3A_99, %dma_wait3A_105] : memref<5x128xi32, #tpu.memory_space<vmem>> -> memref<1x128xi32, #tpu.memory_space<vmem>>
    %dma_wait3A_107 = tpu.memref_squeeze %dma_wait3A_106 : memref<1x128xi32, #tpu.memory_space<vmem>> -> memref<128xi32, #tpu.memory_space<vmem>>
    %dma_wait3A_108 = arith.constant 0 : i32
    %dma_wait3A_109 = arith.constant 0 : i32
    %dma_wait3A_110 = tpu.memref_slice %arg3[%dma_wait3A_108, %dma_wait3A_109] : memref<4096x128xf32, #tpu.memory_space<hbm>> -> memref<4096x128xf32, #tpu.memory_space<hbm>>
    tpu.wait_indirect_dma semaphore(%arg7 : memref<!tpu.dma_semaphore, #tpu.memory_space<semaphore_mem>>) src(%dma_wait3A_110 : memref<4096x128xf32, #tpu.memory_space<hbm>>) dst(%dma_wait3A_104 : memref<128x128xf32, #tpu.memory_space<vmem>>)
    %dma_wait3A_111 = arith.constant 3 : i32
    %dma_wait3A_112 = arith.constant 3 : i32
    %dma_wait3A_113 = arith.constant 0 : i32
    %dma_wait3A_114 = arith.constant 0 : i32
    %dma_wait3A_115 = tpu.memref_slice %arg6[%dma_wait3A_112, %dma_wait3A_113, %dma_wait3A_114] : memref<5x128x128xf32, #tpu.memory_space<vmem>> -> memref<1x128x128xf32, #tpu.memory_space<vmem>>
    %dma_wait3A_116 = tpu.memref_squeeze %dma_wait3A_115 : memref<1x128x128xf32, #tpu.memory_space<vmem>> -> memref<128x128xf32, #tpu.memory_space<vmem>>
    %dma_wait3A_117 = arith.constant 0 : i32
    %dma_wait3A_118 = tpu.memref_slice %arg5[%dma_wait3A_111, %dma_wait3A_117] : memref<5x128xi32, #tpu.memory_space<vmem>> -> memref<1x128xi32, #tpu.memory_space<vmem>>
    %dma_wait3A_119 = tpu.memref_squeeze %dma_wait3A_118 : memref<1x128xi32, #tpu.memory_space<vmem>> -> memref<128xi32, #tpu.memory_space<vmem>>
    %dma_wait3A_120 = arith.constant 0 : i32
    %dma_wait3A_121 = arith.constant 0 : i32
    %dma_wait3A_122 = tpu.memref_slice %arg3[%dma_wait3A_120, %dma_wait3A_121] : memref<4096x128xf32, #tpu.memory_space<hbm>> -> memref<4096x128xf32, #tpu.memory_space<hbm>>
    tpu.wait_indirect_dma semaphore(%arg7 : memref<!tpu.dma_semaphore, #tpu.memory_space<semaphore_mem>>) src(%dma_wait3A_122 : memref<4096x128xf32, #tpu.memory_space<hbm>>) dst(%dma_wait3A_116 : memref<128x128xf32, #tpu.memory_space<vmem>>)
    %dma_wait3A_123 = arith.constant 4 : i32
    %dma_wait3A_124 = arith.constant 4 : i32
    %dma_wait3A_125 = arith.constant 0 : i32
    %dma_wait3A_126 = arith.constant 0 : i32
    %dma_wait3A_127 = tpu.memref_slice %arg6[%dma_wait3A_124, %dma_wait3A_125, %dma_wait3A_126] : memref<5x128x128xf32, #tpu.memory_space<vmem>> -> memref<1x128x128xf32, #tpu.memory_space<vmem>>
    %dma_wait3A_128 = tpu.memref_squeeze %dma_wait3A_127 : memref<1x128x128xf32, #tpu.memory_space<vmem>> -> memref<128x128xf32, #tpu.memory_space<vmem>>
    %dma_wait3A_129 = arith.constant 0 : i32
    %dma_wait3A_130 = tpu.memref_slice %arg5[%dma_wait3A_123, %dma_wait3A_129] : memref<5x128xi32, #tpu.memory_space<vmem>> -> memref<1x128xi32, #tpu.memory_space<vmem>>
    %dma_wait3A_131 = tpu.memref_squeeze %dma_wait3A_130 : memref<1x128xi32, #tpu.memory_space<vmem>> -> memref<128xi32, #tpu.memory_space<vmem>>
    %dma_wait3A_132 = arith.constant 0 : i32
    %dma_wait3A_133 = arith.constant 0 : i32
    %dma_wait3A_134 = tpu.memref_slice %arg3[%dma_wait3A_132, %dma_wait3A_133] : memref<4096x128xf32, #tpu.memory_space<hbm>> -> memref<4096x128xf32, #tpu.memory_space<hbm>>
    tpu.wait_indirect_dma semaphore(%arg7 : memref<!tpu.dma_semaphore, #tpu.memory_space<semaphore_mem>>) src(%dma_wait3A_134 : memref<4096x128xf32, #tpu.memory_space<hbm>>) dst(%dma_wait3A_128 : memref<128x128xf32, #tpu.memory_space<vmem>>)
    %add3A_135 = arith.constant 0 : i32
    %add3A_136 = arith.addi %add3A_135, %mul3A_2 : i32
    %run_scoped3A_137 = arith.constant 0 : i32
    "tpu.region"() ({
      %run_scoped3A_150 = tpu.sem_alloc : memref<!tpu.dma_semaphore, #tpu.memory_space<semaphore_mem>>
      %dma_start3A_151 = arith.constant 0 : i32
      %dma_start3A_152 = arith.constant 0 : i32
      %dma_start3A_153 = tpu.memref_slice %arg6[%run_scoped3A_137, %dma_start3A_151, %dma_start3A_152] : memref<5x128x128xf32, #tpu.memory_space<vmem>> -> memref<1x128x128xf32, #tpu.memory_space<vmem>>
      %dma_start3A_154 = tpu.memref_squeeze %dma_start3A_153 : memref<1x128x128xf32, #tpu.memory_space<vmem>> -> memref<128x128xf32, #tpu.memory_space<vmem>>
      %dma_start3A_155 = arith.constant 0 : i32
      %dma_start3A_156 = tpu.memref_slice %arg4[%add3A_136, %dma_start3A_155] : memref<20480x128xf32, #tpu.memory_space<hbm>> -> memref<128x128xf32, #tpu.memory_space<hbm>>
      %dma_start3A_157 = arith.constant 0 : i32
      %dma_start3A_158 = tpu.memref_slice %arg4[%add3A_136, %dma_start3A_157] : memref<20480x128xf32, #tpu.memory_space<hbm>> -> memref<128x128xf32, #tpu.memory_space<hbm>>
      %dma_start3A_159 = arith.constant 0 : i32
      %dma_start3A_160 = arith.constant 0 : i32
      %dma_start3A_161 = tpu.memref_slice %arg6[%run_scoped3A_137, %dma_start3A_159, %dma_start3A_160] : memref<5x128x128xf32, #tpu.memory_space<vmem>> -> memref<1x128x128xf32, #tpu.memory_space<vmem>>
      %dma_start3A_162 = tpu.memref_squeeze %dma_start3A_161 : memref<1x128x128xf32, #tpu.memory_space<vmem>> -> memref<128x128xf32, #tpu.memory_space<vmem>>
      tpu.enqueue_dma source(%dma_start3A_162 : memref<128x128xf32, #tpu.memory_space<vmem>>) target(%dma_start3A_158 : memref<128x128xf32, #tpu.memory_space<hbm>>) target_semaphore(%run_scoped3A_150 : memref<!tpu.dma_semaphore, #tpu.memory_space<semaphore_mem>>)
      %dma_wait3A_163 = arith.constant 0 : i32
      %dma_wait3A_164 = arith.constant 0 : i32
      %dma_wait3A_165 = tpu.memref_slice %arg6[%run_scoped3A_137, %dma_wait3A_163, %dma_wait3A_164] : memref<5x128x128xf32, #tpu.memory_space<vmem>> -> memref<1x128x128xf32, #tpu.memory_space<vmem>>
      %dma_wait3A_166 = tpu.memref_squeeze %dma_wait3A_165 : memref<1x128x128xf32, #tpu.memory_space<vmem>> -> memref<128x128xf32, #tpu.memory_space<vmem>>
      %dma_wait3A_167 = arith.constant 0 : i32
      %dma_wait3A_168 = tpu.memref_slice %arg4[%add3A_136, %dma_wait3A_167] : memref<20480x128xf32, #tpu.memory_space<hbm>> -> memref<128x128xf32, #tpu.memory_space<hbm>>
      %dma_wait3A_169 = arith.constant 0 : i32
      %dma_wait3A_170 = tpu.memref_slice %arg4[%add3A_136, %dma_wait3A_169] : memref<20480x128xf32, #tpu.memory_space<hbm>> -> memref<128x128xf32, #tpu.memory_space<hbm>>
      %dma_wait3A_171 = arith.constant 0 : i32
      %dma_wait3A_172 = arith.constant 0 : i32
      %dma_wait3A_173 = tpu.memref_slice %arg6[%run_scoped3A_137, %dma_wait3A_171, %dma_wait3A_172] : memref<5x128x128xf32, #tpu.memory_space<vmem>> -> memref<1x128x128xf32, #tpu.memory_space<vmem>>
      %dma_wait3A_174 = tpu.memref_squeeze %dma_wait3A_173 : memref<1x128x128xf32, #tpu.memory_space<vmem>> -> memref<128x128xf32, #tpu.memory_space<vmem>>
      tpu.wait_dma2 semaphore(%run_scoped3A_150 : memref<!tpu.dma_semaphore, #tpu.memory_space<semaphore_mem>>) src(%dma_wait3A_174 : memref<128x128xf32, #tpu.memory_space<vmem>>) dst(%dma_wait3A_170 : memref<128x128xf32, #tpu.memory_space<hbm>>)
      tpu.yield
    }) : () -> ()
    %add3A_138 = arith.constant 4096 : i32
    %add3A_139 = arith.addi %add3A_138, %mul3A_2 : i32
    %run_scoped3A_140 = arith.constant 1 : i32
    "tpu.region"() ({
      %run_scoped3A_150 = tpu.sem_alloc : memref<!tpu.dma_semaphore, #tpu.memory_space<semaphore_mem>>
      %dma_start3A_151 = arith.constant 0 : i32
      %dma_start3A_152 = arith.constant 0 : i32
      %dma_start3A_153 = tpu.memref_slice %arg6[%run_scoped3A_140, %dma_start3A_151, %dma_start3A_152] : memref<5x128x128xf32, #tpu.memory_space<vmem>> -> memref<1x128x128xf32, #tpu.memory_space<vmem>>
      %dma_start3A_154 = tpu.memref_squeeze %dma_start3A_153 : memref<1x128x128xf32, #tpu.memory_space<vmem>> -> memref<128x128xf32, #tpu.memory_space<vmem>>
      %dma_start3A_155 = arith.constant 0 : i32
      %dma_start3A_156 = tpu.memref_slice %arg4[%add3A_139, %dma_start3A_155] : memref<20480x128xf32, #tpu.memory_space<hbm>> -> memref<128x128xf32, #tpu.memory_space<hbm>>
      %dma_start3A_157 = arith.constant 0 : i32
      %dma_start3A_158 = tpu.memref_slice %arg4[%add3A_139, %dma_start3A_157] : memref<20480x128xf32, #tpu.memory_space<hbm>> -> memref<128x128xf32, #tpu.memory_space<hbm>>
      %dma_start3A_159 = arith.constant 0 : i32
      %dma_start3A_160 = arith.constant 0 : i32
      %dma_start3A_161 = tpu.memref_slice %arg6[%run_scoped3A_140, %dma_start3A_159, %dma_start3A_160] : memref<5x128x128xf32, #tpu.memory_space<vmem>> -> memref<1x128x128xf32, #tpu.memory_space<vmem>>
      %dma_start3A_162 = tpu.memref_squeeze %dma_start3A_161 : memref<1x128x128xf32, #tpu.memory_space<vmem>> -> memref<128x128xf32, #tpu.memory_space<vmem>>
      tpu.enqueue_dma source(%dma_start3A_162 : memref<128x128xf32, #tpu.memory_space<vmem>>) target(%dma_start3A_158 : memref<128x128xf32, #tpu.memory_space<hbm>>) target_semaphore(%run_scoped3A_150 : memref<!tpu.dma_semaphore, #tpu.memory_space<semaphore_mem>>)
      %dma_wait3A_163 = arith.constant 0 : i32
      %dma_wait3A_164 = arith.constant 0 : i32
      %dma_wait3A_165 = tpu.memref_slice %arg6[%run_scoped3A_140, %dma_wait3A_163, %dma_wait3A_164] : memref<5x128x128xf32, #tpu.memory_space<vmem>> -> memref<1x128x128xf32, #tpu.memory_space<vmem>>
      %dma_wait3A_166 = tpu.memref_squeeze %dma_wait3A_165 : memref<1x128x128xf32, #tpu.memory_space<vmem>> -> memref<128x128xf32, #tpu.memory_space<vmem>>
      %dma_wait3A_167 = arith.constant 0 : i32
      %dma_wait3A_168 = tpu.memref_slice %arg4[%add3A_139, %dma_wait3A_167] : memref<20480x128xf32, #tpu.memory_space<hbm>> -> memref<128x128xf32, #tpu.memory_space<hbm>>
      %dma_wait3A_169 = arith.constant 0 : i32
      %dma_wait3A_170 = tpu.memref_slice %arg4[%add3A_139, %dma_wait3A_169] : memref<20480x128xf32, #tpu.memory_space<hbm>> -> memref<128x128xf32, #tpu.memory_space<hbm>>
      %dma_wait3A_171 = arith.constant 0 : i32
      %dma_wait3A_172 = arith.constant 0 : i32
      %dma_wait3A_173 = tpu.memref_slice %arg6[%run_scoped3A_140, %dma_wait3A_171, %dma_wait3A_172] : memref<5x128x128xf32, #tpu.memory_space<vmem>> -> memref<1x128x128xf32, #tpu.memory_space<vmem>>
      %dma_wait3A_174 = tpu.memref_squeeze %dma_wait3A_173 : memref<1x128x128xf32, #tpu.memory_space<vmem>> -> memref<128x128xf32, #tpu.memory_space<vmem>>
      tpu.wait_dma2 semaphore(%run_scoped3A_150 : memref<!tpu.dma_semaphore, #tpu.memory_space<semaphore_mem>>) src(%dma_wait3A_174 : memref<128x128xf32, #tpu.memory_space<vmem>>) dst(%dma_wait3A_170 : memref<128x128xf32, #tpu.memory_space<hbm>>)
      tpu.yield
    }) : () -> ()
    %add3A_141 = arith.constant 8192 : i32
    %add3A_142 = arith.addi %add3A_141, %mul3A_2 : i32
    %run_scoped3A_143 = arith.constant 2 : i32
    "tpu.region"() ({
      %run_scoped3A_150 = tpu.sem_alloc : memref<!tpu.dma_semaphore, #tpu.memory_space<semaphore_mem>>
      %dma_start3A_151 = arith.constant 0 : i32
      %dma_start3A_152 = arith.constant 0 : i32
      %dma_start3A_153 = tpu.memref_slice %arg6[%run_scoped3A_143, %dma_start3A_151, %dma_start3A_152] : memref<5x128x128xf32, #tpu.memory_space<vmem>> -> memref<1x128x128xf32, #tpu.memory_space<vmem>>
      %dma_start3A_154 = tpu.memref_squeeze %dma_start3A_153 : memref<1x128x128xf32, #tpu.memory_space<vmem>> -> memref<128x128xf32, #tpu.memory_space<vmem>>
      %dma_start3A_155 = arith.constant 0 : i32
      %dma_start3A_156 = tpu.memref_slice %arg4[%add3A_142, %dma_start3A_155] : memref<20480x128xf32, #tpu.memory_space<hbm>> -> memref<128x128xf32, #tpu.memory_space<hbm>>
      %dma_start3A_157 = arith.constant 0 : i32
      %dma_start3A_158 = tpu.memref_slice %arg4[%add3A_142, %dma_start3A_157] : memref<20480x128xf32, #tpu.memory_space<hbm>> -> memref<128x128xf32, #tpu.memory_space<hbm>>
      %dma_start3A_159 = arith.constant 0 : i32
      %dma_start3A_160 = arith.constant 0 : i32
      %dma_start3A_161 = tpu.memref_slice %arg6[%run_scoped3A_143, %dma_start3A_159, %dma_start3A_160] : memref<5x128x128xf32, #tpu.memory_space<vmem>> -> memref<1x128x128xf32, #tpu.memory_space<vmem>>
      %dma_start3A_162 = tpu.memref_squeeze %dma_start3A_161 : memref<1x128x128xf32, #tpu.memory_space<vmem>> -> memref<128x128xf32, #tpu.memory_space<vmem>>
      tpu.enqueue_dma source(%dma_start3A_162 : memref<128x128xf32, #tpu.memory_space<vmem>>) target(%dma_start3A_158 : memref<128x128xf32, #tpu.memory_space<hbm>>) target_semaphore(%run_scoped3A_150 : memref<!tpu.dma_semaphore, #tpu.memory_space<semaphore_mem>>)
      %dma_wait3A_163 = arith.constant 0 : i32
      %dma_wait3A_164 = arith.constant 0 : i32
      %dma_wait3A_165 = tpu.memref_slice %arg6[%run_scoped3A_143, %dma_wait3A_163, %dma_wait3A_164] : memref<5x128x128xf32, #tpu.memory_space<vmem>> -> memref<1x128x128xf32, #tpu.memory_space<vmem>>
      %dma_wait3A_166 = tpu.memref_squeeze %dma_wait3A_165 : memref<1x128x128xf32, #tpu.memory_space<vmem>> -> memref<128x128xf32, #tpu.memory_space<vmem>>
      %dma_wait3A_167 = arith.constant 0 : i32
      %dma_wait3A_168 = tpu.memref_slice %arg4[%add3A_142, %dma_wait3A_167] : memref<20480x128xf32, #tpu.memory_space<hbm>> -> memref<128x128xf32, #tpu.memory_space<hbm>>
      %dma_wait3A_169 = arith.constant 0 : i32
      %dma_wait3A_170 = tpu.memref_slice %arg4[%add3A_142, %dma_wait3A_169] : memref<20480x128xf32, #tpu.memory_space<hbm>> -> memref<128x128xf32, #tpu.memory_space<hbm>>
      %dma_wait3A_171 = arith.constant 0 : i32
      %dma_wait3A_172 = arith.constant 0 : i32
      %dma_wait3A_173 = tpu.memref_slice %arg6[%run_scoped3A_143, %dma_wait3A_171, %dma_wait3A_172] : memref<5x128x128xf32, #tpu.memory_space<vmem>> -> memref<1x128x128xf32, #tpu.memory_space<vmem>>
      %dma_wait3A_174 = tpu.memref_squeeze %dma_wait3A_173 : memref<1x128x128xf32, #tpu.memory_space<vmem>> -> memref<128x128xf32, #tpu.memory_space<vmem>>
      tpu.wait_dma2 semaphore(%run_scoped3A_150 : memref<!tpu.dma_semaphore, #tpu.memory_space<semaphore_mem>>) src(%dma_wait3A_174 : memref<128x128xf32, #tpu.memory_space<vmem>>) dst(%dma_wait3A_170 : memref<128x128xf32, #tpu.memory_space<hbm>>)
      tpu.yield
    }) : () -> ()
    %add3A_144 = arith.constant 12288 : i32
    %add3A_145 = arith.addi %add3A_144, %mul3A_2 : i32
    %run_scoped3A_146 = arith.constant 3 : i32
    "tpu.region"() ({
      %run_scoped3A_150 = tpu.sem_alloc : memref<!tpu.dma_semaphore, #tpu.memory_space<semaphore_mem>>
      %dma_start3A_151 = arith.constant 0 : i32
      %dma_start3A_152 = arith.constant 0 : i32
      %dma_start3A_153 = tpu.memref_slice %arg6[%run_scoped3A_146, %dma_start3A_151, %dma_start3A_152] : memref<5x128x128xf32, #tpu.memory_space<vmem>> -> memref<1x128x128xf32, #tpu.memory_space<vmem>>
      %dma_start3A_154 = tpu.memref_squeeze %dma_start3A_153 : memref<1x128x128xf32, #tpu.memory_space<vmem>> -> memref<128x128xf32, #tpu.memory_space<vmem>>
      %dma_start3A_155 = arith.constant 0 : i32
      %dma_start3A_156 = tpu.memref_slice %arg4[%add3A_145, %dma_start3A_155] : memref<20480x128xf32, #tpu.memory_space<hbm>> -> memref<128x128xf32, #tpu.memory_space<hbm>>
      %dma_start3A_157 = arith.constant 0 : i32
      %dma_start3A_158 = tpu.memref_slice %arg4[%add3A_145, %dma_start3A_157] : memref<20480x128xf32, #tpu.memory_space<hbm>> -> memref<128x128xf32, #tpu.memory_space<hbm>>
      %dma_start3A_159 = arith.constant 0 : i32
      %dma_start3A_160 = arith.constant 0 : i32
      %dma_start3A_161 = tpu.memref_slice %arg6[%run_scoped3A_146, %dma_start3A_159, %dma_start3A_160] : memref<5x128x128xf32, #tpu.memory_space<vmem>> -> memref<1x128x128xf32, #tpu.memory_space<vmem>>
      %dma_start3A_162 = tpu.memref_squeeze %dma_start3A_161 : memref<1x128x128xf32, #tpu.memory_space<vmem>> -> memref<128x128xf32, #tpu.memory_space<vmem>>
      tpu.enqueue_dma source(%dma_start3A_162 : memref<128x128xf32, #tpu.memory_space<vmem>>) target(%dma_start3A_158 : memref<128x128xf32, #tpu.memory_space<hbm>>) target_semaphore(%run_scoped3A_150 : memref<!tpu.dma_semaphore, #tpu.memory_space<semaphore_mem>>)
      %dma_wait3A_163 = arith.constant 0 : i32
      %dma_wait3A_164 = arith.constant 0 : i32
      %dma_wait3A_165 = tpu.memref_slice %arg6[%run_scoped3A_146, %dma_wait3A_163, %dma_wait3A_164] : memref<5x128x128xf32, #tpu.memory_space<vmem>> -> memref<1x128x128xf32, #tpu.memory_space<vmem>>
      %dma_wait3A_166 = tpu.memref_squeeze %dma_wait3A_165 : memref<1x128x128xf32, #tpu.memory_space<vmem>> -> memref<128x128xf32, #tpu.memory_space<vmem>>
      %dma_wait3A_167 = arith.constant 0 : i32
      %dma_wait3A_168 = tpu.memref_slice %arg4[%add3A_145, %dma_wait3A_167] : memref<20480x128xf32, #tpu.memory_space<hbm>> -> memref<128x128xf32, #tpu.memory_space<hbm>>
      %dma_wait3A_169 = arith.constant 0 : i32
      %dma_wait3A_170 = tpu.memref_slice %arg4[%add3A_145, %dma_wait3A_169] : memref<20480x128xf32, #tpu.memory_space<hbm>> -> memref<128x128xf32, #tpu.memory_space<hbm>>
      %dma_wait3A_171 = arith.constant 0 : i32
      %dma_wait3A_172 = arith.constant 0 : i32
      %dma_wait3A_173 = tpu.memref_slice %arg6[%run_scoped3A_146, %dma_wait3A_171, %dma_wait3A_172] : memref<5x128x128xf32, #tpu.memory_space<vmem>> -> memref<1x128x128xf32, #tpu.memory_space<vmem>>
      %dma_wait3A_174 = tpu.memref_squeeze %dma_wait3A_173 : memref<1x128x128xf32, #tpu.memory_space<vmem>> -> memref<128x128xf32, #tpu.memory_space<vmem>>
      tpu.wait_dma2 semaphore(%run_scoped3A_150 : memref<!tpu.dma_semaphore, #tpu.memory_space<semaphore_mem>>) src(%dma_wait3A_174 : memref<128x128xf32, #tpu.memory_space<vmem>>) dst(%dma_wait3A_170 : memref<128x128xf32, #tpu.memory_space<hbm>>)
      tpu.yield
    }) : () -> ()
    %add3A_147 = arith.constant 16384 : i32
    %add3A_148 = arith.addi %add3A_147, %mul3A_2 : i32
    %run_scoped3A_149 = arith.constant 4 : i32
    "tpu.region"() ({
      %run_scoped3A_150 = tpu.sem_alloc : memref<!tpu.dma_semaphore, #tpu.memory_space<semaphore_mem>>
      %dma_start3A_151 = arith.constant 0 : i32
      %dma_start3A_152 = arith.constant 0 : i32
      %dma_start3A_153 = tpu.memref_slice %arg6[%run_scoped3A_149, %dma_start3A_151, %dma_start3A_152] : memref<5x128x128xf32, #tpu.memory_space<vmem>> -> memref<1x128x128xf32, #tpu.memory_space<vmem>>
      %dma_start3A_154 = tpu.memref_squeeze %dma_start3A_153 : memref<1x128x128xf32, #tpu.memory_space<vmem>> -> memref<128x128xf32, #tpu.memory_space<vmem>>
      %dma_start3A_155 = arith.constant 0 : i32
      %dma_start3A_156 = tpu.memref_slice %arg4[%add3A_148, %dma_start3A_155] : memref<20480x128xf32, #tpu.memory_space<hbm>> -> memref<128x128xf32, #tpu.memory_space<hbm>>
      %dma_start3A_157 = arith.constant 0 : i32
      %dma_start3A_158 = tpu.memref_slice %arg4[%add3A_148, %dma_start3A_157] : memref<20480x128xf32, #tpu.memory_space<hbm>> -> memref<128x128xf32, #tpu.memory_space<hbm>>
      %dma_start3A_159 = arith.constant 0 : i32
      %dma_start3A_160 = arith.constant 0 : i32
      %dma_start3A_161 = tpu.memref_slice %arg6[%run_scoped3A_149, %dma_start3A_159, %dma_start3A_160] : memref<5x128x128xf32, #tpu.memory_space<vmem>> -> memref<1x128x128xf32, #tpu.memory_space<vmem>>
      %dma_start3A_162 = tpu.memref_squeeze %dma_start3A_161 : memref<1x128x128xf32, #tpu.memory_space<vmem>> -> memref<128x128xf32, #tpu.memory_space<vmem>>
      tpu.enqueue_dma source(%dma_start3A_162 : memref<128x128xf32, #tpu.memory_space<vmem>>) target(%dma_start3A_158 : memref<128x128xf32, #tpu.memory_space<hbm>>) target_semaphore(%run_scoped3A_150 : memref<!tpu.dma_semaphore, #tpu.memory_space<semaphore_mem>>)
      %dma_wait3A_163 = arith.constant 0 : i32
      %dma_wait3A_164 = arith.constant 0 : i32
      %dma_wait3A_165 = tpu.memref_slice %arg6[%run_scoped3A_149, %dma_wait3A_163, %dma_wait3A_164] : memref<5x128x128xf32, #tpu.memory_space<vmem>> -> memref<1x128x128xf32, #tpu.memory_space<vmem>>
      %dma_wait3A_166 = tpu.memref_squeeze %dma_wait3A_165 : memref<1x128x128xf32, #tpu.memory_space<vmem>> -> memref<128x128xf32, #tpu.memory_space<vmem>>
      %dma_wait3A_167 = arith.constant 0 : i32
      %dma_wait3A_168 = tpu.memref_slice %arg4[%add3A_148, %dma_wait3A_167] : memref<20480x128xf32, #tpu.memory_space<hbm>> -> memref<128x128xf32, #tpu.memory_space<hbm>>
      %dma_wait3A_169 = arith.constant 0 : i32
      %dma_wait3A_170 = tpu.memref_slice %arg4[%add3A_148, %dma_wait3A_169] : memref<20480x128xf32, #tpu.memory_space<hbm>> -> memref<128x128xf32, #tpu.memory_space<hbm>>
      %dma_wait3A_171 = arith.constant 0 : i32
      %dma_wait3A_172 = arith.constant 0 : i32
      %dma_wait3A_173 = tpu.memref_slice %arg6[%run_scoped3A_149, %dma_wait3A_171, %dma_wait3A_172] : memref<5x128x128xf32, #tpu.memory_space<vmem>> -> memref<1x128x128xf32, #tpu.memory_space<vmem>>
      %dma_wait3A_174 = tpu.memref_squeeze %dma_wait3A_173 : memref<1x128x128xf32, #tpu.memory_space<vmem>> -> memref<128x128xf32, #tpu.memory_space<vmem>>
      tpu.wait_dma2 semaphore(%run_scoped3A_150 : memref<!tpu.dma_semaphore, #tpu.memory_space<semaphore_mem>>) src(%dma_wait3A_174 : memref<128x128xf32, #tpu.memory_space<vmem>>) dst(%dma_wait3A_170 : memref<128x128xf32, #tpu.memory_space<hbm>>)
      tpu.yield
    }) : () -> ()
    return
  }
}

#map = affine_map<(d0, d1) -> (0)>
#map1 = affine_map<(d0, d1) -> (0, 0)>
module attributes {stable_mosaic.version = 14 : i64} {
  func.func @kern(%arg0: i32, %arg1: i32, %arg2: memref<20480xi32, #tpu.memory_space<hbm>>, %arg3: memref<4096x128xf32, #tpu.memory_space<hbm>>, %arg4: memref<20480x128xf32, #tpu.memory_space<hbm>>, %arg5: memref<5x128xi32, #tpu.memory_space<vmem>>, %arg6: memref<5x128x128xf32, #tpu.memory_space<vmem>>, %arg7: memref<!tpu.dma_semaphore, #tpu.memory_space<semaphore_mem>>) attributes {dimension_semantics = [#tpu.dimension_semantics<core_parallel>, #tpu.dimension_semantics<subcore_parallel>], iteration_bounds = array<i64: 2, 16>, scalar_prefetch = 0 : i64, scratch_operands = 3 : i64, tpu.core_type = #tpu.core_type<sc_vector_subcore>, window_params = [{transform_indices = #map}, {transform_indices = #map1}, {transform_indices = #map1}]} {
    %mul3A = arith.constant 2 : i32
    %mul3A_0 = arith.muli %arg1, %mul3A : i32
    %add3A = arith.addi %mul3A_0, %arg0 : i32
    %mul3A_1 = arith.constant 128 : i32
    %mul3A_2 = arith.muli %add3A, %mul3A_1 : i32
    %add3A_3 = arith.constant 0 : i32
    %add3A_4 = arith.addi %add3A_3, %mul3A_2 : i32
    %run_scoped3A = arith.constant 0 : i32
    "tpu.region"() ({
      %run_scoped3A_150 = tpu.sem_alloc : memref<!tpu.dma_semaphore, #tpu.memory_space<semaphore_mem>>
      %dma_start3A_151 = arith.constant 0 : i32
      %dma_start3A_152 = tpu.memref_slice %arg5[%run_scoped3A, %dma_start3A_151] : memref<5x128xi32, #tpu.memory_space<vmem>> -> memref<1x128xi32, #tpu.memory_space<vmem>>
      %dma_start3A_153 = tpu.memref_squeeze %dma_start3A_152 : memref<1x128xi32, #tpu.memory_space<vmem>> -> memref<128xi32, #tpu.memory_space<vmem>>
      %dma_start3A_154 = tpu.memref_slice %arg2[%add3A_4] : memref<20480xi32, #tpu.memory_space<hbm>> -> memref<128xi32, #tpu.memory_space<hbm>>
      %dma_start3A_155 = arith.constant 0 : i32
      %dma_start3A_156 = tpu.memref_slice %arg5[%run_scoped3A, %dma_start3A_155] : memref<5x128xi32, #tpu.memory_space<vmem>> -> memref<1x128xi32, #tpu.memory_space<vmem>>
      %dma_start3A_157 = tpu.memref_squeeze %dma_start3A_156 : memref<1x128xi32, #tpu.memory_space<vmem>> -> memref<128xi32, #tpu.memory_space<vmem>>
      %dma_start3A_158 = tpu.memref_slice %arg2[%add3A_4] : memref<20480xi32, #tpu.memory_space<hbm>> -> memref<128xi32, #tpu.memory_space<hbm>>
      tpu.enqueue_dma source(%dma_start3A_158 : memref<128xi32, #tpu.memory_space<hbm>>) target(%dma_start3A_157 : memref<128xi32, #tpu.memory_space<vmem>>) target_semaphore(%run_scoped3A_150 : memref<!tpu.dma_semaphore, #tpu.memory_space<semaphore_mem>>)
      %dma_wait3A_159 = arith.constant 0 : i32
      %dma_wait3A_160 = tpu.memref_slice %arg5[%run_scoped3A, %dma_wait3A_159] : memref<5x128xi32, #tpu.memory_space<vmem>> -> memref<1x128xi32, #tpu.memory_space<vmem>>
      %dma_wait3A_161 = tpu.memref_squeeze %dma_wait3A_160 : memref<1x128xi32, #tpu.memory_space<vmem>> -> memref<128xi32, #tpu.memory_space<vmem>>
      %dma_wait3A_162 = tpu.memref_slice %arg2[%add3A_4] : memref<20480xi32, #tpu.memory_space<hbm>> -> memref<128xi32, #tpu.memory_space<hbm>>
      %dma_wait3A_163 = arith.constant 0 : i32
      %dma_wait3A_164 = tpu.memref_slice %arg5[%run_scoped3A, %dma_wait3A_163] : memref<5x128xi32, #tpu.memory_space<vmem>> -> memref<1x128xi32, #tpu.memory_space<vmem>>
      %dma_wait3A_165 = tpu.memref_squeeze %dma_wait3A_164 : memref<1x128xi32, #tpu.memory_space<vmem>> -> memref<128xi32, #tpu.memory_space<vmem>>
      %dma_wait3A_166 = tpu.memref_slice %arg2[%add3A_4] : memref<20480xi32, #tpu.memory_space<hbm>> -> memref<128xi32, #tpu.memory_space<hbm>>
      tpu.wait_dma2 semaphore(%run_scoped3A_150 : memref<!tpu.dma_semaphore, #tpu.memory_space<semaphore_mem>>) src(%dma_wait3A_166 : memref<128xi32, #tpu.memory_space<hbm>>) dst(%dma_wait3A_165 : memref<128xi32, #tpu.memory_space<vmem>>)
      tpu.yield
    }) : () -> ()
    %add3A_5 = arith.constant 4096 : i32
    %add3A_6 = arith.addi %add3A_5, %mul3A_2 : i32
    %run_scoped3A_7 = arith.constant 1 : i32
    "tpu.region"() ({
      %run_scoped3A_150 = tpu.sem_alloc : memref<!tpu.dma_semaphore, #tpu.memory_space<semaphore_mem>>
      %dma_start3A_151 = arith.constant 0 : i32
      %dma_start3A_152 = tpu.memref_slice %arg5[%run_scoped3A_7, %dma_start3A_151] : memref<5x128xi32, #tpu.memory_space<vmem>> -> memref<1x128xi32, #tpu.memory_space<vmem>>
      %dma_start3A_153 = tpu.memref_squeeze %dma_start3A_152 : memref<1x128xi32, #tpu.memory_space<vmem>> -> memref<128xi32, #tpu.memory_space<vmem>>
      %dma_start3A_154 = tpu.memref_slice %arg2[%add3A_6] : memref<20480xi32, #tpu.memory_space<hbm>> -> memref<128xi32, #tpu.memory_space<hbm>>
      %dma_start3A_155 = arith.constant 0 : i32
      %dma_start3A_156 = tpu.memref_slice %arg5[%run_scoped3A_7, %dma_start3A_155] : memref<5x128xi32, #tpu.memory_space<vmem>> -> memref<1x128xi32, #tpu.memory_space<vmem>>
      %dma_start3A_157 = tpu.memref_squeeze %dma_start3A_156 : memref<1x128xi32, #tpu.memory_space<vmem>> -> memref<128xi32, #tpu.memory_space<vmem>>
      %dma_start3A_158 = tpu.memref_slice %arg2[%add3A_6] : memref<20480xi32, #tpu.memory_space<hbm>> -> memref<128xi32, #tpu.memory_space<hbm>>
      tpu.enqueue_dma source(%dma_start3A_158 : memref<128xi32, #tpu.memory_space<hbm>>) target(%dma_start3A_157 : memref<128xi32, #tpu.memory_space<vmem>>) target_semaphore(%run_scoped3A_150 : memref<!tpu.dma_semaphore, #tpu.memory_space<semaphore_mem>>)
      %dma_wait3A_159 = arith.constant 0 : i32
      %dma_wait3A_160 = tpu.memref_slice %arg5[%run_scoped3A_7, %dma_wait3A_159] : memref<5x128xi32, #tpu.memory_space<vmem>> -> memref<1x128xi32, #tpu.memory_space<vmem>>
      %dma_wait3A_161 = tpu.memref_squeeze %dma_wait3A_160 : memref<1x128xi32, #tpu.memory_space<vmem>> -> memref<128xi32, #tpu.memory_space<vmem>>
      %dma_wait3A_162 = tpu.memref_slice %arg2[%add3A_6] : memref<20480xi32, #tpu.memory_space<hbm>> -> memref<128xi32, #tpu.memory_space<hbm>>
      %dma_wait3A_163 = arith.constant 0 : i32
      %dma_wait3A_164 = tpu.memref_slice %arg5[%run_scoped3A_7, %dma_wait3A_163] : memref<5x128xi32, #tpu.memory_space<vmem>> -> memref<1x128xi32, #tpu.memory_space<vmem>>
      %dma_wait3A_165 = tpu.memref_squeeze %dma_wait3A_164 : memref<1x128xi32, #tpu.memory_space<vmem>> -> memref<128xi32, #tpu.memory_space<vmem>>
      %dma_wait3A_166 = tpu.memref_slice %arg2[%add3A_6] : memref<20480xi32, #tpu.memory_space<hbm>> -> memref<128xi32, #tpu.memory_space<hbm>>
      tpu.wait_dma2 semaphore(%run_scoped3A_150 : memref<!tpu.dma_semaphore, #tpu.memory_space<semaphore_mem>>) src(%dma_wait3A_166 : memref<128xi32, #tpu.memory_space<hbm>>) dst(%dma_wait3A_165 : memref<128xi32, #tpu.memory_space<vmem>>)
      tpu.yield
    }) : () -> ()
    %add3A_8 = arith.constant 8192 : i32
    %add3A_9 = arith.addi %add3A_8, %mul3A_2 : i32
    %run_scoped3A_10 = arith.constant 2 : i32
    "tpu.region"() ({
      %run_scoped3A_150 = tpu.sem_alloc : memref<!tpu.dma_semaphore, #tpu.memory_space<semaphore_mem>>
      %dma_start3A_151 = arith.constant 0 : i32
      %dma_start3A_152 = tpu.memref_slice %arg5[%run_scoped3A_10, %dma_start3A_151] : memref<5x128xi32, #tpu.memory_space<vmem>> -> memref<1x128xi32, #tpu.memory_space<vmem>>
      %dma_start3A_153 = tpu.memref_squeeze %dma_start3A_152 : memref<1x128xi32, #tpu.memory_space<vmem>> -> memref<128xi32, #tpu.memory_space<vmem>>
      %dma_start3A_154 = tpu.memref_slice %arg2[%add3A_9] : memref<20480xi32, #tpu.memory_space<hbm>> -> memref<128xi32, #tpu.memory_space<hbm>>
      %dma_start3A_155 = arith.constant 0 : i32
      %dma_start3A_156 = tpu.memref_slice %arg5[%run_scoped3A_10, %dma_start3A_155] : memref<5x128xi32, #tpu.memory_space<vmem>> -> memref<1x128xi32, #tpu.memory_space<vmem>>
      %dma_start3A_157 = tpu.memref_squeeze %dma_start3A_156 : memref<1x128xi32, #tpu.memory_space<vmem>> -> memref<128xi32, #tpu.memory_space<vmem>>
      %dma_start3A_158 = tpu.memref_slice %arg2[%add3A_9] : memref<20480xi32, #tpu.memory_space<hbm>> -> memref<128xi32, #tpu.memory_space<hbm>>
      tpu.enqueue_dma source(%dma_start3A_158 : memref<128xi32, #tpu.memory_space<hbm>>) target(%dma_start3A_157 : memref<128xi32, #tpu.memory_space<vmem>>) target_semaphore(%run_scoped3A_150 : memref<!tpu.dma_semaphore, #tpu.memory_space<semaphore_mem>>)
      %dma_wait3A_159 = arith.constant 0 : i32
      %dma_wait3A_160 = tpu.memref_slice %arg5[%run_scoped3A_10, %dma_wait3A_159] : memref<5x128xi32, #tpu.memory_space<vmem>> -> memref<1x128xi32, #tpu.memory_space<vmem>>
      %dma_wait3A_161 = tpu.memref_squeeze %dma_wait3A_160 : memref<1x128xi32, #tpu.memory_space<vmem>> -> memref<128xi32, #tpu.memory_space<vmem>>
      %dma_wait3A_162 = tpu.memref_slice %arg2[%add3A_9] : memref<20480xi32, #tpu.memory_space<hbm>> -> memref<128xi32, #tpu.memory_space<hbm>>
      %dma_wait3A_163 = arith.constant 0 : i32
      %dma_wait3A_164 = tpu.memref_slice %arg5[%run_scoped3A_10, %dma_wait3A_163] : memref<5x128xi32, #tpu.memory_space<vmem>> -> memref<1x128xi32, #tpu.memory_space<vmem>>
      %dma_wait3A_165 = tpu.memref_squeeze %dma_wait3A_164 : memref<1x128xi32, #tpu.memory_space<vmem>> -> memref<128xi32, #tpu.memory_space<vmem>>
      %dma_wait3A_166 = tpu.memref_slice %arg2[%add3A_9] : memref<20480xi32, #tpu.memory_space<hbm>> -> memref<128xi32, #tpu.memory_space<hbm>>
      tpu.wait_dma2 semaphore(%run_scoped3A_150 : memref<!tpu.dma_semaphore, #tpu.memory_space<semaphore_mem>>) src(%dma_wait3A_166 : memref<128xi32, #tpu.memory_space<hbm>>) dst(%dma_wait3A_165 : memref<128xi32, #tpu.memory_space<vmem>>)
      tpu.yield
    }) : () -> ()
    %add3A_11 = arith.constant 12288 : i32
    %add3A_12 = arith.addi %add3A_11, %mul3A_2 : i32
    %run_scoped3A_13 = arith.constant 3 : i32
    "tpu.region"() ({
      %run_scoped3A_150 = tpu.sem_alloc : memref<!tpu.dma_semaphore, #tpu.memory_space<semaphore_mem>>
      %dma_start3A_151 = arith.constant 0 : i32
      %dma_start3A_152 = tpu.memref_slice %arg5[%run_scoped3A_13, %dma_start3A_151] : memref<5x128xi32, #tpu.memory_space<vmem>> -> memref<1x128xi32, #tpu.memory_space<vmem>>
      %dma_start3A_153 = tpu.memref_squeeze %dma_start3A_152 : memref<1x128xi32, #tpu.memory_space<vmem>> -> memref<128xi32, #tpu.memory_space<vmem>>
      %dma_start3A_154 = tpu.memref_slice %arg2[%add3A_12] : memref<20480xi32, #tpu.memory_space<hbm>> -> memref<128xi32, #tpu.memory_space<hbm>>
      %dma_start3A_155 = arith.constant 0 : i32
      %dma_start3A_156 = tpu.memref_slice %arg5[%run_scoped3A_13, %dma_start3A_155] : memref<5x128xi32, #tpu.memory_space<vmem>> -> memref<1x128xi32, #tpu.memory_space<vmem>>
      %dma_start3A_157 = tpu.memref_squeeze %dma_start3A_156 : memref<1x128xi32, #tpu.memory_space<vmem>> -> memref<128xi32, #tpu.memory_space<vmem>>
      %dma_start3A_158 = tpu.memref_slice %arg2[%add3A_12] : memref<20480xi32, #tpu.memory_space<hbm>> -> memref<128xi32, #tpu.memory_space<hbm>>
      tpu.enqueue_dma source(%dma_start3A_158 : memref<128xi32, #tpu.memory_space<hbm>>) target(%dma_start3A_157 : memref<128xi32, #tpu.memory_space<vmem>>) target_semaphore(%run_scoped3A_150 : memref<!tpu.dma_semaphore, #tpu.memory_space<semaphore_mem>>)
      %dma_wait3A_159 = arith.constant 0 : i32
      %dma_wait3A_160 = tpu.memref_slice %arg5[%run_scoped3A_13, %dma_wait3A_159] : memref<5x128xi32, #tpu.memory_space<vmem>> -> memref<1x128xi32, #tpu.memory_space<vmem>>
      %dma_wait3A_161 = tpu.memref_squeeze %dma_wait3A_160 : memref<1x128xi32, #tpu.memory_space<vmem>> -> memref<128xi32, #tpu.memory_space<vmem>>
      %dma_wait3A_162 = tpu.memref_slice %arg2[%add3A_12] : memref<20480xi32, #tpu.memory_space<hbm>> -> memref<128xi32, #tpu.memory_space<hbm>>
      %dma_wait3A_163 = arith.constant 0 : i32
      %dma_wait3A_164 = tpu.memref_slice %arg5[%run_scoped3A_13, %dma_wait3A_163] : memref<5x128xi32, #tpu.memory_space<vmem>> -> memref<1x128xi32, #tpu.memory_space<vmem>>
      %dma_wait3A_165 = tpu.memref_squeeze %dma_wait3A_164 : memref<1x128xi32, #tpu.memory_space<vmem>> -> memref<128xi32, #tpu.memory_space<vmem>>
      %dma_wait3A_166 = tpu.memref_slice %arg2[%add3A_12] : memref<20480xi32, #tpu.memory_space<hbm>> -> memref<128xi32, #tpu.memory_space<hbm>>
      tpu.wait_dma2 semaphore(%run_scoped3A_150 : memref<!tpu.dma_semaphore, #tpu.memory_space<semaphore_mem>>) src(%dma_wait3A_166 : memref<128xi32, #tpu.memory_space<hbm>>) dst(%dma_wait3A_165 : memref<128xi32, #tpu.memory_space<vmem>>)
      tpu.yield
    }) : () -> ()
    %add3A_14 = arith.constant 16384 : i32
    %add3A_15 = arith.addi %add3A_14, %mul3A_2 : i32
    %run_scoped3A_16 = arith.constant 4 : i32
    "tpu.region"() ({
      %run_scoped3A_150 = tpu.sem_alloc : memref<!tpu.dma_semaphore, #tpu.memory_space<semaphore_mem>>
      %dma_start3A_151 = arith.constant 0 : i32
      %dma_start3A_152 = tpu.memref_slice %arg5[%run_scoped3A_16, %dma_start3A_151] : memref<5x128xi32, #tpu.memory_space<vmem>> -> memref<1x128xi32, #tpu.memory_space<vmem>>
      %dma_start3A_153 = tpu.memref_squeeze %dma_start3A_152 : memref<1x128xi32, #tpu.memory_space<vmem>> -> memref<128xi32, #tpu.memory_space<vmem>>
      %dma_start3A_154 = tpu.memref_slice %arg2[%add3A_15] : memref<20480xi32, #tpu.memory_space<hbm>> -> memref<128xi32, #tpu.memory_space<hbm>>
      %dma_start3A_155 = arith.constant 0 : i32
      %dma_start3A_156 = tpu.memref_slice %arg5[%run_scoped3A_16, %dma_start3A_155] : memref<5x128xi32, #tpu.memory_space<vmem>> -> memref<1x128xi32, #tpu.memory_space<vmem>>
      %dma_start3A_157 = tpu.memref_squeeze %dma_start3A_156 : memref<1x128xi32, #tpu.memory_space<vmem>> -> memref<128xi32, #tpu.memory_space<vmem>>
      %dma_start3A_158 = tpu.memref_slice %arg2[%add3A_15] : memref<20480xi32, #tpu.memory_space<hbm>> -> memref<128xi32, #tpu.memory_space<hbm>>
      tpu.enqueue_dma source(%dma_start3A_158 : memref<128xi32, #tpu.memory_space<hbm>>) target(%dma_start3A_157 : memref<128xi32, #tpu.memory_space<vmem>>) target_semaphore(%run_scoped3A_150 : memref<!tpu.dma_semaphore, #tpu.memory_space<semaphore_mem>>)
      %dma_wait3A_159 = arith.constant 0 : i32
      %dma_wait3A_160 = tpu.memref_slice %arg5[%run_scoped3A_16, %dma_wait3A_159] : memref<5x128xi32, #tpu.memory_space<vmem>> -> memref<1x128xi32, #tpu.memory_space<vmem>>
      %dma_wait3A_161 = tpu.memref_squeeze %dma_wait3A_160 : memref<1x128xi32, #tpu.memory_space<vmem>> -> memref<128xi32, #tpu.memory_space<vmem>>
      %dma_wait3A_162 = tpu.memref_slice %arg2[%add3A_15] : memref<20480xi32, #tpu.memory_space<hbm>> -> memref<128xi32, #tpu.memory_space<hbm>>
      %dma_wait3A_163 = arith.constant 0 : i32
      %dma_wait3A_164 = tpu.memref_slice %arg5[%run_scoped3A_16, %dma_wait3A_163] : memref<5x128xi32, #tpu.memory_space<vmem>> -> memref<1x128xi32, #tpu.memory_space<vmem>>
      %dma_wait3A_165 = tpu.memref_squeeze %dma_wait3A_164 : memref<1x128xi32, #tpu.memory_space<vmem>> -> memref<128xi32, #tpu.memory_space<vmem>>
      %dma_wait3A_166 = tpu.memref_slice %arg2[%add3A_15] : memref<20480xi32, #tpu.memory_space<hbm>> -> memref<128xi32, #tpu.memory_space<hbm>>
      tpu.wait_dma2 semaphore(%run_scoped3A_150 : memref<!tpu.dma_semaphore, #tpu.memory_space<semaphore_mem>>) src(%dma_wait3A_166 : memref<128xi32, #tpu.memory_space<hbm>>) dst(%dma_wait3A_165 : memref<128xi32, #tpu.memory_space<vmem>>)
      tpu.yield
    }) : () -> ()
    %dma_start3A = arith.constant 0 : i32
    %dma_start3A_17 = arith.constant 0 : i32
    %dma_start3A_18 = arith.constant 0 : i32
    %dma_start3A_19 = arith.constant 0 : i32
    %dma_start3A_20 = tpu.memref_slice %arg6[%dma_start3A_17, %dma_start3A_18, %dma_start3A_19] : memref<5x128x128xf32, #tpu.memory_space<vmem>> -> memref<1x128x128xf32, #tpu.memory_space<vmem>>
    %dma_start3A_21 = tpu.memref_squeeze %dma_start3A_20 : memref<1x128x128xf32, #tpu.memory_space<vmem>> -> memref<128x128xf32, #tpu.memory_space<vmem>>
    %dma_start3A_22 = arith.constant 0 : i32
    %dma_start3A_23 = tpu.memref_slice %arg5[%dma_start3A, %dma_start3A_22] : memref<5x128xi32, #tpu.memory_space<vmem>> -> memref<1x128xi32, #tpu.memory_space<vmem>>
    %dma_start3A_24 = tpu.memref_squeeze %dma_start3A_23 : memref<1x128xi32, #tpu.memory_space<vmem>> -> memref<128xi32, #tpu.memory_space<vmem>>
    %dma_start3A_25 = arith.constant 0 : i32
    %dma_start3A_26 = arith.constant 0 : i32
    %dma_start3A_27 = tpu.memref_slice %arg3[%dma_start3A_25, %dma_start3A_26] : memref<4096x128xf32, #tpu.memory_space<hbm>> -> memref<4096x128xf32, #tpu.memory_space<hbm>>
    tpu.enqueue_indirect_dma source(%dma_start3A_27 : memref<4096x128xf32, #tpu.memory_space<hbm>>) target(%dma_start3A_21 : memref<128x128xf32, #tpu.memory_space<vmem>>) offsets(%dma_start3A_24 : memref<128xi32, #tpu.memory_space<vmem>>) semaphore(%arg7 : memref<!tpu.dma_semaphore, #tpu.memory_space<semaphore_mem>>)
    %dma_start3A_28 = arith.constant 1 : i32
    %dma_start3A_29 = arith.constant 1 : i32
    %dma_start3A_30 = arith.constant 0 : i32
    %dma_start3A_31 = arith.constant 0 : i32
    %dma_start3A_32 = tpu.memref_slice %arg6[%dma_start3A_29, %dma_start3A_30, %dma_start3A_31] : memref<5x128x128xf32, #tpu.memory_space<vmem>> -> memref<1x128x128xf32, #tpu.memory_space<vmem>>
    %dma_start3A_33 = tpu.memref_squeeze %dma_start3A_32 : memref<1x128x128xf32, #tpu.memory_space<vmem>> -> memref<128x128xf32, #tpu.memory_space<vmem>>
    %dma_start3A_34 = arith.constant 0 : i32
    %dma_start3A_35 = tpu.memref_slice %arg5[%dma_start3A_28, %dma_start3A_34] : memref<5x128xi32, #tpu.memory_space<vmem>> -> memref<1x128xi32, #tpu.memory_space<vmem>>
    %dma_start3A_36 = tpu.memref_squeeze %dma_start3A_35 : memref<1x128xi32, #tpu.memory_space<vmem>> -> memref<128xi32, #tpu.memory_space<vmem>>
    %dma_start3A_37 = arith.constant 0 : i32
    %dma_start3A_38 = arith.constant 0 : i32
    %dma_start3A_39 = tpu.memref_slice %arg3[%dma_start3A_37, %dma_start3A_38] : memref<4096x128xf32, #tpu.memory_space<hbm>> -> memref<4096x128xf32, #tpu.memory_space<hbm>>
    tpu.enqueue_indirect_dma source(%dma_start3A_39 : memref<4096x128xf32, #tpu.memory_space<hbm>>) target(%dma_start3A_33 : memref<128x128xf32, #tpu.memory_space<vmem>>) offsets(%dma_start3A_36 : memref<128xi32, #tpu.memory_space<vmem>>) semaphore(%arg7 : memref<!tpu.dma_semaphore, #tpu.memory_space<semaphore_mem>>)
    %dma_start3A_40 = arith.constant 2 : i32
    %dma_start3A_41 = arith.constant 2 : i32
    %dma_start3A_42 = arith.constant 0 : i32
    %dma_start3A_43 = arith.constant 0 : i32
    %dma_start3A_44 = tpu.memref_slice %arg6[%dma_start3A_41, %dma_start3A_42, %dma_start3A_43] : memref<5x128x128xf32, #tpu.memory_space<vmem>> -> memref<1x128x128xf32, #tpu.memory_space<vmem>>
    %dma_start3A_45 = tpu.memref_squeeze %dma_start3A_44 : memref<1x128x128xf32, #tpu.memory_space<vmem>> -> memref<128x128xf32, #tpu.memory_space<vmem>>
    %dma_start3A_46 = arith.constant 0 : i32
    %dma_start3A_47 = tpu.memref_slice %arg5[%dma_start3A_40, %dma_start3A_46] : memref<5x128xi32, #tpu.memory_space<vmem>> -> memref<1x128xi32, #tpu.memory_space<vmem>>
    %dma_start3A_48 = tpu.memref_squeeze %dma_start3A_47 : memref<1x128xi32, #tpu.memory_space<vmem>> -> memref<128xi32, #tpu.memory_space<vmem>>
    %dma_start3A_49 = arith.constant 0 : i32
    %dma_start3A_50 = arith.constant 0 : i32
    %dma_start3A_51 = tpu.memref_slice %arg3[%dma_start3A_49, %dma_start3A_50] : memref<4096x128xf32, #tpu.memory_space<hbm>> -> memref<4096x128xf32, #tpu.memory_space<hbm>>
    tpu.enqueue_indirect_dma source(%dma_start3A_51 : memref<4096x128xf32, #tpu.memory_space<hbm>>) target(%dma_start3A_45 : memref<128x128xf32, #tpu.memory_space<vmem>>) offsets(%dma_start3A_48 : memref<128xi32, #tpu.memory_space<vmem>>) semaphore(%arg7 : memref<!tpu.dma_semaphore, #tpu.memory_space<semaphore_mem>>)
    %dma_start3A_52 = arith.constant 3 : i32
    %dma_start3A_53 = arith.constant 3 : i32
    %dma_start3A_54 = arith.constant 0 : i32
    %dma_start3A_55 = arith.constant 0 : i32
    %dma_start3A_56 = tpu.memref_slice %arg6[%dma_start3A_53, %dma_start3A_54, %dma_start3A_55] : memref<5x128x128xf32, #tpu.memory_space<vmem>> -> memref<1x128x128xf32, #tpu.memory_space<vmem>>
    %dma_start3A_57 = tpu.memref_squeeze %dma_start3A_56 : memref<1x128x128xf32, #tpu.memory_space<vmem>> -> memref<128x128xf32, #tpu.memory_space<vmem>>
    %dma_start3A_58 = arith.constant 0 : i32
    %dma_start3A_59 = tpu.memref_slice %arg5[%dma_start3A_52, %dma_start3A_58] : memref<5x128xi32, #tpu.memory_space<vmem>> -> memref<1x128xi32, #tpu.memory_space<vmem>>
    %dma_start3A_60 = tpu.memref_squeeze %dma_start3A_59 : memref<1x128xi32, #tpu.memory_space<vmem>> -> memref<128xi32, #tpu.memory_space<vmem>>
    %dma_start3A_61 = arith.constant 0 : i32
    %dma_start3A_62 = arith.constant 0 : i32
    %dma_start3A_63 = tpu.memref_slice %arg3[%dma_start3A_61, %dma_start3A_62] : memref<4096x128xf32, #tpu.memory_space<hbm>> -> memref<4096x128xf32, #tpu.memory_space<hbm>>
    tpu.enqueue_indirect_dma source(%dma_start3A_63 : memref<4096x128xf32, #tpu.memory_space<hbm>>) target(%dma_start3A_57 : memref<128x128xf32, #tpu.memory_space<vmem>>) offsets(%dma_start3A_60 : memref<128xi32, #tpu.memory_space<vmem>>) semaphore(%arg7 : memref<!tpu.dma_semaphore, #tpu.memory_space<semaphore_mem>>)
    %dma_start3A_64 = arith.constant 4 : i32
    %dma_start3A_65 = arith.constant 4 : i32
    %dma_start3A_66 = arith.constant 0 : i32
    %dma_start3A_67 = arith.constant 0 : i32
    %dma_start3A_68 = tpu.memref_slice %arg6[%dma_start3A_65, %dma_start3A_66, %dma_start3A_67] : memref<5x128x128xf32, #tpu.memory_space<vmem>> -> memref<1x128x128xf32, #tpu.memory_space<vmem>>
    %dma_start3A_69 = tpu.memref_squeeze %dma_start3A_68 : memref<1x128x128xf32, #tpu.memory_space<vmem>> -> memref<128x128xf32, #tpu.memory_space<vmem>>
    %dma_start3A_70 = arith.constant 0 : i32
    %dma_start3A_71 = tpu.memref_slice %arg5[%dma_start3A_64, %dma_start3A_70] : memref<5x128xi32, #tpu.memory_space<vmem>> -> memref<1x128xi32, #tpu.memory_space<vmem>>
    %dma_start3A_72 = tpu.memref_squeeze %dma_start3A_71 : memref<1x128xi32, #tpu.memory_space<vmem>> -> memref<128xi32, #tpu.memory_space<vmem>>
    %dma_start3A_73 = arith.constant 0 : i32
    %dma_start3A_74 = arith.constant 0 : i32
    %dma_start3A_75 = tpu.memref_slice %arg3[%dma_start3A_73, %dma_start3A_74] : memref<4096x128xf32, #tpu.memory_space<hbm>> -> memref<4096x128xf32, #tpu.memory_space<hbm>>
    tpu.enqueue_indirect_dma source(%dma_start3A_75 : memref<4096x128xf32, #tpu.memory_space<hbm>>) target(%dma_start3A_69 : memref<128x128xf32, #tpu.memory_space<vmem>>) offsets(%dma_start3A_72 : memref<128xi32, #tpu.memory_space<vmem>>) semaphore(%arg7 : memref<!tpu.dma_semaphore, #tpu.memory_space<semaphore_mem>>)
    %dma_wait3A = arith.constant 0 : i32
    %dma_wait3A_76 = arith.constant 0 : i32
    %dma_wait3A_77 = arith.constant 0 : i32
    %dma_wait3A_78 = arith.constant 0 : i32
    %dma_wait3A_79 = tpu.memref_slice %arg6[%dma_wait3A_76, %dma_wait3A_77, %dma_wait3A_78] : memref<5x128x128xf32, #tpu.memory_space<vmem>> -> memref<1x128x128xf32, #tpu.memory_space<vmem>>
    %dma_wait3A_80 = tpu.memref_squeeze %dma_wait3A_79 : memref<1x128x128xf32, #tpu.memory_space<vmem>> -> memref<128x128xf32, #tpu.memory_space<vmem>>
    %dma_wait3A_81 = arith.constant 0 : i32
    %dma_wait3A_82 = tpu.memref_slice %arg5[%dma_wait3A, %dma_wait3A_81] : memref<5x128xi32, #tpu.memory_space<vmem>> -> memref<1x128xi32, #tpu.memory_space<vmem>>
    %dma_wait3A_83 = tpu.memref_squeeze %dma_wait3A_82 : memref<1x128xi32, #tpu.memory_space<vmem>> -> memref<128xi32, #tpu.memory_space<vmem>>
    %dma_wait3A_84 = arith.constant 0 : i32
    %dma_wait3A_85 = arith.constant 0 : i32
    %dma_wait3A_86 = tpu.memref_slice %arg3[%dma_wait3A_84, %dma_wait3A_85] : memref<4096x128xf32, #tpu.memory_space<hbm>> -> memref<4096x128xf32, #tpu.memory_space<hbm>>
    tpu.wait_indirect_dma semaphore(%arg7 : memref<!tpu.dma_semaphore, #tpu.memory_space<semaphore_mem>>) src(%dma_wait3A_86 : memref<4096x128xf32, #tpu.memory_space<hbm>>) dst(%dma_wait3A_80 : memref<128x128xf32, #tpu.memory_space<vmem>>)
    %dma_wait3A_87 = arith.constant 1 : i32
    %dma_wait3A_88 = arith.constant 1 : i32
    %dma_wait3A_89 = arith.constant 0 : i32
    %dma_wait3A_90 = arith.constant 0 : i32
    %dma_wait3A_91 = tpu.memref_slice %arg6[%dma_wait3A_88, %dma_wait3A_89, %dma_wait3A_90] : memref<5x128x128xf32, #tpu.memory_space<vmem>> -> memref<1x128x128xf32, #tpu.memory_space<vmem>>
    %dma_wait3A_92 = tpu.memref_squeeze %dma_wait3A_91 : memref<1x128x128xf32, #tpu.memory_space<vmem>> -> memref<128x128xf32, #tpu.memory_space<vmem>>
    %dma_wait3A_93 = arith.constant 0 : i32
    %dma_wait3A_94 = tpu.memref_slice %arg5[%dma_wait3A_87, %dma_wait3A_93] : memref<5x128xi32, #tpu.memory_space<vmem>> -> memref<1x128xi32, #tpu.memory_space<vmem>>
    %dma_wait3A_95 = tpu.memref_squeeze %dma_wait3A_94 : memref<1x128xi32, #tpu.memory_space<vmem>> -> memref<128xi32, #tpu.memory_space<vmem>>
    %dma_wait3A_96 = arith.constant 0 : i32
    %dma_wait3A_97 = arith.constant 0 : i32
    %dma_wait3A_98 = tpu.memref_slice %arg3[%dma_wait3A_96, %dma_wait3A_97] : memref<4096x128xf32, #tpu.memory_space<hbm>> -> memref<4096x128xf32, #tpu.memory_space<hbm>>
    tpu.wait_indirect_dma semaphore(%arg7 : memref<!tpu.dma_semaphore, #tpu.memory_space<semaphore_mem>>) src(%dma_wait3A_98 : memref<4096x128xf32, #tpu.memory_space<hbm>>) dst(%dma_wait3A_92 : memref<128x128xf32, #tpu.memory_space<vmem>>)
    %dma_wait3A_99 = arith.constant 2 : i32
    %dma_wait3A_100 = arith.constant 2 : i32
    %dma_wait3A_101 = arith.constant 0 : i32
    %dma_wait3A_102 = arith.constant 0 : i32
    %dma_wait3A_103 = tpu.memref_slice %arg6[%dma_wait3A_100, %dma_wait3A_101, %dma_wait3A_102] : memref<5x128x128xf32, #tpu.memory_space<vmem>> -> memref<1x128x128xf32, #tpu.memory_space<vmem>>
    %dma_wait3A_104 = tpu.memref_squeeze %dma_wait3A_103 : memref<1x128x128xf32, #tpu.memory_space<vmem>> -> memref<128x128xf32, #tpu.memory_space<vmem>>
    %dma_wait3A_105 = arith.constant 0 : i32
    %dma_wait3A_106 = tpu.memref_slice %arg5[%dma_wait3A_99, %dma_wait3A_105] : memref<5x128xi32, #tpu.memory_space<vmem>> -> memref<1x128xi32, #tpu.memory_space<vmem>>
    %dma_wait3A_107 = tpu.memref_squeeze %dma_wait3A_106 : memref<1x128xi32, #tpu.memory_space<vmem>> -> memref<128xi32, #tpu.memory_space<vmem>>
    %dma_wait3A_108 = arith.constant 0 : i32
    %dma_wait3A_109 = arith.constant 0 : i32
    %dma_wait3A_110 = tpu.memref_slice %arg3[%dma_wait3A_108, %dma_wait3A_109] : memref<4096x128xf32, #tpu.memory_space<hbm>> -> memref<4096x128xf32, #tpu.memory_space<hbm>>
    tpu.wait_indirect_dma semaphore(%arg7 : memref<!tpu.dma_semaphore, #tpu.memory_space<semaphore_mem>>) src(%dma_wait3A_110 : memref<4096x128xf32, #tpu.memory_space<hbm>>) dst(%dma_wait3A_104 : memref<128x128xf32, #tpu.memory_space<vmem>>)
    %dma_wait3A_111 = arith.constant 3 : i32
    %dma_wait3A_112 = arith.constant 3 : i32
    %dma_wait3A_113 = arith.constant 0 : i32
    %dma_wait3A_114 = arith.constant 0 : i32
    %dma_wait3A_115 = tpu.memref_slice %arg6[%dma_wait3A_112, %dma_wait3A_113, %dma_wait3A_114] : memref<5x128x128xf32, #tpu.memory_space<vmem>> -> memref<1x128x128xf32, #tpu.memory_space<vmem>>
    %dma_wait3A_116 = tpu.memref_squeeze %dma_wait3A_115 : memref<1x128x128xf32, #tpu.memory_space<vmem>> -> memref<128x128xf32, #tpu.memory_space<vmem>>
    %dma_wait3A_117 = arith.constant 0 : i32
    %dma_wait3A_118 = tpu.memref_slice %arg5[%dma_wait3A_111, %dma_wait3A_117] : memref<5x128xi32, #tpu.memory_space<vmem>> -> memref<1x128xi32, #tpu.memory_space<vmem>>
    %dma_wait3A_119 = tpu.memref_squeeze %dma_wait3A_118 : memref<1x128xi32, #tpu.memory_space<vmem>> -> memref<128xi32, #tpu.memory_space<vmem>>
    %dma_wait3A_120 = arith.constant 0 : i32
    %dma_wait3A_121 = arith.constant 0 : i32
    %dma_wait3A_122 = tpu.memref_slice %arg3[%dma_wait3A_120, %dma_wait3A_121] : memref<4096x128xf32, #tpu.memory_space<hbm>> -> memref<4096x128xf32, #tpu.memory_space<hbm>>
    tpu.wait_indirect_dma semaphore(%arg7 : memref<!tpu.dma_semaphore, #tpu.memory_space<semaphore_mem>>) src(%dma_wait3A_122 : memref<4096x128xf32, #tpu.memory_space<hbm>>) dst(%dma_wait3A_116 : memref<128x128xf32, #tpu.memory_space<vmem>>)
    %dma_wait3A_123 = arith.constant 4 : i32
    %dma_wait3A_124 = arith.constant 4 : i32
    %dma_wait3A_125 = arith.constant 0 : i32
    %dma_wait3A_126 = arith.constant 0 : i32
    %dma_wait3A_127 = tpu.memref_slice %arg6[%dma_wait3A_124, %dma_wait3A_125, %dma_wait3A_126] : memref<5x128x128xf32, #tpu.memory_space<vmem>> -> memref<1x128x128xf32, #tpu.memory_space<vmem>>
    %dma_wait3A_128 = tpu.memref_squeeze %dma_wait3A_127 : memref<1x128x128xf32, #tpu.memory_space<vmem>> -> memref<128x128xf32, #tpu.memory_space<vmem>>
    %dma_wait3A_129 = arith.constant 0 : i32
    %dma_wait3A_130 = tpu.memref_slice %arg5[%dma_wait3A_123, %dma_wait3A_129] : memref<5x128xi32, #tpu.memory_space<vmem>> -> memref<1x128xi32, #tpu.memory_space<vmem>>
    %dma_wait3A_131 = tpu.memref_squeeze %dma_wait3A_130 : memref<1x128xi32, #tpu.memory_space<vmem>> -> memref<128xi32, #tpu.memory_space<vmem>>
    %dma_wait3A_132 = arith.constant 0 : i32
    %dma_wait3A_133 = arith.constant 0 : i32
    %dma_wait3A_134 = tpu.memref_slice %arg3[%dma_wait3A_132, %dma_wait3A_133] : memref<4096x128xf32, #tpu.memory_space<hbm>> -> memref<4096x128xf32, #tpu.memory_space<hbm>>
    tpu.wait_indirect_dma semaphore(%arg7 : memref<!tpu.dma_semaphore, #tpu.memory_space<semaphore_mem>>) src(%dma_wait3A_134 : memref<4096x128xf32, #tpu.memory_space<hbm>>) dst(%dma_wait3A_128 : memref<128x128xf32, #tpu.memory_space<vmem>>)
    %add3A_135 = arith.constant 0 : i32
    %add3A_136 = arith.addi %add3A_135, %mul3A_2 : i32
    %run_scoped3A_137 = arith.constant 0 : i32
    "tpu.region"() ({
      %run_scoped3A_150 = tpu.sem_alloc : memref<!tpu.dma_semaphore, #tpu.memory_space<semaphore_mem>>
      %dma_start3A_151 = arith.constant 0 : i32
      %dma_start3A_152 = arith.constant 0 : i32
      %dma_start3A_153 = tpu.memref_slice %arg6[%run_scoped3A_137, %dma_start3A_151, %dma_start3A_152] : memref<5x128x128xf32, #tpu.memory_space<vmem>> -> memref<1x128x128xf32, #tpu.memory_space<vmem>>
      %dma_start3A_154 = tpu.memref_squeeze %dma_start3A_153 : memref<1x128x128xf32, #tpu.memory_space<vmem>> -> memref<128x128xf32, #tpu.memory_space<vmem>>
      %dma_start3A_155 = arith.constant 0 : i32
      %dma_start3A_156 = tpu.memref_slice %arg4[%add3A_136, %dma_start3A_155] : memref<20480x128xf32, #tpu.memory_space<hbm>> -> memref<128x128xf32, #tpu.memory_space<hbm>>
      %dma_start3A_157 = arith.constant 0 : i32
      %dma_start3A_158 = tpu.memref_slice %arg4[%add3A_136, %dma_start3A_157] : memref<20480x128xf32, #tpu.memory_space<hbm>> -> memref<128x128xf32, #tpu.memory_space<hbm>>
      %dma_start3A_159 = arith.constant 0 : i32
      %dma_start3A_160 = arith.constant 0 : i32
      %dma_start3A_161 = tpu.memref_slice %arg6[%run_scoped3A_137, %dma_start3A_159, %dma_start3A_160] : memref<5x128x128xf32, #tpu.memory_space<vmem>> -> memref<1x128x128xf32, #tpu.memory_space<vmem>>
      %dma_start3A_162 = tpu.memref_squeeze %dma_start3A_161 : memref<1x128x128xf32, #tpu.memory_space<vmem>> -> memref<128x128xf32, #tpu.memory_space<vmem>>
      tpu.enqueue_dma source(%dma_start3A_162 : memref<128x128xf32, #tpu.memory_space<vmem>>) target(%dma_start3A_158 : memref<128x128xf32, #tpu.memory_space<hbm>>) target_semaphore(%run_scoped3A_150 : memref<!tpu.dma_semaphore, #tpu.memory_space<semaphore_mem>>)
      %dma_wait3A_163 = arith.constant 0 : i32
      %dma_wait3A_164 = arith.constant 0 : i32
      %dma_wait3A_165 = tpu.memref_slice %arg6[%run_scoped3A_137, %dma_wait3A_163, %dma_wait3A_164] : memref<5x128x128xf32, #tpu.memory_space<vmem>> -> memref<1x128x128xf32, #tpu.memory_space<vmem>>
      %dma_wait3A_166 = tpu.memref_squeeze %dma_wait3A_165 : memref<1x128x128xf32, #tpu.memory_space<vmem>> -> memref<128x128xf32, #tpu.memory_space<vmem>>
      %dma_wait3A_167 = arith.constant 0 : i32
      %dma_wait3A_168 = tpu.memref_slice %arg4[%add3A_136, %dma_wait3A_167] : memref<20480x128xf32, #tpu.memory_space<hbm>> -> memref<128x128xf32, #tpu.memory_space<hbm>>
      %dma_wait3A_169 = arith.constant 0 : i32
      %dma_wait3A_170 = tpu.memref_slice %arg4[%add3A_136, %dma_wait3A_169] : memref<20480x128xf32, #tpu.memory_space<hbm>> -> memref<128x128xf32, #tpu.memory_space<hbm>>
      %dma_wait3A_171 = arith.constant 0 : i32
      %dma_wait3A_172 = arith.constant 0 : i32
      %dma_wait3A_173 = tpu.memref_slice %arg6[%run_scoped3A_137, %dma_wait3A_171, %dma_wait3A_172] : memref<5x128x128xf32, #tpu.memory_space<vmem>> -> memref<1x128x128xf32, #tpu.memory_space<vmem>>
      %dma_wait3A_174 = tpu.memref_squeeze %dma_wait3A_173 : memref<1x128x128xf32, #tpu.memory_space<vmem>> -> memref<128x128xf32, #tpu.memory_space<vmem>>
      tpu.wait_dma2 semaphore(%run_scoped3A_150 : memref<!tpu.dma_semaphore, #tpu.memory_space<semaphore_mem>>) src(%dma_wait3A_174 : memref<128x128xf32, #tpu.memory_space<vmem>>) dst(%dma_wait3A_170 : memref<128x128xf32, #tpu.memory_space<hbm>>)
      tpu.yield
    }) : () -> ()
    %add3A_138 = arith.constant 4096 : i32
    %add3A_139 = arith.addi %add3A_138, %mul3A_2 : i32
    %run_scoped3A_140 = arith.constant 1 : i32
    "tpu.region"() ({
      %run_scoped3A_150 = tpu.sem_alloc : memref<!tpu.dma_semaphore, #tpu.memory_space<semaphore_mem>>
      %dma_start3A_151 = arith.constant 0 : i32
      %dma_start3A_152 = arith.constant 0 : i32
      %dma_start3A_153 = tpu.memref_slice %arg6[%run_scoped3A_140, %dma_start3A_151, %dma_start3A_152] : memref<5x128x128xf32, #tpu.memory_space<vmem>> -> memref<1x128x128xf32, #tpu.memory_space<vmem>>
      %dma_start3A_154 = tpu.memref_squeeze %dma_start3A_153 : memref<1x128x128xf32, #tpu.memory_space<vmem>> -> memref<128x128xf32, #tpu.memory_space<vmem>>
      %dma_start3A_155 = arith.constant 0 : i32
      %dma_start3A_156 = tpu.memref_slice %arg4[%add3A_139, %dma_start3A_155] : memref<20480x128xf32, #tpu.memory_space<hbm>> -> memref<128x128xf32, #tpu.memory_space<hbm>>
      %dma_start3A_157 = arith.constant 0 : i32
      %dma_start3A_158 = tpu.memref_slice %arg4[%add3A_139, %dma_start3A_157] : memref<20480x128xf32, #tpu.memory_space<hbm>> -> memref<128x128xf32, #tpu.memory_space<hbm>>
      %dma_start3A_159 = arith.constant 0 : i32
      %dma_start3A_160 = arith.constant 0 : i32
      %dma_start3A_161 = tpu.memref_slice %arg6[%run_scoped3A_140, %dma_start3A_159, %dma_start3A_160] : memref<5x128x128xf32, #tpu.memory_space<vmem>> -> memref<1x128x128xf32, #tpu.memory_space<vmem>>
      %dma_start3A_162 = tpu.memref_squeeze %dma_start3A_161 : memref<1x128x128xf32, #tpu.memory_space<vmem>> -> memref<128x128xf32, #tpu.memory_space<vmem>>
      tpu.enqueue_dma source(%dma_start3A_162 : memref<128x128xf32, #tpu.memory_space<vmem>>) target(%dma_start3A_158 : memref<128x128xf32, #tpu.memory_space<hbm>>) target_semaphore(%run_scoped3A_150 : memref<!tpu.dma_semaphore, #tpu.memory_space<semaphore_mem>>)
      %dma_wait3A_163 = arith.constant 0 : i32
      %dma_wait3A_164 = arith.constant 0 : i32
      %dma_wait3A_165 = tpu.memref_slice %arg6[%run_scoped3A_140, %dma_wait3A_163, %dma_wait3A_164] : memref<5x128x128xf32, #tpu.memory_space<vmem>> -> memref<1x128x128xf32, #tpu.memory_space<vmem>>
      %dma_wait3A_166 = tpu.memref_squeeze %dma_wait3A_165 : memref<1x128x128xf32, #tpu.memory_space<vmem>> -> memref<128x128xf32, #tpu.memory_space<vmem>>
      %dma_wait3A_167 = arith.constant 0 : i32
      %dma_wait3A_168 = tpu.memref_slice %arg4[%add3A_139, %dma_wait3A_167] : memref<20480x128xf32, #tpu.memory_space<hbm>> -> memref<128x128xf32, #tpu.memory_space<hbm>>
      %dma_wait3A_169 = arith.constant 0 : i32
      %dma_wait3A_170 = tpu.memref_slice %arg4[%add3A_139, %dma_wait3A_169] : memref<20480x128xf32, #tpu.memory_space<hbm>> -> memref<128x128xf32, #tpu.memory_space<hbm>>
      %dma_wait3A_171 = arith.constant 0 : i32
      %dma_wait3A_172 = arith.constant 0 : i32
      %dma_wait3A_173 = tpu.memref_slice %arg6[%run_scoped3A_140, %dma_wait3A_171, %dma_wait3A_172] : memref<5x128x128xf32, #tpu.memory_space<vmem>> -> memref<1x128x128xf32, #tpu.memory_space<vmem>>
      %dma_wait3A_174 = tpu.memref_squeeze %dma_wait3A_173 : memref<1x128x128xf32, #tpu.memory_space<vmem>> -> memref<128x128xf32, #tpu.memory_space<vmem>>
      tpu.wait_dma2 semaphore(%run_scoped3A_150 : memref<!tpu.dma_semaphore, #tpu.memory_space<semaphore_mem>>) src(%dma_wait3A_174 : memref<128x128xf32, #tpu.memory_space<vmem>>) dst(%dma_wait3A_170 : memref<128x128xf32, #tpu.memory_space<hbm>>)
      tpu.yield
    }) : () -> ()
    %add3A_141 = arith.constant 8192 : i32
    %add3A_142 = arith.addi %add3A_141, %mul3A_2 : i32
    %run_scoped3A_143 = arith.constant 2 : i32
    "tpu.region"() ({
      %run_scoped3A_150 = tpu.sem_alloc : memref<!tpu.dma_semaphore, #tpu.memory_space<semaphore_mem>>
      %dma_start3A_151 = arith.constant 0 : i32
      %dma_start3A_152 = arith.constant 0 : i32
      %dma_start3A_153 = tpu.memref_slice %arg6[%run_scoped3A_143, %dma_start3A_151, %dma_start3A_152] : memref<5x128x128xf32, #tpu.memory_space<vmem>> -> memref<1x128x128xf32, #tpu.memory_space<vmem>>
      %dma_start3A_154 = tpu.memref_squeeze %dma_start3A_153 : memref<1x128x128xf32, #tpu.memory_space<vmem>> -> memref<128x128xf32, #tpu.memory_space<vmem>>
      %dma_start3A_155 = arith.constant 0 : i32
      %dma_start3A_156 = tpu.memref_slice %arg4[%add3A_142, %dma_start3A_155] : memref<20480x128xf32, #tpu.memory_space<hbm>> -> memref<128x128xf32, #tpu.memory_space<hbm>>
      %dma_start3A_157 = arith.constant 0 : i32
      %dma_start3A_158 = tpu.memref_slice %arg4[%add3A_142, %dma_start3A_157] : memref<20480x128xf32, #tpu.memory_space<hbm>> -> memref<128x128xf32, #tpu.memory_space<hbm>>
      %dma_start3A_159 = arith.constant 0 : i32
      %dma_start3A_160 = arith.constant 0 : i32
      %dma_start3A_161 = tpu.memref_slice %arg6[%run_scoped3A_143, %dma_start3A_159, %dma_start3A_160] : memref<5x128x128xf32, #tpu.memory_space<vmem>> -> memref<1x128x128xf32, #tpu.memory_space<vmem>>
      %dma_start3A_162 = tpu.memref_squeeze %dma_start3A_161 : memref<1x128x128xf32, #tpu.memory_space<vmem>> -> memref<128x128xf32, #tpu.memory_space<vmem>>
      tpu.enqueue_dma source(%dma_start3A_162 : memref<128x128xf32, #tpu.memory_space<vmem>>) target(%dma_start3A_158 : memref<128x128xf32, #tpu.memory_space<hbm>>) target_semaphore(%run_scoped3A_150 : memref<!tpu.dma_semaphore, #tpu.memory_space<semaphore_mem>>)
      %dma_wait3A_163 = arith.constant 0 : i32
      %dma_wait3A_164 = arith.constant 0 : i32
      %dma_wait3A_165 = tpu.memref_slice %arg6[%run_scoped3A_143, %dma_wait3A_163, %dma_wait3A_164] : memref<5x128x128xf32, #tpu.memory_space<vmem>> -> memref<1x128x128xf32, #tpu.memory_space<vmem>>
      %dma_wait3A_166 = tpu.memref_squeeze %dma_wait3A_165 : memref<1x128x128xf32, #tpu.memory_space<vmem>> -> memref<128x128xf32, #tpu.memory_space<vmem>>
      %dma_wait3A_167 = arith.constant 0 : i32
      %dma_wait3A_168 = tpu.memref_slice %arg4[%add3A_142, %dma_wait3A_167] : memref<20480x128xf32, #tpu.memory_space<hbm>> -> memref<128x128xf32, #tpu.memory_space<hbm>>
      %dma_wait3A_169 = arith.constant 0 : i32
      %dma_wait3A_170 = tpu.memref_slice %arg4[%add3A_142, %dma_wait3A_169] : memref<20480x128xf32, #tpu.memory_space<hbm>> -> memref<128x128xf32, #tpu.memory_space<hbm>>
      %dma_wait3A_171 = arith.constant 0 : i32
      %dma_wait3A_172 = arith.constant 0 : i32
      %dma_wait3A_173 = tpu.memref_slice %arg6[%run_scoped3A_143, %dma_wait3A_171, %dma_wait3A_172] : memref<5x128x128xf32, #tpu.memory_space<vmem>> -> memref<1x128x128xf32, #tpu.memory_space<vmem>>
      %dma_wait3A_174 = tpu.memref_squeeze %dma_wait3A_173 : memref<1x128x128xf32, #tpu.memory_space<vmem>> -> memref<128x128xf32, #tpu.memory_space<vmem>>
      tpu.wait_dma2 semaphore(%run_scoped3A_150 : memref<!tpu.dma_semaphore, #tpu.memory_space<semaphore_mem>>) src(%dma_wait3A_174 : memref<128x128xf32, #tpu.memory_space<vmem>>) dst(%dma_wait3A_170 : memref<128x128xf32, #tpu.memory_space<hbm>>)
      tpu.yield
    }) : () -> ()
    %add3A_144 = arith.constant 12288 : i32
    %add3A_145 = arith.addi %add3A_144, %mul3A_2 : i32
    %run_scoped3A_146 = arith.constant 3 : i32
    "tpu.region"() ({
      %run_scoped3A_150 = tpu.sem_alloc : memref<!tpu.dma_semaphore, #tpu.memory_space<semaphore_mem>>
      %dma_start3A_151 = arith.constant 0 : i32
      %dma_start3A_152 = arith.constant 0 : i32
      %dma_start3A_153 = tpu.memref_slice %arg6[%run_scoped3A_146, %dma_start3A_151, %dma_start3A_152] : memref<5x128x128xf32, #tpu.memory_space<vmem>> -> memref<1x128x128xf32, #tpu.memory_space<vmem>>
      %dma_start3A_154 = tpu.memref_squeeze %dma_start3A_153 : memref<1x128x128xf32, #tpu.memory_space<vmem>> -> memref<128x128xf32, #tpu.memory_space<vmem>>
      %dma_start3A_155 = arith.constant 0 : i32
      %dma_start3A_156 = tpu.memref_slice %arg4[%add3A_145, %dma_start3A_155] : memref<20480x128xf32, #tpu.memory_space<hbm>> -> memref<128x128xf32, #tpu.memory_space<hbm>>
      %dma_start3A_157 = arith.constant 0 : i32
      %dma_start3A_158 = tpu.memref_slice %arg4[%add3A_145, %dma_start3A_157] : memref<20480x128xf32, #tpu.memory_space<hbm>> -> memref<128x128xf32, #tpu.memory_space<hbm>>
      %dma_start3A_159 = arith.constant 0 : i32
      %dma_start3A_160 = arith.constant 0 : i32
      %dma_start3A_161 = tpu.memref_slice %arg6[%run_scoped3A_146, %dma_start3A_159, %dma_start3A_160] : memref<5x128x128xf32, #tpu.memory_space<vmem>> -> memref<1x128x128xf32, #tpu.memory_space<vmem>>
      %dma_start3A_162 = tpu.memref_squeeze %dma_start3A_161 : memref<1x128x128xf32, #tpu.memory_space<vmem>> -> memref<128x128xf32, #tpu.memory_space<vmem>>
      tpu.enqueue_dma source(%dma_start3A_162 : memref<128x128xf32, #tpu.memory_space<vmem>>) target(%dma_start3A_158 : memref<128x128xf32, #tpu.memory_space<hbm>>) target_semaphore(%run_scoped3A_150 : memref<!tpu.dma_semaphore, #tpu.memory_space<semaphore_mem>>)
      %dma_wait3A_163 = arith.constant 0 : i32
      %dma_wait3A_164 = arith.constant 0 : i32
      %dma_wait3A_165 = tpu.memref_slice %arg6[%run_scoped3A_146, %dma_wait3A_163, %dma_wait3A_164] : memref<5x128x128xf32, #tpu.memory_space<vmem>> -> memref<1x128x128xf32, #tpu.memory_space<vmem>>
      %dma_wait3A_166 = tpu.memref_squeeze %dma_wait3A_165 : memref<1x128x128xf32, #tpu.memory_space<vmem>> -> memref<128x128xf32, #tpu.memory_space<vmem>>
      %dma_wait3A_167 = arith.constant 0 : i32
      %dma_wait3A_168 = tpu.memref_slice %arg4[%add3A_145, %dma_wait3A_167] : memref<20480x128xf32, #tpu.memory_space<hbm>> -> memref<128x128xf32, #tpu.memory_space<hbm>>
      %dma_wait3A_169 = arith.constant 0 : i32
      %dma_wait3A_170 = tpu.memref_slice %arg4[%add3A_145, %dma_wait3A_169] : memref<20480x128xf32, #tpu.memory_space<hbm>> -> memref<128x128xf32, #tpu.memory_space<hbm>>
      %dma_wait3A_171 = arith.constant 0 : i32
      %dma_wait3A_172 = arith.constant 0 : i32
      %dma_wait3A_173 = tpu.memref_slice %arg6[%run_scoped3A_146, %dma_wait3A_171, %dma_wait3A_172] : memref<5x128x128xf32, #tpu.memory_space<vmem>> -> memref<1x128x128xf32, #tpu.memory_space<vmem>>
      %dma_wait3A_174 = tpu.memref_squeeze %dma_wait3A_173 : memref<1x128x128xf32, #tpu.memory_space<vmem>> -> memref<128x128xf32, #tpu.memory_space<vmem>>
      tpu.wait_dma2 semaphore(%run_scoped3A_150 : memref<!tpu.dma_semaphore, #tpu.memory_space<semaphore_mem>>) src(%dma_wait3A_174 : memref<128x128xf32, #tpu.memory_space<vmem>>) dst(%dma_wait3A_170 : memref<128x128xf32, #tpu.memory_space<hbm>>)
      tpu.yield
    }) : () -> ()
    %add3A_147 = arith.constant 16384 : i32
    %add3A_148 = arith.addi %add3A_147, %mul3A_2 : i32
    %run_scoped3A_149 = arith.constant 4 : i32
    "tpu.region"() ({
      %run_scoped3A_150 = tpu.sem_alloc : memref<!tpu.dma_semaphore, #tpu.memory_space<semaphore_mem>>
      %dma_start3A_151 = arith.constant 0 : i32
      %dma_start3A_152 = arith.constant 0 : i32
      %dma_start3A_153 = tpu.memref_slice %arg6[%run_scoped3A_149, %dma_start3A_151, %dma_start3A_152] : memref<5x128x128xf32, #tpu.memory_space<vmem>> -> memref<1x128x128xf32, #tpu.memory_space<vmem>>
      %dma_start3A_154 = tpu.memref_squeeze %dma_start3A_153 : memref<1x128x128xf32, #tpu.memory_space<vmem>> -> memref<128x128xf32, #tpu.memory_space<vmem>>
      %dma_start3A_155 = arith.constant 0 : i32
      %dma_start3A_156 = tpu.memref_slice %arg4[%add3A_148, %dma_start3A_155] : memref<20480x128xf32, #tpu.memory_space<hbm>> -> memref<128x128xf32, #tpu.memory_space<hbm>>
      %dma_start3A_157 = arith.constant 0 : i32
      %dma_start3A_158 = tpu.memref_slice %arg4[%add3A_148, %dma_start3A_157] : memref<20480x128xf32, #tpu.memory_space<hbm>> -> memref<128x128xf32, #tpu.memory_space<hbm>>
      %dma_start3A_159 = arith.constant 0 : i32
      %dma_start3A_160 = arith.constant 0 : i32
      %dma_start3A_161 = tpu.memref_slice %arg6[%run_scoped3A_149, %dma_start3A_159, %dma_start3A_160] : memref<5x128x128xf32, #tpu.memory_space<vmem>> -> memref<1x128x128xf32, #tpu.memory_space<vmem>>
      %dma_start3A_162 = tpu.memref_squeeze %dma_start3A_161 : memref<1x128x128xf32, #tpu.memory_space<vmem>> -> memref<128x128xf32, #tpu.memory_space<vmem>>
      tpu.enqueue_dma source(%dma_start3A_162 : memref<128x128xf32, #tpu.memory_space<vmem>>) target(%dma_start3A_158 : memref<128x128xf32, #tpu.memory_space<hbm>>) target_semaphore(%run_scoped3A_150 : memref<!tpu.dma_semaphore, #tpu.memory_space<semaphore_mem>>)
      %dma_wait3A_163 = arith.constant 0 : i32
      %dma_wait3A_164 = arith.constant 0 : i32
      %dma_wait3A_165 = tpu.memref_slice %arg6[%run_scoped3A_149, %dma_wait3A_163, %dma_wait3A_164] : memref<5x128x128xf32, #tpu.memory_space<vmem>> -> memref<1x128x128xf32, #tpu.memory_space<vmem>>
      %dma_wait3A_166 = tpu.memref_squeeze %dma_wait3A_165 : memref<1x128x128xf32, #tpu.memory_space<vmem>> -> memref<128x128xf32, #tpu.memory_space<vmem>>
      %dma_wait3A_167 = arith.constant 0 : i32
      %dma_wait3A_168 = tpu.memref_slice %arg4[%add3A_148, %dma_wait3A_167] : memref<20480x128xf32, #tpu.memory_space<hbm>> -> memref<128x128xf32, #tpu.memory_space<hbm>>
      %dma_wait3A_169 = arith.constant 0 : i32
      %dma_wait3A_170 = tpu.memref_slice %arg4[%add3A_148, %dma_wait3A_169] : memref<20480x128xf32, #tpu.memory_space<hbm>> -> memref<128x128xf32, #tpu.memory_space<hbm>>
      %dma_wait3A_171 = arith.constant 0 : i32
      %dma_wait3A_172 = arith.constant 0 : i32
      %dma_wait3A_173 = tpu.memref_slice %arg6[%run_scoped3A_149, %dma_wait3A_171, %dma_wait3A_172] : memref<5x128x128xf32, #tpu.memory_space<vmem>> -> memref<1x128x128xf32, #tpu.memory_space<vmem>>
      %dma_wait3A_174 = tpu.memref_squeeze %dma_wait3A_173 : memref<1x128x128xf32, #tpu.memory_space<vmem>> -> memref<128x128xf32, #tpu.memory_space<vmem>>
      tpu.wait_dma2 semaphore(%run_scoped3A_150 : memref<!tpu.dma_semaphore, #tpu.memory_space<semaphore_mem>>) src(%dma_wait3A_174 : memref<128x128xf32, #tpu.memory_space<vmem>>) dst(%dma_wait3A_170 : memref<128x128xf32, #tpu.memory_space<hbm>>)
      tpu.yield
    }) : () -> ()
    return
  }
}

#map = affine_map<(d0, d1) -> (0)>
#map1 = affine_map<(d0, d1) -> (0, 0)>
module attributes {stable_mosaic.version = 14 : i64} {
  func.func @kern(%arg0: i32, %arg1: i32, %arg2: memref<20480xi32, #tpu.memory_space<hbm>>, %arg3: memref<4096x128xf32, #tpu.memory_space<hbm>>, %arg4: memref<20480x128xf32, #tpu.memory_space<hbm>>, %arg5: memref<5x128xi32, #tpu.memory_space<vmem>>, %arg6: memref<5x128x128xf32, #tpu.memory_space<vmem>>, %arg7: memref<!tpu.dma_semaphore, #tpu.memory_space<semaphore_mem>>) attributes {dimension_semantics = [#tpu.dimension_semantics<core_parallel>, #tpu.dimension_semantics<subcore_parallel>], iteration_bounds = array<i64: 2, 16>, scalar_prefetch = 0 : i64, scratch_operands = 3 : i64, tpu.core_type = #tpu.core_type<sc_vector_subcore>, window_params = [{transform_indices = #map}, {transform_indices = #map1}, {transform_indices = #map1}]} {
    %mul3A = arith.constant 2 : i32
    %mul3A_0 = arith.muli %arg1, %mul3A : i32
    %add3A = arith.addi %mul3A_0, %arg0 : i32
    %mul3A_1 = arith.constant 128 : i32
    %mul3A_2 = arith.muli %add3A, %mul3A_1 : i32
    %add3A_3 = arith.constant 0 : i32
    %add3A_4 = arith.addi %add3A_3, %mul3A_2 : i32
    %run_scoped3A = arith.constant 0 : i32
    "tpu.region"() ({
      %run_scoped3A_150 = tpu.sem_alloc : memref<!tpu.dma_semaphore, #tpu.memory_space<semaphore_mem>>
      %dma_start3A_151 = arith.constant 0 : i32
      %dma_start3A_152 = tpu.memref_slice %arg5[%run_scoped3A, %dma_start3A_151] : memref<5x128xi32, #tpu.memory_space<vmem>> -> memref<1x128xi32, #tpu.memory_space<vmem>>
      %dma_start3A_153 = tpu.memref_squeeze %dma_start3A_152 : memref<1x128xi32, #tpu.memory_space<vmem>> -> memref<128xi32, #tpu.memory_space<vmem>>
      %dma_start3A_154 = tpu.memref_slice %arg2[%add3A_4] : memref<20480xi32, #tpu.memory_space<hbm>> -> memref<128xi32, #tpu.memory_space<hbm>>
      %dma_start3A_155 = arith.constant 0 : i32
      %dma_start3A_156 = tpu.memref_slice %arg5[%run_scoped3A, %dma_start3A_155] : memref<5x128xi32, #tpu.memory_space<vmem>> -> memref<1x128xi32, #tpu.memory_space<vmem>>
      %dma_start3A_157 = tpu.memref_squeeze %dma_start3A_156 : memref<1x128xi32, #tpu.memory_space<vmem>> -> memref<128xi32, #tpu.memory_space<vmem>>
      %dma_start3A_158 = tpu.memref_slice %arg2[%add3A_4] : memref<20480xi32, #tpu.memory_space<hbm>> -> memref<128xi32, #tpu.memory_space<hbm>>
      tpu.enqueue_dma source(%dma_start3A_158 : memref<128xi32, #tpu.memory_space<hbm>>) target(%dma_start3A_157 : memref<128xi32, #tpu.memory_space<vmem>>) target_semaphore(%run_scoped3A_150 : memref<!tpu.dma_semaphore, #tpu.memory_space<semaphore_mem>>)
      %dma_wait3A_159 = arith.constant 0 : i32
      %dma_wait3A_160 = tpu.memref_slice %arg5[%run_scoped3A, %dma_wait3A_159] : memref<5x128xi32, #tpu.memory_space<vmem>> -> memref<1x128xi32, #tpu.memory_space<vmem>>
      %dma_wait3A_161 = tpu.memref_squeeze %dma_wait3A_160 : memref<1x128xi32, #tpu.memory_space<vmem>> -> memref<128xi32, #tpu.memory_space<vmem>>
      %dma_wait3A_162 = tpu.memref_slice %arg2[%add3A_4] : memref<20480xi32, #tpu.memory_space<hbm>> -> memref<128xi32, #tpu.memory_space<hbm>>
      %dma_wait3A_163 = arith.constant 0 : i32
      %dma_wait3A_164 = tpu.memref_slice %arg5[%run_scoped3A, %dma_wait3A_163] : memref<5x128xi32, #tpu.memory_space<vmem>> -> memref<1x128xi32, #tpu.memory_space<vmem>>
      %dma_wait3A_165 = tpu.memref_squeeze %dma_wait3A_164 : memref<1x128xi32, #tpu.memory_space<vmem>> -> memref<128xi32, #tpu.memory_space<vmem>>
      %dma_wait3A_166 = tpu.memref_slice %arg2[%add3A_4] : memref<20480xi32, #tpu.memory_space<hbm>> -> memref<128xi32, #tpu.memory_space<hbm>>
      tpu.wait_dma2 semaphore(%run_scoped3A_150 : memref<!tpu.dma_semaphore, #tpu.memory_space<semaphore_mem>>) src(%dma_wait3A_166 : memref<128xi32, #tpu.memory_space<hbm>>) dst(%dma_wait3A_165 : memref<128xi32, #tpu.memory_space<vmem>>)
      tpu.yield
    }) : () -> ()
    %add3A_5 = arith.constant 4096 : i32
    %add3A_6 = arith.addi %add3A_5, %mul3A_2 : i32
    %run_scoped3A_7 = arith.constant 1 : i32
    "tpu.region"() ({
      %run_scoped3A_150 = tpu.sem_alloc : memref<!tpu.dma_semaphore, #tpu.memory_space<semaphore_mem>>
      %dma_start3A_151 = arith.constant 0 : i32
      %dma_start3A_152 = tpu.memref_slice %arg5[%run_scoped3A_7, %dma_start3A_151] : memref<5x128xi32, #tpu.memory_space<vmem>> -> memref<1x128xi32, #tpu.memory_space<vmem>>
      %dma_start3A_153 = tpu.memref_squeeze %dma_start3A_152 : memref<1x128xi32, #tpu.memory_space<vmem>> -> memref<128xi32, #tpu.memory_space<vmem>>
      %dma_start3A_154 = tpu.memref_slice %arg2[%add3A_6] : memref<20480xi32, #tpu.memory_space<hbm>> -> memref<128xi32, #tpu.memory_space<hbm>>
      %dma_start3A_155 = arith.constant 0 : i32
      %dma_start3A_156 = tpu.memref_slice %arg5[%run_scoped3A_7, %dma_start3A_155] : memref<5x128xi32, #tpu.memory_space<vmem>> -> memref<1x128xi32, #tpu.memory_space<vmem>>
      %dma_start3A_157 = tpu.memref_squeeze %dma_start3A_156 : memref<1x128xi32, #tpu.memory_space<vmem>> -> memref<128xi32, #tpu.memory_space<vmem>>
      %dma_start3A_158 = tpu.memref_slice %arg2[%add3A_6] : memref<20480xi32, #tpu.memory_space<hbm>> -> memref<128xi32, #tpu.memory_space<hbm>>
      tpu.enqueue_dma source(%dma_start3A_158 : memref<128xi32, #tpu.memory_space<hbm>>) target(%dma_start3A_157 : memref<128xi32, #tpu.memory_space<vmem>>) target_semaphore(%run_scoped3A_150 : memref<!tpu.dma_semaphore, #tpu.memory_space<semaphore_mem>>)
      %dma_wait3A_159 = arith.constant 0 : i32
      %dma_wait3A_160 = tpu.memref_slice %arg5[%run_scoped3A_7, %dma_wait3A_159] : memref<5x128xi32, #tpu.memory_space<vmem>> -> memref<1x128xi32, #tpu.memory_space<vmem>>
      %dma_wait3A_161 = tpu.memref_squeeze %dma_wait3A_160 : memref<1x128xi32, #tpu.memory_space<vmem>> -> memref<128xi32, #tpu.memory_space<vmem>>
      %dma_wait3A_162 = tpu.memref_slice %arg2[%add3A_6] : memref<20480xi32, #tpu.memory_space<hbm>> -> memref<128xi32, #tpu.memory_space<hbm>>
      %dma_wait3A_163 = arith.constant 0 : i32
      %dma_wait3A_164 = tpu.memref_slice %arg5[%run_scoped3A_7, %dma_wait3A_163] : memref<5x128xi32, #tpu.memory_space<vmem>> -> memref<1x128xi32, #tpu.memory_space<vmem>>
      %dma_wait3A_165 = tpu.memref_squeeze %dma_wait3A_164 : memref<1x128xi32, #tpu.memory_space<vmem>> -> memref<128xi32, #tpu.memory_space<vmem>>
      %dma_wait3A_166 = tpu.memref_slice %arg2[%add3A_6] : memref<20480xi32, #tpu.memory_space<hbm>> -> memref<128xi32, #tpu.memory_space<hbm>>
      tpu.wait_dma2 semaphore(%run_scoped3A_150 : memref<!tpu.dma_semaphore, #tpu.memory_space<semaphore_mem>>) src(%dma_wait3A_166 : memref<128xi32, #tpu.memory_space<hbm>>) dst(%dma_wait3A_165 : memref<128xi32, #tpu.memory_space<vmem>>)
      tpu.yield
    }) : () -> ()
    %add3A_8 = arith.constant 8192 : i32
    %add3A_9 = arith.addi %add3A_8, %mul3A_2 : i32
    %run_scoped3A_10 = arith.constant 2 : i32
    "tpu.region"() ({
      %run_scoped3A_150 = tpu.sem_alloc : memref<!tpu.dma_semaphore, #tpu.memory_space<semaphore_mem>>
      %dma_start3A_151 = arith.constant 0 : i32
      %dma_start3A_152 = tpu.memref_slice %arg5[%run_scoped3A_10, %dma_start3A_151] : memref<5x128xi32, #tpu.memory_space<vmem>> -> memref<1x128xi32, #tpu.memory_space<vmem>>
      %dma_start3A_153 = tpu.memref_squeeze %dma_start3A_152 : memref<1x128xi32, #tpu.memory_space<vmem>> -> memref<128xi32, #tpu.memory_space<vmem>>
      %dma_start3A_154 = tpu.memref_slice %arg2[%add3A_9] : memref<20480xi32, #tpu.memory_space<hbm>> -> memref<128xi32, #tpu.memory_space<hbm>>
      %dma_start3A_155 = arith.constant 0 : i32
      %dma_start3A_156 = tpu.memref_slice %arg5[%run_scoped3A_10, %dma_start3A_155] : memref<5x128xi32, #tpu.memory_space<vmem>> -> memref<1x128xi32, #tpu.memory_space<vmem>>
      %dma_start3A_157 = tpu.memref_squeeze %dma_start3A_156 : memref<1x128xi32, #tpu.memory_space<vmem>> -> memref<128xi32, #tpu.memory_space<vmem>>
      %dma_start3A_158 = tpu.memref_slice %arg2[%add3A_9] : memref<20480xi32, #tpu.memory_space<hbm>> -> memref<128xi32, #tpu.memory_space<hbm>>
      tpu.enqueue_dma source(%dma_start3A_158 : memref<128xi32, #tpu.memory_space<hbm>>) target(%dma_start3A_157 : memref<128xi32, #tpu.memory_space<vmem>>) target_semaphore(%run_scoped3A_150 : memref<!tpu.dma_semaphore, #tpu.memory_space<semaphore_mem>>)
      %dma_wait3A_159 = arith.constant 0 : i32
      %dma_wait3A_160 = tpu.memref_slice %arg5[%run_scoped3A_10, %dma_wait3A_159] : memref<5x128xi32, #tpu.memory_space<vmem>> -> memref<1x128xi32, #tpu.memory_space<vmem>>
      %dma_wait3A_161 = tpu.memref_squeeze %dma_wait3A_160 : memref<1x128xi32, #tpu.memory_space<vmem>> -> memref<128xi32, #tpu.memory_space<vmem>>
      %dma_wait3A_162 = tpu.memref_slice %arg2[%add3A_9] : memref<20480xi32, #tpu.memory_space<hbm>> -> memref<128xi32, #tpu.memory_space<hbm>>
      %dma_wait3A_163 = arith.constant 0 : i32
      %dma_wait3A_164 = tpu.memref_slice %arg5[%run_scoped3A_10, %dma_wait3A_163] : memref<5x128xi32, #tpu.memory_space<vmem>> -> memref<1x128xi32, #tpu.memory_space<vmem>>
      %dma_wait3A_165 = tpu.memref_squeeze %dma_wait3A_164 : memref<1x128xi32, #tpu.memory_space<vmem>> -> memref<128xi32, #tpu.memory_space<vmem>>
      %dma_wait3A_166 = tpu.memref_slice %arg2[%add3A_9] : memref<20480xi32, #tpu.memory_space<hbm>> -> memref<128xi32, #tpu.memory_space<hbm>>
      tpu.wait_dma2 semaphore(%run_scoped3A_150 : memref<!tpu.dma_semaphore, #tpu.memory_space<semaphore_mem>>) src(%dma_wait3A_166 : memref<128xi32, #tpu.memory_space<hbm>>) dst(%dma_wait3A_165 : memref<128xi32, #tpu.memory_space<vmem>>)
      tpu.yield
    }) : () -> ()
    %add3A_11 = arith.constant 12288 : i32
    %add3A_12 = arith.addi %add3A_11, %mul3A_2 : i32
    %run_scoped3A_13 = arith.constant 3 : i32
    "tpu.region"() ({
      %run_scoped3A_150 = tpu.sem_alloc : memref<!tpu.dma_semaphore, #tpu.memory_space<semaphore_mem>>
      %dma_start3A_151 = arith.constant 0 : i32
      %dma_start3A_152 = tpu.memref_slice %arg5[%run_scoped3A_13, %dma_start3A_151] : memref<5x128xi32, #tpu.memory_space<vmem>> -> memref<1x128xi32, #tpu.memory_space<vmem>>
      %dma_start3A_153 = tpu.memref_squeeze %dma_start3A_152 : memref<1x128xi32, #tpu.memory_space<vmem>> -> memref<128xi32, #tpu.memory_space<vmem>>
      %dma_start3A_154 = tpu.memref_slice %arg2[%add3A_12] : memref<20480xi32, #tpu.memory_space<hbm>> -> memref<128xi32, #tpu.memory_space<hbm>>
      %dma_start3A_155 = arith.constant 0 : i32
      %dma_start3A_156 = tpu.memref_slice %arg5[%run_scoped3A_13, %dma_start3A_155] : memref<5x128xi32, #tpu.memory_space<vmem>> -> memref<1x128xi32, #tpu.memory_space<vmem>>
      %dma_start3A_157 = tpu.memref_squeeze %dma_start3A_156 : memref<1x128xi32, #tpu.memory_space<vmem>> -> memref<128xi32, #tpu.memory_space<vmem>>
      %dma_start3A_158 = tpu.memref_slice %arg2[%add3A_12] : memref<20480xi32, #tpu.memory_space<hbm>> -> memref<128xi32, #tpu.memory_space<hbm>>
      tpu.enqueue_dma source(%dma_start3A_158 : memref<128xi32, #tpu.memory_space<hbm>>) target(%dma_start3A_157 : memref<128xi32, #tpu.memory_space<vmem>>) target_semaphore(%run_scoped3A_150 : memref<!tpu.dma_semaphore, #tpu.memory_space<semaphore_mem>>)
      %dma_wait3A_159 = arith.constant 0 : i32
      %dma_wait3A_160 = tpu.memref_slice %arg5[%run_scoped3A_13, %dma_wait3A_159] : memref<5x128xi32, #tpu.memory_space<vmem>> -> memref<1x128xi32, #tpu.memory_space<vmem>>
      %dma_wait3A_161 = tpu.memref_squeeze %dma_wait3A_160 : memref<1x128xi32, #tpu.memory_space<vmem>> -> memref<128xi32, #tpu.memory_space<vmem>>
      %dma_wait3A_162 = tpu.memref_slice %arg2[%add3A_12] : memref<20480xi32, #tpu.memory_space<hbm>> -> memref<128xi32, #tpu.memory_space<hbm>>
      %dma_wait3A_163 = arith.constant 0 : i32
      %dma_wait3A_164 = tpu.memref_slice %arg5[%run_scoped3A_13, %dma_wait3A_163] : memref<5x128xi32, #tpu.memory_space<vmem>> -> memref<1x128xi32, #tpu.memory_space<vmem>>
      %dma_wait3A_165 = tpu.memref_squeeze %dma_wait3A_164 : memref<1x128xi32, #tpu.memory_space<vmem>> -> memref<128xi32, #tpu.memory_space<vmem>>
      %dma_wait3A_166 = tpu.memref_slice %arg2[%add3A_12] : memref<20480xi32, #tpu.memory_space<hbm>> -> memref<128xi32, #tpu.memory_space<hbm>>
      tpu.wait_dma2 semaphore(%run_scoped3A_150 : memref<!tpu.dma_semaphore, #tpu.memory_space<semaphore_mem>>) src(%dma_wait3A_166 : memref<128xi32, #tpu.memory_space<hbm>>) dst(%dma_wait3A_165 : memref<128xi32, #tpu.memory_space<vmem>>)
      tpu.yield
    }) : () -> ()
    %add3A_14 = arith.constant 16384 : i32
    %add3A_15 = arith.addi %add3A_14, %mul3A_2 : i32
    %run_scoped3A_16 = arith.constant 4 : i32
    "tpu.region"() ({
      %run_scoped3A_150 = tpu.sem_alloc : memref<!tpu.dma_semaphore, #tpu.memory_space<semaphore_mem>>
      %dma_start3A_151 = arith.constant 0 : i32
      %dma_start3A_152 = tpu.memref_slice %arg5[%run_scoped3A_16, %dma_start3A_151] : memref<5x128xi32, #tpu.memory_space<vmem>> -> memref<1x128xi32, #tpu.memory_space<vmem>>
      %dma_start3A_153 = tpu.memref_squeeze %dma_start3A_152 : memref<1x128xi32, #tpu.memory_space<vmem>> -> memref<128xi32, #tpu.memory_space<vmem>>
      %dma_start3A_154 = tpu.memref_slice %arg2[%add3A_15] : memref<20480xi32, #tpu.memory_space<hbm>> -> memref<128xi32, #tpu.memory_space<hbm>>
      %dma_start3A_155 = arith.constant 0 : i32
      %dma_start3A_156 = tpu.memref_slice %arg5[%run_scoped3A_16, %dma_start3A_155] : memref<5x128xi32, #tpu.memory_space<vmem>> -> memref<1x128xi32, #tpu.memory_space<vmem>>
      %dma_start3A_157 = tpu.memref_squeeze %dma_start3A_156 : memref<1x128xi32, #tpu.memory_space<vmem>> -> memref<128xi32, #tpu.memory_space<vmem>>
      %dma_start3A_158 = tpu.memref_slice %arg2[%add3A_15] : memref<20480xi32, #tpu.memory_space<hbm>> -> memref<128xi32, #tpu.memory_space<hbm>>
      tpu.enqueue_dma source(%dma_start3A_158 : memref<128xi32, #tpu.memory_space<hbm>>) target(%dma_start3A_157 : memref<128xi32, #tpu.memory_space<vmem>>) target_semaphore(%run_scoped3A_150 : memref<!tpu.dma_semaphore, #tpu.memory_space<semaphore_mem>>)
      %dma_wait3A_159 = arith.constant 0 : i32
      %dma_wait3A_160 = tpu.memref_slice %arg5[%run_scoped3A_16, %dma_wait3A_159] : memref<5x128xi32, #tpu.memory_space<vmem>> -> memref<1x128xi32, #tpu.memory_space<vmem>>
      %dma_wait3A_161 = tpu.memref_squeeze %dma_wait3A_160 : memref<1x128xi32, #tpu.memory_space<vmem>> -> memref<128xi32, #tpu.memory_space<vmem>>
      %dma_wait3A_162 = tpu.memref_slice %arg2[%add3A_15] : memref<20480xi32, #tpu.memory_space<hbm>> -> memref<128xi32, #tpu.memory_space<hbm>>
      %dma_wait3A_163 = arith.constant 0 : i32
      %dma_wait3A_164 = tpu.memref_slice %arg5[%run_scoped3A_16, %dma_wait3A_163] : memref<5x128xi32, #tpu.memory_space<vmem>> -> memref<1x128xi32, #tpu.memory_space<vmem>>
      %dma_wait3A_165 = tpu.memref_squeeze %dma_wait3A_164 : memref<1x128xi32, #tpu.memory_space<vmem>> -> memref<128xi32, #tpu.memory_space<vmem>>
      %dma_wait3A_166 = tpu.memref_slice %arg2[%add3A_15] : memref<20480xi32, #tpu.memory_space<hbm>> -> memref<128xi32, #tpu.memory_space<hbm>>
      tpu.wait_dma2 semaphore(%run_scoped3A_150 : memref<!tpu.dma_semaphore, #tpu.memory_space<semaphore_mem>>) src(%dma_wait3A_166 : memref<128xi32, #tpu.memory_space<hbm>>) dst(%dma_wait3A_165 : memref<128xi32, #tpu.memory_space<vmem>>)
      tpu.yield
    }) : () -> ()
    %dma_start3A = arith.constant 0 : i32
    %dma_start3A_17 = arith.constant 0 : i32
    %dma_start3A_18 = arith.constant 0 : i32
    %dma_start3A_19 = arith.constant 0 : i32
    %dma_start3A_20 = tpu.memref_slice %arg6[%dma_start3A_17, %dma_start3A_18, %dma_start3A_19] : memref<5x128x128xf32, #tpu.memory_space<vmem>> -> memref<1x128x128xf32, #tpu.memory_space<vmem>>
    %dma_start3A_21 = tpu.memref_squeeze %dma_start3A_20 : memref<1x128x128xf32, #tpu.memory_space<vmem>> -> memref<128x128xf32, #tpu.memory_space<vmem>>
    %dma_start3A_22 = arith.constant 0 : i32
    %dma_start3A_23 = tpu.memref_slice %arg5[%dma_start3A, %dma_start3A_22] : memref<5x128xi32, #tpu.memory_space<vmem>> -> memref<1x128xi32, #tpu.memory_space<vmem>>
    %dma_start3A_24 = tpu.memref_squeeze %dma_start3A_23 : memref<1x128xi32, #tpu.memory_space<vmem>> -> memref<128xi32, #tpu.memory_space<vmem>>
    %dma_start3A_25 = arith.constant 0 : i32
    %dma_start3A_26 = arith.constant 0 : i32
    %dma_start3A_27 = tpu.memref_slice %arg3[%dma_start3A_25, %dma_start3A_26] : memref<4096x128xf32, #tpu.memory_space<hbm>> -> memref<4096x128xf32, #tpu.memory_space<hbm>>
    tpu.enqueue_indirect_dma source(%dma_start3A_27 : memref<4096x128xf32, #tpu.memory_space<hbm>>) target(%dma_start3A_21 : memref<128x128xf32, #tpu.memory_space<vmem>>) offsets(%dma_start3A_24 : memref<128xi32, #tpu.memory_space<vmem>>) semaphore(%arg7 : memref<!tpu.dma_semaphore, #tpu.memory_space<semaphore_mem>>)
    %dma_start3A_28 = arith.constant 1 : i32
    %dma_start3A_29 = arith.constant 1 : i32
    %dma_start3A_30 = arith.constant 0 : i32
    %dma_start3A_31 = arith.constant 0 : i32
    %dma_start3A_32 = tpu.memref_slice %arg6[%dma_start3A_29, %dma_start3A_30, %dma_start3A_31] : memref<5x128x128xf32, #tpu.memory_space<vmem>> -> memref<1x128x128xf32, #tpu.memory_space<vmem>>
    %dma_start3A_33 = tpu.memref_squeeze %dma_start3A_32 : memref<1x128x128xf32, #tpu.memory_space<vmem>> -> memref<128x128xf32, #tpu.memory_space<vmem>>
    %dma_start3A_34 = arith.constant 0 : i32
    %dma_start3A_35 = tpu.memref_slice %arg5[%dma_start3A_28, %dma_start3A_34] : memref<5x128xi32, #tpu.memory_space<vmem>> -> memref<1x128xi32, #tpu.memory_space<vmem>>
    %dma_start3A_36 = tpu.memref_squeeze %dma_start3A_35 : memref<1x128xi32, #tpu.memory_space<vmem>> -> memref<128xi32, #tpu.memory_space<vmem>>
    %dma_start3A_37 = arith.constant 0 : i32
    %dma_start3A_38 = arith.constant 0 : i32
    %dma_start3A_39 = tpu.memref_slice %arg3[%dma_start3A_37, %dma_start3A_38] : memref<4096x128xf32, #tpu.memory_space<hbm>> -> memref<4096x128xf32, #tpu.memory_space<hbm>>
    tpu.enqueue_indirect_dma source(%dma_start3A_39 : memref<4096x128xf32, #tpu.memory_space<hbm>>) target(%dma_start3A_33 : memref<128x128xf32, #tpu.memory_space<vmem>>) offsets(%dma_start3A_36 : memref<128xi32, #tpu.memory_space<vmem>>) semaphore(%arg7 : memref<!tpu.dma_semaphore, #tpu.memory_space<semaphore_mem>>)
    %dma_start3A_40 = arith.constant 2 : i32
    %dma_start3A_41 = arith.constant 2 : i32
    %dma_start3A_42 = arith.constant 0 : i32
    %dma_start3A_43 = arith.constant 0 : i32
    %dma_start3A_44 = tpu.memref_slice %arg6[%dma_start3A_41, %dma_start3A_42, %dma_start3A_43] : memref<5x128x128xf32, #tpu.memory_space<vmem>> -> memref<1x128x128xf32, #tpu.memory_space<vmem>>
    %dma_start3A_45 = tpu.memref_squeeze %dma_start3A_44 : memref<1x128x128xf32, #tpu.memory_space<vmem>> -> memref<128x128xf32, #tpu.memory_space<vmem>>
    %dma_start3A_46 = arith.constant 0 : i32
    %dma_start3A_47 = tpu.memref_slice %arg5[%dma_start3A_40, %dma_start3A_46] : memref<5x128xi32, #tpu.memory_space<vmem>> -> memref<1x128xi32, #tpu.memory_space<vmem>>
    %dma_start3A_48 = tpu.memref_squeeze %dma_start3A_47 : memref<1x128xi32, #tpu.memory_space<vmem>> -> memref<128xi32, #tpu.memory_space<vmem>>
    %dma_start3A_49 = arith.constant 0 : i32
    %dma_start3A_50 = arith.constant 0 : i32
    %dma_start3A_51 = tpu.memref_slice %arg3[%dma_start3A_49, %dma_start3A_50] : memref<4096x128xf32, #tpu.memory_space<hbm>> -> memref<4096x128xf32, #tpu.memory_space<hbm>>
    tpu.enqueue_indirect_dma source(%dma_start3A_51 : memref<4096x128xf32, #tpu.memory_space<hbm>>) target(%dma_start3A_45 : memref<128x128xf32, #tpu.memory_space<vmem>>) offsets(%dma_start3A_48 : memref<128xi32, #tpu.memory_space<vmem>>) semaphore(%arg7 : memref<!tpu.dma_semaphore, #tpu.memory_space<semaphore_mem>>)
    %dma_start3A_52 = arith.constant 3 : i32
    %dma_start3A_53 = arith.constant 3 : i32
    %dma_start3A_54 = arith.constant 0 : i32
    %dma_start3A_55 = arith.constant 0 : i32
    %dma_start3A_56 = tpu.memref_slice %arg6[%dma_start3A_53, %dma_start3A_54, %dma_start3A_55] : memref<5x128x128xf32, #tpu.memory_space<vmem>> -> memref<1x128x128xf32, #tpu.memory_space<vmem>>
    %dma_start3A_57 = tpu.memref_squeeze %dma_start3A_56 : memref<1x128x128xf32, #tpu.memory_space<vmem>> -> memref<128x128xf32, #tpu.memory_space<vmem>>
    %dma_start3A_58 = arith.constant 0 : i32
    %dma_start3A_59 = tpu.memref_slice %arg5[%dma_start3A_52, %dma_start3A_58] : memref<5x128xi32, #tpu.memory_space<vmem>> -> memref<1x128xi32, #tpu.memory_space<vmem>>
    %dma_start3A_60 = tpu.memref_squeeze %dma_start3A_59 : memref<1x128xi32, #tpu.memory_space<vmem>> -> memref<128xi32, #tpu.memory_space<vmem>>
    %dma_start3A_61 = arith.constant 0 : i32
    %dma_start3A_62 = arith.constant 0 : i32
    %dma_start3A_63 = tpu.memref_slice %arg3[%dma_start3A_61, %dma_start3A_62] : memref<4096x128xf32, #tpu.memory_space<hbm>> -> memref<4096x128xf32, #tpu.memory_space<hbm>>
    tpu.enqueue_indirect_dma source(%dma_start3A_63 : memref<4096x128xf32, #tpu.memory_space<hbm>>) target(%dma_start3A_57 : memref<128x128xf32, #tpu.memory_space<vmem>>) offsets(%dma_start3A_60 : memref<128xi32, #tpu.memory_space<vmem>>) semaphore(%arg7 : memref<!tpu.dma_semaphore, #tpu.memory_space<semaphore_mem>>)
    %dma_start3A_64 = arith.constant 4 : i32
    %dma_start3A_65 = arith.constant 4 : i32
    %dma_start3A_66 = arith.constant 0 : i32
    %dma_start3A_67 = arith.constant 0 : i32
    %dma_start3A_68 = tpu.memref_slice %arg6[%dma_start3A_65, %dma_start3A_66, %dma_start3A_67] : memref<5x128x128xf32, #tpu.memory_space<vmem>> -> memref<1x128x128xf32, #tpu.memory_space<vmem>>
    %dma_start3A_69 = tpu.memref_squeeze %dma_start3A_68 : memref<1x128x128xf32, #tpu.memory_space<vmem>> -> memref<128x128xf32, #tpu.memory_space<vmem>>
    %dma_start3A_70 = arith.constant 0 : i32
    %dma_start3A_71 = tpu.memref_slice %arg5[%dma_start3A_64, %dma_start3A_70] : memref<5x128xi32, #tpu.memory_space<vmem>> -> memref<1x128xi32, #tpu.memory_space<vmem>>
    %dma_start3A_72 = tpu.memref_squeeze %dma_start3A_71 : memref<1x128xi32, #tpu.memory_space<vmem>> -> memref<128xi32, #tpu.memory_space<vmem>>
    %dma_start3A_73 = arith.constant 0 : i32
    %dma_start3A_74 = arith.constant 0 : i32
    %dma_start3A_75 = tpu.memref_slice %arg3[%dma_start3A_73, %dma_start3A_74] : memref<4096x128xf32, #tpu.memory_space<hbm>> -> memref<4096x128xf32, #tpu.memory_space<hbm>>
    tpu.enqueue_indirect_dma source(%dma_start3A_75 : memref<4096x128xf32, #tpu.memory_space<hbm>>) target(%dma_start3A_69 : memref<128x128xf32, #tpu.memory_space<vmem>>) offsets(%dma_start3A_72 : memref<128xi32, #tpu.memory_space<vmem>>) semaphore(%arg7 : memref<!tpu.dma_semaphore, #tpu.memory_space<semaphore_mem>>)
    %dma_wait3A = arith.constant 0 : i32
    %dma_wait3A_76 = arith.constant 0 : i32
    %dma_wait3A_77 = arith.constant 0 : i32
    %dma_wait3A_78 = arith.constant 0 : i32
    %dma_wait3A_79 = tpu.memref_slice %arg6[%dma_wait3A_76, %dma_wait3A_77, %dma_wait3A_78] : memref<5x128x128xf32, #tpu.memory_space<vmem>> -> memref<1x128x128xf32, #tpu.memory_space<vmem>>
    %dma_wait3A_80 = tpu.memref_squeeze %dma_wait3A_79 : memref<1x128x128xf32, #tpu.memory_space<vmem>> -> memref<128x128xf32, #tpu.memory_space<vmem>>
    %dma_wait3A_81 = arith.constant 0 : i32
    %dma_wait3A_82 = tpu.memref_slice %arg5[%dma_wait3A, %dma_wait3A_81] : memref<5x128xi32, #tpu.memory_space<vmem>> -> memref<1x128xi32, #tpu.memory_space<vmem>>
    %dma_wait3A_83 = tpu.memref_squeeze %dma_wait3A_82 : memref<1x128xi32, #tpu.memory_space<vmem>> -> memref<128xi32, #tpu.memory_space<vmem>>
    %dma_wait3A_84 = arith.constant 0 : i32
    %dma_wait3A_85 = arith.constant 0 : i32
    %dma_wait3A_86 = tpu.memref_slice %arg3[%dma_wait3A_84, %dma_wait3A_85] : memref<4096x128xf32, #tpu.memory_space<hbm>> -> memref<4096x128xf32, #tpu.memory_space<hbm>>
    tpu.wait_indirect_dma semaphore(%arg7 : memref<!tpu.dma_semaphore, #tpu.memory_space<semaphore_mem>>) src(%dma_wait3A_86 : memref<4096x128xf32, #tpu.memory_space<hbm>>) dst(%dma_wait3A_80 : memref<128x128xf32, #tpu.memory_space<vmem>>)
    %dma_wait3A_87 = arith.constant 1 : i32
    %dma_wait3A_88 = arith.constant 1 : i32
    %dma_wait3A_89 = arith.constant 0 : i32
    %dma_wait3A_90 = arith.constant 0 : i32
    %dma_wait3A_91 = tpu.memref_slice %arg6[%dma_wait3A_88, %dma_wait3A_89, %dma_wait3A_90] : memref<5x128x128xf32, #tpu.memory_space<vmem>> -> memref<1x128x128xf32, #tpu.memory_space<vmem>>
    %dma_wait3A_92 = tpu.memref_squeeze %dma_wait3A_91 : memref<1x128x128xf32, #tpu.memory_space<vmem>> -> memref<128x128xf32, #tpu.memory_space<vmem>>
    %dma_wait3A_93 = arith.constant 0 : i32
    %dma_wait3A_94 = tpu.memref_slice %arg5[%dma_wait3A_87, %dma_wait3A_93] : memref<5x128xi32, #tpu.memory_space<vmem>> -> memref<1x128xi32, #tpu.memory_space<vmem>>
    %dma_wait3A_95 = tpu.memref_squeeze %dma_wait3A_94 : memref<1x128xi32, #tpu.memory_space<vmem>> -> memref<128xi32, #tpu.memory_space<vmem>>
    %dma_wait3A_96 = arith.constant 0 : i32
    %dma_wait3A_97 = arith.constant 0 : i32
    %dma_wait3A_98 = tpu.memref_slice %arg3[%dma_wait3A_96, %dma_wait3A_97] : memref<4096x128xf32, #tpu.memory_space<hbm>> -> memref<4096x128xf32, #tpu.memory_space<hbm>>
    tpu.wait_indirect_dma semaphore(%arg7 : memref<!tpu.dma_semaphore, #tpu.memory_space<semaphore_mem>>) src(%dma_wait3A_98 : memref<4096x128xf32, #tpu.memory_space<hbm>>) dst(%dma_wait3A_92 : memref<128x128xf32, #tpu.memory_space<vmem>>)
    %dma_wait3A_99 = arith.constant 2 : i32
    %dma_wait3A_100 = arith.constant 2 : i32
    %dma_wait3A_101 = arith.constant 0 : i32
    %dma_wait3A_102 = arith.constant 0 : i32
    %dma_wait3A_103 = tpu.memref_slice %arg6[%dma_wait3A_100, %dma_wait3A_101, %dma_wait3A_102] : memref<5x128x128xf32, #tpu.memory_space<vmem>> -> memref<1x128x128xf32, #tpu.memory_space<vmem>>
    %dma_wait3A_104 = tpu.memref_squeeze %dma_wait3A_103 : memref<1x128x128xf32, #tpu.memory_space<vmem>> -> memref<128x128xf32, #tpu.memory_space<vmem>>
    %dma_wait3A_105 = arith.constant 0 : i32
    %dma_wait3A_106 = tpu.memref_slice %arg5[%dma_wait3A_99, %dma_wait3A_105] : memref<5x128xi32, #tpu.memory_space<vmem>> -> memref<1x128xi32, #tpu.memory_space<vmem>>
    %dma_wait3A_107 = tpu.memref_squeeze %dma_wait3A_106 : memref<1x128xi32, #tpu.memory_space<vmem>> -> memref<128xi32, #tpu.memory_space<vmem>>
    %dma_wait3A_108 = arith.constant 0 : i32
    %dma_wait3A_109 = arith.constant 0 : i32
    %dma_wait3A_110 = tpu.memref_slice %arg3[%dma_wait3A_108, %dma_wait3A_109] : memref<4096x128xf32, #tpu.memory_space<hbm>> -> memref<4096x128xf32, #tpu.memory_space<hbm>>
    tpu.wait_indirect_dma semaphore(%arg7 : memref<!tpu.dma_semaphore, #tpu.memory_space<semaphore_mem>>) src(%dma_wait3A_110 : memref<4096x128xf32, #tpu.memory_space<hbm>>) dst(%dma_wait3A_104 : memref<128x128xf32, #tpu.memory_space<vmem>>)
    %dma_wait3A_111 = arith.constant 3 : i32
    %dma_wait3A_112 = arith.constant 3 : i32
    %dma_wait3A_113 = arith.constant 0 : i32
    %dma_wait3A_114 = arith.constant 0 : i32
    %dma_wait3A_115 = tpu.memref_slice %arg6[%dma_wait3A_112, %dma_wait3A_113, %dma_wait3A_114] : memref<5x128x128xf32, #tpu.memory_space<vmem>> -> memref<1x128x128xf32, #tpu.memory_space<vmem>>
    %dma_wait3A_116 = tpu.memref_squeeze %dma_wait3A_115 : memref<1x128x128xf32, #tpu.memory_space<vmem>> -> memref<128x128xf32, #tpu.memory_space<vmem>>
    %dma_wait3A_117 = arith.constant 0 : i32
    %dma_wait3A_118 = tpu.memref_slice %arg5[%dma_wait3A_111, %dma_wait3A_117] : memref<5x128xi32, #tpu.memory_space<vmem>> -> memref<1x128xi32, #tpu.memory_space<vmem>>
    %dma_wait3A_119 = tpu.memref_squeeze %dma_wait3A_118 : memref<1x128xi32, #tpu.memory_space<vmem>> -> memref<128xi32, #tpu.memory_space<vmem>>
    %dma_wait3A_120 = arith.constant 0 : i32
    %dma_wait3A_121 = arith.constant 0 : i32
    %dma_wait3A_122 = tpu.memref_slice %arg3[%dma_wait3A_120, %dma_wait3A_121] : memref<4096x128xf32, #tpu.memory_space<hbm>> -> memref<4096x128xf32, #tpu.memory_space<hbm>>
    tpu.wait_indirect_dma semaphore(%arg7 : memref<!tpu.dma_semaphore, #tpu.memory_space<semaphore_mem>>) src(%dma_wait3A_122 : memref<4096x128xf32, #tpu.memory_space<hbm>>) dst(%dma_wait3A_116 : memref<128x128xf32, #tpu.memory_space<vmem>>)
    %dma_wait3A_123 = arith.constant 4 : i32
    %dma_wait3A_124 = arith.constant 4 : i32
    %dma_wait3A_125 = arith.constant 0 : i32
    %dma_wait3A_126 = arith.constant 0 : i32
    %dma_wait3A_127 = tpu.memref_slice %arg6[%dma_wait3A_124, %dma_wait3A_125, %dma_wait3A_126] : memref<5x128x128xf32, #tpu.memory_space<vmem>> -> memref<1x128x128xf32, #tpu.memory_space<vmem>>
    %dma_wait3A_128 = tpu.memref_squeeze %dma_wait3A_127 : memref<1x128x128xf32, #tpu.memory_space<vmem>> -> memref<128x128xf32, #tpu.memory_space<vmem>>
    %dma_wait3A_129 = arith.constant 0 : i32
    %dma_wait3A_130 = tpu.memref_slice %arg5[%dma_wait3A_123, %dma_wait3A_129] : memref<5x128xi32, #tpu.memory_space<vmem>> -> memref<1x128xi32, #tpu.memory_space<vmem>>
    %dma_wait3A_131 = tpu.memref_squeeze %dma_wait3A_130 : memref<1x128xi32, #tpu.memory_space<vmem>> -> memref<128xi32, #tpu.memory_space<vmem>>
    %dma_wait3A_132 = arith.constant 0 : i32
    %dma_wait3A_133 = arith.constant 0 : i32
    %dma_wait3A_134 = tpu.memref_slice %arg3[%dma_wait3A_132, %dma_wait3A_133] : memref<4096x128xf32, #tpu.memory_space<hbm>> -> memref<4096x128xf32, #tpu.memory_space<hbm>>
    tpu.wait_indirect_dma semaphore(%arg7 : memref<!tpu.dma_semaphore, #tpu.memory_space<semaphore_mem>>) src(%dma_wait3A_134 : memref<4096x128xf32, #tpu.memory_space<hbm>>) dst(%dma_wait3A_128 : memref<128x128xf32, #tpu.memory_space<vmem>>)
    %add3A_135 = arith.constant 0 : i32
    %add3A_136 = arith.addi %add3A_135, %mul3A_2 : i32
    %run_scoped3A_137 = arith.constant 0 : i32
    "tpu.region"() ({
      %run_scoped3A_150 = tpu.sem_alloc : memref<!tpu.dma_semaphore, #tpu.memory_space<semaphore_mem>>
      %dma_start3A_151 = arith.constant 0 : i32
      %dma_start3A_152 = arith.constant 0 : i32
      %dma_start3A_153 = tpu.memref_slice %arg6[%run_scoped3A_137, %dma_start3A_151, %dma_start3A_152] : memref<5x128x128xf32, #tpu.memory_space<vmem>> -> memref<1x128x128xf32, #tpu.memory_space<vmem>>
      %dma_start3A_154 = tpu.memref_squeeze %dma_start3A_153 : memref<1x128x128xf32, #tpu.memory_space<vmem>> -> memref<128x128xf32, #tpu.memory_space<vmem>>
      %dma_start3A_155 = arith.constant 0 : i32
      %dma_start3A_156 = tpu.memref_slice %arg4[%add3A_136, %dma_start3A_155] : memref<20480x128xf32, #tpu.memory_space<hbm>> -> memref<128x128xf32, #tpu.memory_space<hbm>>
      %dma_start3A_157 = arith.constant 0 : i32
      %dma_start3A_158 = tpu.memref_slice %arg4[%add3A_136, %dma_start3A_157] : memref<20480x128xf32, #tpu.memory_space<hbm>> -> memref<128x128xf32, #tpu.memory_space<hbm>>
      %dma_start3A_159 = arith.constant 0 : i32
      %dma_start3A_160 = arith.constant 0 : i32
      %dma_start3A_161 = tpu.memref_slice %arg6[%run_scoped3A_137, %dma_start3A_159, %dma_start3A_160] : memref<5x128x128xf32, #tpu.memory_space<vmem>> -> memref<1x128x128xf32, #tpu.memory_space<vmem>>
      %dma_start3A_162 = tpu.memref_squeeze %dma_start3A_161 : memref<1x128x128xf32, #tpu.memory_space<vmem>> -> memref<128x128xf32, #tpu.memory_space<vmem>>
      tpu.enqueue_dma source(%dma_start3A_162 : memref<128x128xf32, #tpu.memory_space<vmem>>) target(%dma_start3A_158 : memref<128x128xf32, #tpu.memory_space<hbm>>) target_semaphore(%run_scoped3A_150 : memref<!tpu.dma_semaphore, #tpu.memory_space<semaphore_mem>>)
      %dma_wait3A_163 = arith.constant 0 : i32
      %dma_wait3A_164 = arith.constant 0 : i32
      %dma_wait3A_165 = tpu.memref_slice %arg6[%run_scoped3A_137, %dma_wait3A_163, %dma_wait3A_164] : memref<5x128x128xf32, #tpu.memory_space<vmem>> -> memref<1x128x128xf32, #tpu.memory_space<vmem>>
      %dma_wait3A_166 = tpu.memref_squeeze %dma_wait3A_165 : memref<1x128x128xf32, #tpu.memory_space<vmem>> -> memref<128x128xf32, #tpu.memory_space<vmem>>
      %dma_wait3A_167 = arith.constant 0 : i32
      %dma_wait3A_168 = tpu.memref_slice %arg4[%add3A_136, %dma_wait3A_167] : memref<20480x128xf32, #tpu.memory_space<hbm>> -> memref<128x128xf32, #tpu.memory_space<hbm>>
      %dma_wait3A_169 = arith.constant 0 : i32
      %dma_wait3A_170 = tpu.memref_slice %arg4[%add3A_136, %dma_wait3A_169] : memref<20480x128xf32, #tpu.memory_space<hbm>> -> memref<128x128xf32, #tpu.memory_space<hbm>>
      %dma_wait3A_171 = arith.constant 0 : i32
      %dma_wait3A_172 = arith.constant 0 : i32
      %dma_wait3A_173 = tpu.memref_slice %arg6[%run_scoped3A_137, %dma_wait3A_171, %dma_wait3A_172] : memref<5x128x128xf32, #tpu.memory_space<vmem>> -> memref<1x128x128xf32, #tpu.memory_space<vmem>>
      %dma_wait3A_174 = tpu.memref_squeeze %dma_wait3A_173 : memref<1x128x128xf32, #tpu.memory_space<vmem>> -> memref<128x128xf32, #tpu.memory_space<vmem>>
      tpu.wait_dma2 semaphore(%run_scoped3A_150 : memref<!tpu.dma_semaphore, #tpu.memory_space<semaphore_mem>>) src(%dma_wait3A_174 : memref<128x128xf32, #tpu.memory_space<vmem>>) dst(%dma_wait3A_170 : memref<128x128xf32, #tpu.memory_space<hbm>>)
      tpu.yield
    }) : () -> ()
    %add3A_138 = arith.constant 4096 : i32
    %add3A_139 = arith.addi %add3A_138, %mul3A_2 : i32
    %run_scoped3A_140 = arith.constant 1 : i32
    "tpu.region"() ({
      %run_scoped3A_150 = tpu.sem_alloc : memref<!tpu.dma_semaphore, #tpu.memory_space<semaphore_mem>>
      %dma_start3A_151 = arith.constant 0 : i32
      %dma_start3A_152 = arith.constant 0 : i32
      %dma_start3A_153 = tpu.memref_slice %arg6[%run_scoped3A_140, %dma_start3A_151, %dma_start3A_152] : memref<5x128x128xf32, #tpu.memory_space<vmem>> -> memref<1x128x128xf32, #tpu.memory_space<vmem>>
      %dma_start3A_154 = tpu.memref_squeeze %dma_start3A_153 : memref<1x128x128xf32, #tpu.memory_space<vmem>> -> memref<128x128xf32, #tpu.memory_space<vmem>>
      %dma_start3A_155 = arith.constant 0 : i32
      %dma_start3A_156 = tpu.memref_slice %arg4[%add3A_139, %dma_start3A_155] : memref<20480x128xf32, #tpu.memory_space<hbm>> -> memref<128x128xf32, #tpu.memory_space<hbm>>
      %dma_start3A_157 = arith.constant 0 : i32
      %dma_start3A_158 = tpu.memref_slice %arg4[%add3A_139, %dma_start3A_157] : memref<20480x128xf32, #tpu.memory_space<hbm>> -> memref<128x128xf32, #tpu.memory_space<hbm>>
      %dma_start3A_159 = arith.constant 0 : i32
      %dma_start3A_160 = arith.constant 0 : i32
      %dma_start3A_161 = tpu.memref_slice %arg6[%run_scoped3A_140, %dma_start3A_159, %dma_start3A_160] : memref<5x128x128xf32, #tpu.memory_space<vmem>> -> memref<1x128x128xf32, #tpu.memory_space<vmem>>
      %dma_start3A_162 = tpu.memref_squeeze %dma_start3A_161 : memref<1x128x128xf32, #tpu.memory_space<vmem>> -> memref<128x128xf32, #tpu.memory_space<vmem>>
      tpu.enqueue_dma source(%dma_start3A_162 : memref<128x128xf32, #tpu.memory_space<vmem>>) target(%dma_start3A_158 : memref<128x128xf32, #tpu.memory_space<hbm>>) target_semaphore(%run_scoped3A_150 : memref<!tpu.dma_semaphore, #tpu.memory_space<semaphore_mem>>)
      %dma_wait3A_163 = arith.constant 0 : i32
      %dma_wait3A_164 = arith.constant 0 : i32
      %dma_wait3A_165 = tpu.memref_slice %arg6[%run_scoped3A_140, %dma_wait3A_163, %dma_wait3A_164] : memref<5x128x128xf32, #tpu.memory_space<vmem>> -> memref<1x128x128xf32, #tpu.memory_space<vmem>>
      %dma_wait3A_166 = tpu.memref_squeeze %dma_wait3A_165 : memref<1x128x128xf32, #tpu.memory_space<vmem>> -> memref<128x128xf32, #tpu.memory_space<vmem>>
      %dma_wait3A_167 = arith.constant 0 : i32
      %dma_wait3A_168 = tpu.memref_slice %arg4[%add3A_139, %dma_wait3A_167] : memref<20480x128xf32, #tpu.memory_space<hbm>> -> memref<128x128xf32, #tpu.memory_space<hbm>>
      %dma_wait3A_169 = arith.constant 0 : i32
      %dma_wait3A_170 = tpu.memref_slice %arg4[%add3A_139, %dma_wait3A_169] : memref<20480x128xf32, #tpu.memory_space<hbm>> -> memref<128x128xf32, #tpu.memory_space<hbm>>
      %dma_wait3A_171 = arith.constant 0 : i32
      %dma_wait3A_172 = arith.constant 0 : i32
      %dma_wait3A_173 = tpu.memref_slice %arg6[%run_scoped3A_140, %dma_wait3A_171, %dma_wait3A_172] : memref<5x128x128xf32, #tpu.memory_space<vmem>> -> memref<1x128x128xf32, #tpu.memory_space<vmem>>
      %dma_wait3A_174 = tpu.memref_squeeze %dma_wait3A_173 : memref<1x128x128xf32, #tpu.memory_space<vmem>> -> memref<128x128xf32, #tpu.memory_space<vmem>>
      tpu.wait_dma2 semaphore(%run_scoped3A_150 : memref<!tpu.dma_semaphore, #tpu.memory_space<semaphore_mem>>) src(%dma_wait3A_174 : memref<128x128xf32, #tpu.memory_space<vmem>>) dst(%dma_wait3A_170 : memref<128x128xf32, #tpu.memory_space<hbm>>)
      tpu.yield
    }) : () -> ()
    %add3A_141 = arith.constant 8192 : i32
    %add3A_142 = arith.addi %add3A_141, %mul3A_2 : i32
    %run_scoped3A_143 = arith.constant 2 : i32
    "tpu.region"() ({
      %run_scoped3A_150 = tpu.sem_alloc : memref<!tpu.dma_semaphore, #tpu.memory_space<semaphore_mem>>
      %dma_start3A_151 = arith.constant 0 : i32
      %dma_start3A_152 = arith.constant 0 : i32
      %dma_start3A_153 = tpu.memref_slice %arg6[%run_scoped3A_143, %dma_start3A_151, %dma_start3A_152] : memref<5x128x128xf32, #tpu.memory_space<vmem>> -> memref<1x128x128xf32, #tpu.memory_space<vmem>>
      %dma_start3A_154 = tpu.memref_squeeze %dma_start3A_153 : memref<1x128x128xf32, #tpu.memory_space<vmem>> -> memref<128x128xf32, #tpu.memory_space<vmem>>
      %dma_start3A_155 = arith.constant 0 : i32
      %dma_start3A_156 = tpu.memref_slice %arg4[%add3A_142, %dma_start3A_155] : memref<20480x128xf32, #tpu.memory_space<hbm>> -> memref<128x128xf32, #tpu.memory_space<hbm>>
      %dma_start3A_157 = arith.constant 0 : i32
      %dma_start3A_158 = tpu.memref_slice %arg4[%add3A_142, %dma_start3A_157] : memref<20480x128xf32, #tpu.memory_space<hbm>> -> memref<128x128xf32, #tpu.memory_space<hbm>>
      %dma_start3A_159 = arith.constant 0 : i32
      %dma_start3A_160 = arith.constant 0 : i32
      %dma_start3A_161 = tpu.memref_slice %arg6[%run_scoped3A_143, %dma_start3A_159, %dma_start3A_160] : memref<5x128x128xf32, #tpu.memory_space<vmem>> -> memref<1x128x128xf32, #tpu.memory_space<vmem>>
      %dma_start3A_162 = tpu.memref_squeeze %dma_start3A_161 : memref<1x128x128xf32, #tpu.memory_space<vmem>> -> memref<128x128xf32, #tpu.memory_space<vmem>>
      tpu.enqueue_dma source(%dma_start3A_162 : memref<128x128xf32, #tpu.memory_space<vmem>>) target(%dma_start3A_158 : memref<128x128xf32, #tpu.memory_space<hbm>>) target_semaphore(%run_scoped3A_150 : memref<!tpu.dma_semaphore, #tpu.memory_space<semaphore_mem>>)
      %dma_wait3A_163 = arith.constant 0 : i32
      %dma_wait3A_164 = arith.constant 0 : i32
      %dma_wait3A_165 = tpu.memref_slice %arg6[%run_scoped3A_143, %dma_wait3A_163, %dma_wait3A_164] : memref<5x128x128xf32, #tpu.memory_space<vmem>> -> memref<1x128x128xf32, #tpu.memory_space<vmem>>
      %dma_wait3A_166 = tpu.memref_squeeze %dma_wait3A_165 : memref<1x128x128xf32, #tpu.memory_space<vmem>> -> memref<128x128xf32, #tpu.memory_space<vmem>>
      %dma_wait3A_167 = arith.constant 0 : i32
      %dma_wait3A_168 = tpu.memref_slice %arg4[%add3A_142, %dma_wait3A_167] : memref<20480x128xf32, #tpu.memory_space<hbm>> -> memref<128x128xf32, #tpu.memory_space<hbm>>
      %dma_wait3A_169 = arith.constant 0 : i32
      %dma_wait3A_170 = tpu.memref_slice %arg4[%add3A_142, %dma_wait3A_169] : memref<20480x128xf32, #tpu.memory_space<hbm>> -> memref<128x128xf32, #tpu.memory_space<hbm>>
      %dma_wait3A_171 = arith.constant 0 : i32
      %dma_wait3A_172 = arith.constant 0 : i32
      %dma_wait3A_173 = tpu.memref_slice %arg6[%run_scoped3A_143, %dma_wait3A_171, %dma_wait3A_172] : memref<5x128x128xf32, #tpu.memory_space<vmem>> -> memref<1x128x128xf32, #tpu.memory_space<vmem>>
      %dma_wait3A_174 = tpu.memref_squeeze %dma_wait3A_173 : memref<1x128x128xf32, #tpu.memory_space<vmem>> -> memref<128x128xf32, #tpu.memory_space<vmem>>
      tpu.wait_dma2 semaphore(%run_scoped3A_150 : memref<!tpu.dma_semaphore, #tpu.memory_space<semaphore_mem>>) src(%dma_wait3A_174 : memref<128x128xf32, #tpu.memory_space<vmem>>) dst(%dma_wait3A_170 : memref<128x128xf32, #tpu.memory_space<hbm>>)
      tpu.yield
    }) : () -> ()
    %add3A_144 = arith.constant 12288 : i32
    %add3A_145 = arith.addi %add3A_144, %mul3A_2 : i32
    %run_scoped3A_146 = arith.constant 3 : i32
    "tpu.region"() ({
      %run_scoped3A_150 = tpu.sem_alloc : memref<!tpu.dma_semaphore, #tpu.memory_space<semaphore_mem>>
      %dma_start3A_151 = arith.constant 0 : i32
      %dma_start3A_152 = arith.constant 0 : i32
      %dma_start3A_153 = tpu.memref_slice %arg6[%run_scoped3A_146, %dma_start3A_151, %dma_start3A_152] : memref<5x128x128xf32, #tpu.memory_space<vmem>> -> memref<1x128x128xf32, #tpu.memory_space<vmem>>
      %dma_start3A_154 = tpu.memref_squeeze %dma_start3A_153 : memref<1x128x128xf32, #tpu.memory_space<vmem>> -> memref<128x128xf32, #tpu.memory_space<vmem>>
      %dma_start3A_155 = arith.constant 0 : i32
      %dma_start3A_156 = tpu.memref_slice %arg4[%add3A_145, %dma_start3A_155] : memref<20480x128xf32, #tpu.memory_space<hbm>> -> memref<128x128xf32, #tpu.memory_space<hbm>>
      %dma_start3A_157 = arith.constant 0 : i32
      %dma_start3A_158 = tpu.memref_slice %arg4[%add3A_145, %dma_start3A_157] : memref<20480x128xf32, #tpu.memory_space<hbm>> -> memref<128x128xf32, #tpu.memory_space<hbm>>
      %dma_start3A_159 = arith.constant 0 : i32
      %dma_start3A_160 = arith.constant 0 : i32
      %dma_start3A_161 = tpu.memref_slice %arg6[%run_scoped3A_146, %dma_start3A_159, %dma_start3A_160] : memref<5x128x128xf32, #tpu.memory_space<vmem>> -> memref<1x128x128xf32, #tpu.memory_space<vmem>>
      %dma_start3A_162 = tpu.memref_squeeze %dma_start3A_161 : memref<1x128x128xf32, #tpu.memory_space<vmem>> -> memref<128x128xf32, #tpu.memory_space<vmem>>
      tpu.enqueue_dma source(%dma_start3A_162 : memref<128x128xf32, #tpu.memory_space<vmem>>) target(%dma_start3A_158 : memref<128x128xf32, #tpu.memory_space<hbm>>) target_semaphore(%run_scoped3A_150 : memref<!tpu.dma_semaphore, #tpu.memory_space<semaphore_mem>>)
      %dma_wait3A_163 = arith.constant 0 : i32
      %dma_wait3A_164 = arith.constant 0 : i32
      %dma_wait3A_165 = tpu.memref_slice %arg6[%run_scoped3A_146, %dma_wait3A_163, %dma_wait3A_164] : memref<5x128x128xf32, #tpu.memory_space<vmem>> -> memref<1x128x128xf32, #tpu.memory_space<vmem>>
      %dma_wait3A_166 = tpu.memref_squeeze %dma_wait3A_165 : memref<1x128x128xf32, #tpu.memory_space<vmem>> -> memref<128x128xf32, #tpu.memory_space<vmem>>
      %dma_wait3A_167 = arith.constant 0 : i32
      %dma_wait3A_168 = tpu.memref_slice %arg4[%add3A_145, %dma_wait3A_167] : memref<20480x128xf32, #tpu.memory_space<hbm>> -> memref<128x128xf32, #tpu.memory_space<hbm>>
      %dma_wait3A_169 = arith.constant 0 : i32
      %dma_wait3A_170 = tpu.memref_slice %arg4[%add3A_145, %dma_wait3A_169] : memref<20480x128xf32, #tpu.memory_space<hbm>> -> memref<128x128xf32, #tpu.memory_space<hbm>>
      %dma_wait3A_171 = arith.constant 0 : i32
      %dma_wait3A_172 = arith.constant 0 : i32
      %dma_wait3A_173 = tpu.memref_slice %arg6[%run_scoped3A_146, %dma_wait3A_171, %dma_wait3A_172] : memref<5x128x128xf32, #tpu.memory_space<vmem>> -> memref<1x128x128xf32, #tpu.memory_space<vmem>>
      %dma_wait3A_174 = tpu.memref_squeeze %dma_wait3A_173 : memref<1x128x128xf32, #tpu.memory_space<vmem>> -> memref<128x128xf32, #tpu.memory_space<vmem>>
      tpu.wait_dma2 semaphore(%run_scoped3A_150 : memref<!tpu.dma_semaphore, #tpu.memory_space<semaphore_mem>>) src(%dma_wait3A_174 : memref<128x128xf32, #tpu.memory_space<vmem>>) dst(%dma_wait3A_170 : memref<128x128xf32, #tpu.memory_space<hbm>>)
      tpu.yield
    }) : () -> ()
    %add3A_147 = arith.constant 16384 : i32
    %add3A_148 = arith.addi %add3A_147, %mul3A_2 : i32
    %run_scoped3A_149 = arith.constant 4 : i32
    "tpu.region"() ({
      %run_scoped3A_150 = tpu.sem_alloc : memref<!tpu.dma_semaphore, #tpu.memory_space<semaphore_mem>>
      %dma_start3A_151 = arith.constant 0 : i32
      %dma_start3A_152 = arith.constant 0 : i32
      %dma_start3A_153 = tpu.memref_slice %arg6[%run_scoped3A_149, %dma_start3A_151, %dma_start3A_152] : memref<5x128x128xf32, #tpu.memory_space<vmem>> -> memref<1x128x128xf32, #tpu.memory_space<vmem>>
      %dma_start3A_154 = tpu.memref_squeeze %dma_start3A_153 : memref<1x128x128xf32, #tpu.memory_space<vmem>> -> memref<128x128xf32, #tpu.memory_space<vmem>>
      %dma_start3A_155 = arith.constant 0 : i32
      %dma_start3A_156 = tpu.memref_slice %arg4[%add3A_148, %dma_start3A_155] : memref<20480x128xf32, #tpu.memory_space<hbm>> -> memref<128x128xf32, #tpu.memory_space<hbm>>
      %dma_start3A_157 = arith.constant 0 : i32
      %dma_start3A_158 = tpu.memref_slice %arg4[%add3A_148, %dma_start3A_157] : memref<20480x128xf32, #tpu.memory_space<hbm>> -> memref<128x128xf32, #tpu.memory_space<hbm>>
      %dma_start3A_159 = arith.constant 0 : i32
      %dma_start3A_160 = arith.constant 0 : i32
      %dma_start3A_161 = tpu.memref_slice %arg6[%run_scoped3A_149, %dma_start3A_159, %dma_start3A_160] : memref<5x128x128xf32, #tpu.memory_space<vmem>> -> memref<1x128x128xf32, #tpu.memory_space<vmem>>
      %dma_start3A_162 = tpu.memref_squeeze %dma_start3A_161 : memref<1x128x128xf32, #tpu.memory_space<vmem>> -> memref<128x128xf32, #tpu.memory_space<vmem>>
      tpu.enqueue_dma source(%dma_start3A_162 : memref<128x128xf32, #tpu.memory_space<vmem>>) target(%dma_start3A_158 : memref<128x128xf32, #tpu.memory_space<hbm>>) target_semaphore(%run_scoped3A_150 : memref<!tpu.dma_semaphore, #tpu.memory_space<semaphore_mem>>)
      %dma_wait3A_163 = arith.constant 0 : i32
      %dma_wait3A_164 = arith.constant 0 : i32
      %dma_wait3A_165 = tpu.memref_slice %arg6[%run_scoped3A_149, %dma_wait3A_163, %dma_wait3A_164] : memref<5x128x128xf32, #tpu.memory_space<vmem>> -> memref<1x128x128xf32, #tpu.memory_space<vmem>>
      %dma_wait3A_166 = tpu.memref_squeeze %dma_wait3A_165 : memref<1x128x128xf32, #tpu.memory_space<vmem>> -> memref<128x128xf32, #tpu.memory_space<vmem>>
      %dma_wait3A_167 = arith.constant 0 : i32
      %dma_wait3A_168 = tpu.memref_slice %arg4[%add3A_148, %dma_wait3A_167] : memref<20480x128xf32, #tpu.memory_space<hbm>> -> memref<128x128xf32, #tpu.memory_space<hbm>>
      %dma_wait3A_169 = arith.constant 0 : i32
      %dma_wait3A_170 = tpu.memref_slice %arg4[%add3A_148, %dma_wait3A_169] : memref<20480x128xf32, #tpu.memory_space<hbm>> -> memref<128x128xf32, #tpu.memory_space<hbm>>
      %dma_wait3A_171 = arith.constant 0 : i32
      %dma_wait3A_172 = arith.constant 0 : i32
      %dma_wait3A_173 = tpu.memref_slice %arg6[%run_scoped3A_149, %dma_wait3A_171, %dma_wait3A_172] : memref<5x128x128xf32, #tpu.memory_space<vmem>> -> memref<1x128x128xf32, #tpu.memory_space<vmem>>
      %dma_wait3A_174 = tpu.memref_squeeze %dma_wait3A_173 : memref<1x128x128xf32, #tpu.memory_space<vmem>> -> memref<128x128xf32, #tpu.memory_space<vmem>>
      tpu.wait_dma2 semaphore(%run_scoped3A_150 : memref<!tpu.dma_semaphore, #tpu.memory_space<semaphore_mem>>) src(%dma_wait3A_174 : memref<128x128xf32, #tpu.memory_space<vmem>>) dst(%dma_wait3A_170 : memref<128x128xf32, #tpu.memory_space<hbm>>)
      tpu.yield
    }) : () -> ()
    return
  }
}

#map = affine_map<(d0, d1) -> (0)>
#map1 = affine_map<(d0, d1) -> (0, 0)>
module attributes {stable_mosaic.version = 14 : i64} {
  func.func @kern(%arg0: i32, %arg1: i32, %arg2: memref<20480xi32, #tpu.memory_space<hbm>>, %arg3: memref<4096x128xf32, #tpu.memory_space<hbm>>, %arg4: memref<20480x128xf32, #tpu.memory_space<hbm>>, %arg5: memref<5x128xi32, #tpu.memory_space<vmem>>, %arg6: memref<5x128x128xf32, #tpu.memory_space<vmem>>, %arg7: memref<!tpu.dma_semaphore, #tpu.memory_space<semaphore_mem>>) attributes {dimension_semantics = [#tpu.dimension_semantics<core_parallel>, #tpu.dimension_semantics<subcore_parallel>], iteration_bounds = array<i64: 2, 16>, scalar_prefetch = 0 : i64, scratch_operands = 3 : i64, tpu.core_type = #tpu.core_type<sc_vector_subcore>, window_params = [{transform_indices = #map}, {transform_indices = #map1}, {transform_indices = #map1}]} {
    %mul3A = arith.constant 2 : i32
    %mul3A_0 = arith.muli %arg1, %mul3A : i32
    %add3A = arith.addi %mul3A_0, %arg0 : i32
    %mul3A_1 = arith.constant 128 : i32
    %mul3A_2 = arith.muli %add3A, %mul3A_1 : i32
    %add3A_3 = arith.constant 0 : i32
    %add3A_4 = arith.addi %add3A_3, %mul3A_2 : i32
    %run_scoped3A = arith.constant 0 : i32
    "tpu.region"() ({
      %run_scoped3A_150 = tpu.sem_alloc : memref<!tpu.dma_semaphore, #tpu.memory_space<semaphore_mem>>
      %dma_start3A_151 = arith.constant 0 : i32
      %dma_start3A_152 = tpu.memref_slice %arg5[%run_scoped3A, %dma_start3A_151] : memref<5x128xi32, #tpu.memory_space<vmem>> -> memref<1x128xi32, #tpu.memory_space<vmem>>
      %dma_start3A_153 = tpu.memref_squeeze %dma_start3A_152 : memref<1x128xi32, #tpu.memory_space<vmem>> -> memref<128xi32, #tpu.memory_space<vmem>>
      %dma_start3A_154 = tpu.memref_slice %arg2[%add3A_4] : memref<20480xi32, #tpu.memory_space<hbm>> -> memref<128xi32, #tpu.memory_space<hbm>>
      %dma_start3A_155 = arith.constant 0 : i32
      %dma_start3A_156 = tpu.memref_slice %arg5[%run_scoped3A, %dma_start3A_155] : memref<5x128xi32, #tpu.memory_space<vmem>> -> memref<1x128xi32, #tpu.memory_space<vmem>>
      %dma_start3A_157 = tpu.memref_squeeze %dma_start3A_156 : memref<1x128xi32, #tpu.memory_space<vmem>> -> memref<128xi32, #tpu.memory_space<vmem>>
      %dma_start3A_158 = tpu.memref_slice %arg2[%add3A_4] : memref<20480xi32, #tpu.memory_space<hbm>> -> memref<128xi32, #tpu.memory_space<hbm>>
      tpu.enqueue_dma source(%dma_start3A_158 : memref<128xi32, #tpu.memory_space<hbm>>) target(%dma_start3A_157 : memref<128xi32, #tpu.memory_space<vmem>>) target_semaphore(%run_scoped3A_150 : memref<!tpu.dma_semaphore, #tpu.memory_space<semaphore_mem>>)
      %dma_wait3A_159 = arith.constant 0 : i32
      %dma_wait3A_160 = tpu.memref_slice %arg5[%run_scoped3A, %dma_wait3A_159] : memref<5x128xi32, #tpu.memory_space<vmem>> -> memref<1x128xi32, #tpu.memory_space<vmem>>
      %dma_wait3A_161 = tpu.memref_squeeze %dma_wait3A_160 : memref<1x128xi32, #tpu.memory_space<vmem>> -> memref<128xi32, #tpu.memory_space<vmem>>
      %dma_wait3A_162 = tpu.memref_slice %arg2[%add3A_4] : memref<20480xi32, #tpu.memory_space<hbm>> -> memref<128xi32, #tpu.memory_space<hbm>>
      %dma_wait3A_163 = arith.constant 0 : i32
      %dma_wait3A_164 = tpu.memref_slice %arg5[%run_scoped3A, %dma_wait3A_163] : memref<5x128xi32, #tpu.memory_space<vmem>> -> memref<1x128xi32, #tpu.memory_space<vmem>>
      %dma_wait3A_165 = tpu.memref_squeeze %dma_wait3A_164 : memref<1x128xi32, #tpu.memory_space<vmem>> -> memref<128xi32, #tpu.memory_space<vmem>>
      %dma_wait3A_166 = tpu.memref_slice %arg2[%add3A_4] : memref<20480xi32, #tpu.memory_space<hbm>> -> memref<128xi32, #tpu.memory_space<hbm>>
      tpu.wait_dma2 semaphore(%run_scoped3A_150 : memref<!tpu.dma_semaphore, #tpu.memory_space<semaphore_mem>>) src(%dma_wait3A_166 : memref<128xi32, #tpu.memory_space<hbm>>) dst(%dma_wait3A_165 : memref<128xi32, #tpu.memory_space<vmem>>)
      tpu.yield
    }) : () -> ()
    %add3A_5 = arith.constant 4096 : i32
    %add3A_6 = arith.addi %add3A_5, %mul3A_2 : i32
    %run_scoped3A_7 = arith.constant 1 : i32
    "tpu.region"() ({
      %run_scoped3A_150 = tpu.sem_alloc : memref<!tpu.dma_semaphore, #tpu.memory_space<semaphore_mem>>
      %dma_start3A_151 = arith.constant 0 : i32
      %dma_start3A_152 = tpu.memref_slice %arg5[%run_scoped3A_7, %dma_start3A_151] : memref<5x128xi32, #tpu.memory_space<vmem>> -> memref<1x128xi32, #tpu.memory_space<vmem>>
      %dma_start3A_153 = tpu.memref_squeeze %dma_start3A_152 : memref<1x128xi32, #tpu.memory_space<vmem>> -> memref<128xi32, #tpu.memory_space<vmem>>
      %dma_start3A_154 = tpu.memref_slice %arg2[%add3A_6] : memref<20480xi32, #tpu.memory_space<hbm>> -> memref<128xi32, #tpu.memory_space<hbm>>
      %dma_start3A_155 = arith.constant 0 : i32
      %dma_start3A_156 = tpu.memref_slice %arg5[%run_scoped3A_7, %dma_start3A_155] : memref<5x128xi32, #tpu.memory_space<vmem>> -> memref<1x128xi32, #tpu.memory_space<vmem>>
      %dma_start3A_157 = tpu.memref_squeeze %dma_start3A_156 : memref<1x128xi32, #tpu.memory_space<vmem>> -> memref<128xi32, #tpu.memory_space<vmem>>
      %dma_start3A_158 = tpu.memref_slice %arg2[%add3A_6] : memref<20480xi32, #tpu.memory_space<hbm>> -> memref<128xi32, #tpu.memory_space<hbm>>
      tpu.enqueue_dma source(%dma_start3A_158 : memref<128xi32, #tpu.memory_space<hbm>>) target(%dma_start3A_157 : memref<128xi32, #tpu.memory_space<vmem>>) target_semaphore(%run_scoped3A_150 : memref<!tpu.dma_semaphore, #tpu.memory_space<semaphore_mem>>)
      %dma_wait3A_159 = arith.constant 0 : i32
      %dma_wait3A_160 = tpu.memref_slice %arg5[%run_scoped3A_7, %dma_wait3A_159] : memref<5x128xi32, #tpu.memory_space<vmem>> -> memref<1x128xi32, #tpu.memory_space<vmem>>
      %dma_wait3A_161 = tpu.memref_squeeze %dma_wait3A_160 : memref<1x128xi32, #tpu.memory_space<vmem>> -> memref<128xi32, #tpu.memory_space<vmem>>
      %dma_wait3A_162 = tpu.memref_slice %arg2[%add3A_6] : memref<20480xi32, #tpu.memory_space<hbm>> -> memref<128xi32, #tpu.memory_space<hbm>>
      %dma_wait3A_163 = arith.constant 0 : i32
      %dma_wait3A_164 = tpu.memref_slice %arg5[%run_scoped3A_7, %dma_wait3A_163] : memref<5x128xi32, #tpu.memory_space<vmem>> -> memref<1x128xi32, #tpu.memory_space<vmem>>
      %dma_wait3A_165 = tpu.memref_squeeze %dma_wait3A_164 : memref<1x128xi32, #tpu.memory_space<vmem>> -> memref<128xi32, #tpu.memory_space<vmem>>
      %dma_wait3A_166 = tpu.memref_slice %arg2[%add3A_6] : memref<20480xi32, #tpu.memory_space<hbm>> -> memref<128xi32, #tpu.memory_space<hbm>>
      tpu.wait_dma2 semaphore(%run_scoped3A_150 : memref<!tpu.dma_semaphore, #tpu.memory_space<semaphore_mem>>) src(%dma_wait3A_166 : memref<128xi32, #tpu.memory_space<hbm>>) dst(%dma_wait3A_165 : memref<128xi32, #tpu.memory_space<vmem>>)
      tpu.yield
    }) : () -> ()
    %add3A_8 = arith.constant 8192 : i32
    %add3A_9 = arith.addi %add3A_8, %mul3A_2 : i32
    %run_scoped3A_10 = arith.constant 2 : i32
    "tpu.region"() ({
      %run_scoped3A_150 = tpu.sem_alloc : memref<!tpu.dma_semaphore, #tpu.memory_space<semaphore_mem>>
      %dma_start3A_151 = arith.constant 0 : i32
      %dma_start3A_152 = tpu.memref_slice %arg5[%run_scoped3A_10, %dma_start3A_151] : memref<5x128xi32, #tpu.memory_space<vmem>> -> memref<1x128xi32, #tpu.memory_space<vmem>>
      %dma_start3A_153 = tpu.memref_squeeze %dma_start3A_152 : memref<1x128xi32, #tpu.memory_space<vmem>> -> memref<128xi32, #tpu.memory_space<vmem>>
      %dma_start3A_154 = tpu.memref_slice %arg2[%add3A_9] : memref<20480xi32, #tpu.memory_space<hbm>> -> memref<128xi32, #tpu.memory_space<hbm>>
      %dma_start3A_155 = arith.constant 0 : i32
      %dma_start3A_156 = tpu.memref_slice %arg5[%run_scoped3A_10, %dma_start3A_155] : memref<5x128xi32, #tpu.memory_space<vmem>> -> memref<1x128xi32, #tpu.memory_space<vmem>>
      %dma_start3A_157 = tpu.memref_squeeze %dma_start3A_156 : memref<1x128xi32, #tpu.memory_space<vmem>> -> memref<128xi32, #tpu.memory_space<vmem>>
      %dma_start3A_158 = tpu.memref_slice %arg2[%add3A_9] : memref<20480xi32, #tpu.memory_space<hbm>> -> memref<128xi32, #tpu.memory_space<hbm>>
      tpu.enqueue_dma source(%dma_start3A_158 : memref<128xi32, #tpu.memory_space<hbm>>) target(%dma_start3A_157 : memref<128xi32, #tpu.memory_space<vmem>>) target_semaphore(%run_scoped3A_150 : memref<!tpu.dma_semaphore, #tpu.memory_space<semaphore_mem>>)
      %dma_wait3A_159 = arith.constant 0 : i32
      %dma_wait3A_160 = tpu.memref_slice %arg5[%run_scoped3A_10, %dma_wait3A_159] : memref<5x128xi32, #tpu.memory_space<vmem>> -> memref<1x128xi32, #tpu.memory_space<vmem>>
      %dma_wait3A_161 = tpu.memref_squeeze %dma_wait3A_160 : memref<1x128xi32, #tpu.memory_space<vmem>> -> memref<128xi32, #tpu.memory_space<vmem>>
      %dma_wait3A_162 = tpu.memref_slice %arg2[%add3A_9] : memref<20480xi32, #tpu.memory_space<hbm>> -> memref<128xi32, #tpu.memory_space<hbm>>
      %dma_wait3A_163 = arith.constant 0 : i32
      %dma_wait3A_164 = tpu.memref_slice %arg5[%run_scoped3A_10, %dma_wait3A_163] : memref<5x128xi32, #tpu.memory_space<vmem>> -> memref<1x128xi32, #tpu.memory_space<vmem>>
      %dma_wait3A_165 = tpu.memref_squeeze %dma_wait3A_164 : memref<1x128xi32, #tpu.memory_space<vmem>> -> memref<128xi32, #tpu.memory_space<vmem>>
      %dma_wait3A_166 = tpu.memref_slice %arg2[%add3A_9] : memref<20480xi32, #tpu.memory_space<hbm>> -> memref<128xi32, #tpu.memory_space<hbm>>
      tpu.wait_dma2 semaphore(%run_scoped3A_150 : memref<!tpu.dma_semaphore, #tpu.memory_space<semaphore_mem>>) src(%dma_wait3A_166 : memref<128xi32, #tpu.memory_space<hbm>>) dst(%dma_wait3A_165 : memref<128xi32, #tpu.memory_space<vmem>>)
      tpu.yield
    }) : () -> ()
    %add3A_11 = arith.constant 12288 : i32
    %add3A_12 = arith.addi %add3A_11, %mul3A_2 : i32
    %run_scoped3A_13 = arith.constant 3 : i32
    "tpu.region"() ({
      %run_scoped3A_150 = tpu.sem_alloc : memref<!tpu.dma_semaphore, #tpu.memory_space<semaphore_mem>>
      %dma_start3A_151 = arith.constant 0 : i32
      %dma_start3A_152 = tpu.memref_slice %arg5[%run_scoped3A_13, %dma_start3A_151] : memref<5x128xi32, #tpu.memory_space<vmem>> -> memref<1x128xi32, #tpu.memory_space<vmem>>
      %dma_start3A_153 = tpu.memref_squeeze %dma_start3A_152 : memref<1x128xi32, #tpu.memory_space<vmem>> -> memref<128xi32, #tpu.memory_space<vmem>>
      %dma_start3A_154 = tpu.memref_slice %arg2[%add3A_12] : memref<20480xi32, #tpu.memory_space<hbm>> -> memref<128xi32, #tpu.memory_space<hbm>>
      %dma_start3A_155 = arith.constant 0 : i32
      %dma_start3A_156 = tpu.memref_slice %arg5[%run_scoped3A_13, %dma_start3A_155] : memref<5x128xi32, #tpu.memory_space<vmem>> -> memref<1x128xi32, #tpu.memory_space<vmem>>
      %dma_start3A_157 = tpu.memref_squeeze %dma_start3A_156 : memref<1x128xi32, #tpu.memory_space<vmem>> -> memref<128xi32, #tpu.memory_space<vmem>>
      %dma_start3A_158 = tpu.memref_slice %arg2[%add3A_12] : memref<20480xi32, #tpu.memory_space<hbm>> -> memref<128xi32, #tpu.memory_space<hbm>>
      tpu.enqueue_dma source(%dma_start3A_158 : memref<128xi32, #tpu.memory_space<hbm>>) target(%dma_start3A_157 : memref<128xi32, #tpu.memory_space<vmem>>) target_semaphore(%run_scoped3A_150 : memref<!tpu.dma_semaphore, #tpu.memory_space<semaphore_mem>>)
      %dma_wait3A_159 = arith.constant 0 : i32
      %dma_wait3A_160 = tpu.memref_slice %arg5[%run_scoped3A_13, %dma_wait3A_159] : memref<5x128xi32, #tpu.memory_space<vmem>> -> memref<1x128xi32, #tpu.memory_space<vmem>>
      %dma_wait3A_161 = tpu.memref_squeeze %dma_wait3A_160 : memref<1x128xi32, #tpu.memory_space<vmem>> -> memref<128xi32, #tpu.memory_space<vmem>>
      %dma_wait3A_162 = tpu.memref_slice %arg2[%add3A_12] : memref<20480xi32, #tpu.memory_space<hbm>> -> memref<128xi32, #tpu.memory_space<hbm>>
      %dma_wait3A_163 = arith.constant 0 : i32
      %dma_wait3A_164 = tpu.memref_slice %arg5[%run_scoped3A_13, %dma_wait3A_163] : memref<5x128xi32, #tpu.memory_space<vmem>> -> memref<1x128xi32, #tpu.memory_space<vmem>>
      %dma_wait3A_165 = tpu.memref_squeeze %dma_wait3A_164 : memref<1x128xi32, #tpu.memory_space<vmem>> -> memref<128xi32, #tpu.memory_space<vmem>>
      %dma_wait3A_166 = tpu.memref_slice %arg2[%add3A_12] : memref<20480xi32, #tpu.memory_space<hbm>> -> memref<128xi32, #tpu.memory_space<hbm>>
      tpu.wait_dma2 semaphore(%run_scoped3A_150 : memref<!tpu.dma_semaphore, #tpu.memory_space<semaphore_mem>>) src(%dma_wait3A_166 : memref<128xi32, #tpu.memory_space<hbm>>) dst(%dma_wait3A_165 : memref<128xi32, #tpu.memory_space<vmem>>)
      tpu.yield
    }) : () -> ()
    %add3A_14 = arith.constant 16384 : i32
    %add3A_15 = arith.addi %add3A_14, %mul3A_2 : i32
    %run_scoped3A_16 = arith.constant 4 : i32
    "tpu.region"() ({
      %run_scoped3A_150 = tpu.sem_alloc : memref<!tpu.dma_semaphore, #tpu.memory_space<semaphore_mem>>
      %dma_start3A_151 = arith.constant 0 : i32
      %dma_start3A_152 = tpu.memref_slice %arg5[%run_scoped3A_16, %dma_start3A_151] : memref<5x128xi32, #tpu.memory_space<vmem>> -> memref<1x128xi32, #tpu.memory_space<vmem>>
      %dma_start3A_153 = tpu.memref_squeeze %dma_start3A_152 : memref<1x128xi32, #tpu.memory_space<vmem>> -> memref<128xi32, #tpu.memory_space<vmem>>
      %dma_start3A_154 = tpu.memref_slice %arg2[%add3A_15] : memref<20480xi32, #tpu.memory_space<hbm>> -> memref<128xi32, #tpu.memory_space<hbm>>
      %dma_start3A_155 = arith.constant 0 : i32
      %dma_start3A_156 = tpu.memref_slice %arg5[%run_scoped3A_16, %dma_start3A_155] : memref<5x128xi32, #tpu.memory_space<vmem>> -> memref<1x128xi32, #tpu.memory_space<vmem>>
      %dma_start3A_157 = tpu.memref_squeeze %dma_start3A_156 : memref<1x128xi32, #tpu.memory_space<vmem>> -> memref<128xi32, #tpu.memory_space<vmem>>
      %dma_start3A_158 = tpu.memref_slice %arg2[%add3A_15] : memref<20480xi32, #tpu.memory_space<hbm>> -> memref<128xi32, #tpu.memory_space<hbm>>
      tpu.enqueue_dma source(%dma_start3A_158 : memref<128xi32, #tpu.memory_space<hbm>>) target(%dma_start3A_157 : memref<128xi32, #tpu.memory_space<vmem>>) target_semaphore(%run_scoped3A_150 : memref<!tpu.dma_semaphore, #tpu.memory_space<semaphore_mem>>)
      %dma_wait3A_159 = arith.constant 0 : i32
      %dma_wait3A_160 = tpu.memref_slice %arg5[%run_scoped3A_16, %dma_wait3A_159] : memref<5x128xi32, #tpu.memory_space<vmem>> -> memref<1x128xi32, #tpu.memory_space<vmem>>
      %dma_wait3A_161 = tpu.memref_squeeze %dma_wait3A_160 : memref<1x128xi32, #tpu.memory_space<vmem>> -> memref<128xi32, #tpu.memory_space<vmem>>
      %dma_wait3A_162 = tpu.memref_slice %arg2[%add3A_15] : memref<20480xi32, #tpu.memory_space<hbm>> -> memref<128xi32, #tpu.memory_space<hbm>>
      %dma_wait3A_163 = arith.constant 0 : i32
      %dma_wait3A_164 = tpu.memref_slice %arg5[%run_scoped3A_16, %dma_wait3A_163] : memref<5x128xi32, #tpu.memory_space<vmem>> -> memref<1x128xi32, #tpu.memory_space<vmem>>
      %dma_wait3A_165 = tpu.memref_squeeze %dma_wait3A_164 : memref<1x128xi32, #tpu.memory_space<vmem>> -> memref<128xi32, #tpu.memory_space<vmem>>
      %dma_wait3A_166 = tpu.memref_slice %arg2[%add3A_15] : memref<20480xi32, #tpu.memory_space<hbm>> -> memref<128xi32, #tpu.memory_space<hbm>>
      tpu.wait_dma2 semaphore(%run_scoped3A_150 : memref<!tpu.dma_semaphore, #tpu.memory_space<semaphore_mem>>) src(%dma_wait3A_166 : memref<128xi32, #tpu.memory_space<hbm>>) dst(%dma_wait3A_165 : memref<128xi32, #tpu.memory_space<vmem>>)
      tpu.yield
    }) : () -> ()
    %dma_start3A = arith.constant 0 : i32
    %dma_start3A_17 = arith.constant 0 : i32
    %dma_start3A_18 = arith.constant 0 : i32
    %dma_start3A_19 = arith.constant 0 : i32
    %dma_start3A_20 = tpu.memref_slice %arg6[%dma_start3A_17, %dma_start3A_18, %dma_start3A_19] : memref<5x128x128xf32, #tpu.memory_space<vmem>> -> memref<1x128x128xf32, #tpu.memory_space<vmem>>
    %dma_start3A_21 = tpu.memref_squeeze %dma_start3A_20 : memref<1x128x128xf32, #tpu.memory_space<vmem>> -> memref<128x128xf32, #tpu.memory_space<vmem>>
    %dma_start3A_22 = arith.constant 0 : i32
    %dma_start3A_23 = tpu.memref_slice %arg5[%dma_start3A, %dma_start3A_22] : memref<5x128xi32, #tpu.memory_space<vmem>> -> memref<1x128xi32, #tpu.memory_space<vmem>>
    %dma_start3A_24 = tpu.memref_squeeze %dma_start3A_23 : memref<1x128xi32, #tpu.memory_space<vmem>> -> memref<128xi32, #tpu.memory_space<vmem>>
    %dma_start3A_25 = arith.constant 0 : i32
    %dma_start3A_26 = arith.constant 0 : i32
    %dma_start3A_27 = tpu.memref_slice %arg3[%dma_start3A_25, %dma_start3A_26] : memref<4096x128xf32, #tpu.memory_space<hbm>> -> memref<4096x128xf32, #tpu.memory_space<hbm>>
    tpu.enqueue_indirect_dma source(%dma_start3A_27 : memref<4096x128xf32, #tpu.memory_space<hbm>>) target(%dma_start3A_21 : memref<128x128xf32, #tpu.memory_space<vmem>>) offsets(%dma_start3A_24 : memref<128xi32, #tpu.memory_space<vmem>>) semaphore(%arg7 : memref<!tpu.dma_semaphore, #tpu.memory_space<semaphore_mem>>)
    %dma_start3A_28 = arith.constant 1 : i32
    %dma_start3A_29 = arith.constant 1 : i32
    %dma_start3A_30 = arith.constant 0 : i32
    %dma_start3A_31 = arith.constant 0 : i32
    %dma_start3A_32 = tpu.memref_slice %arg6[%dma_start3A_29, %dma_start3A_30, %dma_start3A_31] : memref<5x128x128xf32, #tpu.memory_space<vmem>> -> memref<1x128x128xf32, #tpu.memory_space<vmem>>
    %dma_start3A_33 = tpu.memref_squeeze %dma_start3A_32 : memref<1x128x128xf32, #tpu.memory_space<vmem>> -> memref<128x128xf32, #tpu.memory_space<vmem>>
    %dma_start3A_34 = arith.constant 0 : i32
    %dma_start3A_35 = tpu.memref_slice %arg5[%dma_start3A_28, %dma_start3A_34] : memref<5x128xi32, #tpu.memory_space<vmem>> -> memref<1x128xi32, #tpu.memory_space<vmem>>
    %dma_start3A_36 = tpu.memref_squeeze %dma_start3A_35 : memref<1x128xi32, #tpu.memory_space<vmem>> -> memref<128xi32, #tpu.memory_space<vmem>>
    %dma_start3A_37 = arith.constant 0 : i32
    %dma_start3A_38 = arith.constant 0 : i32
    %dma_start3A_39 = tpu.memref_slice %arg3[%dma_start3A_37, %dma_start3A_38] : memref<4096x128xf32, #tpu.memory_space<hbm>> -> memref<4096x128xf32, #tpu.memory_space<hbm>>
    tpu.enqueue_indirect_dma source(%dma_start3A_39 : memref<4096x128xf32, #tpu.memory_space<hbm>>) target(%dma_start3A_33 : memref<128x128xf32, #tpu.memory_space<vmem>>) offsets(%dma_start3A_36 : memref<128xi32, #tpu.memory_space<vmem>>) semaphore(%arg7 : memref<!tpu.dma_semaphore, #tpu.memory_space<semaphore_mem>>)
    %dma_start3A_40 = arith.constant 2 : i32
    %dma_start3A_41 = arith.constant 2 : i32
    %dma_start3A_42 = arith.constant 0 : i32
    %dma_start3A_43 = arith.constant 0 : i32
    %dma_start3A_44 = tpu.memref_slice %arg6[%dma_start3A_41, %dma_start3A_42, %dma_start3A_43] : memref<5x128x128xf32, #tpu.memory_space<vmem>> -> memref<1x128x128xf32, #tpu.memory_space<vmem>>
    %dma_start3A_45 = tpu.memref_squeeze %dma_start3A_44 : memref<1x128x128xf32, #tpu.memory_space<vmem>> -> memref<128x128xf32, #tpu.memory_space<vmem>>
    %dma_start3A_46 = arith.constant 0 : i32
    %dma_start3A_47 = tpu.memref_slice %arg5[%dma_start3A_40, %dma_start3A_46] : memref<5x128xi32, #tpu.memory_space<vmem>> -> memref<1x128xi32, #tpu.memory_space<vmem>>
    %dma_start3A_48 = tpu.memref_squeeze %dma_start3A_47 : memref<1x128xi32, #tpu.memory_space<vmem>> -> memref<128xi32, #tpu.memory_space<vmem>>
    %dma_start3A_49 = arith.constant 0 : i32
    %dma_start3A_50 = arith.constant 0 : i32
    %dma_start3A_51 = tpu.memref_slice %arg3[%dma_start3A_49, %dma_start3A_50] : memref<4096x128xf32, #tpu.memory_space<hbm>> -> memref<4096x128xf32, #tpu.memory_space<hbm>>
    tpu.enqueue_indirect_dma source(%dma_start3A_51 : memref<4096x128xf32, #tpu.memory_space<hbm>>) target(%dma_start3A_45 : memref<128x128xf32, #tpu.memory_space<vmem>>) offsets(%dma_start3A_48 : memref<128xi32, #tpu.memory_space<vmem>>) semaphore(%arg7 : memref<!tpu.dma_semaphore, #tpu.memory_space<semaphore_mem>>)
    %dma_start3A_52 = arith.constant 3 : i32
    %dma_start3A_53 = arith.constant 3 : i32
    %dma_start3A_54 = arith.constant 0 : i32
    %dma_start3A_55 = arith.constant 0 : i32
    %dma_start3A_56 = tpu.memref_slice %arg6[%dma_start3A_53, %dma_start3A_54, %dma_start3A_55] : memref<5x128x128xf32, #tpu.memory_space<vmem>> -> memref<1x128x128xf32, #tpu.memory_space<vmem>>
    %dma_start3A_57 = tpu.memref_squeeze %dma_start3A_56 : memref<1x128x128xf32, #tpu.memory_space<vmem>> -> memref<128x128xf32, #tpu.memory_space<vmem>>
    %dma_start3A_58 = arith.constant 0 : i32
    %dma_start3A_59 = tpu.memref_slice %arg5[%dma_start3A_52, %dma_start3A_58] : memref<5x128xi32, #tpu.memory_space<vmem>> -> memref<1x128xi32, #tpu.memory_space<vmem>>
    %dma_start3A_60 = tpu.memref_squeeze %dma_start3A_59 : memref<1x128xi32, #tpu.memory_space<vmem>> -> memref<128xi32, #tpu.memory_space<vmem>>
    %dma_start3A_61 = arith.constant 0 : i32
    %dma_start3A_62 = arith.constant 0 : i32
    %dma_start3A_63 = tpu.memref_slice %arg3[%dma_start3A_61, %dma_start3A_62] : memref<4096x128xf32, #tpu.memory_space<hbm>> -> memref<4096x128xf32, #tpu.memory_space<hbm>>
    tpu.enqueue_indirect_dma source(%dma_start3A_63 : memref<4096x128xf32, #tpu.memory_space<hbm>>) target(%dma_start3A_57 : memref<128x128xf32, #tpu.memory_space<vmem>>) offsets(%dma_start3A_60 : memref<128xi32, #tpu.memory_space<vmem>>) semaphore(%arg7 : memref<!tpu.dma_semaphore, #tpu.memory_space<semaphore_mem>>)
    %dma_start3A_64 = arith.constant 4 : i32
    %dma_start3A_65 = arith.constant 4 : i32
    %dma_start3A_66 = arith.constant 0 : i32
    %dma_start3A_67 = arith.constant 0 : i32
    %dma_start3A_68 = tpu.memref_slice %arg6[%dma_start3A_65, %dma_start3A_66, %dma_start3A_67] : memref<5x128x128xf32, #tpu.memory_space<vmem>> -> memref<1x128x128xf32, #tpu.memory_space<vmem>>
    %dma_start3A_69 = tpu.memref_squeeze %dma_start3A_68 : memref<1x128x128xf32, #tpu.memory_space<vmem>> -> memref<128x128xf32, #tpu.memory_space<vmem>>
    %dma_start3A_70 = arith.constant 0 : i32
    %dma_start3A_71 = tpu.memref_slice %arg5[%dma_start3A_64, %dma_start3A_70] : memref<5x128xi32, #tpu.memory_space<vmem>> -> memref<1x128xi32, #tpu.memory_space<vmem>>
    %dma_start3A_72 = tpu.memref_squeeze %dma_start3A_71 : memref<1x128xi32, #tpu.memory_space<vmem>> -> memref<128xi32, #tpu.memory_space<vmem>>
    %dma_start3A_73 = arith.constant 0 : i32
    %dma_start3A_74 = arith.constant 0 : i32
    %dma_start3A_75 = tpu.memref_slice %arg3[%dma_start3A_73, %dma_start3A_74] : memref<4096x128xf32, #tpu.memory_space<hbm>> -> memref<4096x128xf32, #tpu.memory_space<hbm>>
    tpu.enqueue_indirect_dma source(%dma_start3A_75 : memref<4096x128xf32, #tpu.memory_space<hbm>>) target(%dma_start3A_69 : memref<128x128xf32, #tpu.memory_space<vmem>>) offsets(%dma_start3A_72 : memref<128xi32, #tpu.memory_space<vmem>>) semaphore(%arg7 : memref<!tpu.dma_semaphore, #tpu.memory_space<semaphore_mem>>)
    %dma_wait3A = arith.constant 0 : i32
    %dma_wait3A_76 = arith.constant 0 : i32
    %dma_wait3A_77 = arith.constant 0 : i32
    %dma_wait3A_78 = arith.constant 0 : i32
    %dma_wait3A_79 = tpu.memref_slice %arg6[%dma_wait3A_76, %dma_wait3A_77, %dma_wait3A_78] : memref<5x128x128xf32, #tpu.memory_space<vmem>> -> memref<1x128x128xf32, #tpu.memory_space<vmem>>
    %dma_wait3A_80 = tpu.memref_squeeze %dma_wait3A_79 : memref<1x128x128xf32, #tpu.memory_space<vmem>> -> memref<128x128xf32, #tpu.memory_space<vmem>>
    %dma_wait3A_81 = arith.constant 0 : i32
    %dma_wait3A_82 = tpu.memref_slice %arg5[%dma_wait3A, %dma_wait3A_81] : memref<5x128xi32, #tpu.memory_space<vmem>> -> memref<1x128xi32, #tpu.memory_space<vmem>>
    %dma_wait3A_83 = tpu.memref_squeeze %dma_wait3A_82 : memref<1x128xi32, #tpu.memory_space<vmem>> -> memref<128xi32, #tpu.memory_space<vmem>>
    %dma_wait3A_84 = arith.constant 0 : i32
    %dma_wait3A_85 = arith.constant 0 : i32
    %dma_wait3A_86 = tpu.memref_slice %arg3[%dma_wait3A_84, %dma_wait3A_85] : memref<4096x128xf32, #tpu.memory_space<hbm>> -> memref<4096x128xf32, #tpu.memory_space<hbm>>
    tpu.wait_indirect_dma semaphore(%arg7 : memref<!tpu.dma_semaphore, #tpu.memory_space<semaphore_mem>>) src(%dma_wait3A_86 : memref<4096x128xf32, #tpu.memory_space<hbm>>) dst(%dma_wait3A_80 : memref<128x128xf32, #tpu.memory_space<vmem>>)
    %dma_wait3A_87 = arith.constant 1 : i32
    %dma_wait3A_88 = arith.constant 1 : i32
    %dma_wait3A_89 = arith.constant 0 : i32
    %dma_wait3A_90 = arith.constant 0 : i32
    %dma_wait3A_91 = tpu.memref_slice %arg6[%dma_wait3A_88, %dma_wait3A_89, %dma_wait3A_90] : memref<5x128x128xf32, #tpu.memory_space<vmem>> -> memref<1x128x128xf32, #tpu.memory_space<vmem>>
    %dma_wait3A_92 = tpu.memref_squeeze %dma_wait3A_91 : memref<1x128x128xf32, #tpu.memory_space<vmem>> -> memref<128x128xf32, #tpu.memory_space<vmem>>
    %dma_wait3A_93 = arith.constant 0 : i32
    %dma_wait3A_94 = tpu.memref_slice %arg5[%dma_wait3A_87, %dma_wait3A_93] : memref<5x128xi32, #tpu.memory_space<vmem>> -> memref<1x128xi32, #tpu.memory_space<vmem>>
    %dma_wait3A_95 = tpu.memref_squeeze %dma_wait3A_94 : memref<1x128xi32, #tpu.memory_space<vmem>> -> memref<128xi32, #tpu.memory_space<vmem>>
    %dma_wait3A_96 = arith.constant 0 : i32
    %dma_wait3A_97 = arith.constant 0 : i32
    %dma_wait3A_98 = tpu.memref_slice %arg3[%dma_wait3A_96, %dma_wait3A_97] : memref<4096x128xf32, #tpu.memory_space<hbm>> -> memref<4096x128xf32, #tpu.memory_space<hbm>>
    tpu.wait_indirect_dma semaphore(%arg7 : memref<!tpu.dma_semaphore, #tpu.memory_space<semaphore_mem>>) src(%dma_wait3A_98 : memref<4096x128xf32, #tpu.memory_space<hbm>>) dst(%dma_wait3A_92 : memref<128x128xf32, #tpu.memory_space<vmem>>)
    %dma_wait3A_99 = arith.constant 2 : i32
    %dma_wait3A_100 = arith.constant 2 : i32
    %dma_wait3A_101 = arith.constant 0 : i32
    %dma_wait3A_102 = arith.constant 0 : i32
    %dma_wait3A_103 = tpu.memref_slice %arg6[%dma_wait3A_100, %dma_wait3A_101, %dma_wait3A_102] : memref<5x128x128xf32, #tpu.memory_space<vmem>> -> memref<1x128x128xf32, #tpu.memory_space<vmem>>
    %dma_wait3A_104 = tpu.memref_squeeze %dma_wait3A_103 : memref<1x128x128xf32, #tpu.memory_space<vmem>> -> memref<128x128xf32, #tpu.memory_space<vmem>>
    %dma_wait3A_105 = arith.constant 0 : i32
    %dma_wait3A_106 = tpu.memref_slice %arg5[%dma_wait3A_99, %dma_wait3A_105] : memref<5x128xi32, #tpu.memory_space<vmem>> -> memref<1x128xi32, #tpu.memory_space<vmem>>
    %dma_wait3A_107 = tpu.memref_squeeze %dma_wait3A_106 : memref<1x128xi32, #tpu.memory_space<vmem>> -> memref<128xi32, #tpu.memory_space<vmem>>
    %dma_wait3A_108 = arith.constant 0 : i32
    %dma_wait3A_109 = arith.constant 0 : i32
    %dma_wait3A_110 = tpu.memref_slice %arg3[%dma_wait3A_108, %dma_wait3A_109] : memref<4096x128xf32, #tpu.memory_space<hbm>> -> memref<4096x128xf32, #tpu.memory_space<hbm>>
    tpu.wait_indirect_dma semaphore(%arg7 : memref<!tpu.dma_semaphore, #tpu.memory_space<semaphore_mem>>) src(%dma_wait3A_110 : memref<4096x128xf32, #tpu.memory_space<hbm>>) dst(%dma_wait3A_104 : memref<128x128xf32, #tpu.memory_space<vmem>>)
    %dma_wait3A_111 = arith.constant 3 : i32
    %dma_wait3A_112 = arith.constant 3 : i32
    %dma_wait3A_113 = arith.constant 0 : i32
    %dma_wait3A_114 = arith.constant 0 : i32
    %dma_wait3A_115 = tpu.memref_slice %arg6[%dma_wait3A_112, %dma_wait3A_113, %dma_wait3A_114] : memref<5x128x128xf32, #tpu.memory_space<vmem>> -> memref<1x128x128xf32, #tpu.memory_space<vmem>>
    %dma_wait3A_116 = tpu.memref_squeeze %dma_wait3A_115 : memref<1x128x128xf32, #tpu.memory_space<vmem>> -> memref<128x128xf32, #tpu.memory_space<vmem>>
    %dma_wait3A_117 = arith.constant 0 : i32
    %dma_wait3A_118 = tpu.memref_slice %arg5[%dma_wait3A_111, %dma_wait3A_117] : memref<5x128xi32, #tpu.memory_space<vmem>> -> memref<1x128xi32, #tpu.memory_space<vmem>>
    %dma_wait3A_119 = tpu.memref_squeeze %dma_wait3A_118 : memref<1x128xi32, #tpu.memory_space<vmem>> -> memref<128xi32, #tpu.memory_space<vmem>>
    %dma_wait3A_120 = arith.constant 0 : i32
    %dma_wait3A_121 = arith.constant 0 : i32
    %dma_wait3A_122 = tpu.memref_slice %arg3[%dma_wait3A_120, %dma_wait3A_121] : memref<4096x128xf32, #tpu.memory_space<hbm>> -> memref<4096x128xf32, #tpu.memory_space<hbm>>
    tpu.wait_indirect_dma semaphore(%arg7 : memref<!tpu.dma_semaphore, #tpu.memory_space<semaphore_mem>>) src(%dma_wait3A_122 : memref<4096x128xf32, #tpu.memory_space<hbm>>) dst(%dma_wait3A_116 : memref<128x128xf32, #tpu.memory_space<vmem>>)
    %dma_wait3A_123 = arith.constant 4 : i32
    %dma_wait3A_124 = arith.constant 4 : i32
    %dma_wait3A_125 = arith.constant 0 : i32
    %dma_wait3A_126 = arith.constant 0 : i32
    %dma_wait3A_127 = tpu.memref_slice %arg6[%dma_wait3A_124, %dma_wait3A_125, %dma_wait3A_126] : memref<5x128x128xf32, #tpu.memory_space<vmem>> -> memref<1x128x128xf32, #tpu.memory_space<vmem>>
    %dma_wait3A_128 = tpu.memref_squeeze %dma_wait3A_127 : memref<1x128x128xf32, #tpu.memory_space<vmem>> -> memref<128x128xf32, #tpu.memory_space<vmem>>
    %dma_wait3A_129 = arith.constant 0 : i32
    %dma_wait3A_130 = tpu.memref_slice %arg5[%dma_wait3A_123, %dma_wait3A_129] : memref<5x128xi32, #tpu.memory_space<vmem>> -> memref<1x128xi32, #tpu.memory_space<vmem>>
    %dma_wait3A_131 = tpu.memref_squeeze %dma_wait3A_130 : memref<1x128xi32, #tpu.memory_space<vmem>> -> memref<128xi32, #tpu.memory_space<vmem>>
    %dma_wait3A_132 = arith.constant 0 : i32
    %dma_wait3A_133 = arith.constant 0 : i32
    %dma_wait3A_134 = tpu.memref_slice %arg3[%dma_wait3A_132, %dma_wait3A_133] : memref<4096x128xf32, #tpu.memory_space<hbm>> -> memref<4096x128xf32, #tpu.memory_space<hbm>>
    tpu.wait_indirect_dma semaphore(%arg7 : memref<!tpu.dma_semaphore, #tpu.memory_space<semaphore_mem>>) src(%dma_wait3A_134 : memref<4096x128xf32, #tpu.memory_space<hbm>>) dst(%dma_wait3A_128 : memref<128x128xf32, #tpu.memory_space<vmem>>)
    %add3A_135 = arith.constant 0 : i32
    %add3A_136 = arith.addi %add3A_135, %mul3A_2 : i32
    %run_scoped3A_137 = arith.constant 0 : i32
    "tpu.region"() ({
      %run_scoped3A_150 = tpu.sem_alloc : memref<!tpu.dma_semaphore, #tpu.memory_space<semaphore_mem>>
      %dma_start3A_151 = arith.constant 0 : i32
      %dma_start3A_152 = arith.constant 0 : i32
      %dma_start3A_153 = tpu.memref_slice %arg6[%run_scoped3A_137, %dma_start3A_151, %dma_start3A_152] : memref<5x128x128xf32, #tpu.memory_space<vmem>> -> memref<1x128x128xf32, #tpu.memory_space<vmem>>
      %dma_start3A_154 = tpu.memref_squeeze %dma_start3A_153 : memref<1x128x128xf32, #tpu.memory_space<vmem>> -> memref<128x128xf32, #tpu.memory_space<vmem>>
      %dma_start3A_155 = arith.constant 0 : i32
      %dma_start3A_156 = tpu.memref_slice %arg4[%add3A_136, %dma_start3A_155] : memref<20480x128xf32, #tpu.memory_space<hbm>> -> memref<128x128xf32, #tpu.memory_space<hbm>>
      %dma_start3A_157 = arith.constant 0 : i32
      %dma_start3A_158 = tpu.memref_slice %arg4[%add3A_136, %dma_start3A_157] : memref<20480x128xf32, #tpu.memory_space<hbm>> -> memref<128x128xf32, #tpu.memory_space<hbm>>
      %dma_start3A_159 = arith.constant 0 : i32
      %dma_start3A_160 = arith.constant 0 : i32
      %dma_start3A_161 = tpu.memref_slice %arg6[%run_scoped3A_137, %dma_start3A_159, %dma_start3A_160] : memref<5x128x128xf32, #tpu.memory_space<vmem>> -> memref<1x128x128xf32, #tpu.memory_space<vmem>>
      %dma_start3A_162 = tpu.memref_squeeze %dma_start3A_161 : memref<1x128x128xf32, #tpu.memory_space<vmem>> -> memref<128x128xf32, #tpu.memory_space<vmem>>
      tpu.enqueue_dma source(%dma_start3A_162 : memref<128x128xf32, #tpu.memory_space<vmem>>) target(%dma_start3A_158 : memref<128x128xf32, #tpu.memory_space<hbm>>) target_semaphore(%run_scoped3A_150 : memref<!tpu.dma_semaphore, #tpu.memory_space<semaphore_mem>>)
      %dma_wait3A_163 = arith.constant 0 : i32
      %dma_wait3A_164 = arith.constant 0 : i32
      %dma_wait3A_165 = tpu.memref_slice %arg6[%run_scoped3A_137, %dma_wait3A_163, %dma_wait3A_164] : memref<5x128x128xf32, #tpu.memory_space<vmem>> -> memref<1x128x128xf32, #tpu.memory_space<vmem>>
      %dma_wait3A_166 = tpu.memref_squeeze %dma_wait3A_165 : memref<1x128x128xf32, #tpu.memory_space<vmem>> -> memref<128x128xf32, #tpu.memory_space<vmem>>
      %dma_wait3A_167 = arith.constant 0 : i32
      %dma_wait3A_168 = tpu.memref_slice %arg4[%add3A_136, %dma_wait3A_167] : memref<20480x128xf32, #tpu.memory_space<hbm>> -> memref<128x128xf32, #tpu.memory_space<hbm>>
      %dma_wait3A_169 = arith.constant 0 : i32
      %dma_wait3A_170 = tpu.memref_slice %arg4[%add3A_136, %dma_wait3A_169] : memref<20480x128xf32, #tpu.memory_space<hbm>> -> memref<128x128xf32, #tpu.memory_space<hbm>>
      %dma_wait3A_171 = arith.constant 0 : i32
      %dma_wait3A_172 = arith.constant 0 : i32
      %dma_wait3A_173 = tpu.memref_slice %arg6[%run_scoped3A_137, %dma_wait3A_171, %dma_wait3A_172] : memref<5x128x128xf32, #tpu.memory_space<vmem>> -> memref<1x128x128xf32, #tpu.memory_space<vmem>>
      %dma_wait3A_174 = tpu.memref_squeeze %dma_wait3A_173 : memref<1x128x128xf32, #tpu.memory_space<vmem>> -> memref<128x128xf32, #tpu.memory_space<vmem>>
      tpu.wait_dma2 semaphore(%run_scoped3A_150 : memref<!tpu.dma_semaphore, #tpu.memory_space<semaphore_mem>>) src(%dma_wait3A_174 : memref<128x128xf32, #tpu.memory_space<vmem>>) dst(%dma_wait3A_170 : memref<128x128xf32, #tpu.memory_space<hbm>>)
      tpu.yield
    }) : () -> ()
    %add3A_138 = arith.constant 4096 : i32
    %add3A_139 = arith.addi %add3A_138, %mul3A_2 : i32
    %run_scoped3A_140 = arith.constant 1 : i32
    "tpu.region"() ({
      %run_scoped3A_150 = tpu.sem_alloc : memref<!tpu.dma_semaphore, #tpu.memory_space<semaphore_mem>>
      %dma_start3A_151 = arith.constant 0 : i32
      %dma_start3A_152 = arith.constant 0 : i32
      %dma_start3A_153 = tpu.memref_slice %arg6[%run_scoped3A_140, %dma_start3A_151, %dma_start3A_152] : memref<5x128x128xf32, #tpu.memory_space<vmem>> -> memref<1x128x128xf32, #tpu.memory_space<vmem>>
      %dma_start3A_154 = tpu.memref_squeeze %dma_start3A_153 : memref<1x128x128xf32, #tpu.memory_space<vmem>> -> memref<128x128xf32, #tpu.memory_space<vmem>>
      %dma_start3A_155 = arith.constant 0 : i32
      %dma_start3A_156 = tpu.memref_slice %arg4[%add3A_139, %dma_start3A_155] : memref<20480x128xf32, #tpu.memory_space<hbm>> -> memref<128x128xf32, #tpu.memory_space<hbm>>
      %dma_start3A_157 = arith.constant 0 : i32
      %dma_start3A_158 = tpu.memref_slice %arg4[%add3A_139, %dma_start3A_157] : memref<20480x128xf32, #tpu.memory_space<hbm>> -> memref<128x128xf32, #tpu.memory_space<hbm>>
      %dma_start3A_159 = arith.constant 0 : i32
      %dma_start3A_160 = arith.constant 0 : i32
      %dma_start3A_161 = tpu.memref_slice %arg6[%run_scoped3A_140, %dma_start3A_159, %dma_start3A_160] : memref<5x128x128xf32, #tpu.memory_space<vmem>> -> memref<1x128x128xf32, #tpu.memory_space<vmem>>
      %dma_start3A_162 = tpu.memref_squeeze %dma_start3A_161 : memref<1x128x128xf32, #tpu.memory_space<vmem>> -> memref<128x128xf32, #tpu.memory_space<vmem>>
      tpu.enqueue_dma source(%dma_start3A_162 : memref<128x128xf32, #tpu.memory_space<vmem>>) target(%dma_start3A_158 : memref<128x128xf32, #tpu.memory_space<hbm>>) target_semaphore(%run_scoped3A_150 : memref<!tpu.dma_semaphore, #tpu.memory_space<semaphore_mem>>)
      %dma_wait3A_163 = arith.constant 0 : i32
      %dma_wait3A_164 = arith.constant 0 : i32
      %dma_wait3A_165 = tpu.memref_slice %arg6[%run_scoped3A_140, %dma_wait3A_163, %dma_wait3A_164] : memref<5x128x128xf32, #tpu.memory_space<vmem>> -> memref<1x128x128xf32, #tpu.memory_space<vmem>>
      %dma_wait3A_166 = tpu.memref_squeeze %dma_wait3A_165 : memref<1x128x128xf32, #tpu.memory_space<vmem>> -> memref<128x128xf32, #tpu.memory_space<vmem>>
      %dma_wait3A_167 = arith.constant 0 : i32
      %dma_wait3A_168 = tpu.memref_slice %arg4[%add3A_139, %dma_wait3A_167] : memref<20480x128xf32, #tpu.memory_space<hbm>> -> memref<128x128xf32, #tpu.memory_space<hbm>>
      %dma_wait3A_169 = arith.constant 0 : i32
      %dma_wait3A_170 = tpu.memref_slice %arg4[%add3A_139, %dma_wait3A_169] : memref<20480x128xf32, #tpu.memory_space<hbm>> -> memref<128x128xf32, #tpu.memory_space<hbm>>
      %dma_wait3A_171 = arith.constant 0 : i32
      %dma_wait3A_172 = arith.constant 0 : i32
      %dma_wait3A_173 = tpu.memref_slice %arg6[%run_scoped3A_140, %dma_wait3A_171, %dma_wait3A_172] : memref<5x128x128xf32, #tpu.memory_space<vmem>> -> memref<1x128x128xf32, #tpu.memory_space<vmem>>
      %dma_wait3A_174 = tpu.memref_squeeze %dma_wait3A_173 : memref<1x128x128xf32, #tpu.memory_space<vmem>> -> memref<128x128xf32, #tpu.memory_space<vmem>>
      tpu.wait_dma2 semaphore(%run_scoped3A_150 : memref<!tpu.dma_semaphore, #tpu.memory_space<semaphore_mem>>) src(%dma_wait3A_174 : memref<128x128xf32, #tpu.memory_space<vmem>>) dst(%dma_wait3A_170 : memref<128x128xf32, #tpu.memory_space<hbm>>)
      tpu.yield
    }) : () -> ()
    %add3A_141 = arith.constant 8192 : i32
    %add3A_142 = arith.addi %add3A_141, %mul3A_2 : i32
    %run_scoped3A_143 = arith.constant 2 : i32
    "tpu.region"() ({
      %run_scoped3A_150 = tpu.sem_alloc : memref<!tpu.dma_semaphore, #tpu.memory_space<semaphore_mem>>
      %dma_start3A_151 = arith.constant 0 : i32
      %dma_start3A_152 = arith.constant 0 : i32
      %dma_start3A_153 = tpu.memref_slice %arg6[%run_scoped3A_143, %dma_start3A_151, %dma_start3A_152] : memref<5x128x128xf32, #tpu.memory_space<vmem>> -> memref<1x128x128xf32, #tpu.memory_space<vmem>>
      %dma_start3A_154 = tpu.memref_squeeze %dma_start3A_153 : memref<1x128x128xf32, #tpu.memory_space<vmem>> -> memref<128x128xf32, #tpu.memory_space<vmem>>
      %dma_start3A_155 = arith.constant 0 : i32
      %dma_start3A_156 = tpu.memref_slice %arg4[%add3A_142, %dma_start3A_155] : memref<20480x128xf32, #tpu.memory_space<hbm>> -> memref<128x128xf32, #tpu.memory_space<hbm>>
      %dma_start3A_157 = arith.constant 0 : i32
      %dma_start3A_158 = tpu.memref_slice %arg4[%add3A_142, %dma_start3A_157] : memref<20480x128xf32, #tpu.memory_space<hbm>> -> memref<128x128xf32, #tpu.memory_space<hbm>>
      %dma_start3A_159 = arith.constant 0 : i32
      %dma_start3A_160 = arith.constant 0 : i32
      %dma_start3A_161 = tpu.memref_slice %arg6[%run_scoped3A_143, %dma_start3A_159, %dma_start3A_160] : memref<5x128x128xf32, #tpu.memory_space<vmem>> -> memref<1x128x128xf32, #tpu.memory_space<vmem>>
      %dma_start3A_162 = tpu.memref_squeeze %dma_start3A_161 : memref<1x128x128xf32, #tpu.memory_space<vmem>> -> memref<128x128xf32, #tpu.memory_space<vmem>>
      tpu.enqueue_dma source(%dma_start3A_162 : memref<128x128xf32, #tpu.memory_space<vmem>>) target(%dma_start3A_158 : memref<128x128xf32, #tpu.memory_space<hbm>>) target_semaphore(%run_scoped3A_150 : memref<!tpu.dma_semaphore, #tpu.memory_space<semaphore_mem>>)
      %dma_wait3A_163 = arith.constant 0 : i32
      %dma_wait3A_164 = arith.constant 0 : i32
      %dma_wait3A_165 = tpu.memref_slice %arg6[%run_scoped3A_143, %dma_wait3A_163, %dma_wait3A_164] : memref<5x128x128xf32, #tpu.memory_space<vmem>> -> memref<1x128x128xf32, #tpu.memory_space<vmem>>
      %dma_wait3A_166 = tpu.memref_squeeze %dma_wait3A_165 : memref<1x128x128xf32, #tpu.memory_space<vmem>> -> memref<128x128xf32, #tpu.memory_space<vmem>>
      %dma_wait3A_167 = arith.constant 0 : i32
      %dma_wait3A_168 = tpu.memref_slice %arg4[%add3A_142, %dma_wait3A_167] : memref<20480x128xf32, #tpu.memory_space<hbm>> -> memref<128x128xf32, #tpu.memory_space<hbm>>
      %dma_wait3A_169 = arith.constant 0 : i32
      %dma_wait3A_170 = tpu.memref_slice %arg4[%add3A_142, %dma_wait3A_169] : memref<20480x128xf32, #tpu.memory_space<hbm>> -> memref<128x128xf32, #tpu.memory_space<hbm>>
      %dma_wait3A_171 = arith.constant 0 : i32
      %dma_wait3A_172 = arith.constant 0 : i32
      %dma_wait3A_173 = tpu.memref_slice %arg6[%run_scoped3A_143, %dma_wait3A_171, %dma_wait3A_172] : memref<5x128x128xf32, #tpu.memory_space<vmem>> -> memref<1x128x128xf32, #tpu.memory_space<vmem>>
      %dma_wait3A_174 = tpu.memref_squeeze %dma_wait3A_173 : memref<1x128x128xf32, #tpu.memory_space<vmem>> -> memref<128x128xf32, #tpu.memory_space<vmem>>
      tpu.wait_dma2 semaphore(%run_scoped3A_150 : memref<!tpu.dma_semaphore, #tpu.memory_space<semaphore_mem>>) src(%dma_wait3A_174 : memref<128x128xf32, #tpu.memory_space<vmem>>) dst(%dma_wait3A_170 : memref<128x128xf32, #tpu.memory_space<hbm>>)
      tpu.yield
    }) : () -> ()
    %add3A_144 = arith.constant 12288 : i32
    %add3A_145 = arith.addi %add3A_144, %mul3A_2 : i32
    %run_scoped3A_146 = arith.constant 3 : i32
    "tpu.region"() ({
      %run_scoped3A_150 = tpu.sem_alloc : memref<!tpu.dma_semaphore, #tpu.memory_space<semaphore_mem>>
      %dma_start3A_151 = arith.constant 0 : i32
      %dma_start3A_152 = arith.constant 0 : i32
      %dma_start3A_153 = tpu.memref_slice %arg6[%run_scoped3A_146, %dma_start3A_151, %dma_start3A_152] : memref<5x128x128xf32, #tpu.memory_space<vmem>> -> memref<1x128x128xf32, #tpu.memory_space<vmem>>
      %dma_start3A_154 = tpu.memref_squeeze %dma_start3A_153 : memref<1x128x128xf32, #tpu.memory_space<vmem>> -> memref<128x128xf32, #tpu.memory_space<vmem>>
      %dma_start3A_155 = arith.constant 0 : i32
      %dma_start3A_156 = tpu.memref_slice %arg4[%add3A_145, %dma_start3A_155] : memref<20480x128xf32, #tpu.memory_space<hbm>> -> memref<128x128xf32, #tpu.memory_space<hbm>>
      %dma_start3A_157 = arith.constant 0 : i32
      %dma_start3A_158 = tpu.memref_slice %arg4[%add3A_145, %dma_start3A_157] : memref<20480x128xf32, #tpu.memory_space<hbm>> -> memref<128x128xf32, #tpu.memory_space<hbm>>
      %dma_start3A_159 = arith.constant 0 : i32
      %dma_start3A_160 = arith.constant 0 : i32
      %dma_start3A_161 = tpu.memref_slice %arg6[%run_scoped3A_146, %dma_start3A_159, %dma_start3A_160] : memref<5x128x128xf32, #tpu.memory_space<vmem>> -> memref<1x128x128xf32, #tpu.memory_space<vmem>>
      %dma_start3A_162 = tpu.memref_squeeze %dma_start3A_161 : memref<1x128x128xf32, #tpu.memory_space<vmem>> -> memref<128x128xf32, #tpu.memory_space<vmem>>
      tpu.enqueue_dma source(%dma_start3A_162 : memref<128x128xf32, #tpu.memory_space<vmem>>) target(%dma_start3A_158 : memref<128x128xf32, #tpu.memory_space<hbm>>) target_semaphore(%run_scoped3A_150 : memref<!tpu.dma_semaphore, #tpu.memory_space<semaphore_mem>>)
      %dma_wait3A_163 = arith.constant 0 : i32
      %dma_wait3A_164 = arith.constant 0 : i32
      %dma_wait3A_165 = tpu.memref_slice %arg6[%run_scoped3A_146, %dma_wait3A_163, %dma_wait3A_164] : memref<5x128x128xf32, #tpu.memory_space<vmem>> -> memref<1x128x128xf32, #tpu.memory_space<vmem>>
      %dma_wait3A_166 = tpu.memref_squeeze %dma_wait3A_165 : memref<1x128x128xf32, #tpu.memory_space<vmem>> -> memref<128x128xf32, #tpu.memory_space<vmem>>
      %dma_wait3A_167 = arith.constant 0 : i32
      %dma_wait3A_168 = tpu.memref_slice %arg4[%add3A_145, %dma_wait3A_167] : memref<20480x128xf32, #tpu.memory_space<hbm>> -> memref<128x128xf32, #tpu.memory_space<hbm>>
      %dma_wait3A_169 = arith.constant 0 : i32
      %dma_wait3A_170 = tpu.memref_slice %arg4[%add3A_145, %dma_wait3A_169] : memref<20480x128xf32, #tpu.memory_space<hbm>> -> memref<128x128xf32, #tpu.memory_space<hbm>>
      %dma_wait3A_171 = arith.constant 0 : i32
      %dma_wait3A_172 = arith.constant 0 : i32
      %dma_wait3A_173 = tpu.memref_slice %arg6[%run_scoped3A_146, %dma_wait3A_171, %dma_wait3A_172] : memref<5x128x128xf32, #tpu.memory_space<vmem>> -> memref<1x128x128xf32, #tpu.memory_space<vmem>>
      %dma_wait3A_174 = tpu.memref_squeeze %dma_wait3A_173 : memref<1x128x128xf32, #tpu.memory_space<vmem>> -> memref<128x128xf32, #tpu.memory_space<vmem>>
      tpu.wait_dma2 semaphore(%run_scoped3A_150 : memref<!tpu.dma_semaphore, #tpu.memory_space<semaphore_mem>>) src(%dma_wait3A_174 : memref<128x128xf32, #tpu.memory_space<vmem>>) dst(%dma_wait3A_170 : memref<128x128xf32, #tpu.memory_space<hbm>>)
      tpu.yield
    }) : () -> ()
    %add3A_147 = arith.constant 16384 : i32
    %add3A_148 = arith.addi %add3A_147, %mul3A_2 : i32
    %run_scoped3A_149 = arith.constant 4 : i32
    "tpu.region"() ({
      %run_scoped3A_150 = tpu.sem_alloc : memref<!tpu.dma_semaphore, #tpu.memory_space<semaphore_mem>>
      %dma_start3A_151 = arith.constant 0 : i32
      %dma_start3A_152 = arith.constant 0 : i32
      %dma_start3A_153 = tpu.memref_slice %arg6[%run_scoped3A_149, %dma_start3A_151, %dma_start3A_152] : memref<5x128x128xf32, #tpu.memory_space<vmem>> -> memref<1x128x128xf32, #tpu.memory_space<vmem>>
      %dma_start3A_154 = tpu.memref_squeeze %dma_start3A_153 : memref<1x128x128xf32, #tpu.memory_space<vmem>> -> memref<128x128xf32, #tpu.memory_space<vmem>>
      %dma_start3A_155 = arith.constant 0 : i32
      %dma_start3A_156 = tpu.memref_slice %arg4[%add3A_148, %dma_start3A_155] : memref<20480x128xf32, #tpu.memory_space<hbm>> -> memref<128x128xf32, #tpu.memory_space<hbm>>
      %dma_start3A_157 = arith.constant 0 : i32
      %dma_start3A_158 = tpu.memref_slice %arg4[%add3A_148, %dma_start3A_157] : memref<20480x128xf32, #tpu.memory_space<hbm>> -> memref<128x128xf32, #tpu.memory_space<hbm>>
      %dma_start3A_159 = arith.constant 0 : i32
      %dma_start3A_160 = arith.constant 0 : i32
      %dma_start3A_161 = tpu.memref_slice %arg6[%run_scoped3A_149, %dma_start3A_159, %dma_start3A_160] : memref<5x128x128xf32, #tpu.memory_space<vmem>> -> memref<1x128x128xf32, #tpu.memory_space<vmem>>
      %dma_start3A_162 = tpu.memref_squeeze %dma_start3A_161 : memref<1x128x128xf32, #tpu.memory_space<vmem>> -> memref<128x128xf32, #tpu.memory_space<vmem>>
      tpu.enqueue_dma source(%dma_start3A_162 : memref<128x128xf32, #tpu.memory_space<vmem>>) target(%dma_start3A_158 : memref<128x128xf32, #tpu.memory_space<hbm>>) target_semaphore(%run_scoped3A_150 : memref<!tpu.dma_semaphore, #tpu.memory_space<semaphore_mem>>)
      %dma_wait3A_163 = arith.constant 0 : i32
      %dma_wait3A_164 = arith.constant 0 : i32
      %dma_wait3A_165 = tpu.memref_slice %arg6[%run_scoped3A_149, %dma_wait3A_163, %dma_wait3A_164] : memref<5x128x128xf32, #tpu.memory_space<vmem>> -> memref<1x128x128xf32, #tpu.memory_space<vmem>>
      %dma_wait3A_166 = tpu.memref_squeeze %dma_wait3A_165 : memref<1x128x128xf32, #tpu.memory_space<vmem>> -> memref<128x128xf32, #tpu.memory_space<vmem>>
      %dma_wait3A_167 = arith.constant 0 : i32
      %dma_wait3A_168 = tpu.memref_slice %arg4[%add3A_148, %dma_wait3A_167] : memref<20480x128xf32, #tpu.memory_space<hbm>> -> memref<128x128xf32, #tpu.memory_space<hbm>>
      %dma_wait3A_169 = arith.constant 0 : i32
      %dma_wait3A_170 = tpu.memref_slice %arg4[%add3A_148, %dma_wait3A_169] : memref<20480x128xf32, #tpu.memory_space<hbm>> -> memref<128x128xf32, #tpu.memory_space<hbm>>
      %dma_wait3A_171 = arith.constant 0 : i32
      %dma_wait3A_172 = arith.constant 0 : i32
      %dma_wait3A_173 = tpu.memref_slice %arg6[%run_scoped3A_149, %dma_wait3A_171, %dma_wait3A_172] : memref<5x128x128xf32, #tpu.memory_space<vmem>> -> memref<1x128x128xf32, #tpu.memory_space<vmem>>
      %dma_wait3A_174 = tpu.memref_squeeze %dma_wait3A_173 : memref<1x128x128xf32, #tpu.memory_space<vmem>> -> memref<128x128xf32, #tpu.memory_space<vmem>>
      tpu.wait_dma2 semaphore(%run_scoped3A_150 : memref<!tpu.dma_semaphore, #tpu.memory_space<semaphore_mem>>) src(%dma_wait3A_174 : memref<128x128xf32, #tpu.memory_space<vmem>>) dst(%dma_wait3A_170 : memref<128x128xf32, #tpu.memory_space<hbm>>)
      tpu.yield
    }) : () -> ()
    return
  }
}

#map = affine_map<(d0, d1) -> (0)>
#map1 = affine_map<(d0, d1) -> (0, 0)>
module attributes {stable_mosaic.version = 14 : i64} {
  func.func @kern(%arg0: i32, %arg1: i32, %arg2: memref<20480xi32, #tpu.memory_space<hbm>>, %arg3: memref<4096x128xf32, #tpu.memory_space<hbm>>, %arg4: memref<20480x128xf32, #tpu.memory_space<hbm>>, %arg5: memref<5x128xi32, #tpu.memory_space<vmem>>, %arg6: memref<5x128x128xf32, #tpu.memory_space<vmem>>, %arg7: memref<!tpu.dma_semaphore, #tpu.memory_space<semaphore_mem>>) attributes {dimension_semantics = [#tpu.dimension_semantics<core_parallel>, #tpu.dimension_semantics<subcore_parallel>], iteration_bounds = array<i64: 2, 16>, scalar_prefetch = 0 : i64, scratch_operands = 3 : i64, tpu.core_type = #tpu.core_type<sc_vector_subcore>, window_params = [{transform_indices = #map}, {transform_indices = #map1}, {transform_indices = #map1}]} {
    %mul3A = arith.constant 2 : i32
    %mul3A_0 = arith.muli %arg1, %mul3A : i32
    %add3A = arith.addi %mul3A_0, %arg0 : i32
    %mul3A_1 = arith.constant 128 : i32
    %mul3A_2 = arith.muli %add3A, %mul3A_1 : i32
    %add3A_3 = arith.constant 0 : i32
    %add3A_4 = arith.addi %add3A_3, %mul3A_2 : i32
    %run_scoped3A = arith.constant 0 : i32
    "tpu.region"() ({
      %run_scoped3A_150 = tpu.sem_alloc : memref<!tpu.dma_semaphore, #tpu.memory_space<semaphore_mem>>
      %dma_start3A_151 = arith.constant 0 : i32
      %dma_start3A_152 = tpu.memref_slice %arg5[%run_scoped3A, %dma_start3A_151] : memref<5x128xi32, #tpu.memory_space<vmem>> -> memref<1x128xi32, #tpu.memory_space<vmem>>
      %dma_start3A_153 = tpu.memref_squeeze %dma_start3A_152 : memref<1x128xi32, #tpu.memory_space<vmem>> -> memref<128xi32, #tpu.memory_space<vmem>>
      %dma_start3A_154 = tpu.memref_slice %arg2[%add3A_4] : memref<20480xi32, #tpu.memory_space<hbm>> -> memref<128xi32, #tpu.memory_space<hbm>>
      %dma_start3A_155 = arith.constant 0 : i32
      %dma_start3A_156 = tpu.memref_slice %arg5[%run_scoped3A, %dma_start3A_155] : memref<5x128xi32, #tpu.memory_space<vmem>> -> memref<1x128xi32, #tpu.memory_space<vmem>>
      %dma_start3A_157 = tpu.memref_squeeze %dma_start3A_156 : memref<1x128xi32, #tpu.memory_space<vmem>> -> memref<128xi32, #tpu.memory_space<vmem>>
      %dma_start3A_158 = tpu.memref_slice %arg2[%add3A_4] : memref<20480xi32, #tpu.memory_space<hbm>> -> memref<128xi32, #tpu.memory_space<hbm>>
      tpu.enqueue_dma source(%dma_start3A_158 : memref<128xi32, #tpu.memory_space<hbm>>) target(%dma_start3A_157 : memref<128xi32, #tpu.memory_space<vmem>>) target_semaphore(%run_scoped3A_150 : memref<!tpu.dma_semaphore, #tpu.memory_space<semaphore_mem>>)
      %dma_wait3A_159 = arith.constant 0 : i32
      %dma_wait3A_160 = tpu.memref_slice %arg5[%run_scoped3A, %dma_wait3A_159] : memref<5x128xi32, #tpu.memory_space<vmem>> -> memref<1x128xi32, #tpu.memory_space<vmem>>
      %dma_wait3A_161 = tpu.memref_squeeze %dma_wait3A_160 : memref<1x128xi32, #tpu.memory_space<vmem>> -> memref<128xi32, #tpu.memory_space<vmem>>
      %dma_wait3A_162 = tpu.memref_slice %arg2[%add3A_4] : memref<20480xi32, #tpu.memory_space<hbm>> -> memref<128xi32, #tpu.memory_space<hbm>>
      %dma_wait3A_163 = arith.constant 0 : i32
      %dma_wait3A_164 = tpu.memref_slice %arg5[%run_scoped3A, %dma_wait3A_163] : memref<5x128xi32, #tpu.memory_space<vmem>> -> memref<1x128xi32, #tpu.memory_space<vmem>>
      %dma_wait3A_165 = tpu.memref_squeeze %dma_wait3A_164 : memref<1x128xi32, #tpu.memory_space<vmem>> -> memref<128xi32, #tpu.memory_space<vmem>>
      %dma_wait3A_166 = tpu.memref_slice %arg2[%add3A_4] : memref<20480xi32, #tpu.memory_space<hbm>> -> memref<128xi32, #tpu.memory_space<hbm>>
      tpu.wait_dma2 semaphore(%run_scoped3A_150 : memref<!tpu.dma_semaphore, #tpu.memory_space<semaphore_mem>>) src(%dma_wait3A_166 : memref<128xi32, #tpu.memory_space<hbm>>) dst(%dma_wait3A_165 : memref<128xi32, #tpu.memory_space<vmem>>)
      tpu.yield
    }) : () -> ()
    %add3A_5 = arith.constant 4096 : i32
    %add3A_6 = arith.addi %add3A_5, %mul3A_2 : i32
    %run_scoped3A_7 = arith.constant 1 : i32
    "tpu.region"() ({
      %run_scoped3A_150 = tpu.sem_alloc : memref<!tpu.dma_semaphore, #tpu.memory_space<semaphore_mem>>
      %dma_start3A_151 = arith.constant 0 : i32
      %dma_start3A_152 = tpu.memref_slice %arg5[%run_scoped3A_7, %dma_start3A_151] : memref<5x128xi32, #tpu.memory_space<vmem>> -> memref<1x128xi32, #tpu.memory_space<vmem>>
      %dma_start3A_153 = tpu.memref_squeeze %dma_start3A_152 : memref<1x128xi32, #tpu.memory_space<vmem>> -> memref<128xi32, #tpu.memory_space<vmem>>
      %dma_start3A_154 = tpu.memref_slice %arg2[%add3A_6] : memref<20480xi32, #tpu.memory_space<hbm>> -> memref<128xi32, #tpu.memory_space<hbm>>
      %dma_start3A_155 = arith.constant 0 : i32
      %dma_start3A_156 = tpu.memref_slice %arg5[%run_scoped3A_7, %dma_start3A_155] : memref<5x128xi32, #tpu.memory_space<vmem>> -> memref<1x128xi32, #tpu.memory_space<vmem>>
      %dma_start3A_157 = tpu.memref_squeeze %dma_start3A_156 : memref<1x128xi32, #tpu.memory_space<vmem>> -> memref<128xi32, #tpu.memory_space<vmem>>
      %dma_start3A_158 = tpu.memref_slice %arg2[%add3A_6] : memref<20480xi32, #tpu.memory_space<hbm>> -> memref<128xi32, #tpu.memory_space<hbm>>
      tpu.enqueue_dma source(%dma_start3A_158 : memref<128xi32, #tpu.memory_space<hbm>>) target(%dma_start3A_157 : memref<128xi32, #tpu.memory_space<vmem>>) target_semaphore(%run_scoped3A_150 : memref<!tpu.dma_semaphore, #tpu.memory_space<semaphore_mem>>)
      %dma_wait3A_159 = arith.constant 0 : i32
      %dma_wait3A_160 = tpu.memref_slice %arg5[%run_scoped3A_7, %dma_wait3A_159] : memref<5x128xi32, #tpu.memory_space<vmem>> -> memref<1x128xi32, #tpu.memory_space<vmem>>
      %dma_wait3A_161 = tpu.memref_squeeze %dma_wait3A_160 : memref<1x128xi32, #tpu.memory_space<vmem>> -> memref<128xi32, #tpu.memory_space<vmem>>
      %dma_wait3A_162 = tpu.memref_slice %arg2[%add3A_6] : memref<20480xi32, #tpu.memory_space<hbm>> -> memref<128xi32, #tpu.memory_space<hbm>>
      %dma_wait3A_163 = arith.constant 0 : i32
      %dma_wait3A_164 = tpu.memref_slice %arg5[%run_scoped3A_7, %dma_wait3A_163] : memref<5x128xi32, #tpu.memory_space<vmem>> -> memref<1x128xi32, #tpu.memory_space<vmem>>
      %dma_wait3A_165 = tpu.memref_squeeze %dma_wait3A_164 : memref<1x128xi32, #tpu.memory_space<vmem>> -> memref<128xi32, #tpu.memory_space<vmem>>
      %dma_wait3A_166 = tpu.memref_slice %arg2[%add3A_6] : memref<20480xi32, #tpu.memory_space<hbm>> -> memref<128xi32, #tpu.memory_space<hbm>>
      tpu.wait_dma2 semaphore(%run_scoped3A_150 : memref<!tpu.dma_semaphore, #tpu.memory_space<semaphore_mem>>) src(%dma_wait3A_166 : memref<128xi32, #tpu.memory_space<hbm>>) dst(%dma_wait3A_165 : memref<128xi32, #tpu.memory_space<vmem>>)
      tpu.yield
    }) : () -> ()
    %add3A_8 = arith.constant 8192 : i32
    %add3A_9 = arith.addi %add3A_8, %mul3A_2 : i32
    %run_scoped3A_10 = arith.constant 2 : i32
    "tpu.region"() ({
      %run_scoped3A_150 = tpu.sem_alloc : memref<!tpu.dma_semaphore, #tpu.memory_space<semaphore_mem>>
      %dma_start3A_151 = arith.constant 0 : i32
      %dma_start3A_152 = tpu.memref_slice %arg5[%run_scoped3A_10, %dma_start3A_151] : memref<5x128xi32, #tpu.memory_space<vmem>> -> memref<1x128xi32, #tpu.memory_space<vmem>>
      %dma_start3A_153 = tpu.memref_squeeze %dma_start3A_152 : memref<1x128xi32, #tpu.memory_space<vmem>> -> memref<128xi32, #tpu.memory_space<vmem>>
      %dma_start3A_154 = tpu.memref_slice %arg2[%add3A_9] : memref<20480xi32, #tpu.memory_space<hbm>> -> memref<128xi32, #tpu.memory_space<hbm>>
      %dma_start3A_155 = arith.constant 0 : i32
      %dma_start3A_156 = tpu.memref_slice %arg5[%run_scoped3A_10, %dma_start3A_155] : memref<5x128xi32, #tpu.memory_space<vmem>> -> memref<1x128xi32, #tpu.memory_space<vmem>>
      %dma_start3A_157 = tpu.memref_squeeze %dma_start3A_156 : memref<1x128xi32, #tpu.memory_space<vmem>> -> memref<128xi32, #tpu.memory_space<vmem>>
      %dma_start3A_158 = tpu.memref_slice %arg2[%add3A_9] : memref<20480xi32, #tpu.memory_space<hbm>> -> memref<128xi32, #tpu.memory_space<hbm>>
      tpu.enqueue_dma source(%dma_start3A_158 : memref<128xi32, #tpu.memory_space<hbm>>) target(%dma_start3A_157 : memref<128xi32, #tpu.memory_space<vmem>>) target_semaphore(%run_scoped3A_150 : memref<!tpu.dma_semaphore, #tpu.memory_space<semaphore_mem>>)
      %dma_wait3A_159 = arith.constant 0 : i32
      %dma_wait3A_160 = tpu.memref_slice %arg5[%run_scoped3A_10, %dma_wait3A_159] : memref<5x128xi32, #tpu.memory_space<vmem>> -> memref<1x128xi32, #tpu.memory_space<vmem>>
      %dma_wait3A_161 = tpu.memref_squeeze %dma_wait3A_160 : memref<1x128xi32, #tpu.memory_space<vmem>> -> memref<128xi32, #tpu.memory_space<vmem>>
      %dma_wait3A_162 = tpu.memref_slice %arg2[%add3A_9] : memref<20480xi32, #tpu.memory_space<hbm>> -> memref<128xi32, #tpu.memory_space<hbm>>
      %dma_wait3A_163 = arith.constant 0 : i32
      %dma_wait3A_164 = tpu.memref_slice %arg5[%run_scoped3A_10, %dma_wait3A_163] : memref<5x128xi32, #tpu.memory_space<vmem>> -> memref<1x128xi32, #tpu.memory_space<vmem>>
      %dma_wait3A_165 = tpu.memref_squeeze %dma_wait3A_164 : memref<1x128xi32, #tpu.memory_space<vmem>> -> memref<128xi32, #tpu.memory_space<vmem>>
      %dma_wait3A_166 = tpu.memref_slice %arg2[%add3A_9] : memref<20480xi32, #tpu.memory_space<hbm>> -> memref<128xi32, #tpu.memory_space<hbm>>
      tpu.wait_dma2 semaphore(%run_scoped3A_150 : memref<!tpu.dma_semaphore, #tpu.memory_space<semaphore_mem>>) src(%dma_wait3A_166 : memref<128xi32, #tpu.memory_space<hbm>>) dst(%dma_wait3A_165 : memref<128xi32, #tpu.memory_space<vmem>>)
      tpu.yield
    }) : () -> ()
    %add3A_11 = arith.constant 12288 : i32
    %add3A_12 = arith.addi %add3A_11, %mul3A_2 : i32
    %run_scoped3A_13 = arith.constant 3 : i32
    "tpu.region"() ({
      %run_scoped3A_150 = tpu.sem_alloc : memref<!tpu.dma_semaphore, #tpu.memory_space<semaphore_mem>>
      %dma_start3A_151 = arith.constant 0 : i32
      %dma_start3A_152 = tpu.memref_slice %arg5[%run_scoped3A_13, %dma_start3A_151] : memref<5x128xi32, #tpu.memory_space<vmem>> -> memref<1x128xi32, #tpu.memory_space<vmem>>
      %dma_start3A_153 = tpu.memref_squeeze %dma_start3A_152 : memref<1x128xi32, #tpu.memory_space<vmem>> -> memref<128xi32, #tpu.memory_space<vmem>>
      %dma_start3A_154 = tpu.memref_slice %arg2[%add3A_12] : memref<20480xi32, #tpu.memory_space<hbm>> -> memref<128xi32, #tpu.memory_space<hbm>>
      %dma_start3A_155 = arith.constant 0 : i32
      %dma_start3A_156 = tpu.memref_slice %arg5[%run_scoped3A_13, %dma_start3A_155] : memref<5x128xi32, #tpu.memory_space<vmem>> -> memref<1x128xi32, #tpu.memory_space<vmem>>
      %dma_start3A_157 = tpu.memref_squeeze %dma_start3A_156 : memref<1x128xi32, #tpu.memory_space<vmem>> -> memref<128xi32, #tpu.memory_space<vmem>>
      %dma_start3A_158 = tpu.memref_slice %arg2[%add3A_12] : memref<20480xi32, #tpu.memory_space<hbm>> -> memref<128xi32, #tpu.memory_space<hbm>>
      tpu.enqueue_dma source(%dma_start3A_158 : memref<128xi32, #tpu.memory_space<hbm>>) target(%dma_start3A_157 : memref<128xi32, #tpu.memory_space<vmem>>) target_semaphore(%run_scoped3A_150 : memref<!tpu.dma_semaphore, #tpu.memory_space<semaphore_mem>>)
      %dma_wait3A_159 = arith.constant 0 : i32
      %dma_wait3A_160 = tpu.memref_slice %arg5[%run_scoped3A_13, %dma_wait3A_159] : memref<5x128xi32, #tpu.memory_space<vmem>> -> memref<1x128xi32, #tpu.memory_space<vmem>>
      %dma_wait3A_161 = tpu.memref_squeeze %dma_wait3A_160 : memref<1x128xi32, #tpu.memory_space<vmem>> -> memref<128xi32, #tpu.memory_space<vmem>>
      %dma_wait3A_162 = tpu.memref_slice %arg2[%add3A_12] : memref<20480xi32, #tpu.memory_space<hbm>> -> memref<128xi32, #tpu.memory_space<hbm>>
      %dma_wait3A_163 = arith.constant 0 : i32
      %dma_wait3A_164 = tpu.memref_slice %arg5[%run_scoped3A_13, %dma_wait3A_163] : memref<5x128xi32, #tpu.memory_space<vmem>> -> memref<1x128xi32, #tpu.memory_space<vmem>>
      %dma_wait3A_165 = tpu.memref_squeeze %dma_wait3A_164 : memref<1x128xi32, #tpu.memory_space<vmem>> -> memref<128xi32, #tpu.memory_space<vmem>>
      %dma_wait3A_166 = tpu.memref_slice %arg2[%add3A_12] : memref<20480xi32, #tpu.memory_space<hbm>> -> memref<128xi32, #tpu.memory_space<hbm>>
      tpu.wait_dma2 semaphore(%run_scoped3A_150 : memref<!tpu.dma_semaphore, #tpu.memory_space<semaphore_mem>>) src(%dma_wait3A_166 : memref<128xi32, #tpu.memory_space<hbm>>) dst(%dma_wait3A_165 : memref<128xi32, #tpu.memory_space<vmem>>)
      tpu.yield
    }) : () -> ()
    %add3A_14 = arith.constant 16384 : i32
    %add3A_15 = arith.addi %add3A_14, %mul3A_2 : i32
    %run_scoped3A_16 = arith.constant 4 : i32
    "tpu.region"() ({
      %run_scoped3A_150 = tpu.sem_alloc : memref<!tpu.dma_semaphore, #tpu.memory_space<semaphore_mem>>
      %dma_start3A_151 = arith.constant 0 : i32
      %dma_start3A_152 = tpu.memref_slice %arg5[%run_scoped3A_16, %dma_start3A_151] : memref<5x128xi32, #tpu.memory_space<vmem>> -> memref<1x128xi32, #tpu.memory_space<vmem>>
      %dma_start3A_153 = tpu.memref_squeeze %dma_start3A_152 : memref<1x128xi32, #tpu.memory_space<vmem>> -> memref<128xi32, #tpu.memory_space<vmem>>
      %dma_start3A_154 = tpu.memref_slice %arg2[%add3A_15] : memref<20480xi32, #tpu.memory_space<hbm>> -> memref<128xi32, #tpu.memory_space<hbm>>
      %dma_start3A_155 = arith.constant 0 : i32
      %dma_start3A_156 = tpu.memref_slice %arg5[%run_scoped3A_16, %dma_start3A_155] : memref<5x128xi32, #tpu.memory_space<vmem>> -> memref<1x128xi32, #tpu.memory_space<vmem>>
      %dma_start3A_157 = tpu.memref_squeeze %dma_start3A_156 : memref<1x128xi32, #tpu.memory_space<vmem>> -> memref<128xi32, #tpu.memory_space<vmem>>
      %dma_start3A_158 = tpu.memref_slice %arg2[%add3A_15] : memref<20480xi32, #tpu.memory_space<hbm>> -> memref<128xi32, #tpu.memory_space<hbm>>
      tpu.enqueue_dma source(%dma_start3A_158 : memref<128xi32, #tpu.memory_space<hbm>>) target(%dma_start3A_157 : memref<128xi32, #tpu.memory_space<vmem>>) target_semaphore(%run_scoped3A_150 : memref<!tpu.dma_semaphore, #tpu.memory_space<semaphore_mem>>)
      %dma_wait3A_159 = arith.constant 0 : i32
      %dma_wait3A_160 = tpu.memref_slice %arg5[%run_scoped3A_16, %dma_wait3A_159] : memref<5x128xi32, #tpu.memory_space<vmem>> -> memref<1x128xi32, #tpu.memory_space<vmem>>
      %dma_wait3A_161 = tpu.memref_squeeze %dma_wait3A_160 : memref<1x128xi32, #tpu.memory_space<vmem>> -> memref<128xi32, #tpu.memory_space<vmem>>
      %dma_wait3A_162 = tpu.memref_slice %arg2[%add3A_15] : memref<20480xi32, #tpu.memory_space<hbm>> -> memref<128xi32, #tpu.memory_space<hbm>>
      %dma_wait3A_163 = arith.constant 0 : i32
      %dma_wait3A_164 = tpu.memref_slice %arg5[%run_scoped3A_16, %dma_wait3A_163] : memref<5x128xi32, #tpu.memory_space<vmem>> -> memref<1x128xi32, #tpu.memory_space<vmem>>
      %dma_wait3A_165 = tpu.memref_squeeze %dma_wait3A_164 : memref<1x128xi32, #tpu.memory_space<vmem>> -> memref<128xi32, #tpu.memory_space<vmem>>
      %dma_wait3A_166 = tpu.memref_slice %arg2[%add3A_15] : memref<20480xi32, #tpu.memory_space<hbm>> -> memref<128xi32, #tpu.memory_space<hbm>>
      tpu.wait_dma2 semaphore(%run_scoped3A_150 : memref<!tpu.dma_semaphore, #tpu.memory_space<semaphore_mem>>) src(%dma_wait3A_166 : memref<128xi32, #tpu.memory_space<hbm>>) dst(%dma_wait3A_165 : memref<128xi32, #tpu.memory_space<vmem>>)
      tpu.yield
    }) : () -> ()
    %dma_start3A = arith.constant 0 : i32
    %dma_start3A_17 = arith.constant 0 : i32
    %dma_start3A_18 = arith.constant 0 : i32
    %dma_start3A_19 = arith.constant 0 : i32
    %dma_start3A_20 = tpu.memref_slice %arg6[%dma_start3A_17, %dma_start3A_18, %dma_start3A_19] : memref<5x128x128xf32, #tpu.memory_space<vmem>> -> memref<1x128x128xf32, #tpu.memory_space<vmem>>
    %dma_start3A_21 = tpu.memref_squeeze %dma_start3A_20 : memref<1x128x128xf32, #tpu.memory_space<vmem>> -> memref<128x128xf32, #tpu.memory_space<vmem>>
    %dma_start3A_22 = arith.constant 0 : i32
    %dma_start3A_23 = tpu.memref_slice %arg5[%dma_start3A, %dma_start3A_22] : memref<5x128xi32, #tpu.memory_space<vmem>> -> memref<1x128xi32, #tpu.memory_space<vmem>>
    %dma_start3A_24 = tpu.memref_squeeze %dma_start3A_23 : memref<1x128xi32, #tpu.memory_space<vmem>> -> memref<128xi32, #tpu.memory_space<vmem>>
    %dma_start3A_25 = arith.constant 0 : i32
    %dma_start3A_26 = arith.constant 0 : i32
    %dma_start3A_27 = tpu.memref_slice %arg3[%dma_start3A_25, %dma_start3A_26] : memref<4096x128xf32, #tpu.memory_space<hbm>> -> memref<4096x128xf32, #tpu.memory_space<hbm>>
    tpu.enqueue_indirect_dma source(%dma_start3A_27 : memref<4096x128xf32, #tpu.memory_space<hbm>>) target(%dma_start3A_21 : memref<128x128xf32, #tpu.memory_space<vmem>>) offsets(%dma_start3A_24 : memref<128xi32, #tpu.memory_space<vmem>>) semaphore(%arg7 : memref<!tpu.dma_semaphore, #tpu.memory_space<semaphore_mem>>)
    %dma_start3A_28 = arith.constant 1 : i32
    %dma_start3A_29 = arith.constant 1 : i32
    %dma_start3A_30 = arith.constant 0 : i32
    %dma_start3A_31 = arith.constant 0 : i32
    %dma_start3A_32 = tpu.memref_slice %arg6[%dma_start3A_29, %dma_start3A_30, %dma_start3A_31] : memref<5x128x128xf32, #tpu.memory_space<vmem>> -> memref<1x128x128xf32, #tpu.memory_space<vmem>>
    %dma_start3A_33 = tpu.memref_squeeze %dma_start3A_32 : memref<1x128x128xf32, #tpu.memory_space<vmem>> -> memref<128x128xf32, #tpu.memory_space<vmem>>
    %dma_start3A_34 = arith.constant 0 : i32
    %dma_start3A_35 = tpu.memref_slice %arg5[%dma_start3A_28, %dma_start3A_34] : memref<5x128xi32, #tpu.memory_space<vmem>> -> memref<1x128xi32, #tpu.memory_space<vmem>>
    %dma_start3A_36 = tpu.memref_squeeze %dma_start3A_35 : memref<1x128xi32, #tpu.memory_space<vmem>> -> memref<128xi32, #tpu.memory_space<vmem>>
    %dma_start3A_37 = arith.constant 0 : i32
    %dma_start3A_38 = arith.constant 0 : i32
    %dma_start3A_39 = tpu.memref_slice %arg3[%dma_start3A_37, %dma_start3A_38] : memref<4096x128xf32, #tpu.memory_space<hbm>> -> memref<4096x128xf32, #tpu.memory_space<hbm>>
    tpu.enqueue_indirect_dma source(%dma_start3A_39 : memref<4096x128xf32, #tpu.memory_space<hbm>>) target(%dma_start3A_33 : memref<128x128xf32, #tpu.memory_space<vmem>>) offsets(%dma_start3A_36 : memref<128xi32, #tpu.memory_space<vmem>>) semaphore(%arg7 : memref<!tpu.dma_semaphore, #tpu.memory_space<semaphore_mem>>)
    %dma_start3A_40 = arith.constant 2 : i32
    %dma_start3A_41 = arith.constant 2 : i32
    %dma_start3A_42 = arith.constant 0 : i32
    %dma_start3A_43 = arith.constant 0 : i32
    %dma_start3A_44 = tpu.memref_slice %arg6[%dma_start3A_41, %dma_start3A_42, %dma_start3A_43] : memref<5x128x128xf32, #tpu.memory_space<vmem>> -> memref<1x128x128xf32, #tpu.memory_space<vmem>>
    %dma_start3A_45 = tpu.memref_squeeze %dma_start3A_44 : memref<1x128x128xf32, #tpu.memory_space<vmem>> -> memref<128x128xf32, #tpu.memory_space<vmem>>
    %dma_start3A_46 = arith.constant 0 : i32
    %dma_start3A_47 = tpu.memref_slice %arg5[%dma_start3A_40, %dma_start3A_46] : memref<5x128xi32, #tpu.memory_space<vmem>> -> memref<1x128xi32, #tpu.memory_space<vmem>>
    %dma_start3A_48 = tpu.memref_squeeze %dma_start3A_47 : memref<1x128xi32, #tpu.memory_space<vmem>> -> memref<128xi32, #tpu.memory_space<vmem>>
    %dma_start3A_49 = arith.constant 0 : i32
    %dma_start3A_50 = arith.constant 0 : i32
    %dma_start3A_51 = tpu.memref_slice %arg3[%dma_start3A_49, %dma_start3A_50] : memref<4096x128xf32, #tpu.memory_space<hbm>> -> memref<4096x128xf32, #tpu.memory_space<hbm>>
    tpu.enqueue_indirect_dma source(%dma_start3A_51 : memref<4096x128xf32, #tpu.memory_space<hbm>>) target(%dma_start3A_45 : memref<128x128xf32, #tpu.memory_space<vmem>>) offsets(%dma_start3A_48 : memref<128xi32, #tpu.memory_space<vmem>>) semaphore(%arg7 : memref<!tpu.dma_semaphore, #tpu.memory_space<semaphore_mem>>)
    %dma_start3A_52 = arith.constant 3 : i32
    %dma_start3A_53 = arith.constant 3 : i32
    %dma_start3A_54 = arith.constant 0 : i32
    %dma_start3A_55 = arith.constant 0 : i32
    %dma_start3A_56 = tpu.memref_slice %arg6[%dma_start3A_53, %dma_start3A_54, %dma_start3A_55] : memref<5x128x128xf32, #tpu.memory_space<vmem>> -> memref<1x128x128xf32, #tpu.memory_space<vmem>>
    %dma_start3A_57 = tpu.memref_squeeze %dma_start3A_56 : memref<1x128x128xf32, #tpu.memory_space<vmem>> -> memref<128x128xf32, #tpu.memory_space<vmem>>
    %dma_start3A_58 = arith.constant 0 : i32
    %dma_start3A_59 = tpu.memref_slice %arg5[%dma_start3A_52, %dma_start3A_58] : memref<5x128xi32, #tpu.memory_space<vmem>> -> memref<1x128xi32, #tpu.memory_space<vmem>>
    %dma_start3A_60 = tpu.memref_squeeze %dma_start3A_59 : memref<1x128xi32, #tpu.memory_space<vmem>> -> memref<128xi32, #tpu.memory_space<vmem>>
    %dma_start3A_61 = arith.constant 0 : i32
    %dma_start3A_62 = arith.constant 0 : i32
    %dma_start3A_63 = tpu.memref_slice %arg3[%dma_start3A_61, %dma_start3A_62] : memref<4096x128xf32, #tpu.memory_space<hbm>> -> memref<4096x128xf32, #tpu.memory_space<hbm>>
    tpu.enqueue_indirect_dma source(%dma_start3A_63 : memref<4096x128xf32, #tpu.memory_space<hbm>>) target(%dma_start3A_57 : memref<128x128xf32, #tpu.memory_space<vmem>>) offsets(%dma_start3A_60 : memref<128xi32, #tpu.memory_space<vmem>>) semaphore(%arg7 : memref<!tpu.dma_semaphore, #tpu.memory_space<semaphore_mem>>)
    %dma_start3A_64 = arith.constant 4 : i32
    %dma_start3A_65 = arith.constant 4 : i32
    %dma_start3A_66 = arith.constant 0 : i32
    %dma_start3A_67 = arith.constant 0 : i32
    %dma_start3A_68 = tpu.memref_slice %arg6[%dma_start3A_65, %dma_start3A_66, %dma_start3A_67] : memref<5x128x128xf32, #tpu.memory_space<vmem>> -> memref<1x128x128xf32, #tpu.memory_space<vmem>>
    %dma_start3A_69 = tpu.memref_squeeze %dma_start3A_68 : memref<1x128x128xf32, #tpu.memory_space<vmem>> -> memref<128x128xf32, #tpu.memory_space<vmem>>
    %dma_start3A_70 = arith.constant 0 : i32
    %dma_start3A_71 = tpu.memref_slice %arg5[%dma_start3A_64, %dma_start3A_70] : memref<5x128xi32, #tpu.memory_space<vmem>> -> memref<1x128xi32, #tpu.memory_space<vmem>>
    %dma_start3A_72 = tpu.memref_squeeze %dma_start3A_71 : memref<1x128xi32, #tpu.memory_space<vmem>> -> memref<128xi32, #tpu.memory_space<vmem>>
    %dma_start3A_73 = arith.constant 0 : i32
    %dma_start3A_74 = arith.constant 0 : i32
    %dma_start3A_75 = tpu.memref_slice %arg3[%dma_start3A_73, %dma_start3A_74] : memref<4096x128xf32, #tpu.memory_space<hbm>> -> memref<4096x128xf32, #tpu.memory_space<hbm>>
    tpu.enqueue_indirect_dma source(%dma_start3A_75 : memref<4096x128xf32, #tpu.memory_space<hbm>>) target(%dma_start3A_69 : memref<128x128xf32, #tpu.memory_space<vmem>>) offsets(%dma_start3A_72 : memref<128xi32, #tpu.memory_space<vmem>>) semaphore(%arg7 : memref<!tpu.dma_semaphore, #tpu.memory_space<semaphore_mem>>)
    %dma_wait3A = arith.constant 0 : i32
    %dma_wait3A_76 = arith.constant 0 : i32
    %dma_wait3A_77 = arith.constant 0 : i32
    %dma_wait3A_78 = arith.constant 0 : i32
    %dma_wait3A_79 = tpu.memref_slice %arg6[%dma_wait3A_76, %dma_wait3A_77, %dma_wait3A_78] : memref<5x128x128xf32, #tpu.memory_space<vmem>> -> memref<1x128x128xf32, #tpu.memory_space<vmem>>
    %dma_wait3A_80 = tpu.memref_squeeze %dma_wait3A_79 : memref<1x128x128xf32, #tpu.memory_space<vmem>> -> memref<128x128xf32, #tpu.memory_space<vmem>>
    %dma_wait3A_81 = arith.constant 0 : i32
    %dma_wait3A_82 = tpu.memref_slice %arg5[%dma_wait3A, %dma_wait3A_81] : memref<5x128xi32, #tpu.memory_space<vmem>> -> memref<1x128xi32, #tpu.memory_space<vmem>>
    %dma_wait3A_83 = tpu.memref_squeeze %dma_wait3A_82 : memref<1x128xi32, #tpu.memory_space<vmem>> -> memref<128xi32, #tpu.memory_space<vmem>>
    %dma_wait3A_84 = arith.constant 0 : i32
    %dma_wait3A_85 = arith.constant 0 : i32
    %dma_wait3A_86 = tpu.memref_slice %arg3[%dma_wait3A_84, %dma_wait3A_85] : memref<4096x128xf32, #tpu.memory_space<hbm>> -> memref<4096x128xf32, #tpu.memory_space<hbm>>
    tpu.wait_indirect_dma semaphore(%arg7 : memref<!tpu.dma_semaphore, #tpu.memory_space<semaphore_mem>>) src(%dma_wait3A_86 : memref<4096x128xf32, #tpu.memory_space<hbm>>) dst(%dma_wait3A_80 : memref<128x128xf32, #tpu.memory_space<vmem>>)
    %dma_wait3A_87 = arith.constant 1 : i32
    %dma_wait3A_88 = arith.constant 1 : i32
    %dma_wait3A_89 = arith.constant 0 : i32
    %dma_wait3A_90 = arith.constant 0 : i32
    %dma_wait3A_91 = tpu.memref_slice %arg6[%dma_wait3A_88, %dma_wait3A_89, %dma_wait3A_90] : memref<5x128x128xf32, #tpu.memory_space<vmem>> -> memref<1x128x128xf32, #tpu.memory_space<vmem>>
    %dma_wait3A_92 = tpu.memref_squeeze %dma_wait3A_91 : memref<1x128x128xf32, #tpu.memory_space<vmem>> -> memref<128x128xf32, #tpu.memory_space<vmem>>
    %dma_wait3A_93 = arith.constant 0 : i32
    %dma_wait3A_94 = tpu.memref_slice %arg5[%dma_wait3A_87, %dma_wait3A_93] : memref<5x128xi32, #tpu.memory_space<vmem>> -> memref<1x128xi32, #tpu.memory_space<vmem>>
    %dma_wait3A_95 = tpu.memref_squeeze %dma_wait3A_94 : memref<1x128xi32, #tpu.memory_space<vmem>> -> memref<128xi32, #tpu.memory_space<vmem>>
    %dma_wait3A_96 = arith.constant 0 : i32
    %dma_wait3A_97 = arith.constant 0 : i32
    %dma_wait3A_98 = tpu.memref_slice %arg3[%dma_wait3A_96, %dma_wait3A_97] : memref<4096x128xf32, #tpu.memory_space<hbm>> -> memref<4096x128xf32, #tpu.memory_space<hbm>>
    tpu.wait_indirect_dma semaphore(%arg7 : memref<!tpu.dma_semaphore, #tpu.memory_space<semaphore_mem>>) src(%dma_wait3A_98 : memref<4096x128xf32, #tpu.memory_space<hbm>>) dst(%dma_wait3A_92 : memref<128x128xf32, #tpu.memory_space<vmem>>)
    %dma_wait3A_99 = arith.constant 2 : i32
    %dma_wait3A_100 = arith.constant 2 : i32
    %dma_wait3A_101 = arith.constant 0 : i32
    %dma_wait3A_102 = arith.constant 0 : i32
    %dma_wait3A_103 = tpu.memref_slice %arg6[%dma_wait3A_100, %dma_wait3A_101, %dma_wait3A_102] : memref<5x128x128xf32, #tpu.memory_space<vmem>> -> memref<1x128x128xf32, #tpu.memory_space<vmem>>
    %dma_wait3A_104 = tpu.memref_squeeze %dma_wait3A_103 : memref<1x128x128xf32, #tpu.memory_space<vmem>> -> memref<128x128xf32, #tpu.memory_space<vmem>>
    %dma_wait3A_105 = arith.constant 0 : i32
    %dma_wait3A_106 = tpu.memref_slice %arg5[%dma_wait3A_99, %dma_wait3A_105] : memref<5x128xi32, #tpu.memory_space<vmem>> -> memref<1x128xi32, #tpu.memory_space<vmem>>
    %dma_wait3A_107 = tpu.memref_squeeze %dma_wait3A_106 : memref<1x128xi32, #tpu.memory_space<vmem>> -> memref<128xi32, #tpu.memory_space<vmem>>
    %dma_wait3A_108 = arith.constant 0 : i32
    %dma_wait3A_109 = arith.constant 0 : i32
    %dma_wait3A_110 = tpu.memref_slice %arg3[%dma_wait3A_108, %dma_wait3A_109] : memref<4096x128xf32, #tpu.memory_space<hbm>> -> memref<4096x128xf32, #tpu.memory_space<hbm>>
    tpu.wait_indirect_dma semaphore(%arg7 : memref<!tpu.dma_semaphore, #tpu.memory_space<semaphore_mem>>) src(%dma_wait3A_110 : memref<4096x128xf32, #tpu.memory_space<hbm>>) dst(%dma_wait3A_104 : memref<128x128xf32, #tpu.memory_space<vmem>>)
    %dma_wait3A_111 = arith.constant 3 : i32
    %dma_wait3A_112 = arith.constant 3 : i32
    %dma_wait3A_113 = arith.constant 0 : i32
    %dma_wait3A_114 = arith.constant 0 : i32
    %dma_wait3A_115 = tpu.memref_slice %arg6[%dma_wait3A_112, %dma_wait3A_113, %dma_wait3A_114] : memref<5x128x128xf32, #tpu.memory_space<vmem>> -> memref<1x128x128xf32, #tpu.memory_space<vmem>>
    %dma_wait3A_116 = tpu.memref_squeeze %dma_wait3A_115 : memref<1x128x128xf32, #tpu.memory_space<vmem>> -> memref<128x128xf32, #tpu.memory_space<vmem>>
    %dma_wait3A_117 = arith.constant 0 : i32
    %dma_wait3A_118 = tpu.memref_slice %arg5[%dma_wait3A_111, %dma_wait3A_117] : memref<5x128xi32, #tpu.memory_space<vmem>> -> memref<1x128xi32, #tpu.memory_space<vmem>>
    %dma_wait3A_119 = tpu.memref_squeeze %dma_wait3A_118 : memref<1x128xi32, #tpu.memory_space<vmem>> -> memref<128xi32, #tpu.memory_space<vmem>>
    %dma_wait3A_120 = arith.constant 0 : i32
    %dma_wait3A_121 = arith.constant 0 : i32
    %dma_wait3A_122 = tpu.memref_slice %arg3[%dma_wait3A_120, %dma_wait3A_121] : memref<4096x128xf32, #tpu.memory_space<hbm>> -> memref<4096x128xf32, #tpu.memory_space<hbm>>
    tpu.wait_indirect_dma semaphore(%arg7 : memref<!tpu.dma_semaphore, #tpu.memory_space<semaphore_mem>>) src(%dma_wait3A_122 : memref<4096x128xf32, #tpu.memory_space<hbm>>) dst(%dma_wait3A_116 : memref<128x128xf32, #tpu.memory_space<vmem>>)
    %dma_wait3A_123 = arith.constant 4 : i32
    %dma_wait3A_124 = arith.constant 4 : i32
    %dma_wait3A_125 = arith.constant 0 : i32
    %dma_wait3A_126 = arith.constant 0 : i32
    %dma_wait3A_127 = tpu.memref_slice %arg6[%dma_wait3A_124, %dma_wait3A_125, %dma_wait3A_126] : memref<5x128x128xf32, #tpu.memory_space<vmem>> -> memref<1x128x128xf32, #tpu.memory_space<vmem>>
    %dma_wait3A_128 = tpu.memref_squeeze %dma_wait3A_127 : memref<1x128x128xf32, #tpu.memory_space<vmem>> -> memref<128x128xf32, #tpu.memory_space<vmem>>
    %dma_wait3A_129 = arith.constant 0 : i32
    %dma_wait3A_130 = tpu.memref_slice %arg5[%dma_wait3A_123, %dma_wait3A_129] : memref<5x128xi32, #tpu.memory_space<vmem>> -> memref<1x128xi32, #tpu.memory_space<vmem>>
    %dma_wait3A_131 = tpu.memref_squeeze %dma_wait3A_130 : memref<1x128xi32, #tpu.memory_space<vmem>> -> memref<128xi32, #tpu.memory_space<vmem>>
    %dma_wait3A_132 = arith.constant 0 : i32
    %dma_wait3A_133 = arith.constant 0 : i32
    %dma_wait3A_134 = tpu.memref_slice %arg3[%dma_wait3A_132, %dma_wait3A_133] : memref<4096x128xf32, #tpu.memory_space<hbm>> -> memref<4096x128xf32, #tpu.memory_space<hbm>>
    tpu.wait_indirect_dma semaphore(%arg7 : memref<!tpu.dma_semaphore, #tpu.memory_space<semaphore_mem>>) src(%dma_wait3A_134 : memref<4096x128xf32, #tpu.memory_space<hbm>>) dst(%dma_wait3A_128 : memref<128x128xf32, #tpu.memory_space<vmem>>)
    %add3A_135 = arith.constant 0 : i32
    %add3A_136 = arith.addi %add3A_135, %mul3A_2 : i32
    %run_scoped3A_137 = arith.constant 0 : i32
    "tpu.region"() ({
      %run_scoped3A_150 = tpu.sem_alloc : memref<!tpu.dma_semaphore, #tpu.memory_space<semaphore_mem>>
      %dma_start3A_151 = arith.constant 0 : i32
      %dma_start3A_152 = arith.constant 0 : i32
      %dma_start3A_153 = tpu.memref_slice %arg6[%run_scoped3A_137, %dma_start3A_151, %dma_start3A_152] : memref<5x128x128xf32, #tpu.memory_space<vmem>> -> memref<1x128x128xf32, #tpu.memory_space<vmem>>
      %dma_start3A_154 = tpu.memref_squeeze %dma_start3A_153 : memref<1x128x128xf32, #tpu.memory_space<vmem>> -> memref<128x128xf32, #tpu.memory_space<vmem>>
      %dma_start3A_155 = arith.constant 0 : i32
      %dma_start3A_156 = tpu.memref_slice %arg4[%add3A_136, %dma_start3A_155] : memref<20480x128xf32, #tpu.memory_space<hbm>> -> memref<128x128xf32, #tpu.memory_space<hbm>>
      %dma_start3A_157 = arith.constant 0 : i32
      %dma_start3A_158 = tpu.memref_slice %arg4[%add3A_136, %dma_start3A_157] : memref<20480x128xf32, #tpu.memory_space<hbm>> -> memref<128x128xf32, #tpu.memory_space<hbm>>
      %dma_start3A_159 = arith.constant 0 : i32
      %dma_start3A_160 = arith.constant 0 : i32
      %dma_start3A_161 = tpu.memref_slice %arg6[%run_scoped3A_137, %dma_start3A_159, %dma_start3A_160] : memref<5x128x128xf32, #tpu.memory_space<vmem>> -> memref<1x128x128xf32, #tpu.memory_space<vmem>>
      %dma_start3A_162 = tpu.memref_squeeze %dma_start3A_161 : memref<1x128x128xf32, #tpu.memory_space<vmem>> -> memref<128x128xf32, #tpu.memory_space<vmem>>
      tpu.enqueue_dma source(%dma_start3A_162 : memref<128x128xf32, #tpu.memory_space<vmem>>) target(%dma_start3A_158 : memref<128x128xf32, #tpu.memory_space<hbm>>) target_semaphore(%run_scoped3A_150 : memref<!tpu.dma_semaphore, #tpu.memory_space<semaphore_mem>>)
      %dma_wait3A_163 = arith.constant 0 : i32
      %dma_wait3A_164 = arith.constant 0 : i32
      %dma_wait3A_165 = tpu.memref_slice %arg6[%run_scoped3A_137, %dma_wait3A_163, %dma_wait3A_164] : memref<5x128x128xf32, #tpu.memory_space<vmem>> -> memref<1x128x128xf32, #tpu.memory_space<vmem>>
      %dma_wait3A_166 = tpu.memref_squeeze %dma_wait3A_165 : memref<1x128x128xf32, #tpu.memory_space<vmem>> -> memref<128x128xf32, #tpu.memory_space<vmem>>
      %dma_wait3A_167 = arith.constant 0 : i32
      %dma_wait3A_168 = tpu.memref_slice %arg4[%add3A_136, %dma_wait3A_167] : memref<20480x128xf32, #tpu.memory_space<hbm>> -> memref<128x128xf32, #tpu.memory_space<hbm>>
      %dma_wait3A_169 = arith.constant 0 : i32
      %dma_wait3A_170 = tpu.memref_slice %arg4[%add3A_136, %dma_wait3A_169] : memref<20480x128xf32, #tpu.memory_space<hbm>> -> memref<128x128xf32, #tpu.memory_space<hbm>>
      %dma_wait3A_171 = arith.constant 0 : i32
      %dma_wait3A_172 = arith.constant 0 : i32
      %dma_wait3A_173 = tpu.memref_slice %arg6[%run_scoped3A_137, %dma_wait3A_171, %dma_wait3A_172] : memref<5x128x128xf32, #tpu.memory_space<vmem>> -> memref<1x128x128xf32, #tpu.memory_space<vmem>>
      %dma_wait3A_174 = tpu.memref_squeeze %dma_wait3A_173 : memref<1x128x128xf32, #tpu.memory_space<vmem>> -> memref<128x128xf32, #tpu.memory_space<vmem>>
      tpu.wait_dma2 semaphore(%run_scoped3A_150 : memref<!tpu.dma_semaphore, #tpu.memory_space<semaphore_mem>>) src(%dma_wait3A_174 : memref<128x128xf32, #tpu.memory_space<vmem>>) dst(%dma_wait3A_170 : memref<128x128xf32, #tpu.memory_space<hbm>>)
      tpu.yield
    }) : () -> ()
    %add3A_138 = arith.constant 4096 : i32
    %add3A_139 = arith.addi %add3A_138, %mul3A_2 : i32
    %run_scoped3A_140 = arith.constant 1 : i32
    "tpu.region"() ({
      %run_scoped3A_150 = tpu.sem_alloc : memref<!tpu.dma_semaphore, #tpu.memory_space<semaphore_mem>>
      %dma_start3A_151 = arith.constant 0 : i32
      %dma_start3A_152 = arith.constant 0 : i32
      %dma_start3A_153 = tpu.memref_slice %arg6[%run_scoped3A_140, %dma_start3A_151, %dma_start3A_152] : memref<5x128x128xf32, #tpu.memory_space<vmem>> -> memref<1x128x128xf32, #tpu.memory_space<vmem>>
      %dma_start3A_154 = tpu.memref_squeeze %dma_start3A_153 : memref<1x128x128xf32, #tpu.memory_space<vmem>> -> memref<128x128xf32, #tpu.memory_space<vmem>>
      %dma_start3A_155 = arith.constant 0 : i32
      %dma_start3A_156 = tpu.memref_slice %arg4[%add3A_139, %dma_start3A_155] : memref<20480x128xf32, #tpu.memory_space<hbm>> -> memref<128x128xf32, #tpu.memory_space<hbm>>
      %dma_start3A_157 = arith.constant 0 : i32
      %dma_start3A_158 = tpu.memref_slice %arg4[%add3A_139, %dma_start3A_157] : memref<20480x128xf32, #tpu.memory_space<hbm>> -> memref<128x128xf32, #tpu.memory_space<hbm>>
      %dma_start3A_159 = arith.constant 0 : i32
      %dma_start3A_160 = arith.constant 0 : i32
      %dma_start3A_161 = tpu.memref_slice %arg6[%run_scoped3A_140, %dma_start3A_159, %dma_start3A_160] : memref<5x128x128xf32, #tpu.memory_space<vmem>> -> memref<1x128x128xf32, #tpu.memory_space<vmem>>
      %dma_start3A_162 = tpu.memref_squeeze %dma_start3A_161 : memref<1x128x128xf32, #tpu.memory_space<vmem>> -> memref<128x128xf32, #tpu.memory_space<vmem>>
      tpu.enqueue_dma source(%dma_start3A_162 : memref<128x128xf32, #tpu.memory_space<vmem>>) target(%dma_start3A_158 : memref<128x128xf32, #tpu.memory_space<hbm>>) target_semaphore(%run_scoped3A_150 : memref<!tpu.dma_semaphore, #tpu.memory_space<semaphore_mem>>)
      %dma_wait3A_163 = arith.constant 0 : i32
      %dma_wait3A_164 = arith.constant 0 : i32
      %dma_wait3A_165 = tpu.memref_slice %arg6[%run_scoped3A_140, %dma_wait3A_163, %dma_wait3A_164] : memref<5x128x128xf32, #tpu.memory_space<vmem>> -> memref<1x128x128xf32, #tpu.memory_space<vmem>>
      %dma_wait3A_166 = tpu.memref_squeeze %dma_wait3A_165 : memref<1x128x128xf32, #tpu.memory_space<vmem>> -> memref<128x128xf32, #tpu.memory_space<vmem>>
      %dma_wait3A_167 = arith.constant 0 : i32
      %dma_wait3A_168 = tpu.memref_slice %arg4[%add3A_139, %dma_wait3A_167] : memref<20480x128xf32, #tpu.memory_space<hbm>> -> memref<128x128xf32, #tpu.memory_space<hbm>>
      %dma_wait3A_169 = arith.constant 0 : i32
      %dma_wait3A_170 = tpu.memref_slice %arg4[%add3A_139, %dma_wait3A_169] : memref<20480x128xf32, #tpu.memory_space<hbm>> -> memref<128x128xf32, #tpu.memory_space<hbm>>
      %dma_wait3A_171 = arith.constant 0 : i32
      %dma_wait3A_172 = arith.constant 0 : i32
      %dma_wait3A_173 = tpu.memref_slice %arg6[%run_scoped3A_140, %dma_wait3A_171, %dma_wait3A_172] : memref<5x128x128xf32, #tpu.memory_space<vmem>> -> memref<1x128x128xf32, #tpu.memory_space<vmem>>
      %dma_wait3A_174 = tpu.memref_squeeze %dma_wait3A_173 : memref<1x128x128xf32, #tpu.memory_space<vmem>> -> memref<128x128xf32, #tpu.memory_space<vmem>>
      tpu.wait_dma2 semaphore(%run_scoped3A_150 : memref<!tpu.dma_semaphore, #tpu.memory_space<semaphore_mem>>) src(%dma_wait3A_174 : memref<128x128xf32, #tpu.memory_space<vmem>>) dst(%dma_wait3A_170 : memref<128x128xf32, #tpu.memory_space<hbm>>)
      tpu.yield
    }) : () -> ()
    %add3A_141 = arith.constant 8192 : i32
    %add3A_142 = arith.addi %add3A_141, %mul3A_2 : i32
    %run_scoped3A_143 = arith.constant 2 : i32
    "tpu.region"() ({
      %run_scoped3A_150 = tpu.sem_alloc : memref<!tpu.dma_semaphore, #tpu.memory_space<semaphore_mem>>
      %dma_start3A_151 = arith.constant 0 : i32
      %dma_start3A_152 = arith.constant 0 : i32
      %dma_start3A_153 = tpu.memref_slice %arg6[%run_scoped3A_143, %dma_start3A_151, %dma_start3A_152] : memref<5x128x128xf32, #tpu.memory_space<vmem>> -> memref<1x128x128xf32, #tpu.memory_space<vmem>>
      %dma_start3A_154 = tpu.memref_squeeze %dma_start3A_153 : memref<1x128x128xf32, #tpu.memory_space<vmem>> -> memref<128x128xf32, #tpu.memory_space<vmem>>
      %dma_start3A_155 = arith.constant 0 : i32
      %dma_start3A_156 = tpu.memref_slice %arg4[%add3A_142, %dma_start3A_155] : memref<20480x128xf32, #tpu.memory_space<hbm>> -> memref<128x128xf32, #tpu.memory_space<hbm>>
      %dma_start3A_157 = arith.constant 0 : i32
      %dma_start3A_158 = tpu.memref_slice %arg4[%add3A_142, %dma_start3A_157] : memref<20480x128xf32, #tpu.memory_space<hbm>> -> memref<128x128xf32, #tpu.memory_space<hbm>>
      %dma_start3A_159 = arith.constant 0 : i32
      %dma_start3A_160 = arith.constant 0 : i32
      %dma_start3A_161 = tpu.memref_slice %arg6[%run_scoped3A_143, %dma_start3A_159, %dma_start3A_160] : memref<5x128x128xf32, #tpu.memory_space<vmem>> -> memref<1x128x128xf32, #tpu.memory_space<vmem>>
      %dma_start3A_162 = tpu.memref_squeeze %dma_start3A_161 : memref<1x128x128xf32, #tpu.memory_space<vmem>> -> memref<128x128xf32, #tpu.memory_space<vmem>>
      tpu.enqueue_dma source(%dma_start3A_162 : memref<128x128xf32, #tpu.memory_space<vmem>>) target(%dma_start3A_158 : memref<128x128xf32, #tpu.memory_space<hbm>>) target_semaphore(%run_scoped3A_150 : memref<!tpu.dma_semaphore, #tpu.memory_space<semaphore_mem>>)
      %dma_wait3A_163 = arith.constant 0 : i32
      %dma_wait3A_164 = arith.constant 0 : i32
      %dma_wait3A_165 = tpu.memref_slice %arg6[%run_scoped3A_143, %dma_wait3A_163, %dma_wait3A_164] : memref<5x128x128xf32, #tpu.memory_space<vmem>> -> memref<1x128x128xf32, #tpu.memory_space<vmem>>
      %dma_wait3A_166 = tpu.memref_squeeze %dma_wait3A_165 : memref<1x128x128xf32, #tpu.memory_space<vmem>> -> memref<128x128xf32, #tpu.memory_space<vmem>>
      %dma_wait3A_167 = arith.constant 0 : i32
      %dma_wait3A_168 = tpu.memref_slice %arg4[%add3A_142, %dma_wait3A_167] : memref<20480x128xf32, #tpu.memory_space<hbm>> -> memref<128x128xf32, #tpu.memory_space<hbm>>
      %dma_wait3A_169 = arith.constant 0 : i32
      %dma_wait3A_170 = tpu.memref_slice %arg4[%add3A_142, %dma_wait3A_169] : memref<20480x128xf32, #tpu.memory_space<hbm>> -> memref<128x128xf32, #tpu.memory_space<hbm>>
      %dma_wait3A_171 = arith.constant 0 : i32
      %dma_wait3A_172 = arith.constant 0 : i32
      %dma_wait3A_173 = tpu.memref_slice %arg6[%run_scoped3A_143, %dma_wait3A_171, %dma_wait3A_172] : memref<5x128x128xf32, #tpu.memory_space<vmem>> -> memref<1x128x128xf32, #tpu.memory_space<vmem>>
      %dma_wait3A_174 = tpu.memref_squeeze %dma_wait3A_173 : memref<1x128x128xf32, #tpu.memory_space<vmem>> -> memref<128x128xf32, #tpu.memory_space<vmem>>
      tpu.wait_dma2 semaphore(%run_scoped3A_150 : memref<!tpu.dma_semaphore, #tpu.memory_space<semaphore_mem>>) src(%dma_wait3A_174 : memref<128x128xf32, #tpu.memory_space<vmem>>) dst(%dma_wait3A_170 : memref<128x128xf32, #tpu.memory_space<hbm>>)
      tpu.yield
    }) : () -> ()
    %add3A_144 = arith.constant 12288 : i32
    %add3A_145 = arith.addi %add3A_144, %mul3A_2 : i32
    %run_scoped3A_146 = arith.constant 3 : i32
    "tpu.region"() ({
      %run_scoped3A_150 = tpu.sem_alloc : memref<!tpu.dma_semaphore, #tpu.memory_space<semaphore_mem>>
      %dma_start3A_151 = arith.constant 0 : i32
      %dma_start3A_152 = arith.constant 0 : i32
      %dma_start3A_153 = tpu.memref_slice %arg6[%run_scoped3A_146, %dma_start3A_151, %dma_start3A_152] : memref<5x128x128xf32, #tpu.memory_space<vmem>> -> memref<1x128x128xf32, #tpu.memory_space<vmem>>
      %dma_start3A_154 = tpu.memref_squeeze %dma_start3A_153 : memref<1x128x128xf32, #tpu.memory_space<vmem>> -> memref<128x128xf32, #tpu.memory_space<vmem>>
      %dma_start3A_155 = arith.constant 0 : i32
      %dma_start3A_156 = tpu.memref_slice %arg4[%add3A_145, %dma_start3A_155] : memref<20480x128xf32, #tpu.memory_space<hbm>> -> memref<128x128xf32, #tpu.memory_space<hbm>>
      %dma_start3A_157 = arith.constant 0 : i32
      %dma_start3A_158 = tpu.memref_slice %arg4[%add3A_145, %dma_start3A_157] : memref<20480x128xf32, #tpu.memory_space<hbm>> -> memref<128x128xf32, #tpu.memory_space<hbm>>
      %dma_start3A_159 = arith.constant 0 : i32
      %dma_start3A_160 = arith.constant 0 : i32
      %dma_start3A_161 = tpu.memref_slice %arg6[%run_scoped3A_146, %dma_start3A_159, %dma_start3A_160] : memref<5x128x128xf32, #tpu.memory_space<vmem>> -> memref<1x128x128xf32, #tpu.memory_space<vmem>>
      %dma_start3A_162 = tpu.memref_squeeze %dma_start3A_161 : memref<1x128x128xf32, #tpu.memory_space<vmem>> -> memref<128x128xf32, #tpu.memory_space<vmem>>
      tpu.enqueue_dma source(%dma_start3A_162 : memref<128x128xf32, #tpu.memory_space<vmem>>) target(%dma_start3A_158 : memref<128x128xf32, #tpu.memory_space<hbm>>) target_semaphore(%run_scoped3A_150 : memref<!tpu.dma_semaphore, #tpu.memory_space<semaphore_mem>>)
      %dma_wait3A_163 = arith.constant 0 : i32
      %dma_wait3A_164 = arith.constant 0 : i32
      %dma_wait3A_165 = tpu.memref_slice %arg6[%run_scoped3A_146, %dma_wait3A_163, %dma_wait3A_164] : memref<5x128x128xf32, #tpu.memory_space<vmem>> -> memref<1x128x128xf32, #tpu.memory_space<vmem>>
      %dma_wait3A_166 = tpu.memref_squeeze %dma_wait3A_165 : memref<1x128x128xf32, #tpu.memory_space<vmem>> -> memref<128x128xf32, #tpu.memory_space<vmem>>
      %dma_wait3A_167 = arith.constant 0 : i32
      %dma_wait3A_168 = tpu.memref_slice %arg4[%add3A_145, %dma_wait3A_167] : memref<20480x128xf32, #tpu.memory_space<hbm>> -> memref<128x128xf32, #tpu.memory_space<hbm>>
      %dma_wait3A_169 = arith.constant 0 : i32
      %dma_wait3A_170 = tpu.memref_slice %arg4[%add3A_145, %dma_wait3A_169] : memref<20480x128xf32, #tpu.memory_space<hbm>> -> memref<128x128xf32, #tpu.memory_space<hbm>>
      %dma_wait3A_171 = arith.constant 0 : i32
      %dma_wait3A_172 = arith.constant 0 : i32
      %dma_wait3A_173 = tpu.memref_slice %arg6[%run_scoped3A_146, %dma_wait3A_171, %dma_wait3A_172] : memref<5x128x128xf32, #tpu.memory_space<vmem>> -> memref<1x128x128xf32, #tpu.memory_space<vmem>>
      %dma_wait3A_174 = tpu.memref_squeeze %dma_wait3A_173 : memref<1x128x128xf32, #tpu.memory_space<vmem>> -> memref<128x128xf32, #tpu.memory_space<vmem>>
      tpu.wait_dma2 semaphore(%run_scoped3A_150 : memref<!tpu.dma_semaphore, #tpu.memory_space<semaphore_mem>>) src(%dma_wait3A_174 : memref<128x128xf32, #tpu.memory_space<vmem>>) dst(%dma_wait3A_170 : memref<128x128xf32, #tpu.memory_space<hbm>>)
      tpu.yield
    }) : () -> ()
    %add3A_147 = arith.constant 16384 : i32
    %add3A_148 = arith.addi %add3A_147, %mul3A_2 : i32
    %run_scoped3A_149 = arith.constant 4 : i32
    "tpu.region"() ({
      %run_scoped3A_150 = tpu.sem_alloc : memref<!tpu.dma_semaphore, #tpu.memory_space<semaphore_mem>>
      %dma_start3A_151 = arith.constant 0 : i32
      %dma_start3A_152 = arith.constant 0 : i32
      %dma_start3A_153 = tpu.memref_slice %arg6[%run_scoped3A_149, %dma_start3A_151, %dma_start3A_152] : memref<5x128x128xf32, #tpu.memory_space<vmem>> -> memref<1x128x128xf32, #tpu.memory_space<vmem>>
      %dma_start3A_154 = tpu.memref_squeeze %dma_start3A_153 : memref<1x128x128xf32, #tpu.memory_space<vmem>> -> memref<128x128xf32, #tpu.memory_space<vmem>>
      %dma_start3A_155 = arith.constant 0 : i32
      %dma_start3A_156 = tpu.memref_slice %arg4[%add3A_148, %dma_start3A_155] : memref<20480x128xf32, #tpu.memory_space<hbm>> -> memref<128x128xf32, #tpu.memory_space<hbm>>
      %dma_start3A_157 = arith.constant 0 : i32
      %dma_start3A_158 = tpu.memref_slice %arg4[%add3A_148, %dma_start3A_157] : memref<20480x128xf32, #tpu.memory_space<hbm>> -> memref<128x128xf32, #tpu.memory_space<hbm>>
      %dma_start3A_159 = arith.constant 0 : i32
      %dma_start3A_160 = arith.constant 0 : i32
      %dma_start3A_161 = tpu.memref_slice %arg6[%run_scoped3A_149, %dma_start3A_159, %dma_start3A_160] : memref<5x128x128xf32, #tpu.memory_space<vmem>> -> memref<1x128x128xf32, #tpu.memory_space<vmem>>
      %dma_start3A_162 = tpu.memref_squeeze %dma_start3A_161 : memref<1x128x128xf32, #tpu.memory_space<vmem>> -> memref<128x128xf32, #tpu.memory_space<vmem>>
      tpu.enqueue_dma source(%dma_start3A_162 : memref<128x128xf32, #tpu.memory_space<vmem>>) target(%dma_start3A_158 : memref<128x128xf32, #tpu.memory_space<hbm>>) target_semaphore(%run_scoped3A_150 : memref<!tpu.dma_semaphore, #tpu.memory_space<semaphore_mem>>)
      %dma_wait3A_163 = arith.constant 0 : i32
      %dma_wait3A_164 = arith.constant 0 : i32
      %dma_wait3A_165 = tpu.memref_slice %arg6[%run_scoped3A_149, %dma_wait3A_163, %dma_wait3A_164] : memref<5x128x128xf32, #tpu.memory_space<vmem>> -> memref<1x128x128xf32, #tpu.memory_space<vmem>>
      %dma_wait3A_166 = tpu.memref_squeeze %dma_wait3A_165 : memref<1x128x128xf32, #tpu.memory_space<vmem>> -> memref<128x128xf32, #tpu.memory_space<vmem>>
      %dma_wait3A_167 = arith.constant 0 : i32
      %dma_wait3A_168 = tpu.memref_slice %arg4[%add3A_148, %dma_wait3A_167] : memref<20480x128xf32, #tpu.memory_space<hbm>> -> memref<128x128xf32, #tpu.memory_space<hbm>>
      %dma_wait3A_169 = arith.constant 0 : i32
      %dma_wait3A_170 = tpu.memref_slice %arg4[%add3A_148, %dma_wait3A_169] : memref<20480x128xf32, #tpu.memory_space<hbm>> -> memref<128x128xf32, #tpu.memory_space<hbm>>
      %dma_wait3A_171 = arith.constant 0 : i32
      %dma_wait3A_172 = arith.constant 0 : i32
      %dma_wait3A_173 = tpu.memref_slice %arg6[%run_scoped3A_149, %dma_wait3A_171, %dma_wait3A_172] : memref<5x128x128xf32, #tpu.memory_space<vmem>> -> memref<1x128x128xf32, #tpu.memory_space<vmem>>
      %dma_wait3A_174 = tpu.memref_squeeze %dma_wait3A_173 : memref<1x128x128xf32, #tpu.memory_space<vmem>> -> memref<128x128xf32, #tpu.memory_space<vmem>>
      tpu.wait_dma2 semaphore(%run_scoped3A_150 : memref<!tpu.dma_semaphore, #tpu.memory_space<semaphore_mem>>) src(%dma_wait3A_174 : memref<128x128xf32, #tpu.memory_space<vmem>>) dst(%dma_wait3A_170 : memref<128x128xf32, #tpu.memory_space<hbm>>)
      tpu.yield
    }) : () -> ()
    return
  }
}

#map = affine_map<(d0, d1) -> (0)>
#map1 = affine_map<(d0, d1) -> (0, 0)>
module attributes {stable_mosaic.version = 14 : i64} {
  func.func @kern(%arg0: i32, %arg1: i32, %arg2: memref<20480xi32, #tpu.memory_space<hbm>>, %arg3: memref<4096x128xf32, #tpu.memory_space<hbm>>, %arg4: memref<20480x128xf32, #tpu.memory_space<hbm>>, %arg5: memref<5x128xi32, #tpu.memory_space<vmem>>, %arg6: memref<5x128x128xf32, #tpu.memory_space<vmem>>, %arg7: memref<!tpu.dma_semaphore, #tpu.memory_space<semaphore_mem>>) attributes {dimension_semantics = [#tpu.dimension_semantics<core_parallel>, #tpu.dimension_semantics<subcore_parallel>], iteration_bounds = array<i64: 2, 16>, scalar_prefetch = 0 : i64, scratch_operands = 3 : i64, tpu.core_type = #tpu.core_type<sc_vector_subcore>, window_params = [{transform_indices = #map}, {transform_indices = #map1}, {transform_indices = #map1}]} {
    %mul3A = arith.constant 2 : i32
    %mul3A_0 = arith.muli %arg1, %mul3A : i32
    %add3A = arith.addi %mul3A_0, %arg0 : i32
    %mul3A_1 = arith.constant 128 : i32
    %mul3A_2 = arith.muli %add3A, %mul3A_1 : i32
    %add3A_3 = arith.constant 0 : i32
    %add3A_4 = arith.addi %add3A_3, %mul3A_2 : i32
    %run_scoped3A = arith.constant 0 : i32
    "tpu.region"() ({
      %run_scoped3A_150 = tpu.sem_alloc : memref<!tpu.dma_semaphore, #tpu.memory_space<semaphore_mem>>
      %dma_start3A_151 = arith.constant 0 : i32
      %dma_start3A_152 = tpu.memref_slice %arg5[%run_scoped3A, %dma_start3A_151] : memref<5x128xi32, #tpu.memory_space<vmem>> -> memref<1x128xi32, #tpu.memory_space<vmem>>
      %dma_start3A_153 = tpu.memref_squeeze %dma_start3A_152 : memref<1x128xi32, #tpu.memory_space<vmem>> -> memref<128xi32, #tpu.memory_space<vmem>>
      %dma_start3A_154 = tpu.memref_slice %arg2[%add3A_4] : memref<20480xi32, #tpu.memory_space<hbm>> -> memref<128xi32, #tpu.memory_space<hbm>>
      %dma_start3A_155 = arith.constant 0 : i32
      %dma_start3A_156 = tpu.memref_slice %arg5[%run_scoped3A, %dma_start3A_155] : memref<5x128xi32, #tpu.memory_space<vmem>> -> memref<1x128xi32, #tpu.memory_space<vmem>>
      %dma_start3A_157 = tpu.memref_squeeze %dma_start3A_156 : memref<1x128xi32, #tpu.memory_space<vmem>> -> memref<128xi32, #tpu.memory_space<vmem>>
      %dma_start3A_158 = tpu.memref_slice %arg2[%add3A_4] : memref<20480xi32, #tpu.memory_space<hbm>> -> memref<128xi32, #tpu.memory_space<hbm>>
      tpu.enqueue_dma source(%dma_start3A_158 : memref<128xi32, #tpu.memory_space<hbm>>) target(%dma_start3A_157 : memref<128xi32, #tpu.memory_space<vmem>>) target_semaphore(%run_scoped3A_150 : memref<!tpu.dma_semaphore, #tpu.memory_space<semaphore_mem>>)
      %dma_wait3A_159 = arith.constant 0 : i32
      %dma_wait3A_160 = tpu.memref_slice %arg5[%run_scoped3A, %dma_wait3A_159] : memref<5x128xi32, #tpu.memory_space<vmem>> -> memref<1x128xi32, #tpu.memory_space<vmem>>
      %dma_wait3A_161 = tpu.memref_squeeze %dma_wait3A_160 : memref<1x128xi32, #tpu.memory_space<vmem>> -> memref<128xi32, #tpu.memory_space<vmem>>
      %dma_wait3A_162 = tpu.memref_slice %arg2[%add3A_4] : memref<20480xi32, #tpu.memory_space<hbm>> -> memref<128xi32, #tpu.memory_space<hbm>>
      %dma_wait3A_163 = arith.constant 0 : i32
      %dma_wait3A_164 = tpu.memref_slice %arg5[%run_scoped3A, %dma_wait3A_163] : memref<5x128xi32, #tpu.memory_space<vmem>> -> memref<1x128xi32, #tpu.memory_space<vmem>>
      %dma_wait3A_165 = tpu.memref_squeeze %dma_wait3A_164 : memref<1x128xi32, #tpu.memory_space<vmem>> -> memref<128xi32, #tpu.memory_space<vmem>>
      %dma_wait3A_166 = tpu.memref_slice %arg2[%add3A_4] : memref<20480xi32, #tpu.memory_space<hbm>> -> memref<128xi32, #tpu.memory_space<hbm>>
      tpu.wait_dma2 semaphore(%run_scoped3A_150 : memref<!tpu.dma_semaphore, #tpu.memory_space<semaphore_mem>>) src(%dma_wait3A_166 : memref<128xi32, #tpu.memory_space<hbm>>) dst(%dma_wait3A_165 : memref<128xi32, #tpu.memory_space<vmem>>)
      tpu.yield
    }) : () -> ()
    %add3A_5 = arith.constant 4096 : i32
    %add3A_6 = arith.addi %add3A_5, %mul3A_2 : i32
    %run_scoped3A_7 = arith.constant 1 : i32
    "tpu.region"() ({
      %run_scoped3A_150 = tpu.sem_alloc : memref<!tpu.dma_semaphore, #tpu.memory_space<semaphore_mem>>
      %dma_start3A_151 = arith.constant 0 : i32
      %dma_start3A_152 = tpu.memref_slice %arg5[%run_scoped3A_7, %dma_start3A_151] : memref<5x128xi32, #tpu.memory_space<vmem>> -> memref<1x128xi32, #tpu.memory_space<vmem>>
      %dma_start3A_153 = tpu.memref_squeeze %dma_start3A_152 : memref<1x128xi32, #tpu.memory_space<vmem>> -> memref<128xi32, #tpu.memory_space<vmem>>
      %dma_start3A_154 = tpu.memref_slice %arg2[%add3A_6] : memref<20480xi32, #tpu.memory_space<hbm>> -> memref<128xi32, #tpu.memory_space<hbm>>
      %dma_start3A_155 = arith.constant 0 : i32
      %dma_start3A_156 = tpu.memref_slice %arg5[%run_scoped3A_7, %dma_start3A_155] : memref<5x128xi32, #tpu.memory_space<vmem>> -> memref<1x128xi32, #tpu.memory_space<vmem>>
      %dma_start3A_157 = tpu.memref_squeeze %dma_start3A_156 : memref<1x128xi32, #tpu.memory_space<vmem>> -> memref<128xi32, #tpu.memory_space<vmem>>
      %dma_start3A_158 = tpu.memref_slice %arg2[%add3A_6] : memref<20480xi32, #tpu.memory_space<hbm>> -> memref<128xi32, #tpu.memory_space<hbm>>
      tpu.enqueue_dma source(%dma_start3A_158 : memref<128xi32, #tpu.memory_space<hbm>>) target(%dma_start3A_157 : memref<128xi32, #tpu.memory_space<vmem>>) target_semaphore(%run_scoped3A_150 : memref<!tpu.dma_semaphore, #tpu.memory_space<semaphore_mem>>)
      %dma_wait3A_159 = arith.constant 0 : i32
      %dma_wait3A_160 = tpu.memref_slice %arg5[%run_scoped3A_7, %dma_wait3A_159] : memref<5x128xi32, #tpu.memory_space<vmem>> -> memref<1x128xi32, #tpu.memory_space<vmem>>
      %dma_wait3A_161 = tpu.memref_squeeze %dma_wait3A_160 : memref<1x128xi32, #tpu.memory_space<vmem>> -> memref<128xi32, #tpu.memory_space<vmem>>
      %dma_wait3A_162 = tpu.memref_slice %arg2[%add3A_6] : memref<20480xi32, #tpu.memory_space<hbm>> -> memref<128xi32, #tpu.memory_space<hbm>>
      %dma_wait3A_163 = arith.constant 0 : i32
      %dma_wait3A_164 = tpu.memref_slice %arg5[%run_scoped3A_7, %dma_wait3A_163] : memref<5x128xi32, #tpu.memory_space<vmem>> -> memref<1x128xi32, #tpu.memory_space<vmem>>
      %dma_wait3A_165 = tpu.memref_squeeze %dma_wait3A_164 : memref<1x128xi32, #tpu.memory_space<vmem>> -> memref<128xi32, #tpu.memory_space<vmem>>
      %dma_wait3A_166 = tpu.memref_slice %arg2[%add3A_6] : memref<20480xi32, #tpu.memory_space<hbm>> -> memref<128xi32, #tpu.memory_space<hbm>>
      tpu.wait_dma2 semaphore(%run_scoped3A_150 : memref<!tpu.dma_semaphore, #tpu.memory_space<semaphore_mem>>) src(%dma_wait3A_166 : memref<128xi32, #tpu.memory_space<hbm>>) dst(%dma_wait3A_165 : memref<128xi32, #tpu.memory_space<vmem>>)
      tpu.yield
    }) : () -> ()
    %add3A_8 = arith.constant 8192 : i32
    %add3A_9 = arith.addi %add3A_8, %mul3A_2 : i32
    %run_scoped3A_10 = arith.constant 2 : i32
    "tpu.region"() ({
      %run_scoped3A_150 = tpu.sem_alloc : memref<!tpu.dma_semaphore, #tpu.memory_space<semaphore_mem>>
      %dma_start3A_151 = arith.constant 0 : i32
      %dma_start3A_152 = tpu.memref_slice %arg5[%run_scoped3A_10, %dma_start3A_151] : memref<5x128xi32, #tpu.memory_space<vmem>> -> memref<1x128xi32, #tpu.memory_space<vmem>>
      %dma_start3A_153 = tpu.memref_squeeze %dma_start3A_152 : memref<1x128xi32, #tpu.memory_space<vmem>> -> memref<128xi32, #tpu.memory_space<vmem>>
      %dma_start3A_154 = tpu.memref_slice %arg2[%add3A_9] : memref<20480xi32, #tpu.memory_space<hbm>> -> memref<128xi32, #tpu.memory_space<hbm>>
      %dma_start3A_155 = arith.constant 0 : i32
      %dma_start3A_156 = tpu.memref_slice %arg5[%run_scoped3A_10, %dma_start3A_155] : memref<5x128xi32, #tpu.memory_space<vmem>> -> memref<1x128xi32, #tpu.memory_space<vmem>>
      %dma_start3A_157 = tpu.memref_squeeze %dma_start3A_156 : memref<1x128xi32, #tpu.memory_space<vmem>> -> memref<128xi32, #tpu.memory_space<vmem>>
      %dma_start3A_158 = tpu.memref_slice %arg2[%add3A_9] : memref<20480xi32, #tpu.memory_space<hbm>> -> memref<128xi32, #tpu.memory_space<hbm>>
      tpu.enqueue_dma source(%dma_start3A_158 : memref<128xi32, #tpu.memory_space<hbm>>) target(%dma_start3A_157 : memref<128xi32, #tpu.memory_space<vmem>>) target_semaphore(%run_scoped3A_150 : memref<!tpu.dma_semaphore, #tpu.memory_space<semaphore_mem>>)
      %dma_wait3A_159 = arith.constant 0 : i32
      %dma_wait3A_160 = tpu.memref_slice %arg5[%run_scoped3A_10, %dma_wait3A_159] : memref<5x128xi32, #tpu.memory_space<vmem>> -> memref<1x128xi32, #tpu.memory_space<vmem>>
      %dma_wait3A_161 = tpu.memref_squeeze %dma_wait3A_160 : memref<1x128xi32, #tpu.memory_space<vmem>> -> memref<128xi32, #tpu.memory_space<vmem>>
      %dma_wait3A_162 = tpu.memref_slice %arg2[%add3A_9] : memref<20480xi32, #tpu.memory_space<hbm>> -> memref<128xi32, #tpu.memory_space<hbm>>
      %dma_wait3A_163 = arith.constant 0 : i32
      %dma_wait3A_164 = tpu.memref_slice %arg5[%run_scoped3A_10, %dma_wait3A_163] : memref<5x128xi32, #tpu.memory_space<vmem>> -> memref<1x128xi32, #tpu.memory_space<vmem>>
      %dma_wait3A_165 = tpu.memref_squeeze %dma_wait3A_164 : memref<1x128xi32, #tpu.memory_space<vmem>> -> memref<128xi32, #tpu.memory_space<vmem>>
      %dma_wait3A_166 = tpu.memref_slice %arg2[%add3A_9] : memref<20480xi32, #tpu.memory_space<hbm>> -> memref<128xi32, #tpu.memory_space<hbm>>
      tpu.wait_dma2 semaphore(%run_scoped3A_150 : memref<!tpu.dma_semaphore, #tpu.memory_space<semaphore_mem>>) src(%dma_wait3A_166 : memref<128xi32, #tpu.memory_space<hbm>>) dst(%dma_wait3A_165 : memref<128xi32, #tpu.memory_space<vmem>>)
      tpu.yield
    }) : () -> ()
    %add3A_11 = arith.constant 12288 : i32
    %add3A_12 = arith.addi %add3A_11, %mul3A_2 : i32
    %run_scoped3A_13 = arith.constant 3 : i32
    "tpu.region"() ({
      %run_scoped3A_150 = tpu.sem_alloc : memref<!tpu.dma_semaphore, #tpu.memory_space<semaphore_mem>>
      %dma_start3A_151 = arith.constant 0 : i32
      %dma_start3A_152 = tpu.memref_slice %arg5[%run_scoped3A_13, %dma_start3A_151] : memref<5x128xi32, #tpu.memory_space<vmem>> -> memref<1x128xi32, #tpu.memory_space<vmem>>
      %dma_start3A_153 = tpu.memref_squeeze %dma_start3A_152 : memref<1x128xi32, #tpu.memory_space<vmem>> -> memref<128xi32, #tpu.memory_space<vmem>>
      %dma_start3A_154 = tpu.memref_slice %arg2[%add3A_12] : memref<20480xi32, #tpu.memory_space<hbm>> -> memref<128xi32, #tpu.memory_space<hbm>>
      %dma_start3A_155 = arith.constant 0 : i32
      %dma_start3A_156 = tpu.memref_slice %arg5[%run_scoped3A_13, %dma_start3A_155] : memref<5x128xi32, #tpu.memory_space<vmem>> -> memref<1x128xi32, #tpu.memory_space<vmem>>
      %dma_start3A_157 = tpu.memref_squeeze %dma_start3A_156 : memref<1x128xi32, #tpu.memory_space<vmem>> -> memref<128xi32, #tpu.memory_space<vmem>>
      %dma_start3A_158 = tpu.memref_slice %arg2[%add3A_12] : memref<20480xi32, #tpu.memory_space<hbm>> -> memref<128xi32, #tpu.memory_space<hbm>>
      tpu.enqueue_dma source(%dma_start3A_158 : memref<128xi32, #tpu.memory_space<hbm>>) target(%dma_start3A_157 : memref<128xi32, #tpu.memory_space<vmem>>) target_semaphore(%run_scoped3A_150 : memref<!tpu.dma_semaphore, #tpu.memory_space<semaphore_mem>>)
      %dma_wait3A_159 = arith.constant 0 : i32
      %dma_wait3A_160 = tpu.memref_slice %arg5[%run_scoped3A_13, %dma_wait3A_159] : memref<5x128xi32, #tpu.memory_space<vmem>> -> memref<1x128xi32, #tpu.memory_space<vmem>>
      %dma_wait3A_161 = tpu.memref_squeeze %dma_wait3A_160 : memref<1x128xi32, #tpu.memory_space<vmem>> -> memref<128xi32, #tpu.memory_space<vmem>>
      %dma_wait3A_162 = tpu.memref_slice %arg2[%add3A_12] : memref<20480xi32, #tpu.memory_space<hbm>> -> memref<128xi32, #tpu.memory_space<hbm>>
      %dma_wait3A_163 = arith.constant 0 : i32
      %dma_wait3A_164 = tpu.memref_slice %arg5[%run_scoped3A_13, %dma_wait3A_163] : memref<5x128xi32, #tpu.memory_space<vmem>> -> memref<1x128xi32, #tpu.memory_space<vmem>>
      %dma_wait3A_165 = tpu.memref_squeeze %dma_wait3A_164 : memref<1x128xi32, #tpu.memory_space<vmem>> -> memref<128xi32, #tpu.memory_space<vmem>>
      %dma_wait3A_166 = tpu.memref_slice %arg2[%add3A_12] : memref<20480xi32, #tpu.memory_space<hbm>> -> memref<128xi32, #tpu.memory_space<hbm>>
      tpu.wait_dma2 semaphore(%run_scoped3A_150 : memref<!tpu.dma_semaphore, #tpu.memory_space<semaphore_mem>>) src(%dma_wait3A_166 : memref<128xi32, #tpu.memory_space<hbm>>) dst(%dma_wait3A_165 : memref<128xi32, #tpu.memory_space<vmem>>)
      tpu.yield
    }) : () -> ()
    %add3A_14 = arith.constant 16384 : i32
    %add3A_15 = arith.addi %add3A_14, %mul3A_2 : i32
    %run_scoped3A_16 = arith.constant 4 : i32
    "tpu.region"() ({
      %run_scoped3A_150 = tpu.sem_alloc : memref<!tpu.dma_semaphore, #tpu.memory_space<semaphore_mem>>
      %dma_start3A_151 = arith.constant 0 : i32
      %dma_start3A_152 = tpu.memref_slice %arg5[%run_scoped3A_16, %dma_start3A_151] : memref<5x128xi32, #tpu.memory_space<vmem>> -> memref<1x128xi32, #tpu.memory_space<vmem>>
      %dma_start3A_153 = tpu.memref_squeeze %dma_start3A_152 : memref<1x128xi32, #tpu.memory_space<vmem>> -> memref<128xi32, #tpu.memory_space<vmem>>
      %dma_start3A_154 = tpu.memref_slice %arg2[%add3A_15] : memref<20480xi32, #tpu.memory_space<hbm>> -> memref<128xi32, #tpu.memory_space<hbm>>
      %dma_start3A_155 = arith.constant 0 : i32
      %dma_start3A_156 = tpu.memref_slice %arg5[%run_scoped3A_16, %dma_start3A_155] : memref<5x128xi32, #tpu.memory_space<vmem>> -> memref<1x128xi32, #tpu.memory_space<vmem>>
      %dma_start3A_157 = tpu.memref_squeeze %dma_start3A_156 : memref<1x128xi32, #tpu.memory_space<vmem>> -> memref<128xi32, #tpu.memory_space<vmem>>
      %dma_start3A_158 = tpu.memref_slice %arg2[%add3A_15] : memref<20480xi32, #tpu.memory_space<hbm>> -> memref<128xi32, #tpu.memory_space<hbm>>
      tpu.enqueue_dma source(%dma_start3A_158 : memref<128xi32, #tpu.memory_space<hbm>>) target(%dma_start3A_157 : memref<128xi32, #tpu.memory_space<vmem>>) target_semaphore(%run_scoped3A_150 : memref<!tpu.dma_semaphore, #tpu.memory_space<semaphore_mem>>)
      %dma_wait3A_159 = arith.constant 0 : i32
      %dma_wait3A_160 = tpu.memref_slice %arg5[%run_scoped3A_16, %dma_wait3A_159] : memref<5x128xi32, #tpu.memory_space<vmem>> -> memref<1x128xi32, #tpu.memory_space<vmem>>
      %dma_wait3A_161 = tpu.memref_squeeze %dma_wait3A_160 : memref<1x128xi32, #tpu.memory_space<vmem>> -> memref<128xi32, #tpu.memory_space<vmem>>
      %dma_wait3A_162 = tpu.memref_slice %arg2[%add3A_15] : memref<20480xi32, #tpu.memory_space<hbm>> -> memref<128xi32, #tpu.memory_space<hbm>>
      %dma_wait3A_163 = arith.constant 0 : i32
      %dma_wait3A_164 = tpu.memref_slice %arg5[%run_scoped3A_16, %dma_wait3A_163] : memref<5x128xi32, #tpu.memory_space<vmem>> -> memref<1x128xi32, #tpu.memory_space<vmem>>
      %dma_wait3A_165 = tpu.memref_squeeze %dma_wait3A_164 : memref<1x128xi32, #tpu.memory_space<vmem>> -> memref<128xi32, #tpu.memory_space<vmem>>
      %dma_wait3A_166 = tpu.memref_slice %arg2[%add3A_15] : memref<20480xi32, #tpu.memory_space<hbm>> -> memref<128xi32, #tpu.memory_space<hbm>>
      tpu.wait_dma2 semaphore(%run_scoped3A_150 : memref<!tpu.dma_semaphore, #tpu.memory_space<semaphore_mem>>) src(%dma_wait3A_166 : memref<128xi32, #tpu.memory_space<hbm>>) dst(%dma_wait3A_165 : memref<128xi32, #tpu.memory_space<vmem>>)
      tpu.yield
    }) : () -> ()
    %dma_start3A = arith.constant 0 : i32
    %dma_start3A_17 = arith.constant 0 : i32
    %dma_start3A_18 = arith.constant 0 : i32
    %dma_start3A_19 = arith.constant 0 : i32
    %dma_start3A_20 = tpu.memref_slice %arg6[%dma_start3A_17, %dma_start3A_18, %dma_start3A_19] : memref<5x128x128xf32, #tpu.memory_space<vmem>> -> memref<1x128x128xf32, #tpu.memory_space<vmem>>
    %dma_start3A_21 = tpu.memref_squeeze %dma_start3A_20 : memref<1x128x128xf32, #tpu.memory_space<vmem>> -> memref<128x128xf32, #tpu.memory_space<vmem>>
    %dma_start3A_22 = arith.constant 0 : i32
    %dma_start3A_23 = tpu.memref_slice %arg5[%dma_start3A, %dma_start3A_22] : memref<5x128xi32, #tpu.memory_space<vmem>> -> memref<1x128xi32, #tpu.memory_space<vmem>>
    %dma_start3A_24 = tpu.memref_squeeze %dma_start3A_23 : memref<1x128xi32, #tpu.memory_space<vmem>> -> memref<128xi32, #tpu.memory_space<vmem>>
    %dma_start3A_25 = arith.constant 0 : i32
    %dma_start3A_26 = arith.constant 0 : i32
    %dma_start3A_27 = tpu.memref_slice %arg3[%dma_start3A_25, %dma_start3A_26] : memref<4096x128xf32, #tpu.memory_space<hbm>> -> memref<4096x128xf32, #tpu.memory_space<hbm>>
    tpu.enqueue_indirect_dma source(%dma_start3A_27 : memref<4096x128xf32, #tpu.memory_space<hbm>>) target(%dma_start3A_21 : memref<128x128xf32, #tpu.memory_space<vmem>>) offsets(%dma_start3A_24 : memref<128xi32, #tpu.memory_space<vmem>>) semaphore(%arg7 : memref<!tpu.dma_semaphore, #tpu.memory_space<semaphore_mem>>)
    %dma_start3A_28 = arith.constant 1 : i32
    %dma_start3A_29 = arith.constant 1 : i32
    %dma_start3A_30 = arith.constant 0 : i32
    %dma_start3A_31 = arith.constant 0 : i32
    %dma_start3A_32 = tpu.memref_slice %arg6[%dma_start3A_29, %dma_start3A_30, %dma_start3A_31] : memref<5x128x128xf32, #tpu.memory_space<vmem>> -> memref<1x128x128xf32, #tpu.memory_space<vmem>>
    %dma_start3A_33 = tpu.memref_squeeze %dma_start3A_32 : memref<1x128x128xf32, #tpu.memory_space<vmem>> -> memref<128x128xf32, #tpu.memory_space<vmem>>
    %dma_start3A_34 = arith.constant 0 : i32
    %dma_start3A_35 = tpu.memref_slice %arg5[%dma_start3A_28, %dma_start3A_34] : memref<5x128xi32, #tpu.memory_space<vmem>> -> memref<1x128xi32, #tpu.memory_space<vmem>>
    %dma_start3A_36 = tpu.memref_squeeze %dma_start3A_35 : memref<1x128xi32, #tpu.memory_space<vmem>> -> memref<128xi32, #tpu.memory_space<vmem>>
    %dma_start3A_37 = arith.constant 0 : i32
    %dma_start3A_38 = arith.constant 0 : i32
    %dma_start3A_39 = tpu.memref_slice %arg3[%dma_start3A_37, %dma_start3A_38] : memref<4096x128xf32, #tpu.memory_space<hbm>> -> memref<4096x128xf32, #tpu.memory_space<hbm>>
    tpu.enqueue_indirect_dma source(%dma_start3A_39 : memref<4096x128xf32, #tpu.memory_space<hbm>>) target(%dma_start3A_33 : memref<128x128xf32, #tpu.memory_space<vmem>>) offsets(%dma_start3A_36 : memref<128xi32, #tpu.memory_space<vmem>>) semaphore(%arg7 : memref<!tpu.dma_semaphore, #tpu.memory_space<semaphore_mem>>)
    %dma_start3A_40 = arith.constant 2 : i32
    %dma_start3A_41 = arith.constant 2 : i32
    %dma_start3A_42 = arith.constant 0 : i32
    %dma_start3A_43 = arith.constant 0 : i32
    %dma_start3A_44 = tpu.memref_slice %arg6[%dma_start3A_41, %dma_start3A_42, %dma_start3A_43] : memref<5x128x128xf32, #tpu.memory_space<vmem>> -> memref<1x128x128xf32, #tpu.memory_space<vmem>>
    %dma_start3A_45 = tpu.memref_squeeze %dma_start3A_44 : memref<1x128x128xf32, #tpu.memory_space<vmem>> -> memref<128x128xf32, #tpu.memory_space<vmem>>
    %dma_start3A_46 = arith.constant 0 : i32
    %dma_start3A_47 = tpu.memref_slice %arg5[%dma_start3A_40, %dma_start3A_46] : memref<5x128xi32, #tpu.memory_space<vmem>> -> memref<1x128xi32, #tpu.memory_space<vmem>>
    %dma_start3A_48 = tpu.memref_squeeze %dma_start3A_47 : memref<1x128xi32, #tpu.memory_space<vmem>> -> memref<128xi32, #tpu.memory_space<vmem>>
    %dma_start3A_49 = arith.constant 0 : i32
    %dma_start3A_50 = arith.constant 0 : i32
    %dma_start3A_51 = tpu.memref_slice %arg3[%dma_start3A_49, %dma_start3A_50] : memref<4096x128xf32, #tpu.memory_space<hbm>> -> memref<4096x128xf32, #tpu.memory_space<hbm>>
    tpu.enqueue_indirect_dma source(%dma_start3A_51 : memref<4096x128xf32, #tpu.memory_space<hbm>>) target(%dma_start3A_45 : memref<128x128xf32, #tpu.memory_space<vmem>>) offsets(%dma_start3A_48 : memref<128xi32, #tpu.memory_space<vmem>>) semaphore(%arg7 : memref<!tpu.dma_semaphore, #tpu.memory_space<semaphore_mem>>)
    %dma_start3A_52 = arith.constant 3 : i32
    %dma_start3A_53 = arith.constant 3 : i32
    %dma_start3A_54 = arith.constant 0 : i32
    %dma_start3A_55 = arith.constant 0 : i32
    %dma_start3A_56 = tpu.memref_slice %arg6[%dma_start3A_53, %dma_start3A_54, %dma_start3A_55] : memref<5x128x128xf32, #tpu.memory_space<vmem>> -> memref<1x128x128xf32, #tpu.memory_space<vmem>>
    %dma_start3A_57 = tpu.memref_squeeze %dma_start3A_56 : memref<1x128x128xf32, #tpu.memory_space<vmem>> -> memref<128x128xf32, #tpu.memory_space<vmem>>
    %dma_start3A_58 = arith.constant 0 : i32
    %dma_start3A_59 = tpu.memref_slice %arg5[%dma_start3A_52, %dma_start3A_58] : memref<5x128xi32, #tpu.memory_space<vmem>> -> memref<1x128xi32, #tpu.memory_space<vmem>>
    %dma_start3A_60 = tpu.memref_squeeze %dma_start3A_59 : memref<1x128xi32, #tpu.memory_space<vmem>> -> memref<128xi32, #tpu.memory_space<vmem>>
    %dma_start3A_61 = arith.constant 0 : i32
    %dma_start3A_62 = arith.constant 0 : i32
    %dma_start3A_63 = tpu.memref_slice %arg3[%dma_start3A_61, %dma_start3A_62] : memref<4096x128xf32, #tpu.memory_space<hbm>> -> memref<4096x128xf32, #tpu.memory_space<hbm>>
    tpu.enqueue_indirect_dma source(%dma_start3A_63 : memref<4096x128xf32, #tpu.memory_space<hbm>>) target(%dma_start3A_57 : memref<128x128xf32, #tpu.memory_space<vmem>>) offsets(%dma_start3A_60 : memref<128xi32, #tpu.memory_space<vmem>>) semaphore(%arg7 : memref<!tpu.dma_semaphore, #tpu.memory_space<semaphore_mem>>)
    %dma_start3A_64 = arith.constant 4 : i32
    %dma_start3A_65 = arith.constant 4 : i32
    %dma_start3A_66 = arith.constant 0 : i32
    %dma_start3A_67 = arith.constant 0 : i32
    %dma_start3A_68 = tpu.memref_slice %arg6[%dma_start3A_65, %dma_start3A_66, %dma_start3A_67] : memref<5x128x128xf32, #tpu.memory_space<vmem>> -> memref<1x128x128xf32, #tpu.memory_space<vmem>>
    %dma_start3A_69 = tpu.memref_squeeze %dma_start3A_68 : memref<1x128x128xf32, #tpu.memory_space<vmem>> -> memref<128x128xf32, #tpu.memory_space<vmem>>
    %dma_start3A_70 = arith.constant 0 : i32
    %dma_start3A_71 = tpu.memref_slice %arg5[%dma_start3A_64, %dma_start3A_70] : memref<5x128xi32, #tpu.memory_space<vmem>> -> memref<1x128xi32, #tpu.memory_space<vmem>>
    %dma_start3A_72 = tpu.memref_squeeze %dma_start3A_71 : memref<1x128xi32, #tpu.memory_space<vmem>> -> memref<128xi32, #tpu.memory_space<vmem>>
    %dma_start3A_73 = arith.constant 0 : i32
    %dma_start3A_74 = arith.constant 0 : i32
    %dma_start3A_75 = tpu.memref_slice %arg3[%dma_start3A_73, %dma_start3A_74] : memref<4096x128xf32, #tpu.memory_space<hbm>> -> memref<4096x128xf32, #tpu.memory_space<hbm>>
    tpu.enqueue_indirect_dma source(%dma_start3A_75 : memref<4096x128xf32, #tpu.memory_space<hbm>>) target(%dma_start3A_69 : memref<128x128xf32, #tpu.memory_space<vmem>>) offsets(%dma_start3A_72 : memref<128xi32, #tpu.memory_space<vmem>>) semaphore(%arg7 : memref<!tpu.dma_semaphore, #tpu.memory_space<semaphore_mem>>)
    %dma_wait3A = arith.constant 0 : i32
    %dma_wait3A_76 = arith.constant 0 : i32
    %dma_wait3A_77 = arith.constant 0 : i32
    %dma_wait3A_78 = arith.constant 0 : i32
    %dma_wait3A_79 = tpu.memref_slice %arg6[%dma_wait3A_76, %dma_wait3A_77, %dma_wait3A_78] : memref<5x128x128xf32, #tpu.memory_space<vmem>> -> memref<1x128x128xf32, #tpu.memory_space<vmem>>
    %dma_wait3A_80 = tpu.memref_squeeze %dma_wait3A_79 : memref<1x128x128xf32, #tpu.memory_space<vmem>> -> memref<128x128xf32, #tpu.memory_space<vmem>>
    %dma_wait3A_81 = arith.constant 0 : i32
    %dma_wait3A_82 = tpu.memref_slice %arg5[%dma_wait3A, %dma_wait3A_81] : memref<5x128xi32, #tpu.memory_space<vmem>> -> memref<1x128xi32, #tpu.memory_space<vmem>>
    %dma_wait3A_83 = tpu.memref_squeeze %dma_wait3A_82 : memref<1x128xi32, #tpu.memory_space<vmem>> -> memref<128xi32, #tpu.memory_space<vmem>>
    %dma_wait3A_84 = arith.constant 0 : i32
    %dma_wait3A_85 = arith.constant 0 : i32
    %dma_wait3A_86 = tpu.memref_slice %arg3[%dma_wait3A_84, %dma_wait3A_85] : memref<4096x128xf32, #tpu.memory_space<hbm>> -> memref<4096x128xf32, #tpu.memory_space<hbm>>
    tpu.wait_indirect_dma semaphore(%arg7 : memref<!tpu.dma_semaphore, #tpu.memory_space<semaphore_mem>>) src(%dma_wait3A_86 : memref<4096x128xf32, #tpu.memory_space<hbm>>) dst(%dma_wait3A_80 : memref<128x128xf32, #tpu.memory_space<vmem>>)
    %dma_wait3A_87 = arith.constant 1 : i32
    %dma_wait3A_88 = arith.constant 1 : i32
    %dma_wait3A_89 = arith.constant 0 : i32
    %dma_wait3A_90 = arith.constant 0 : i32
    %dma_wait3A_91 = tpu.memref_slice %arg6[%dma_wait3A_88, %dma_wait3A_89, %dma_wait3A_90] : memref<5x128x128xf32, #tpu.memory_space<vmem>> -> memref<1x128x128xf32, #tpu.memory_space<vmem>>
    %dma_wait3A_92 = tpu.memref_squeeze %dma_wait3A_91 : memref<1x128x128xf32, #tpu.memory_space<vmem>> -> memref<128x128xf32, #tpu.memory_space<vmem>>
    %dma_wait3A_93 = arith.constant 0 : i32
    %dma_wait3A_94 = tpu.memref_slice %arg5[%dma_wait3A_87, %dma_wait3A_93] : memref<5x128xi32, #tpu.memory_space<vmem>> -> memref<1x128xi32, #tpu.memory_space<vmem>>
    %dma_wait3A_95 = tpu.memref_squeeze %dma_wait3A_94 : memref<1x128xi32, #tpu.memory_space<vmem>> -> memref<128xi32, #tpu.memory_space<vmem>>
    %dma_wait3A_96 = arith.constant 0 : i32
    %dma_wait3A_97 = arith.constant 0 : i32
    %dma_wait3A_98 = tpu.memref_slice %arg3[%dma_wait3A_96, %dma_wait3A_97] : memref<4096x128xf32, #tpu.memory_space<hbm>> -> memref<4096x128xf32, #tpu.memory_space<hbm>>
    tpu.wait_indirect_dma semaphore(%arg7 : memref<!tpu.dma_semaphore, #tpu.memory_space<semaphore_mem>>) src(%dma_wait3A_98 : memref<4096x128xf32, #tpu.memory_space<hbm>>) dst(%dma_wait3A_92 : memref<128x128xf32, #tpu.memory_space<vmem>>)
    %dma_wait3A_99 = arith.constant 2 : i32
    %dma_wait3A_100 = arith.constant 2 : i32
    %dma_wait3A_101 = arith.constant 0 : i32
    %dma_wait3A_102 = arith.constant 0 : i32
    %dma_wait3A_103 = tpu.memref_slice %arg6[%dma_wait3A_100, %dma_wait3A_101, %dma_wait3A_102] : memref<5x128x128xf32, #tpu.memory_space<vmem>> -> memref<1x128x128xf32, #tpu.memory_space<vmem>>
    %dma_wait3A_104 = tpu.memref_squeeze %dma_wait3A_103 : memref<1x128x128xf32, #tpu.memory_space<vmem>> -> memref<128x128xf32, #tpu.memory_space<vmem>>
    %dma_wait3A_105 = arith.constant 0 : i32
    %dma_wait3A_106 = tpu.memref_slice %arg5[%dma_wait3A_99, %dma_wait3A_105] : memref<5x128xi32, #tpu.memory_space<vmem>> -> memref<1x128xi32, #tpu.memory_space<vmem>>
    %dma_wait3A_107 = tpu.memref_squeeze %dma_wait3A_106 : memref<1x128xi32, #tpu.memory_space<vmem>> -> memref<128xi32, #tpu.memory_space<vmem>>
    %dma_wait3A_108 = arith.constant 0 : i32
    %dma_wait3A_109 = arith.constant 0 : i32
    %dma_wait3A_110 = tpu.memref_slice %arg3[%dma_wait3A_108, %dma_wait3A_109] : memref<4096x128xf32, #tpu.memory_space<hbm>> -> memref<4096x128xf32, #tpu.memory_space<hbm>>
    tpu.wait_indirect_dma semaphore(%arg7 : memref<!tpu.dma_semaphore, #tpu.memory_space<semaphore_mem>>) src(%dma_wait3A_110 : memref<4096x128xf32, #tpu.memory_space<hbm>>) dst(%dma_wait3A_104 : memref<128x128xf32, #tpu.memory_space<vmem>>)
    %dma_wait3A_111 = arith.constant 3 : i32
    %dma_wait3A_112 = arith.constant 3 : i32
    %dma_wait3A_113 = arith.constant 0 : i32
    %dma_wait3A_114 = arith.constant 0 : i32
    %dma_wait3A_115 = tpu.memref_slice %arg6[%dma_wait3A_112, %dma_wait3A_113, %dma_wait3A_114] : memref<5x128x128xf32, #tpu.memory_space<vmem>> -> memref<1x128x128xf32, #tpu.memory_space<vmem>>
    %dma_wait3A_116 = tpu.memref_squeeze %dma_wait3A_115 : memref<1x128x128xf32, #tpu.memory_space<vmem>> -> memref<128x128xf32, #tpu.memory_space<vmem>>
    %dma_wait3A_117 = arith.constant 0 : i32
    %dma_wait3A_118 = tpu.memref_slice %arg5[%dma_wait3A_111, %dma_wait3A_117] : memref<5x128xi32, #tpu.memory_space<vmem>> -> memref<1x128xi32, #tpu.memory_space<vmem>>
    %dma_wait3A_119 = tpu.memref_squeeze %dma_wait3A_118 : memref<1x128xi32, #tpu.memory_space<vmem>> -> memref<128xi32, #tpu.memory_space<vmem>>
    %dma_wait3A_120 = arith.constant 0 : i32
    %dma_wait3A_121 = arith.constant 0 : i32
    %dma_wait3A_122 = tpu.memref_slice %arg3[%dma_wait3A_120, %dma_wait3A_121] : memref<4096x128xf32, #tpu.memory_space<hbm>> -> memref<4096x128xf32, #tpu.memory_space<hbm>>
    tpu.wait_indirect_dma semaphore(%arg7 : memref<!tpu.dma_semaphore, #tpu.memory_space<semaphore_mem>>) src(%dma_wait3A_122 : memref<4096x128xf32, #tpu.memory_space<hbm>>) dst(%dma_wait3A_116 : memref<128x128xf32, #tpu.memory_space<vmem>>)
    %dma_wait3A_123 = arith.constant 4 : i32
    %dma_wait3A_124 = arith.constant 4 : i32
    %dma_wait3A_125 = arith.constant 0 : i32
    %dma_wait3A_126 = arith.constant 0 : i32
    %dma_wait3A_127 = tpu.memref_slice %arg6[%dma_wait3A_124, %dma_wait3A_125, %dma_wait3A_126] : memref<5x128x128xf32, #tpu.memory_space<vmem>> -> memref<1x128x128xf32, #tpu.memory_space<vmem>>
    %dma_wait3A_128 = tpu.memref_squeeze %dma_wait3A_127 : memref<1x128x128xf32, #tpu.memory_space<vmem>> -> memref<128x128xf32, #tpu.memory_space<vmem>>
    %dma_wait3A_129 = arith.constant 0 : i32
    %dma_wait3A_130 = tpu.memref_slice %arg5[%dma_wait3A_123, %dma_wait3A_129] : memref<5x128xi32, #tpu.memory_space<vmem>> -> memref<1x128xi32, #tpu.memory_space<vmem>>
    %dma_wait3A_131 = tpu.memref_squeeze %dma_wait3A_130 : memref<1x128xi32, #tpu.memory_space<vmem>> -> memref<128xi32, #tpu.memory_space<vmem>>
    %dma_wait3A_132 = arith.constant 0 : i32
    %dma_wait3A_133 = arith.constant 0 : i32
    %dma_wait3A_134 = tpu.memref_slice %arg3[%dma_wait3A_132, %dma_wait3A_133] : memref<4096x128xf32, #tpu.memory_space<hbm>> -> memref<4096x128xf32, #tpu.memory_space<hbm>>
    tpu.wait_indirect_dma semaphore(%arg7 : memref<!tpu.dma_semaphore, #tpu.memory_space<semaphore_mem>>) src(%dma_wait3A_134 : memref<4096x128xf32, #tpu.memory_space<hbm>>) dst(%dma_wait3A_128 : memref<128x128xf32, #tpu.memory_space<vmem>>)
    %add3A_135 = arith.constant 0 : i32
    %add3A_136 = arith.addi %add3A_135, %mul3A_2 : i32
    %run_scoped3A_137 = arith.constant 0 : i32
    "tpu.region"() ({
      %run_scoped3A_150 = tpu.sem_alloc : memref<!tpu.dma_semaphore, #tpu.memory_space<semaphore_mem>>
      %dma_start3A_151 = arith.constant 0 : i32
      %dma_start3A_152 = arith.constant 0 : i32
      %dma_start3A_153 = tpu.memref_slice %arg6[%run_scoped3A_137, %dma_start3A_151, %dma_start3A_152] : memref<5x128x128xf32, #tpu.memory_space<vmem>> -> memref<1x128x128xf32, #tpu.memory_space<vmem>>
      %dma_start3A_154 = tpu.memref_squeeze %dma_start3A_153 : memref<1x128x128xf32, #tpu.memory_space<vmem>> -> memref<128x128xf32, #tpu.memory_space<vmem>>
      %dma_start3A_155 = arith.constant 0 : i32
      %dma_start3A_156 = tpu.memref_slice %arg4[%add3A_136, %dma_start3A_155] : memref<20480x128xf32, #tpu.memory_space<hbm>> -> memref<128x128xf32, #tpu.memory_space<hbm>>
      %dma_start3A_157 = arith.constant 0 : i32
      %dma_start3A_158 = tpu.memref_slice %arg4[%add3A_136, %dma_start3A_157] : memref<20480x128xf32, #tpu.memory_space<hbm>> -> memref<128x128xf32, #tpu.memory_space<hbm>>
      %dma_start3A_159 = arith.constant 0 : i32
      %dma_start3A_160 = arith.constant 0 : i32
      %dma_start3A_161 = tpu.memref_slice %arg6[%run_scoped3A_137, %dma_start3A_159, %dma_start3A_160] : memref<5x128x128xf32, #tpu.memory_space<vmem>> -> memref<1x128x128xf32, #tpu.memory_space<vmem>>
      %dma_start3A_162 = tpu.memref_squeeze %dma_start3A_161 : memref<1x128x128xf32, #tpu.memory_space<vmem>> -> memref<128x128xf32, #tpu.memory_space<vmem>>
      tpu.enqueue_dma source(%dma_start3A_162 : memref<128x128xf32, #tpu.memory_space<vmem>>) target(%dma_start3A_158 : memref<128x128xf32, #tpu.memory_space<hbm>>) target_semaphore(%run_scoped3A_150 : memref<!tpu.dma_semaphore, #tpu.memory_space<semaphore_mem>>)
      %dma_wait3A_163 = arith.constant 0 : i32
      %dma_wait3A_164 = arith.constant 0 : i32
      %dma_wait3A_165 = tpu.memref_slice %arg6[%run_scoped3A_137, %dma_wait3A_163, %dma_wait3A_164] : memref<5x128x128xf32, #tpu.memory_space<vmem>> -> memref<1x128x128xf32, #tpu.memory_space<vmem>>
      %dma_wait3A_166 = tpu.memref_squeeze %dma_wait3A_165 : memref<1x128x128xf32, #tpu.memory_space<vmem>> -> memref<128x128xf32, #tpu.memory_space<vmem>>
      %dma_wait3A_167 = arith.constant 0 : i32
      %dma_wait3A_168 = tpu.memref_slice %arg4[%add3A_136, %dma_wait3A_167] : memref<20480x128xf32, #tpu.memory_space<hbm>> -> memref<128x128xf32, #tpu.memory_space<hbm>>
      %dma_wait3A_169 = arith.constant 0 : i32
      %dma_wait3A_170 = tpu.memref_slice %arg4[%add3A_136, %dma_wait3A_169] : memref<20480x128xf32, #tpu.memory_space<hbm>> -> memref<128x128xf32, #tpu.memory_space<hbm>>
      %dma_wait3A_171 = arith.constant 0 : i32
      %dma_wait3A_172 = arith.constant 0 : i32
      %dma_wait3A_173 = tpu.memref_slice %arg6[%run_scoped3A_137, %dma_wait3A_171, %dma_wait3A_172] : memref<5x128x128xf32, #tpu.memory_space<vmem>> -> memref<1x128x128xf32, #tpu.memory_space<vmem>>
      %dma_wait3A_174 = tpu.memref_squeeze %dma_wait3A_173 : memref<1x128x128xf32, #tpu.memory_space<vmem>> -> memref<128x128xf32, #tpu.memory_space<vmem>>
      tpu.wait_dma2 semaphore(%run_scoped3A_150 : memref<!tpu.dma_semaphore, #tpu.memory_space<semaphore_mem>>) src(%dma_wait3A_174 : memref<128x128xf32, #tpu.memory_space<vmem>>) dst(%dma_wait3A_170 : memref<128x128xf32, #tpu.memory_space<hbm>>)
      tpu.yield
    }) : () -> ()
    %add3A_138 = arith.constant 4096 : i32
    %add3A_139 = arith.addi %add3A_138, %mul3A_2 : i32
    %run_scoped3A_140 = arith.constant 1 : i32
    "tpu.region"() ({
      %run_scoped3A_150 = tpu.sem_alloc : memref<!tpu.dma_semaphore, #tpu.memory_space<semaphore_mem>>
      %dma_start3A_151 = arith.constant 0 : i32
      %dma_start3A_152 = arith.constant 0 : i32
      %dma_start3A_153 = tpu.memref_slice %arg6[%run_scoped3A_140, %dma_start3A_151, %dma_start3A_152] : memref<5x128x128xf32, #tpu.memory_space<vmem>> -> memref<1x128x128xf32, #tpu.memory_space<vmem>>
      %dma_start3A_154 = tpu.memref_squeeze %dma_start3A_153 : memref<1x128x128xf32, #tpu.memory_space<vmem>> -> memref<128x128xf32, #tpu.memory_space<vmem>>
      %dma_start3A_155 = arith.constant 0 : i32
      %dma_start3A_156 = tpu.memref_slice %arg4[%add3A_139, %dma_start3A_155] : memref<20480x128xf32, #tpu.memory_space<hbm>> -> memref<128x128xf32, #tpu.memory_space<hbm>>
      %dma_start3A_157 = arith.constant 0 : i32
      %dma_start3A_158 = tpu.memref_slice %arg4[%add3A_139, %dma_start3A_157] : memref<20480x128xf32, #tpu.memory_space<hbm>> -> memref<128x128xf32, #tpu.memory_space<hbm>>
      %dma_start3A_159 = arith.constant 0 : i32
      %dma_start3A_160 = arith.constant 0 : i32
      %dma_start3A_161 = tpu.memref_slice %arg6[%run_scoped3A_140, %dma_start3A_159, %dma_start3A_160] : memref<5x128x128xf32, #tpu.memory_space<vmem>> -> memref<1x128x128xf32, #tpu.memory_space<vmem>>
      %dma_start3A_162 = tpu.memref_squeeze %dma_start3A_161 : memref<1x128x128xf32, #tpu.memory_space<vmem>> -> memref<128x128xf32, #tpu.memory_space<vmem>>
      tpu.enqueue_dma source(%dma_start3A_162 : memref<128x128xf32, #tpu.memory_space<vmem>>) target(%dma_start3A_158 : memref<128x128xf32, #tpu.memory_space<hbm>>) target_semaphore(%run_scoped3A_150 : memref<!tpu.dma_semaphore, #tpu.memory_space<semaphore_mem>>)
      %dma_wait3A_163 = arith.constant 0 : i32
      %dma_wait3A_164 = arith.constant 0 : i32
      %dma_wait3A_165 = tpu.memref_slice %arg6[%run_scoped3A_140, %dma_wait3A_163, %dma_wait3A_164] : memref<5x128x128xf32, #tpu.memory_space<vmem>> -> memref<1x128x128xf32, #tpu.memory_space<vmem>>
      %dma_wait3A_166 = tpu.memref_squeeze %dma_wait3A_165 : memref<1x128x128xf32, #tpu.memory_space<vmem>> -> memref<128x128xf32, #tpu.memory_space<vmem>>
      %dma_wait3A_167 = arith.constant 0 : i32
      %dma_wait3A_168 = tpu.memref_slice %arg4[%add3A_139, %dma_wait3A_167] : memref<20480x128xf32, #tpu.memory_space<hbm>> -> memref<128x128xf32, #tpu.memory_space<hbm>>
      %dma_wait3A_169 = arith.constant 0 : i32
      %dma_wait3A_170 = tpu.memref_slice %arg4[%add3A_139, %dma_wait3A_169] : memref<20480x128xf32, #tpu.memory_space<hbm>> -> memref<128x128xf32, #tpu.memory_space<hbm>>
      %dma_wait3A_171 = arith.constant 0 : i32
      %dma_wait3A_172 = arith.constant 0 : i32
      %dma_wait3A_173 = tpu.memref_slice %arg6[%run_scoped3A_140, %dma_wait3A_171, %dma_wait3A_172] : memref<5x128x128xf32, #tpu.memory_space<vmem>> -> memref<1x128x128xf32, #tpu.memory_space<vmem>>
      %dma_wait3A_174 = tpu.memref_squeeze %dma_wait3A_173 : memref<1x128x128xf32, #tpu.memory_space<vmem>> -> memref<128x128xf32, #tpu.memory_space<vmem>>
      tpu.wait_dma2 semaphore(%run_scoped3A_150 : memref<!tpu.dma_semaphore, #tpu.memory_space<semaphore_mem>>) src(%dma_wait3A_174 : memref<128x128xf32, #tpu.memory_space<vmem>>) dst(%dma_wait3A_170 : memref<128x128xf32, #tpu.memory_space<hbm>>)
      tpu.yield
    }) : () -> ()
    %add3A_141 = arith.constant 8192 : i32
    %add3A_142 = arith.addi %add3A_141, %mul3A_2 : i32
    %run_scoped3A_143 = arith.constant 2 : i32
    "tpu.region"() ({
      %run_scoped3A_150 = tpu.sem_alloc : memref<!tpu.dma_semaphore, #tpu.memory_space<semaphore_mem>>
      %dma_start3A_151 = arith.constant 0 : i32
      %dma_start3A_152 = arith.constant 0 : i32
      %dma_start3A_153 = tpu.memref_slice %arg6[%run_scoped3A_143, %dma_start3A_151, %dma_start3A_152] : memref<5x128x128xf32, #tpu.memory_space<vmem>> -> memref<1x128x128xf32, #tpu.memory_space<vmem>>
      %dma_start3A_154 = tpu.memref_squeeze %dma_start3A_153 : memref<1x128x128xf32, #tpu.memory_space<vmem>> -> memref<128x128xf32, #tpu.memory_space<vmem>>
      %dma_start3A_155 = arith.constant 0 : i32
      %dma_start3A_156 = tpu.memref_slice %arg4[%add3A_142, %dma_start3A_155] : memref<20480x128xf32, #tpu.memory_space<hbm>> -> memref<128x128xf32, #tpu.memory_space<hbm>>
      %dma_start3A_157 = arith.constant 0 : i32
      %dma_start3A_158 = tpu.memref_slice %arg4[%add3A_142, %dma_start3A_157] : memref<20480x128xf32, #tpu.memory_space<hbm>> -> memref<128x128xf32, #tpu.memory_space<hbm>>
      %dma_start3A_159 = arith.constant 0 : i32
      %dma_start3A_160 = arith.constant 0 : i32
      %dma_start3A_161 = tpu.memref_slice %arg6[%run_scoped3A_143, %dma_start3A_159, %dma_start3A_160] : memref<5x128x128xf32, #tpu.memory_space<vmem>> -> memref<1x128x128xf32, #tpu.memory_space<vmem>>
      %dma_start3A_162 = tpu.memref_squeeze %dma_start3A_161 : memref<1x128x128xf32, #tpu.memory_space<vmem>> -> memref<128x128xf32, #tpu.memory_space<vmem>>
      tpu.enqueue_dma source(%dma_start3A_162 : memref<128x128xf32, #tpu.memory_space<vmem>>) target(%dma_start3A_158 : memref<128x128xf32, #tpu.memory_space<hbm>>) target_semaphore(%run_scoped3A_150 : memref<!tpu.dma_semaphore, #tpu.memory_space<semaphore_mem>>)
      %dma_wait3A_163 = arith.constant 0 : i32
      %dma_wait3A_164 = arith.constant 0 : i32
      %dma_wait3A_165 = tpu.memref_slice %arg6[%run_scoped3A_143, %dma_wait3A_163, %dma_wait3A_164] : memref<5x128x128xf32, #tpu.memory_space<vmem>> -> memref<1x128x128xf32, #tpu.memory_space<vmem>>
      %dma_wait3A_166 = tpu.memref_squeeze %dma_wait3A_165 : memref<1x128x128xf32, #tpu.memory_space<vmem>> -> memref<128x128xf32, #tpu.memory_space<vmem>>
      %dma_wait3A_167 = arith.constant 0 : i32
      %dma_wait3A_168 = tpu.memref_slice %arg4[%add3A_142, %dma_wait3A_167] : memref<20480x128xf32, #tpu.memory_space<hbm>> -> memref<128x128xf32, #tpu.memory_space<hbm>>
      %dma_wait3A_169 = arith.constant 0 : i32
      %dma_wait3A_170 = tpu.memref_slice %arg4[%add3A_142, %dma_wait3A_169] : memref<20480x128xf32, #tpu.memory_space<hbm>> -> memref<128x128xf32, #tpu.memory_space<hbm>>
      %dma_wait3A_171 = arith.constant 0 : i32
      %dma_wait3A_172 = arith.constant 0 : i32
      %dma_wait3A_173 = tpu.memref_slice %arg6[%run_scoped3A_143, %dma_wait3A_171, %dma_wait3A_172] : memref<5x128x128xf32, #tpu.memory_space<vmem>> -> memref<1x128x128xf32, #tpu.memory_space<vmem>>
      %dma_wait3A_174 = tpu.memref_squeeze %dma_wait3A_173 : memref<1x128x128xf32, #tpu.memory_space<vmem>> -> memref<128x128xf32, #tpu.memory_space<vmem>>
      tpu.wait_dma2 semaphore(%run_scoped3A_150 : memref<!tpu.dma_semaphore, #tpu.memory_space<semaphore_mem>>) src(%dma_wait3A_174 : memref<128x128xf32, #tpu.memory_space<vmem>>) dst(%dma_wait3A_170 : memref<128x128xf32, #tpu.memory_space<hbm>>)
      tpu.yield
    }) : () -> ()
    %add3A_144 = arith.constant 12288 : i32
    %add3A_145 = arith.addi %add3A_144, %mul3A_2 : i32
    %run_scoped3A_146 = arith.constant 3 : i32
    "tpu.region"() ({
      %run_scoped3A_150 = tpu.sem_alloc : memref<!tpu.dma_semaphore, #tpu.memory_space<semaphore_mem>>
      %dma_start3A_151 = arith.constant 0 : i32
      %dma_start3A_152 = arith.constant 0 : i32
      %dma_start3A_153 = tpu.memref_slice %arg6[%run_scoped3A_146, %dma_start3A_151, %dma_start3A_152] : memref<5x128x128xf32, #tpu.memory_space<vmem>> -> memref<1x128x128xf32, #tpu.memory_space<vmem>>
      %dma_start3A_154 = tpu.memref_squeeze %dma_start3A_153 : memref<1x128x128xf32, #tpu.memory_space<vmem>> -> memref<128x128xf32, #tpu.memory_space<vmem>>
      %dma_start3A_155 = arith.constant 0 : i32
      %dma_start3A_156 = tpu.memref_slice %arg4[%add3A_145, %dma_start3A_155] : memref<20480x128xf32, #tpu.memory_space<hbm>> -> memref<128x128xf32, #tpu.memory_space<hbm>>
      %dma_start3A_157 = arith.constant 0 : i32
      %dma_start3A_158 = tpu.memref_slice %arg4[%add3A_145, %dma_start3A_157] : memref<20480x128xf32, #tpu.memory_space<hbm>> -> memref<128x128xf32, #tpu.memory_space<hbm>>
      %dma_start3A_159 = arith.constant 0 : i32
      %dma_start3A_160 = arith.constant 0 : i32
      %dma_start3A_161 = tpu.memref_slice %arg6[%run_scoped3A_146, %dma_start3A_159, %dma_start3A_160] : memref<5x128x128xf32, #tpu.memory_space<vmem>> -> memref<1x128x128xf32, #tpu.memory_space<vmem>>
      %dma_start3A_162 = tpu.memref_squeeze %dma_start3A_161 : memref<1x128x128xf32, #tpu.memory_space<vmem>> -> memref<128x128xf32, #tpu.memory_space<vmem>>
      tpu.enqueue_dma source(%dma_start3A_162 : memref<128x128xf32, #tpu.memory_space<vmem>>) target(%dma_start3A_158 : memref<128x128xf32, #tpu.memory_space<hbm>>) target_semaphore(%run_scoped3A_150 : memref<!tpu.dma_semaphore, #tpu.memory_space<semaphore_mem>>)
      %dma_wait3A_163 = arith.constant 0 : i32
      %dma_wait3A_164 = arith.constant 0 : i32
      %dma_wait3A_165 = tpu.memref_slice %arg6[%run_scoped3A_146, %dma_wait3A_163, %dma_wait3A_164] : memref<5x128x128xf32, #tpu.memory_space<vmem>> -> memref<1x128x128xf32, #tpu.memory_space<vmem>>
      %dma_wait3A_166 = tpu.memref_squeeze %dma_wait3A_165 : memref<1x128x128xf32, #tpu.memory_space<vmem>> -> memref<128x128xf32, #tpu.memory_space<vmem>>
      %dma_wait3A_167 = arith.constant 0 : i32
      %dma_wait3A_168 = tpu.memref_slice %arg4[%add3A_145, %dma_wait3A_167] : memref<20480x128xf32, #tpu.memory_space<hbm>> -> memref<128x128xf32, #tpu.memory_space<hbm>>
      %dma_wait3A_169 = arith.constant 0 : i32
      %dma_wait3A_170 = tpu.memref_slice %arg4[%add3A_145, %dma_wait3A_169] : memref<20480x128xf32, #tpu.memory_space<hbm>> -> memref<128x128xf32, #tpu.memory_space<hbm>>
      %dma_wait3A_171 = arith.constant 0 : i32
      %dma_wait3A_172 = arith.constant 0 : i32
      %dma_wait3A_173 = tpu.memref_slice %arg6[%run_scoped3A_146, %dma_wait3A_171, %dma_wait3A_172] : memref<5x128x128xf32, #tpu.memory_space<vmem>> -> memref<1x128x128xf32, #tpu.memory_space<vmem>>
      %dma_wait3A_174 = tpu.memref_squeeze %dma_wait3A_173 : memref<1x128x128xf32, #tpu.memory_space<vmem>> -> memref<128x128xf32, #tpu.memory_space<vmem>>
      tpu.wait_dma2 semaphore(%run_scoped3A_150 : memref<!tpu.dma_semaphore, #tpu.memory_space<semaphore_mem>>) src(%dma_wait3A_174 : memref<128x128xf32, #tpu.memory_space<vmem>>) dst(%dma_wait3A_170 : memref<128x128xf32, #tpu.memory_space<hbm>>)
      tpu.yield
    }) : () -> ()
    %add3A_147 = arith.constant 16384 : i32
    %add3A_148 = arith.addi %add3A_147, %mul3A_2 : i32
    %run_scoped3A_149 = arith.constant 4 : i32
    "tpu.region"() ({
      %run_scoped3A_150 = tpu.sem_alloc : memref<!tpu.dma_semaphore, #tpu.memory_space<semaphore_mem>>
      %dma_start3A_151 = arith.constant 0 : i32
      %dma_start3A_152 = arith.constant 0 : i32
      %dma_start3A_153 = tpu.memref_slice %arg6[%run_scoped3A_149, %dma_start3A_151, %dma_start3A_152] : memref<5x128x128xf32, #tpu.memory_space<vmem>> -> memref<1x128x128xf32, #tpu.memory_space<vmem>>
      %dma_start3A_154 = tpu.memref_squeeze %dma_start3A_153 : memref<1x128x128xf32, #tpu.memory_space<vmem>> -> memref<128x128xf32, #tpu.memory_space<vmem>>
      %dma_start3A_155 = arith.constant 0 : i32
      %dma_start3A_156 = tpu.memref_slice %arg4[%add3A_148, %dma_start3A_155] : memref<20480x128xf32, #tpu.memory_space<hbm>> -> memref<128x128xf32, #tpu.memory_space<hbm>>
      %dma_start3A_157 = arith.constant 0 : i32
      %dma_start3A_158 = tpu.memref_slice %arg4[%add3A_148, %dma_start3A_157] : memref<20480x128xf32, #tpu.memory_space<hbm>> -> memref<128x128xf32, #tpu.memory_space<hbm>>
      %dma_start3A_159 = arith.constant 0 : i32
      %dma_start3A_160 = arith.constant 0 : i32
      %dma_start3A_161 = tpu.memref_slice %arg6[%run_scoped3A_149, %dma_start3A_159, %dma_start3A_160] : memref<5x128x128xf32, #tpu.memory_space<vmem>> -> memref<1x128x128xf32, #tpu.memory_space<vmem>>
      %dma_start3A_162 = tpu.memref_squeeze %dma_start3A_161 : memref<1x128x128xf32, #tpu.memory_space<vmem>> -> memref<128x128xf32, #tpu.memory_space<vmem>>
      tpu.enqueue_dma source(%dma_start3A_162 : memref<128x128xf32, #tpu.memory_space<vmem>>) target(%dma_start3A_158 : memref<128x128xf32, #tpu.memory_space<hbm>>) target_semaphore(%run_scoped3A_150 : memref<!tpu.dma_semaphore, #tpu.memory_space<semaphore_mem>>)
      %dma_wait3A_163 = arith.constant 0 : i32
      %dma_wait3A_164 = arith.constant 0 : i32
      %dma_wait3A_165 = tpu.memref_slice %arg6[%run_scoped3A_149, %dma_wait3A_163, %dma_wait3A_164] : memref<5x128x128xf32, #tpu.memory_space<vmem>> -> memref<1x128x128xf32, #tpu.memory_space<vmem>>
      %dma_wait3A_166 = tpu.memref_squeeze %dma_wait3A_165 : memref<1x128x128xf32, #tpu.memory_space<vmem>> -> memref<128x128xf32, #tpu.memory_space<vmem>>
      %dma_wait3A_167 = arith.constant 0 : i32
      %dma_wait3A_168 = tpu.memref_slice %arg4[%add3A_148, %dma_wait3A_167] : memref<20480x128xf32, #tpu.memory_space<hbm>> -> memref<128x128xf32, #tpu.memory_space<hbm>>
      %dma_wait3A_169 = arith.constant 0 : i32
      %dma_wait3A_170 = tpu.memref_slice %arg4[%add3A_148, %dma_wait3A_169] : memref<20480x128xf32, #tpu.memory_space<hbm>> -> memref<128x128xf32, #tpu.memory_space<hbm>>
      %dma_wait3A_171 = arith.constant 0 : i32
      %dma_wait3A_172 = arith.constant 0 : i32
      %dma_wait3A_173 = tpu.memref_slice %arg6[%run_scoped3A_149, %dma_wait3A_171, %dma_wait3A_172] : memref<5x128x128xf32, #tpu.memory_space<vmem>> -> memref<1x128x128xf32, #tpu.memory_space<vmem>>
      %dma_wait3A_174 = tpu.memref_squeeze %dma_wait3A_173 : memref<1x128x128xf32, #tpu.memory_space<vmem>> -> memref<128x128xf32, #tpu.memory_space<vmem>>
      tpu.wait_dma2 semaphore(%run_scoped3A_150 : memref<!tpu.dma_semaphore, #tpu.memory_space<semaphore_mem>>) src(%dma_wait3A_174 : memref<128x128xf32, #tpu.memory_space<vmem>>) dst(%dma_wait3A_170 : memref<128x128xf32, #tpu.memory_space<hbm>>)
      tpu.yield
    }) : () -> ()
    return
  }
}

module attributes {stable_mosaic.version = 14 : i64} {
  func.func @_knn_body(%arg0: i32, %arg1: memref<512x128xf32, #tpu.memory_space<vmem>>, %arg2: memref<4096x128xf32, #tpu.memory_space<vmem>>, %arg3: memref<512x5xi32, #tpu.memory_space<vmem>>) attributes {dimension_semantics = [#tpu.dimension_semantics<arbitrary>], iteration_bounds = array<i64: 8>, scalar_prefetch = 0 : i64, scratch_operands = 0 : i64, tpu.core_type = #tpu.core_type<tc>, window_params = [{transform_indices = @transform_0, window_bounds = array<i64: 512, 128>}, {pipeline_mode = #tpu.pipeline_mode<synchronous>, transform_indices = @transform_1, window_bounds = array<i64: 4096, 128>}, {transform_indices = @transform_2, window_bounds = array<i64: 512, 5>}]} {
    %get3A = arith.constant 0 : index
    %get3A_0 = arith.constant 0 : index
    %get3A_1 = vector.load %arg1[%get3A, %get3A_0] : memref<512x128xf32, #tpu.memory_space<vmem>>, vector<512x128xf32>
    %slice3A = vector.extract_strided_slice %get3A_1 {offsets = [0, 0], sizes = [512, 8], strides = [1, 1]} : vector<512x128xf32> to vector<512x8xf32>
    %get3A_2 = arith.constant 0 : index
    %get3A_3 = arith.constant 0 : index
    %get3A_4 = vector.load %arg2[%get3A_2, %get3A_3] : memref<4096x128xf32, #tpu.memory_space<vmem>>, vector<4096x128xf32>
    %slice3A_5 = vector.extract_strided_slice %get3A_4 {offsets = [0, 0], sizes = [4096, 8], strides = [1, 1]} : vector<4096x128xf32> to vector<4096x8xf32>
    %convert_element_type3A = arith.truncf %slice3A : vector<512x8xf32> to vector<512x8xbf16>
    %convert_element_type3A_6 = arith.truncf %slice3A_5 : vector<4096x8xf32> to vector<4096x8xbf16>
    %dot_general3A = arith.constant dense<0.000000e+00> : vector<512x4096xf32>
    %dot_general3A_7 = tpu.matmul %convert_element_type3A, %convert_element_type3A_6, %dot_general3A {dimension_numbers = #tpu.dot_dimension_numbers<[1], [1], [0], [0], [0, 0, 1, 0], [], []>, transpose_lhs_hint = false} : vector<512x8xbf16>, vector<4096x8xbf16>, vector<512x4096xf32> -> vector<512x4096xf32>
    %mul3A = arith.mulf %slice3A, %slice3A : vector<512x8xf32>
    %reduce_sum3A = arith.constant dense<0.000000e+00> : vector<512xf32>
    %reduce_sum3A_8 = vector.multi_reduction <add>, %mul3A, %reduce_sum3A [1] : vector<512x8xf32> to vector<512xf32>
    %broadcast_in_dim3A = vector.shape_cast %reduce_sum3A_8 : vector<512xf32> to vector<512x1xf32>
    %mul3A_9 = arith.mulf %slice3A_5, %slice3A_5 : vector<4096x8xf32>
    %reduce_sum3A_10 = arith.constant dense<0.000000e+00> : vector<4096xf32>
    %reduce_sum3A_11 = vector.multi_reduction <add>, %mul3A_9, %reduce_sum3A_10 [1] : vector<4096x8xf32> to vector<4096xf32>
    %broadcast_in_dim3A_12 = vector.shape_cast %reduce_sum3A_11 : vector<4096xf32> to vector<1x4096xf32>
    %mul3A_13 = arith.constant 2.000000e+00 : f32
    %mul3A_14 = vector.broadcast %mul3A_13 : f32 to vector<512x4096xf32>
    %mul3A_15 = arith.mulf %mul3A_14, %dot_general3A_7 : vector<512x4096xf32>
    %sub3A = vector.broadcast %broadcast_in_dim3A : vector<512x1xf32> to vector<512x4096xf32>
    %sub3A_16 = arith.subf %mul3A_15, %sub3A : vector<512x4096xf32>
    %sub3A_17 = vector.broadcast %broadcast_in_dim3A_12 : vector<1x4096xf32> to vector<512x4096xf32>
    %sub3A_18 = arith.subf %sub3A_16, %sub3A_17 : vector<512x4096xf32>
    %iota3A = tpu.iota {dimensions = array<i32: 1>} : vector<512x4096xi32>
    %argmax3A = tpu.reduce_index %sub3A_18 {axis = 1 : i32, kind = #tpu.reduction_kind<arg_max>} : vector<512x4096xf32> -> vector<512xi32>
    %broadcast_in_dim3A_19 = vector.shape_cast %argmax3A : vector<512xi32> to vector<512x1xi32>
    %eq3A = vector.broadcast %broadcast_in_dim3A_19 : vector<512x1xi32> to vector<512x4096xi32>
    %eq3A_20 = arith.cmpi eq, %iota3A, %eq3A : vector<512x4096xi32>
    %jit3A = arith.constant 0xFF800000 : f32
    %broadcast_in_dim3A_21 = vector.broadcast %jit3A : f32 to vector<512x4096xf32>
    %select_n3A = arith.select %eq3A_20, %broadcast_in_dim3A_21, %sub3A_18 : vector<512x4096xi1>, vector<512x4096xf32>
    %argmax3A_22 = tpu.reduce_index %select_n3A {axis = 1 : i32, kind = #tpu.reduction_kind<arg_max>} : vector<512x4096xf32> -> vector<512xi32>
    %broadcast_in_dim3A_23 = vector.shape_cast %argmax3A_22 : vector<512xi32> to vector<512x1xi32>
    %eq3A_24 = vector.broadcast %broadcast_in_dim3A_23 : vector<512x1xi32> to vector<512x4096xi32>
    %eq3A_25 = arith.cmpi eq, %iota3A, %eq3A_24 : vector<512x4096xi32>
    %jit3A_26 = arith.constant 0xFF800000 : f32
    %broadcast_in_dim3A_27 = vector.broadcast %jit3A_26 : f32 to vector<512x4096xf32>
    %select_n3A_28 = arith.select %eq3A_25, %broadcast_in_dim3A_27, %select_n3A : vector<512x4096xi1>, vector<512x4096xf32>
    %argmax3A_29 = tpu.reduce_index %select_n3A_28 {axis = 1 : i32, kind = #tpu.reduction_kind<arg_max>} : vector<512x4096xf32> -> vector<512xi32>
    %broadcast_in_dim3A_30 = vector.shape_cast %argmax3A_29 : vector<512xi32> to vector<512x1xi32>
    %eq3A_31 = vector.broadcast %broadcast_in_dim3A_30 : vector<512x1xi32> to vector<512x4096xi32>
    %eq3A_32 = arith.cmpi eq, %iota3A, %eq3A_31 : vector<512x4096xi32>
    %jit3A_33 = arith.constant 0xFF800000 : f32
    %broadcast_in_dim3A_34 = vector.broadcast %jit3A_33 : f32 to vector<512x4096xf32>
    %select_n3A_35 = arith.select %eq3A_32, %broadcast_in_dim3A_34, %select_n3A_28 : vector<512x4096xi1>, vector<512x4096xf32>
    %argmax3A_36 = tpu.reduce_index %select_n3A_35 {axis = 1 : i32, kind = #tpu.reduction_kind<arg_max>} : vector<512x4096xf32> -> vector<512xi32>
    %broadcast_in_dim3A_37 = vector.shape_cast %argmax3A_36 : vector<512xi32> to vector<512x1xi32>
    %eq3A_38 = vector.broadcast %broadcast_in_dim3A_37 : vector<512x1xi32> to vector<512x4096xi32>
    %eq3A_39 = arith.cmpi eq, %iota3A, %eq3A_38 : vector<512x4096xi32>
    %jit3A_40 = arith.constant 0xFF800000 : f32
    %broadcast_in_dim3A_41 = vector.broadcast %jit3A_40 : f32 to vector<512x4096xf32>
    %select_n3A_42 = arith.select %eq3A_39, %broadcast_in_dim3A_41, %select_n3A_35 : vector<512x4096xi1>, vector<512x4096xf32>
    %argmax3A_43 = tpu.reduce_index %select_n3A_42 {axis = 1 : i32, kind = #tpu.reduction_kind<arg_max>} : vector<512x4096xf32> -> vector<512xi32>
    %broadcast_in_dim3A_44 = vector.shape_cast %argmax3A_43 : vector<512xi32> to vector<512x1xi32>
    %concatenate3A = tpu.concatenate %broadcast_in_dim3A_19, %broadcast_in_dim3A_23, %broadcast_in_dim3A_30, %broadcast_in_dim3A_37, %broadcast_in_dim3A_44 in 1 : vector<512x1xi32>, vector<512x1xi32>, vector<512x1xi32>, vector<512x1xi32>, vector<512x1xi32> -> vector<512x5xi32>
    %swap3A = arith.constant 0 : index
    %swap3A_45 = arith.constant 0 : index
    %swap3A_46 = vector.load %arg3[%swap3A, %swap3A_45] : memref<512x5xi32, #tpu.memory_space<vmem>>, vector<512x5xi32>
    tpu.vector_store %arg3[%swap3A, %swap3A_45], %concatenate3A {strides = array<i32>} : memref<512x5xi32, #tpu.memory_space<vmem>>, vector<512x5xi32>,
    return
  }
  func.func @transform_0(%arg0: i32) -> (i32, i32) {
    %c0_i32 = arith.constant 0 : i32
    %c0_i32_0 = arith.constant 0 : i32
    return %arg0, %c0_i32 : i32, i32
  }
  func.func @transform_1(%arg0: i32) -> (i32, i32) {
    %c0_i32 = arith.constant 0 : i32
    %c0_i32_0 = arith.constant 0 : i32
    %c0_i32_1 = arith.constant 0 : i32
    return %c0_i32, %c0_i32_0 : i32, i32
  }
  func.func @transform_2(%arg0: i32) -> (i32, i32) {
    %c0_i32 = arith.constant 0 : i32
    %c0_i32_0 = arith.constant 0 : i32
    return %arg0, %c0_i32 : i32, i32
  }
}

module attributes {stable_mosaic.version = 14 : i64} {
  func.func @body(%arg0: i32, %arg1: memref<5x512x128xf32, #tpu.memory_space<vmem>>, %arg2: memref<512x128xf32, #tpu.memory_space<vmem>>, %arg3: memref<64x6xf32, #tpu.memory_space<vmem>>, %arg4: memref<512x64xf32, #tpu.memory_space<vmem>>, %arg5: memref<5x512x64xf32, #tpu.memory_space<vmem>>) attributes {dimension_semantics = [#tpu.dimension_semantics<arbitrary>], iteration_bounds = array<i64: 8>, scalar_prefetch = 0 : i64, scratch_operands = 0 : i64, tpu.core_type = #tpu.core_type<tc>, window_params = [{transform_indices = @transform_0, window_bounds = array<i64: 5, 512, 128>}, {transform_indices = @transform_1, window_bounds = array<i64: 512, 128>}, {pipeline_mode = #tpu.pipeline_mode<synchronous>, transform_indices = @transform_2, window_bounds = array<i64: 64, 6>}, {transform_indices = @transform_3, window_bounds = array<i64: 512, 64>}, {transform_indices = @transform_4, window_bounds = array<i64: 5, 512, 64>}]} {
    %get3A = arith.constant 0 : index
    %get3A_0 = arith.constant 0 : index
    %get3A_1 = arith.constant 0 : index
    %get3A_2 = vector.load %arg1[%get3A, %get3A_0, %get3A_1] : memref<5x512x128xf32, #tpu.memory_space<vmem>>, vector<5x512x128xf32>
    %slice3A = vector.extract_strided_slice %get3A_2 {offsets = [0, 0, 0], sizes = [5, 512, 3], strides = [1, 1, 1]} : vector<5x512x128xf32> to vector<5x512x3xf32>
    %get3A_3 = arith.constant 0 : index
    %get3A_4 = arith.constant 0 : index
    %get3A_5 = vector.load %arg2[%get3A_3, %get3A_4] : memref<512x128xf32, #tpu.memory_space<vmem>>, vector<512x128xf32>
    %slice3A_6 = vector.extract_strided_slice %get3A_5 {offsets = [0, 0], sizes = [512, 3], strides = [1, 1]} : vector<512x128xf32> to vector<512x3xf32>
    %broadcast_in_dim3A = vector.shape_cast %slice3A_6 : vector<512x3xf32> to vector<1x512x3xf32>
    %sub3A = vector.broadcast %broadcast_in_dim3A : vector<1x512x3xf32> to vector<5x512x3xf32>
    %sub3A_7 = arith.subf %slice3A, %sub3A : vector<5x512x3xf32>
    %broadcast_in_dim3A_8 = vector.shape_cast %slice3A_6 : vector<512x3xf32> to vector<1x512x3xf32>
    %broadcast_in_dim3A_9 = vector.shape_cast %broadcast_in_dim3A_8 : vector<1x512x3xf32> to vector<1x512x3xf32>
    %broadcast_in_dim3A_10 = vector.broadcast %broadcast_in_dim3A_9 : vector<1x512x3xf32> to vector<5x512x3xf32>
    %concatenate3A = tpu.concatenate %sub3A_7, %broadcast_in_dim3A_10 in 2 : vector<5x512x3xf32>, vector<5x512x3xf32> -> vector<5x512x6xf32>
    %reshape3A = vector.shape_cast %concatenate3A : vector<5x512x6xf32> to vector<2560x6xf32>
    %convert_element_type3A = arith.truncf %reshape3A : vector<2560x6xf32> to vector<2560x6xbf16>
    %get3A_11 = arith.constant 0 : index
    %get3A_12 = arith.constant 0 : index
    %get3A_13 = vector.load %arg3[%get3A_11, %get3A_12] : memref<64x6xf32, #tpu.memory_space<vmem>>, vector<64x6xf32>
    %convert_element_type3A_14 = arith.truncf %get3A_13 : vector<64x6xf32> to vector<64x6xbf16>
    %dot_general3A = arith.constant dense<0.000000e+00> : vector<2560x64xf32>
    %dot_general3A_15 = tpu.matmul %convert_element_type3A, %convert_element_type3A_14, %dot_general3A {dimension_numbers = #tpu.dot_dimension_numbers<[1], [1], [0], [0], [0, 0, 1, 0], [], []>, transpose_lhs_hint = false} : vector<2560x6xbf16>, vector<64x6xbf16>, vector<2560x64xf32> -> vector<2560x64xf32>
    %reshape3A_16 = vector.shape_cast %dot_general3A_15 : vector<2560x64xf32> to vector<5x512x64xf32>
    %reduce_max3A = arith.constant dense<0xFF800000> : vector<512x64xf32>
    %reduce_max3A_17 = vector.multi_reduction <maximumf>, %reshape3A_16, %reduce_max3A [0] : vector<5x512x64xf32> to vector<512x64xf32>
    %swap3A = arith.constant 0 : index
    %swap3A_18 = arith.constant 0 : index
    %swap3A_19 = vector.load %arg4[%swap3A, %swap3A_18] : memref<512x64xf32, #tpu.memory_space<vmem>>, vector<512x64xf32>
    tpu.vector_store %arg4[%swap3A, %swap3A_18], %reduce_max3A_17 {strides = array<i32>} : memref<512x64xf32, #tpu.memory_space<vmem>>, vector<512x64xf32>,
    %swap3A_20 = arith.constant 0 : index
    %swap3A_21 = arith.constant 0 : index
    %swap3A_22 = arith.constant 0 : index
    %swap3A_23 = vector.load %arg5[%swap3A_20, %swap3A_21, %swap3A_22] : memref<5x512x64xf32, #tpu.memory_space<vmem>>, vector<5x512x64xf32>
    tpu.vector_store %arg5[%swap3A_20, %swap3A_21, %swap3A_22], %reshape3A_16 {strides = array<i32>} : memref<5x512x64xf32, #tpu.memory_space<vmem>>, vector<5x512x64xf32>,
    return
  }
  func.func @transform_0(%arg0: i32) -> (i32, i32, i32) {
    %c0_i32 = arith.constant 0 : i32
    %c0_i32_0 = arith.constant 0 : i32
    %c0_i32_1 = arith.constant 0 : i32
    return %c0_i32, %arg0, %c0_i32_0 : i32, i32, i32
  }
  func.func @transform_1(%arg0: i32) -> (i32, i32) {
    %c0_i32 = arith.constant 0 : i32
    %c0_i32_0 = arith.constant 0 : i32
    return %arg0, %c0_i32 : i32, i32
  }
  func.func @transform_2(%arg0: i32) -> (i32, i32) {
    %c0_i32 = arith.constant 0 : i32
    %c0_i32_0 = arith.constant 0 : i32
    %c0_i32_1 = arith.constant 0 : i32
    return %c0_i32, %c0_i32_0 : i32, i32
  }
  func.func @transform_3(%arg0: i32) -> (i32, i32) {
    %c0_i32 = arith.constant 0 : i32
    %c0_i32_0 = arith.constant 0 : i32
    return %arg0, %c0_i32 : i32, i32
  }
  func.func @transform_4(%arg0: i32) -> (i32, i32, i32) {
    %c0_i32 = arith.constant 0 : i32
    %c0_i32_0 = arith.constant 0 : i32
    %c0_i32_1 = arith.constant 0 : i32
    return %c0_i32, %arg0, %c0_i32_0 : i32, i32, i32
  }
}

module attributes {stable_mosaic.version = 14 : i64} {
  func.func @_knn_body(%arg0: i32, %arg1: memref<512x128xf32, #tpu.memory_space<vmem>>, %arg2: memref<4096x128xf32, #tpu.memory_space<vmem>>, %arg3: memref<512x5xi32, #tpu.memory_space<vmem>>) attributes {dimension_semantics = [#tpu.dimension_semantics<arbitrary>], iteration_bounds = array<i64: 8>, scalar_prefetch = 0 : i64, scratch_operands = 0 : i64, tpu.core_type = #tpu.core_type<tc>, window_params = [{transform_indices = @transform_0, window_bounds = array<i64: 512, 128>}, {pipeline_mode = #tpu.pipeline_mode<synchronous>, transform_indices = @transform_1, window_bounds = array<i64: 4096, 128>}, {transform_indices = @transform_2, window_bounds = array<i64: 512, 5>}]} {
    %get3A = arith.constant 0 : index
    %get3A_0 = arith.constant 0 : index
    %get3A_1 = vector.load %arg1[%get3A, %get3A_0] : memref<512x128xf32, #tpu.memory_space<vmem>>, vector<512x128xf32>
    %slice3A = vector.extract_strided_slice %get3A_1 {offsets = [0, 0], sizes = [512, 64], strides = [1, 1]} : vector<512x128xf32> to vector<512x64xf32>
    %get3A_2 = arith.constant 0 : index
    %get3A_3 = arith.constant 0 : index
    %get3A_4 = vector.load %arg2[%get3A_2, %get3A_3] : memref<4096x128xf32, #tpu.memory_space<vmem>>, vector<4096x128xf32>
    %slice3A_5 = vector.extract_strided_slice %get3A_4 {offsets = [0, 0], sizes = [4096, 64], strides = [1, 1]} : vector<4096x128xf32> to vector<4096x64xf32>
    %convert_element_type3A = arith.truncf %slice3A : vector<512x64xf32> to vector<512x64xbf16>
    %convert_element_type3A_6 = arith.truncf %slice3A_5 : vector<4096x64xf32> to vector<4096x64xbf16>
    %dot_general3A = arith.constant dense<0.000000e+00> : vector<512x4096xf32>
    %dot_general3A_7 = tpu.matmul %convert_element_type3A, %convert_element_type3A_6, %dot_general3A {dimension_numbers = #tpu.dot_dimension_numbers<[1], [1], [0], [0], [0, 0, 1, 0], [], []>, transpose_lhs_hint = false} : vector<512x64xbf16>, vector<4096x64xbf16>, vector<512x4096xf32> -> vector<512x4096xf32>
    %mul3A = arith.mulf %slice3A, %slice3A : vector<512x64xf32>
    %reduce_sum3A = arith.constant dense<0.000000e+00> : vector<512xf32>
    %reduce_sum3A_8 = vector.multi_reduction <add>, %mul3A, %reduce_sum3A [1] : vector<512x64xf32> to vector<512xf32>
    %broadcast_in_dim3A = vector.shape_cast %reduce_sum3A_8 : vector<512xf32> to vector<512x1xf32>
    %mul3A_9 = arith.mulf %slice3A_5, %slice3A_5 : vector<4096x64xf32>
    %reduce_sum3A_10 = arith.constant dense<0.000000e+00> : vector<4096xf32>
    %reduce_sum3A_11 = vector.multi_reduction <add>, %mul3A_9, %reduce_sum3A_10 [1] : vector<4096x64xf32> to vector<4096xf32>
    %broadcast_in_dim3A_12 = vector.shape_cast %reduce_sum3A_11 : vector<4096xf32> to vector<1x4096xf32>
    %mul3A_13 = arith.constant 2.000000e+00 : f32
    %mul3A_14 = vector.broadcast %mul3A_13 : f32 to vector<512x4096xf32>
    %mul3A_15 = arith.mulf %mul3A_14, %dot_general3A_7 : vector<512x4096xf32>
    %sub3A = vector.broadcast %broadcast_in_dim3A : vector<512x1xf32> to vector<512x4096xf32>
    %sub3A_16 = arith.subf %mul3A_15, %sub3A : vector<512x4096xf32>
    %sub3A_17 = vector.broadcast %broadcast_in_dim3A_12 : vector<1x4096xf32> to vector<512x4096xf32>
    %sub3A_18 = arith.subf %sub3A_16, %sub3A_17 : vector<512x4096xf32>
    %iota3A = tpu.iota {dimensions = array<i32: 1>} : vector<512x4096xi32>
    %argmax3A = tpu.reduce_index %sub3A_18 {axis = 1 : i32, kind = #tpu.reduction_kind<arg_max>} : vector<512x4096xf32> -> vector<512xi32>
    %broadcast_in_dim3A_19 = vector.shape_cast %argmax3A : vector<512xi32> to vector<512x1xi32>
    %eq3A = vector.broadcast %broadcast_in_dim3A_19 : vector<512x1xi32> to vector<512x4096xi32>
    %eq3A_20 = arith.cmpi eq, %iota3A, %eq3A : vector<512x4096xi32>
    %jit3A = arith.constant 0xFF800000 : f32
    %broadcast_in_dim3A_21 = vector.broadcast %jit3A : f32 to vector<512x4096xf32>
    %select_n3A = arith.select %eq3A_20, %broadcast_in_dim3A_21, %sub3A_18 : vector<512x4096xi1>, vector<512x4096xf32>
    %argmax3A_22 = tpu.reduce_index %select_n3A {axis = 1 : i32, kind = #tpu.reduction_kind<arg_max>} : vector<512x4096xf32> -> vector<512xi32>
    %broadcast_in_dim3A_23 = vector.shape_cast %argmax3A_22 : vector<512xi32> to vector<512x1xi32>
    %eq3A_24 = vector.broadcast %broadcast_in_dim3A_23 : vector<512x1xi32> to vector<512x4096xi32>
    %eq3A_25 = arith.cmpi eq, %iota3A, %eq3A_24 : vector<512x4096xi32>
    %jit3A_26 = arith.constant 0xFF800000 : f32
    %broadcast_in_dim3A_27 = vector.broadcast %jit3A_26 : f32 to vector<512x4096xf32>
    %select_n3A_28 = arith.select %eq3A_25, %broadcast_in_dim3A_27, %select_n3A : vector<512x4096xi1>, vector<512x4096xf32>
    %argmax3A_29 = tpu.reduce_index %select_n3A_28 {axis = 1 : i32, kind = #tpu.reduction_kind<arg_max>} : vector<512x4096xf32> -> vector<512xi32>
    %broadcast_in_dim3A_30 = vector.shape_cast %argmax3A_29 : vector<512xi32> to vector<512x1xi32>
    %eq3A_31 = vector.broadcast %broadcast_in_dim3A_30 : vector<512x1xi32> to vector<512x4096xi32>
    %eq3A_32 = arith.cmpi eq, %iota3A, %eq3A_31 : vector<512x4096xi32>
    %jit3A_33 = arith.constant 0xFF800000 : f32
    %broadcast_in_dim3A_34 = vector.broadcast %jit3A_33 : f32 to vector<512x4096xf32>
    %select_n3A_35 = arith.select %eq3A_32, %broadcast_in_dim3A_34, %select_n3A_28 : vector<512x4096xi1>, vector<512x4096xf32>
    %argmax3A_36 = tpu.reduce_index %select_n3A_35 {axis = 1 : i32, kind = #tpu.reduction_kind<arg_max>} : vector<512x4096xf32> -> vector<512xi32>
    %broadcast_in_dim3A_37 = vector.shape_cast %argmax3A_36 : vector<512xi32> to vector<512x1xi32>
    %eq3A_38 = vector.broadcast %broadcast_in_dim3A_37 : vector<512x1xi32> to vector<512x4096xi32>
    %eq3A_39 = arith.cmpi eq, %iota3A, %eq3A_38 : vector<512x4096xi32>
    %jit3A_40 = arith.constant 0xFF800000 : f32
    %broadcast_in_dim3A_41 = vector.broadcast %jit3A_40 : f32 to vector<512x4096xf32>
    %select_n3A_42 = arith.select %eq3A_39, %broadcast_in_dim3A_41, %select_n3A_35 : vector<512x4096xi1>, vector<512x4096xf32>
    %argmax3A_43 = tpu.reduce_index %select_n3A_42 {axis = 1 : i32, kind = #tpu.reduction_kind<arg_max>} : vector<512x4096xf32> -> vector<512xi32>
    %broadcast_in_dim3A_44 = vector.shape_cast %argmax3A_43 : vector<512xi32> to vector<512x1xi32>
    %concatenate3A = tpu.concatenate %broadcast_in_dim3A_19, %broadcast_in_dim3A_23, %broadcast_in_dim3A_30, %broadcast_in_dim3A_37, %broadcast_in_dim3A_44 in 1 : vector<512x1xi32>, vector<512x1xi32>, vector<512x1xi32>, vector<512x1xi32>, vector<512x1xi32> -> vector<512x5xi32>
    %swap3A = arith.constant 0 : index
    %swap3A_45 = arith.constant 0 : index
    %swap3A_46 = vector.load %arg3[%swap3A, %swap3A_45] : memref<512x5xi32, #tpu.memory_space<vmem>>, vector<512x5xi32>
    tpu.vector_store %arg3[%swap3A, %swap3A_45], %concatenate3A {strides = array<i32>} : memref<512x5xi32, #tpu.memory_space<vmem>>, vector<512x5xi32>,
    return
  }
  func.func @transform_0(%arg0: i32) -> (i32, i32) {
    %c0_i32 = arith.constant 0 : i32
    %c0_i32_0 = arith.constant 0 : i32
    return %arg0, %c0_i32 : i32, i32
  }
  func.func @transform_1(%arg0: i32) -> (i32, i32) {
    %c0_i32 = arith.constant 0 : i32
    %c0_i32_0 = arith.constant 0 : i32
    %c0_i32_1 = arith.constant 0 : i32
    return %c0_i32, %c0_i32_0 : i32, i32
  }
  func.func @transform_2(%arg0: i32) -> (i32, i32) {
    %c0_i32 = arith.constant 0 : i32
    %c0_i32_0 = arith.constant 0 : i32
    return %arg0, %c0_i32 : i32, i32
  }
}

module attributes {stable_mosaic.version = 14 : i64} {
  func.func @body(%arg0: i32, %arg1: memref<5x512x128xf32, #tpu.memory_space<vmem>>, %arg2: memref<512x128xf32, #tpu.memory_space<vmem>>, %arg3: memref<64x20xf32, #tpu.memory_space<vmem>>, %arg4: memref<512x64xf32, #tpu.memory_space<vmem>>, %arg5: memref<5x512x64xf32, #tpu.memory_space<vmem>>) attributes {dimension_semantics = [#tpu.dimension_semantics<arbitrary>], iteration_bounds = array<i64: 8>, scalar_prefetch = 0 : i64, scratch_operands = 0 : i64, tpu.core_type = #tpu.core_type<tc>, window_params = [{transform_indices = @transform_0, window_bounds = array<i64: 5, 512, 128>}, {transform_indices = @transform_1, window_bounds = array<i64: 512, 128>}, {pipeline_mode = #tpu.pipeline_mode<synchronous>, transform_indices = @transform_2, window_bounds = array<i64: 64, 20>}, {transform_indices = @transform_3, window_bounds = array<i64: 512, 64>}, {transform_indices = @transform_4, window_bounds = array<i64: 5, 512, 64>}]} {
    %get3A = arith.constant 0 : index
    %get3A_0 = arith.constant 0 : index
    %get3A_1 = arith.constant 0 : index
    %get3A_2 = vector.load %arg1[%get3A, %get3A_0, %get3A_1] : memref<5x512x128xf32, #tpu.memory_space<vmem>>, vector<5x512x128xf32>
    %slice3A = vector.extract_strided_slice %get3A_2 {offsets = [0, 0, 0], sizes = [5, 512, 10], strides = [1, 1, 1]} : vector<5x512x128xf32> to vector<5x512x10xf32>
    %get3A_3 = arith.constant 0 : index
    %get3A_4 = arith.constant 0 : index
    %get3A_5 = vector.load %arg2[%get3A_3, %get3A_4] : memref<512x128xf32, #tpu.memory_space<vmem>>, vector<512x128xf32>
    %slice3A_6 = vector.extract_strided_slice %get3A_5 {offsets = [0, 0], sizes = [512, 10], strides = [1, 1]} : vector<512x128xf32> to vector<512x10xf32>
    %broadcast_in_dim3A = vector.shape_cast %slice3A_6 : vector<512x10xf32> to vector<1x512x10xf32>
    %sub3A = vector.broadcast %broadcast_in_dim3A : vector<1x512x10xf32> to vector<5x512x10xf32>
    %sub3A_7 = arith.subf %slice3A, %sub3A : vector<5x512x10xf32>
    %broadcast_in_dim3A_8 = vector.shape_cast %slice3A_6 : vector<512x10xf32> to vector<1x512x10xf32>
    %broadcast_in_dim3A_9 = vector.shape_cast %broadcast_in_dim3A_8 : vector<1x512x10xf32> to vector<1x512x10xf32>
    %broadcast_in_dim3A_10 = vector.broadcast %broadcast_in_dim3A_9 : vector<1x512x10xf32> to vector<5x512x10xf32>
    %concatenate3A = tpu.concatenate %sub3A_7, %broadcast_in_dim3A_10 in 2 : vector<5x512x10xf32>, vector<5x512x10xf32> -> vector<5x512x20xf32>
    %reshape3A = vector.shape_cast %concatenate3A : vector<5x512x20xf32> to vector<2560x20xf32>
    %convert_element_type3A = arith.truncf %reshape3A : vector<2560x20xf32> to vector<2560x20xbf16>
    %get3A_11 = arith.constant 0 : index
    %get3A_12 = arith.constant 0 : index
    %get3A_13 = vector.load %arg3[%get3A_11, %get3A_12] : memref<64x20xf32, #tpu.memory_space<vmem>>, vector<64x20xf32>
    %convert_element_type3A_14 = arith.truncf %get3A_13 : vector<64x20xf32> to vector<64x20xbf16>
    %dot_general3A = arith.constant dense<0.000000e+00> : vector<2560x64xf32>
    %dot_general3A_15 = tpu.matmul %convert_element_type3A, %convert_element_type3A_14, %dot_general3A {dimension_numbers = #tpu.dot_dimension_numbers<[1], [1], [0], [0], [0, 0, 1, 0], [], []>, transpose_lhs_hint = false} : vector<2560x20xbf16>, vector<64x20xbf16>, vector<2560x64xf32> -> vector<2560x64xf32>
    %reshape3A_16 = vector.shape_cast %dot_general3A_15 : vector<2560x64xf32> to vector<5x512x64xf32>
    %reduce_max3A = arith.constant dense<0xFF800000> : vector<512x64xf32>
    %reduce_max3A_17 = vector.multi_reduction <maximumf>, %reshape3A_16, %reduce_max3A [0] : vector<5x512x64xf32> to vector<512x64xf32>
    %swap3A = arith.constant 0 : index
    %swap3A_18 = arith.constant 0 : index
    %swap3A_19 = vector.load %arg4[%swap3A, %swap3A_18] : memref<512x64xf32, #tpu.memory_space<vmem>>, vector<512x64xf32>
    tpu.vector_store %arg4[%swap3A, %swap3A_18], %reduce_max3A_17 {strides = array<i32>} : memref<512x64xf32, #tpu.memory_space<vmem>>, vector<512x64xf32>,
    %swap3A_20 = arith.constant 0 : index
    %swap3A_21 = arith.constant 0 : index
    %swap3A_22 = arith.constant 0 : index
    %swap3A_23 = vector.load %arg5[%swap3A_20, %swap3A_21, %swap3A_22] : memref<5x512x64xf32, #tpu.memory_space<vmem>>, vector<5x512x64xf32>
    tpu.vector_store %arg5[%swap3A_20, %swap3A_21, %swap3A_22], %reshape3A_16 {strides = array<i32>} : memref<5x512x64xf32, #tpu.memory_space<vmem>>, vector<5x512x64xf32>,
    return
  }
  func.func @transform_0(%arg0: i32) -> (i32, i32, i32) {
    %c0_i32 = arith.constant 0 : i32
    %c0_i32_0 = arith.constant 0 : i32
    %c0_i32_1 = arith.constant 0 : i32
    return %c0_i32, %arg0, %c0_i32_0 : i32, i32, i32
  }
  func.func @transform_1(%arg0: i32) -> (i32, i32) {
    %c0_i32 = arith.constant 0 : i32
    %c0_i32_0 = arith.constant 0 : i32
    return %arg0, %c0_i32 : i32, i32
  }
  func.func @transform_2(%arg0: i32) -> (i32, i32) {
    %c0_i32 = arith.constant 0 : i32
    %c0_i32_0 = arith.constant 0 : i32
    %c0_i32_1 = arith.constant 0 : i32
    return %c0_i32, %c0_i32_0 : i32, i32
  }
  func.func @transform_3(%arg0: i32) -> (i32, i32) {
    %c0_i32 = arith.constant 0 : i32
    %c0_i32_0 = arith.constant 0 : i32
    return %arg0, %c0_i32 : i32, i32
  }
  func.func @transform_4(%arg0: i32) -> (i32, i32, i32) {
    %c0_i32 = arith.constant 0 : i32
    %c0_i32_0 = arith.constant 0 : i32
    %c0_i32_1 = arith.constant 0 : i32
    return %c0_i32, %arg0, %c0_i32_0 : i32, i32, i32
  }
}

module attributes {stable_mosaic.version = 14 : i64} {
  func.func @body(%arg0: i32, %arg1: memref<5x512x128xf32, #tpu.memory_space<vmem>>, %arg2: memref<512x128xf32, #tpu.memory_space<vmem>>, %arg3: memref<64x128xf32, #tpu.memory_space<vmem>>, %arg4: memref<512x64xf32, #tpu.memory_space<vmem>>, %arg5: memref<5x512x64xf32, #tpu.memory_space<vmem>>) attributes {dimension_semantics = [#tpu.dimension_semantics<arbitrary>], iteration_bounds = array<i64: 8>, scalar_prefetch = 0 : i64, scratch_operands = 0 : i64, tpu.core_type = #tpu.core_type<tc>, window_params = [{transform_indices = @transform_0, window_bounds = array<i64: 5, 512, 128>}, {transform_indices = @transform_1, window_bounds = array<i64: 512, 128>}, {pipeline_mode = #tpu.pipeline_mode<synchronous>, transform_indices = @transform_2, window_bounds = array<i64: 64, 128>}, {transform_indices = @transform_3, window_bounds = array<i64: 512, 64>}, {transform_indices = @transform_4, window_bounds = array<i64: 5, 512, 64>}]} {
    %get3A = arith.constant 0 : index
    %get3A_0 = arith.constant 0 : index
    %get3A_1 = arith.constant 0 : index
    %get3A_2 = vector.load %arg1[%get3A, %get3A_0, %get3A_1] : memref<5x512x128xf32, #tpu.memory_space<vmem>>, vector<5x512x128xf32>
    %slice3A = vector.extract_strided_slice %get3A_2 {offsets = [0, 0, 0], sizes = [5, 512, 64], strides = [1, 1, 1]} : vector<5x512x128xf32> to vector<5x512x64xf32>
    %get3A_3 = arith.constant 0 : index
    %get3A_4 = arith.constant 0 : index
    %get3A_5 = vector.load %arg2[%get3A_3, %get3A_4] : memref<512x128xf32, #tpu.memory_space<vmem>>, vector<512x128xf32>
    %slice3A_6 = vector.extract_strided_slice %get3A_5 {offsets = [0, 0], sizes = [512, 64], strides = [1, 1]} : vector<512x128xf32> to vector<512x64xf32>
    %broadcast_in_dim3A = vector.shape_cast %slice3A_6 : vector<512x64xf32> to vector<1x512x64xf32>
    %sub3A = vector.broadcast %broadcast_in_dim3A : vector<1x512x64xf32> to vector<5x512x64xf32>
    %sub3A_7 = arith.subf %slice3A, %sub3A : vector<5x512x64xf32>
    %broadcast_in_dim3A_8 = vector.shape_cast %slice3A_6 : vector<512x64xf32> to vector<1x512x64xf32>
    %broadcast_in_dim3A_9 = vector.shape_cast %broadcast_in_dim3A_8 : vector<1x512x64xf32> to vector<1x512x64xf32>
    %broadcast_in_dim3A_10 = vector.broadcast %broadcast_in_dim3A_9 : vector<1x512x64xf32> to vector<5x512x64xf32>
    %concatenate3A = tpu.concatenate %sub3A_7, %broadcast_in_dim3A_10 in 2 : vector<5x512x64xf32>, vector<5x512x64xf32> -> vector<5x512x128xf32>
    %reshape3A = vector.shape_cast %concatenate3A : vector<5x512x128xf32> to vector<2560x128xf32>
    %convert_element_type3A = arith.truncf %reshape3A : vector<2560x128xf32> to vector<2560x128xbf16>
    %get3A_11 = arith.constant 0 : index
    %get3A_12 = arith.constant 0 : index
    %get3A_13 = vector.load %arg3[%get3A_11, %get3A_12] : memref<64x128xf32, #tpu.memory_space<vmem>>, vector<64x128xf32>
    %convert_element_type3A_14 = arith.truncf %get3A_13 : vector<64x128xf32> to vector<64x128xbf16>
    %dot_general3A = arith.constant dense<0.000000e+00> : vector<2560x64xf32>
    %dot_general3A_15 = tpu.matmul %convert_element_type3A, %convert_element_type3A_14, %dot_general3A {dimension_numbers = #tpu.dot_dimension_numbers<[1], [1], [0], [0], [0, 0, 1, 0], [], []>, transpose_lhs_hint = false} : vector<2560x128xbf16>, vector<64x128xbf16>, vector<2560x64xf32> -> vector<2560x64xf32>
    %reshape3A_16 = vector.shape_cast %dot_general3A_15 : vector<2560x64xf32> to vector<5x512x64xf32>
    %reduce_max3A = arith.constant dense<0xFF800000> : vector<512x64xf32>
    %reduce_max3A_17 = vector.multi_reduction <maximumf>, %reshape3A_16, %reduce_max3A [0] : vector<5x512x64xf32> to vector<512x64xf32>
    %swap3A = arith.constant 0 : index
    %swap3A_18 = arith.constant 0 : index
    %swap3A_19 = vector.load %arg4[%swap3A, %swap3A_18] : memref<512x64xf32, #tpu.memory_space<vmem>>, vector<512x64xf32>
    tpu.vector_store %arg4[%swap3A, %swap3A_18], %reduce_max3A_17 {strides = array<i32>} : memref<512x64xf32, #tpu.memory_space<vmem>>, vector<512x64xf32>,
    %swap3A_20 = arith.constant 0 : index
    %swap3A_21 = arith.constant 0 : index
    %swap3A_22 = arith.constant 0 : index
    %swap3A_23 = vector.load %arg5[%swap3A_20, %swap3A_21, %swap3A_22] : memref<5x512x64xf32, #tpu.memory_space<vmem>>, vector<5x512x64xf32>
    tpu.vector_store %arg5[%swap3A_20, %swap3A_21, %swap3A_22], %reshape3A_16 {strides = array<i32>} : memref<5x512x64xf32, #tpu.memory_space<vmem>>, vector<5x512x64xf32>,
    return
  }
  func.func @transform_0(%arg0: i32) -> (i32, i32, i32) {
    %c0_i32 = arith.constant 0 : i32
    %c0_i32_0 = arith.constant 0 : i32
    %c0_i32_1 = arith.constant 0 : i32
    return %c0_i32, %arg0, %c0_i32_0 : i32, i32, i32
  }
  func.func @transform_1(%arg0: i32) -> (i32, i32) {
    %c0_i32 = arith.constant 0 : i32
    %c0_i32_0 = arith.constant 0 : i32
    return %arg0, %c0_i32 : i32, i32
  }
  func.func @transform_2(%arg0: i32) -> (i32, i32) {
    %c0_i32 = arith.constant 0 : i32
    %c0_i32_0 = arith.constant 0 : i32
    %c0_i32_1 = arith.constant 0 : i32
    return %c0_i32, %c0_i32_0 : i32, i32
  }
  func.func @transform_3(%arg0: i32) -> (i32, i32) {
    %c0_i32 = arith.constant 0 : i32
    %c0_i32_0 = arith.constant 0 : i32
    return %arg0, %c0_i32 : i32, i32
  }
  func.func @transform_4(%arg0: i32) -> (i32, i32, i32) {
    %c0_i32 = arith.constant 0 : i32
    %c0_i32_0 = arith.constant 0 : i32
    %c0_i32_1 = arith.constant 0 : i32
    return %c0_i32, %arg0, %c0_i32_0 : i32, i32, i32
  }
}

module attributes {stable_mosaic.version = 14 : i64} {
  func.func @body(%arg0: i32, %arg1: memref<5x512x128xf32, #tpu.memory_space<vmem>>, %arg2: memref<512x128xf32, #tpu.memory_space<vmem>>, %arg3: memref<128x128xf32, #tpu.memory_space<vmem>>, %arg4: memref<512x128xf32, #tpu.memory_space<vmem>>, %arg5: memref<5x512x128xf32, #tpu.memory_space<vmem>>) attributes {dimension_semantics = [#tpu.dimension_semantics<arbitrary>], iteration_bounds = array<i64: 8>, scalar_prefetch = 0 : i64, scratch_operands = 0 : i64, tpu.core_type = #tpu.core_type<tc>, window_params = [{transform_indices = @transform_0, window_bounds = array<i64: 5, 512, 128>}, {transform_indices = @transform_1, window_bounds = array<i64: 512, 128>}, {pipeline_mode = #tpu.pipeline_mode<synchronous>, transform_indices = @transform_2, window_bounds = array<i64: 128, 128>}, {transform_indices = @transform_3, window_bounds = array<i64: 512, 128>}, {transform_indices = @transform_4, window_bounds = array<i64: 5, 512, 128>}]} {
    %get3A = arith.constant 0 : index
    %get3A_0 = arith.constant 0 : index
    %get3A_1 = arith.constant 0 : index
    %get3A_2 = vector.load %arg1[%get3A, %get3A_0, %get3A_1] : memref<5x512x128xf32, #tpu.memory_space<vmem>>, vector<5x512x128xf32>
    %slice3A = vector.extract_strided_slice %get3A_2 {offsets = [0, 0, 0], sizes = [5, 512, 64], strides = [1, 1, 1]} : vector<5x512x128xf32> to vector<5x512x64xf32>
    %get3A_3 = arith.constant 0 : index
    %get3A_4 = arith.constant 0 : index
    %get3A_5 = vector.load %arg2[%get3A_3, %get3A_4] : memref<512x128xf32, #tpu.memory_space<vmem>>, vector<512x128xf32>
    %slice3A_6 = vector.extract_strided_slice %get3A_5 {offsets = [0, 0], sizes = [512, 64], strides = [1, 1]} : vector<512x128xf32> to vector<512x64xf32>
    %broadcast_in_dim3A = vector.shape_cast %slice3A_6 : vector<512x64xf32> to vector<1x512x64xf32>
    %sub3A = vector.broadcast %broadcast_in_dim3A : vector<1x512x64xf32> to vector<5x512x64xf32>
    %sub3A_7 = arith.subf %slice3A, %sub3A : vector<5x512x64xf32>
    %broadcast_in_dim3A_8 = vector.shape_cast %slice3A_6 : vector<512x64xf32> to vector<1x512x64xf32>
    %broadcast_in_dim3A_9 = vector.shape_cast %broadcast_in_dim3A_8 : vector<1x512x64xf32> to vector<1x512x64xf32>
    %broadcast_in_dim3A_10 = vector.broadcast %broadcast_in_dim3A_9 : vector<1x512x64xf32> to vector<5x512x64xf32>
    %concatenate3A = tpu.concatenate %sub3A_7, %broadcast_in_dim3A_10 in 2 : vector<5x512x64xf32>, vector<5x512x64xf32> -> vector<5x512x128xf32>
    %reshape3A = vector.shape_cast %concatenate3A : vector<5x512x128xf32> to vector<2560x128xf32>
    %convert_element_type3A = arith.truncf %reshape3A : vector<2560x128xf32> to vector<2560x128xbf16>
    %get3A_11 = arith.constant 0 : index
    %get3A_12 = arith.constant 0 : index
    %get3A_13 = vector.load %arg3[%get3A_11, %get3A_12] : memref<128x128xf32, #tpu.memory_space<vmem>>, vector<128x128xf32>
    %convert_element_type3A_14 = arith.truncf %get3A_13 : vector<128x128xf32> to vector<128x128xbf16>
    %dot_general3A = arith.constant dense<0.000000e+00> : vector<2560x128xf32>
    %dot_general3A_15 = tpu.matmul %convert_element_type3A, %convert_element_type3A_14, %dot_general3A {dimension_numbers = #tpu.dot_dimension_numbers<[1], [1], [0], [0], [0, 0, 1, 0], [], []>, transpose_lhs_hint = false} : vector<2560x128xbf16>, vector<128x128xbf16>, vector<2560x128xf32> -> vector<2560x128xf32>
    %reshape3A_16 = vector.shape_cast %dot_general3A_15 : vector<2560x128xf32> to vector<5x512x128xf32>
    %reduce_max3A = arith.constant dense<0xFF800000> : vector<512x128xf32>
    %reduce_max3A_17 = vector.multi_reduction <maximumf>, %reshape3A_16, %reduce_max3A [0] : vector<5x512x128xf32> to vector<512x128xf32>
    %swap3A = arith.constant 0 : index
    %swap3A_18 = arith.constant 0 : index
    %swap3A_19 = vector.load %arg4[%swap3A, %swap3A_18] : memref<512x128xf32, #tpu.memory_space<vmem>>, vector<512x128xf32>
    tpu.vector_store %arg4[%swap3A, %swap3A_18], %reduce_max3A_17 {strides = array<i32>} : memref<512x128xf32, #tpu.memory_space<vmem>>, vector<512x128xf32>,
    %swap3A_20 = arith.constant 0 : index
    %swap3A_21 = arith.constant 0 : index
    %swap3A_22 = arith.constant 0 : index
    %swap3A_23 = vector.load %arg5[%swap3A_20, %swap3A_21, %swap3A_22] : memref<5x512x128xf32, #tpu.memory_space<vmem>>, vector<5x512x128xf32>
    tpu.vector_store %arg5[%swap3A_20, %swap3A_21, %swap3A_22], %reshape3A_16 {strides = array<i32>} : memref<5x512x128xf32, #tpu.memory_space<vmem>>, vector<5x512x128xf32>,
    return
  }
  func.func @transform_0(%arg0: i32) -> (i32, i32, i32) {
    %c0_i32 = arith.constant 0 : i32
    %c0_i32_0 = arith.constant 0 : i32
    %c0_i32_1 = arith.constant 0 : i32
    return %c0_i32, %arg0, %c0_i32_0 : i32, i32, i32
  }
  func.func @transform_1(%arg0: i32) -> (i32, i32) {
    %c0_i32 = arith.constant 0 : i32
    %c0_i32_0 = arith.constant 0 : i32
    return %arg0, %c0_i32 : i32, i32
  }
  func.func @transform_2(%arg0: i32) -> (i32, i32) {
    %c0_i32 = arith.constant 0 : i32
    %c0_i32_0 = arith.constant 0 : i32
    %c0_i32_1 = arith.constant 0 : i32
    return %c0_i32, %c0_i32_0 : i32, i32
  }
  func.func @transform_3(%arg0: i32) -> (i32, i32) {
    %c0_i32 = arith.constant 0 : i32
    %c0_i32_0 = arith.constant 0 : i32
    return %arg0, %c0_i32 : i32, i32
  }
  func.func @transform_4(%arg0: i32) -> (i32, i32, i32) {
    %c0_i32 = arith.constant 0 : i32
    %c0_i32_0 = arith.constant 0 : i32
    %c0_i32_1 = arith.constant 0 : i32
    return %c0_i32, %arg0, %c0_i32_0 : i32, i32, i32
  }
}

module attributes {stable_mosaic.version = 14 : i64} {
  func.func @body(%arg0: memref<4096x128xf32, #tpu.memory_space<vmem>>, %arg1: memref<4096x128xf32, #tpu.memory_space<vmem>>, %arg2: memref<4096x128xf32, #tpu.memory_space<vmem>>, %arg3: memref<128x256xf32, #tpu.memory_space<vmem>>, %arg4: memref<4096x128xf32, #tpu.memory_space<vmem>>) attributes {dimension_semantics = [], scalar_prefetch = 0 : i64, scratch_operands = 0 : i64, tpu.core_type = #tpu.core_type<tc>} {
    %get3A = arith.constant 0 : index
    %get3A_0 = arith.constant 0 : index
    %get3A_1 = vector.load %arg0[%get3A, %get3A_0] : memref<4096x128xf32, #tpu.memory_space<vmem>>, vector<4096x128xf32>
    %slice3A = vector.extract_strided_slice %get3A_1 {offsets = [0, 0], sizes = [4096, 64], strides = [1, 1]} : vector<4096x128xf32> to vector<4096x64xf32>
    %get3A_2 = arith.constant 0 : index
    %get3A_3 = arith.constant 0 : index
    %get3A_4 = vector.load %arg1[%get3A_2, %get3A_3] : memref<4096x128xf32, #tpu.memory_space<vmem>>, vector<4096x128xf32>
    %slice3A_5 = vector.extract_strided_slice %get3A_4 {offsets = [0, 0], sizes = [4096, 64], strides = [1, 1]} : vector<4096x128xf32> to vector<4096x64xf32>
    %get3A_6 = arith.constant 0 : index
    %get3A_7 = arith.constant 0 : index
    %get3A_8 = vector.load %arg2[%get3A_6, %get3A_7] : memref<4096x128xf32, #tpu.memory_space<vmem>>, vector<4096x128xf32>
    %concatenate3A = tpu.concatenate %slice3A, %slice3A_5, %get3A_8 in 1 : vector<4096x64xf32>, vector<4096x64xf32>, vector<4096x128xf32> -> vector<4096x256xf32>
    %convert_element_type3A = arith.truncf %concatenate3A : vector<4096x256xf32> to vector<4096x256xbf16>
    %get3A_9 = arith.constant 0 : index
    %get3A_10 = arith.constant 0 : index
    %get3A_11 = vector.load %arg3[%get3A_9, %get3A_10] : memref<128x256xf32, #tpu.memory_space<vmem>>, vector<128x256xf32>
    %convert_element_type3A_12 = arith.truncf %get3A_11 : vector<128x256xf32> to vector<128x256xbf16>
    %dot_general3A = arith.constant dense<0.000000e+00> : vector<4096x128xf32>
    %dot_general3A_13 = tpu.matmul %convert_element_type3A, %convert_element_type3A_12, %dot_general3A {dimension_numbers = #tpu.dot_dimension_numbers<[1], [1], [0], [0], [0, 0, 1, 0], [], []>, transpose_lhs_hint = false} : vector<4096x256xbf16>, vector<128x256xbf16>, vector<4096x128xf32> -> vector<4096x128xf32>
    %reduce_sum3A = arith.constant dense<0.000000e+00> : vector<128xf32>
    %reduce_sum3A_14 = vector.multi_reduction <add>, %dot_general3A_13, %reduce_sum3A [0] : vector<4096x128xf32> to vector<128xf32>
    %broadcast_in_dim3A = vector.shape_cast %reduce_sum3A_14 : vector<128xf32> to vector<1x128xf32>
    %div3A = arith.constant 4.096000e+03 : f32
    %div3A_15 = vector.broadcast %div3A : f32 to vector<1x128xf32>
    %div3A_16 = arith.divf %broadcast_in_dim3A, %div3A_15 : vector<1x128xf32>
    %mul3A = arith.mulf %dot_general3A_13, %dot_general3A_13 : vector<4096x128xf32>
    %reduce_sum3A_17 = arith.constant dense<0.000000e+00> : vector<128xf32>
    %reduce_sum3A_18 = vector.multi_reduction <add>, %mul3A, %reduce_sum3A_17 [0] : vector<4096x128xf32> to vector<128xf32>
    %broadcast_in_dim3A_19 = vector.shape_cast %reduce_sum3A_18 : vector<128xf32> to vector<1x128xf32>
    %div3A_20 = arith.constant 4.096000e+03 : f32
    %div3A_21 = vector.broadcast %div3A_20 : f32 to vector<1x128xf32>
    %div3A_22 = arith.divf %broadcast_in_dim3A_19, %div3A_21 : vector<1x128xf32>
    %mul3A_23 = arith.mulf %div3A_16, %div3A_16 : vector<1x128xf32>
    %sub3A = arith.subf %div3A_22, %mul3A_23 : vector<1x128xf32>
    %sub3A_24 = vector.broadcast %div3A_16 : vector<1x128xf32> to vector<4096x128xf32>
    %sub3A_25 = arith.subf %dot_general3A_13, %sub3A_24 : vector<4096x128xf32>
    %add3A = arith.constant 9.99999974E-6 : f32
    %add3A_26 = vector.broadcast %add3A : f32 to vector<1x128xf32>
    %add3A_27 = arith.addf %sub3A, %add3A_26 : vector<1x128xf32>
    %rsqrt3A = math.rsqrt %add3A_27 : vector<1x128xf32>
    %mul3A_28 = vector.broadcast %rsqrt3A : vector<1x128xf32> to vector<4096x128xf32>
    %mul3A_29 = arith.mulf %sub3A_25, %mul3A_28 : vector<4096x128xf32>
    %ge3A = arith.constant 0.000000e+00 : f32
    %ge3A_30 = vector.broadcast %ge3A : f32 to vector<4096x128xf32>
    %ge3A_31 = arith.cmpf oge, %mul3A_29, %ge3A_30 : vector<4096x128xf32>
    %mul3A_32 = arith.constant 2.000000e-01 : f32
    %mul3A_33 = vector.broadcast %mul3A_32 : f32 to vector<4096x128xf32>
    %mul3A_34 = arith.mulf %mul3A_33, %mul3A_29 : vector<4096x128xf32>
    %select_n3A = arith.select %ge3A_31, %mul3A_29, %mul3A_34 : vector<4096x128xi1>, vector<4096x128xf32>
    %swap3A = arith.constant 0 : index
    %swap3A_35 = arith.constant 0 : index
    %swap3A_36 = vector.load %arg4[%swap3A, %swap3A_35] : memref<4096x128xf32, #tpu.memory_space<vmem>>, vector<4096x128xf32>
    tpu.vector_store %arg4[%swap3A, %swap3A_35], %select_n3A {strides = array<i32>} : memref<4096x128xf32, #tpu.memory_space<vmem>>, vector<4096x128xf32>,
    return
  }
}

module attributes {stable_mosaic.version = 14 : i64} {
  func.func @body(%arg0: memref<4096x128xf32, #tpu.memory_space<vmem>>, %arg1: memref<4096x128xf32, #tpu.memory_space<vmem>>, %arg2: memref<256x256xf32, #tpu.memory_space<vmem>>, %arg3: memref<4096x256xf32, #tpu.memory_space<vmem>>) attributes {dimension_semantics = [], scalar_prefetch = 0 : i64, scratch_operands = 0 : i64, tpu.core_type = #tpu.core_type<tc>} {
    %get3A = arith.constant 0 : index
    %get3A_0 = arith.constant 0 : index
    %get3A_1 = vector.load %arg0[%get3A, %get3A_0] : memref<4096x128xf32, #tpu.memory_space<vmem>>, vector<4096x128xf32>
    %get3A_2 = arith.constant 0 : index
    %get3A_3 = arith.constant 0 : index
    %get3A_4 = vector.load %arg1[%get3A_2, %get3A_3] : memref<4096x128xf32, #tpu.memory_space<vmem>>, vector<4096x128xf32>
    %concatenate3A = tpu.concatenate %get3A_1, %get3A_4 in 1 : vector<4096x128xf32>, vector<4096x128xf32> -> vector<4096x256xf32>
    %convert_element_type3A = arith.truncf %concatenate3A : vector<4096x256xf32> to vector<4096x256xbf16>
    %get3A_5 = arith.constant 0 : index
    %get3A_6 = arith.constant 0 : index
    %get3A_7 = vector.load %arg2[%get3A_5, %get3A_6] : memref<256x256xf32, #tpu.memory_space<vmem>>, vector<256x256xf32>
    %convert_element_type3A_8 = arith.truncf %get3A_7 : vector<256x256xf32> to vector<256x256xbf16>
    %dot_general3A = arith.constant dense<0.000000e+00> : vector<4096x256xf32>
    %dot_general3A_9 = tpu.matmul %convert_element_type3A, %convert_element_type3A_8, %dot_general3A {dimension_numbers = #tpu.dot_dimension_numbers<[1], [1], [0], [0], [0, 0, 1, 0], [], []>, transpose_lhs_hint = false} : vector<4096x256xbf16>, vector<256x256xbf16>, vector<4096x256xf32> -> vector<4096x256xf32>
    %reduce_sum3A = arith.constant dense<0.000000e+00> : vector<256xf32>
    %reduce_sum3A_10 = vector.multi_reduction <add>, %dot_general3A_9, %reduce_sum3A [0] : vector<4096x256xf32> to vector<256xf32>
    %broadcast_in_dim3A = vector.shape_cast %reduce_sum3A_10 : vector<256xf32> to vector<1x256xf32>
    %div3A = arith.constant 4.096000e+03 : f32
    %div3A_11 = vector.broadcast %div3A : f32 to vector<1x256xf32>
    %div3A_12 = arith.divf %broadcast_in_dim3A, %div3A_11 : vector<1x256xf32>
    %mul3A = arith.mulf %dot_general3A_9, %dot_general3A_9 : vector<4096x256xf32>
    %reduce_sum3A_13 = arith.constant dense<0.000000e+00> : vector<256xf32>
    %reduce_sum3A_14 = vector.multi_reduction <add>, %mul3A, %reduce_sum3A_13 [0] : vector<4096x256xf32> to vector<256xf32>
    %broadcast_in_dim3A_15 = vector.shape_cast %reduce_sum3A_14 : vector<256xf32> to vector<1x256xf32>
    %div3A_16 = arith.constant 4.096000e+03 : f32
    %div3A_17 = vector.broadcast %div3A_16 : f32 to vector<1x256xf32>
    %div3A_18 = arith.divf %broadcast_in_dim3A_15, %div3A_17 : vector<1x256xf32>
    %mul3A_19 = arith.mulf %div3A_12, %div3A_12 : vector<1x256xf32>
    %sub3A = arith.subf %div3A_18, %mul3A_19 : vector<1x256xf32>
    %sub3A_20 = vector.broadcast %div3A_12 : vector<1x256xf32> to vector<4096x256xf32>
    %sub3A_21 = arith.subf %dot_general3A_9, %sub3A_20 : vector<4096x256xf32>
    %add3A = arith.constant 9.99999974E-6 : f32
    %add3A_22 = vector.broadcast %add3A : f32 to vector<1x256xf32>
    %add3A_23 = arith.addf %sub3A, %add3A_22 : vector<1x256xf32>
    %rsqrt3A = math.rsqrt %add3A_23 : vector<1x256xf32>
    %mul3A_24 = vector.broadcast %rsqrt3A : vector<1x256xf32> to vector<4096x256xf32>
    %mul3A_25 = arith.mulf %sub3A_21, %mul3A_24 : vector<4096x256xf32>
    %ge3A = arith.constant 0.000000e+00 : f32
    %ge3A_26 = vector.broadcast %ge3A : f32 to vector<4096x256xf32>
    %ge3A_27 = arith.cmpf oge, %mul3A_25, %ge3A_26 : vector<4096x256xf32>
    %mul3A_28 = arith.constant 2.000000e-01 : f32
    %mul3A_29 = vector.broadcast %mul3A_28 : f32 to vector<4096x256xf32>
    %mul3A_30 = arith.mulf %mul3A_29, %mul3A_25 : vector<4096x256xf32>
    %select_n3A = arith.select %ge3A_27, %mul3A_25, %mul3A_30 : vector<4096x256xi1>, vector<4096x256xf32>
    %swap3A = arith.constant 0 : index
    %swap3A_31 = arith.constant 0 : index
    %swap3A_32 = vector.load %arg3[%swap3A, %swap3A_31] : memref<4096x256xf32, #tpu.memory_space<vmem>>, vector<4096x256xf32>
    tpu.vector_store %arg3[%swap3A, %swap3A_31], %select_n3A {strides = array<i32>} : memref<4096x256xf32, #tpu.memory_space<vmem>>, vector<4096x256xf32>,
    return
  }
}

</mosaic_0001>

<sc_bundles>
// kernel: kernel.22.cloned.1.call-start
scs
__scs_entry_jumppad:
0x0: {  	(pc) =	sbr.rel $0x88, $3  }
0x1: {  	(tag) =	ssettag $0x0;
	lr =	simm.s32 $0x1  }
0x2: {  	[smem:$0x3F97] =	sst lr;
	_ =	strace $0xD0000000  }
0x3: {  	_ = 	snop  }
0x4: {  	_ = 	snop  }
0x5: {  	_ = 	snop  }
0x6: {  	_ = 	snop  }
0x7: {  	_ = 	snop  }
__scs_overlays_trampoline_lowered:
0x8: {  	[smem:$0x3FA6] =	sst s0  }
0x9: {  	[smem:$0x3FA7] =	sst s1  }
0xa: {  	[smem:$0x3FA8] =	sst s2  }
0xb: {  	[smem:$0x3FA9] =	sst s3  }
0xc: {  	[smem:$0x3FAA] =	sst s4  }
0xd: {  	[smem:$0x3FAB] =	sst s5  }
0xe: {  	[smem:$0x3FAC] =	sst s6  }
0xf: {  	[smem:$0x3FAD] =	sst s7  }
0x10: {  	[smem:$0x3FAE] =	sst s8  }
0x11: {  	[smem:$0x3FAF] =	sst s9;
	s0 =	simm.s32 @!p0 $0x0  }
0x12: {  	s1 =	sld [smem:$0x3F95];
	s0 =	simm.s32 @p0 $0x1  }
0x13: {  	[smem:$0x3FB0] =	sst s0;
	s0 =	simm.s32 @!p1 $0x0  }
0x14: {  	s2 =	sld [smem:$0x3F94];
	s0 =	simm.s32 @p1 $0x1  }
0x15: {  	[smem:$0x3FB1] =	sst s0;
	s0 =	simm.s32 @!p2 $0x0  }
0x16: {  	s3 =	sld [smem:$0x3FDB];
	s0 =	simm.s32 @p2 $0x1  }
0x17: {  	s4 =	simm.s32 $0x1BF5;
	[smem:$0x3FB3] =	sst s0  }
0x18: {  	s0 =	sld [smem:$0x3F96];
	_ =	swait.ge [sflag:s4], $0x0  }
0x19: {  	s7 =	sld [smem:$0x3F97]  }
0x1a: {  	s8 =	sadd.s32 $0xFFFFE003, lr  }
0x1b: {  	s9 =	sadd.s32 $0xFFFFFEF7, lr;
	s5 =	simm.s32 $0xFFFFFFFF;
	p2 =	slt.u32 s8, $0xFFFFF086  }
0x1c: {  	p1 =	slt.u32 s9, $0xF7A;
	s5 =	simm.s32 @!p2 $0x0  }
0x1d: {  	s5 =	simm.s32 @p1 $0x1;
	p0 =	seq.s32 s7, s2  }
0x1e: {  	s7 =	smul.u32 @!p0 $0xF7A, s2;
	p2 =	seq.s32 @!p0 s5, $0x0  }
0x1f: {  	s9 =	smul.u32 $0xF7A, s1;
	s8 =	simm.s32 @!p0 $0x1BF5;
	p2 =	por !p2, p0  }
0x20: {  	[sflag:s8] =	ssyncset.s32 @!p0 $0xFFFFF086;
	s6 =	sadd.s32 @!p0 s3, s7;
	s7 =	simm.s32 @!p0 $0x108  }
0x21: {  	s3 =	sadd.s32 s3, s9;
	s6 =	sadd.s32 @!p0 $0x88, s6;
	s7 =	simm.s32 @p2 $0x1082  }
0x22: {  	[simem:s7], [sflag:s8] =	dma.local @!p0 [hbm:s6], $0xF7A  }
0x23: {  	s9 =	sor.u32 $0xD0000000, s2;
	s6 =	simm.s32 $0x108;
	_ =	swait.ge @!p0 [sflag:s8], $0x0  }
0x24: {  	s3 =	sadd.s32 $0x88, s3;
	s6 =	simm.s32 @!p1 $0x1082;
	[sflag:s4] =	ssyncset.s32 $0xFFFFF086  }
0x25: {  	[simem:s6], [sflag:s4] =	dma.local [hbm:s3], $0xF7A  }
0x26: {  	[smem:$0x3F97] =	sst s1;
	(tag) =	ssettag s2;
	_ =	strace s9  }
0x27: {  	s1 =	sld [smem:$0x3FA7]  }
0x28: {  	s2 =	sld [smem:$0x3FA8]  }
0x29: {  	s4 =	sld [smem:$0x3FAA]  }
0x2a: {  	p0 =	seq.s32 s5, $0x0;
	s5 =	sld [smem:$0x3FAB]  }
0x2b: {  	s6 =	sld [smem:$0x3FAC]  }
0x2c: {  	s7 =	sld [smem:$0x3FAD]  }
0x2d: {  	s3 =	simm.s32 $0x108;
	s8 =	sld [smem:$0x3FAE]  }
0x2e: {  	s3 =	simm.s32 @!p0 $0x1082;
	s9 =	sld [smem:$0x3FAF]  }
0x2f: {  	lr =	sadd.s32 s0, s3;
	s0 =	sld [smem:$0x3FA6]  }
0x30: {  	s3 =	sld [smem:$0x3FA9]  }
0x31: {  	[smem:$0x3FB2] =	sst s10  }
0x32: {  	s10 =	sld [smem:$0x3FB0];
	_ =	sdelay $0x3  }
0x33: {  	p0 =	seq.s32 s10, $0x1;
	s10 =	sld [smem:$0x3FB2];
	_ =	sdelay $0x3  }
0x34: {  	[smem:$0x3FB2] =	sst s10  }
0x35: {  	s10 =	sld [smem:$0x3FB1];
	_ =	sdelay $0x3  }
0x36: {  	p1 =	seq.s32 s10, $0x1;
	s10 =	sld [smem:$0x3FB2];
	_ =	sdelay $0x3  }
0x37: {  	[smem:$0x3FB2] =	sst s10  }
0x38: {  	s10 =	sld [smem:$0x3FB3]  }
0x39: {  	_ = 	snop;
	(pc) =	sbr.ind lr, $3  }
0x3a: {  	_ = 	snop  }
0x3b: {  	_ = 	snop  }
0x3c: {  	p2 =	seq.s32 s10, $0x1;
	s10 =	sld [smem:$0x3FB2]  }
0x3d: {  	_ =	shalt  }
0x3e: {  	_ =	shalt  }
0x3f: {  	_ =	shalt  }
0x40: {  	_ =	shalt  }
0x41: {  	_ =	shalt  }
0x42: {  	_ =	shalt  }
0x43: {  	_ =	shalt  }
0x44: {  	_ =	shalt  }
0x45: {  	_ =	shalt  }
0x46: {  	_ =	shalt  }
0x47: {  	_ =	shalt  }
0x48: {  	_ =	shalt  }
0x49: {  	_ =	shalt  }
0x4a: {  	_ =	shalt  }
0x4b: {  	_ =	shalt  }
0x4c: {  	_ =	shalt  }
0x4d: {  	_ =	shalt  }
0x4e: {  	_ =	shalt  }
0x4f: {  	_ =	shalt  }
0x50: {  	_ =	shalt  }
0x51: {  	_ =	shalt  }
0x52: {  	_ =	shalt  }
0x53: {  	_ =	shalt  }
0x54: {  	_ =	shalt  }
0x55: {  	_ =	shalt  }
0x56: {  	_ =	shalt  }
0x57: {  	_ =	shalt  }
0x58: {  	_ =	shalt  }
0x59: {  	_ =	shalt  }
0x5a: {  	_ =	shalt  }
0x5b: {  	_ =	shalt  }
0x5c: {  	_ =	shalt  }
0x5d: {  	_ =	shalt  }
0x5e: {  	_ =	shalt  }
0x5f: {  	_ =	shalt  }
0x60: {  	_ =	shalt  }
0x61: {  	_ =	shalt  }
0x62: {  	_ =	shalt  }
0x63: {  	_ =	shalt  }
0x64: {  	_ =	shalt  }
0x65: {  	_ =	shalt  }
0x66: {  	_ =	shalt  }
0x67: {  	_ =	shalt  }
0x68: {  	_ =	shalt  }
0x69: {  	_ =	shalt  }
0x6a: {  	_ =	shalt  }
0x6b: {  	_ =	shalt  }
0x6c: {  	_ =	shalt  }
0x6d: {  	_ =	shalt  }
0x6e: {  	_ =	shalt  }
0x6f: {  	_ =	shalt  }
0x70: {  	_ =	shalt  }
0x71: {  	_ =	shalt  }
0x72: {  	_ =	shalt  }
0x73: {  	_ =	shalt  }
0x74: {  	_ =	shalt  }
0x75: {  	_ =	shalt  }
0x76: {  	_ =	shalt  }
0x77: {  	_ =	shalt  }
0x78: {  	_ =	shalt  }
0x79: {  	_ =	shalt  }
0x7a: {  	_ =	shalt  }
0x7b: {  	_ =	shalt  }
0x7c: {  	_ =	shalt  }
0x7d: {  	_ =	shalt  }
0x7e: {  	_ =	shalt  }
0x7f: {  	_ =	shalt  }
0x80: {  	_ =	shalt  }
0x81: {  	_ =	shalt  }
0x82: {  	_ =	shalt  }
0x83: {  	_ =	shalt  }
0x84: {  	_ =	shalt  }
0x85: {  	_ =	shalt  }
0x86: {  	_ =	shalt  }
0x87: {  	_ =	shalt  }
.Lfunc_end0:
.L_simem_size_0:
called_computation_lowered:
.L_overlay_start_0:
0x88: {  	s2 =	sld [smem:$0x3FD9]  }
0x89: {  	s3 =	sld [smem:$0x3FFE];
	_ =	sdelay $0x1  }
0x8a: {  	s1 =	srdreg.scid  }
0x8b: {  	s0 =	sand.u32 $0x1, s1  }
0x8c: {  	s17 =	sshll.u32 s0, $0xA;
	s2 =	sadd.s32 s3, s2  }
0x8d: {  	s2 =	sadd.s32 s2, s17  }
0x8e: {  	[smem:$0x3FBE] =	sst s2  }
0x8f: {  	_ = 	snop  }
0x90: {  	s18 =	sld [smem:$0x3FD0];
	(tm) =	ssettm $0x1  }
0x91: {  	s19 =	sld [smem:$0x3FFB];
	_ =	sdelay $0x3  }
0x92: {  	_ =	strace s19  }
0x93: {  	s2 =	sld [smem:$0x3FFC];
	_ =	sdelay $0x3  }
0x94: {  	_ =	strace s2  }
0x95: {  	s2 =	sld [smem:$0x3FFD];
	_ =	sdelay $0x3  }
0x96: {  	_ =	strace s2  }
0x97: {  	_ =	strace $0x8FFFFFFF  }
0x98: {  	s20 =	sld [smem:$0x3FDB];
	_ =	sdelay $0x1  }
0x99: {  	s4 =	simm.s32 $_scs_section_size  }
0x9a: {  	s5 =	simm.s32 $_size__tile_overlayer_lowered;
	s6 =	simm.s32 $_tile_overlayer_lowered  }
0x9b: {  	s7 =	simm.s32 $0x1BFF;
	s21 =	sshll.u32 s6, $0x1;
	s4 =	sadd.s32 s4, s20  }
0x9c: {  	s22 =	simm.s32 $0x0;
	s5 =	sshll.u32 s5, $0x1;
	s6 =	sadd.s32 s21, s4  }
0x9d: {  	[timem:s22], [sflag:s7] =	dma.local [hbm:s6], s5  }
0x9e: {  	_ =	swait.ge [sflag:s7], s5  }
0x9f: {  	s5 =	ssub.s32 $0x0, s5;
	[sflag:s7] =	ssyncset.done $0x0  }
0xa0: {  	[sflag:s7] =	ssyncadd.s32 s5;
	_ =	sdelay $0x1  }
0xa1: {  	s23 =	simm.s32 $0x1B8B  }
0xa2: {  	_ =	swait.ge [sflag:s23], $0x1  }
0xa3: {  	[sflag:s23] =	ssyncset.done $0x0  }
0xa4: {  	[sflag:s23] =	ssyncadd.s32 $0xFFFFFFFF  }
0xa5: {  	s5 =	sld [smem:$0x0]  }
0xa6: {  	s6 =	sand.u32 $0xFFFFFFFE, s1  }
0xa7: {  	p0 =	sne.s32 s1, s6  }
0xa8: {  	s6 =	sshll.u32 @p0 s6, $0xE  }
0xa9: {  	s6 =	sadd.s32 @p0 $0x11B8D, s6;
	s7 =	sshll.u32 @p0 s5, $0x11  }
0xaa: {  	s6 =	sor.u32 @p0 s7, s6  }
0xab: {  	[sflag:s6] =	ssyncadd.remote.s32 @p0 $0x1;
	_ =	sdelay $0x1  }
0xac: {  	s6 =	simm.s32 @p0 $0x1B8D  }
0xad: {  	_ =	swait.eq @p0 [sflag:s6], $0x1  }
0xae: {  	[sflag:s6] =	ssyncadd.s32 @p0 $0xFFFFFFFF  }
0xaf: {  	s7 =	sshll.u32 @!p0 s1, $0xE  }
0xb0: {  	s7 =	sor.u32 @!p0 $0x4000, s7;
	s6 =	simm.s32 @!p0 $0x1B8D  }
0xb1: {  	s5 =	sshll.u32 @!p0 s5, $0x11;
	s7 =	sadd.s32 @!p0 $0x11B8D, s7;
	_ =	swait.eq @!p0 [sflag:s6], $0x1  }
0xb2: {  	s5 =	sor.u32 @!p0 s5, s7;
	[sflag:s6] =	ssyncadd.s32 @!p0 $0xFFFFFFFF  }
0xb3: {  	s25 =	simm.s32 $0x1B8E;
	s24 =	sld [smem:$0x3FFE];
	[sflag:s5] =	ssyncadd.remote.s32 @!p0 $0x1  }
0xb4: {  	s26 =	simm.s32 $execute0_lowered;
	[smem:$0x3FD2] =	sst s25  }
0xb5: {  	s6 =	sshll.u32 s26, $0x1;
	_ =	strace $0x80000049;
	[dreg:$0x1] =	wrdreg $0xFFFFFFFF  }
0xb6: {  	s28 =	simm.s32 $_size_execute0_lowered;
	s4 =	sadd.s32 s4, s6;
	[dreg:$0x0] =	wrdreg $0x0  }
0xb7: {  	s6 =	sshll.u32 s28, $0x1;
	[dreg:$0x2] =	wrdreg s4  }
0xb8: {  	[dreg:$0x3] =	wrdreg s6  }
0xb9: {  	[dreg:$0x4] =	wrdreg $0xC0  }
0xba: {  	_ =	task [dreg:s22], $0x5FFFF  }
0xbb: {  	[dreg:$0x1] =	wrdreg $0xFFFFFFFF  }
0xbc: {  	[dreg:$0x0] =	wrdreg $0x60  }
0xbd: {  	[dreg:$0x2] =	wrdreg s24  }
0xbe: {  	[dreg:$0x3] =	wrdreg s18  }
0xbf: {  	[dreg:$0x4] =	wrdreg $0x9  }
0xc0: {  	_ =	task.clear_ibuf [dreg:s22], $0x5FFFF;
	_ =	strace $0x90000049  }
0xc1: {  	s29 =	simm.s32 $0x9;
	_ =	strace $0x8000004B  }
0xc2: {  	_ =	swait.ge [sflag:s29], $0x1  }
0xc3: {  	[sflag:s29] =	ssyncadd.s32 $0xFFFFFFFF  }
0xc4: {  	_ =	strace $0x9000004B  }
0xc5: {  	_ =	sfence  }
0xc6: {  	s30 =	sld [smem:$0x0];
	_ =	sdelay $0x2  }
0xc7: {  	s31 =	sshll.u32 s1, $0xD;
	s1 =	sshrl.u32 s1, $0x2  }
0xc8: {  	s4 =	sand.u32 $0x4000, s31;
	s1 =	sadd.s32 s1, s30  }
0xc9: {  	s0 =	sor.u32 s4, s0;
	s1 =	sshll.u32 s1, $0x11  }
0xca: {  	s0 =	sor.u32 s1, s0  }
0xcb: {  	s0 =	sadd.s32 $0x8F2B, s0  }
0xcc: {  	[sflag:s0] =	ssyncadd.remote.s32 $0x1  }
0xcd: {  	_ =	sfence.sel $0xFFFF  }
0xce: {  	[dreg:$0x0] =	wrdreg $0xFFFFFFFF;
	(pc) =	sbr.abs _section_cstart, $3  }
0xcf: {  	[dreg:$0x1] =	wrdreg $0xFFFFFFFF  }
0xd0: {  	_ =	task.clear_ibuf [dreg:s22], $0x2FFFF;
	_ =	strace $0x9FFFFFFF  }
0xd1: {  	(tm) =	ssettm $0x7FFFFFFF  }
tec
execute0_lowered:
.L_overlay_start_1:
0x0: {  	(tag) =	ssettag $0x1  }
0x1: {  	s1 =	srdreg.scid  }
0x2: {  	s20 =	rddreg [dreg:$0x0];
	s0 =	stileid.u32;
	s23 =	sand.u32 $0x1, s1  }
0x3: {  	s2 =	rddreg [dreg:$0x1];
	s4 =	sshll.u32 s0, $0x8;
	s5 =	sshll.u32 s23, $0x7  }
0x4: {  	s3 =	simm.s32 $0x0;
	s1 =	rddreg [dreg:$0x2];
	s21 =	sor.u32 s5, s4  }
0x5: {  	[smem:$0x7FF] =	sst s3;
	s12 =	sadd.s32 $0x10800, s20;
	s4 =	sshrl.u32 s21, $0x3  }
0x6: {  	_ =	strace $0x8000004A;
	s5 =	sadd.s32 s12, s4;
	s4 =	simm.s32 $0x2  }
0x7: {  	[tilespmem:s3], [sflag:$0x2] =	stream.linear.gather [hbm4b:s5+s3], $0x80, $0x38;
	[tilespmem:$0x14400] =	vst v63  }
0x8: {  	s22 =	sor.u32 $0x1000, s21;
	_ =	swait.ge [sflag:s4], $0x80  }
0x9: {  	s6 =	sshrl.u32 s22, $0x3;
	[sflag:s4] =	ssyncset.done $0x0  }
0xa: {  	s7 =	simm.s32 $0x80;
	s6 =	sadd.s32 s12, s6;
	[sflag:s4] =	ssyncadd.s32 $0xFFFFFF80  }
0xb: {  	[tilespmem:s7], [sflag:$0x2] =	stream.linear.gather [hbm4b:s6+s3], $0x80, $0x38;
	[tilespmem:$0x14400] =	vst v63  }
0xc: {  	s24 =	sor.u32 $0x2000, s21;
	_ =	swait.ge [sflag:s4], $0x80  }
0xd: {  	s8 =	sshrl.u32 s24, $0x3;
	[sflag:s4] =	ssyncset.done $0x0  }
0xe: {  	s9 =	simm.s32 $0x100;
	s8 =	sadd.s32 s12, s8;
	[sflag:s4] =	ssyncadd.s32 $0xFFFFFF80  }
0xf: {  	[tilespmem:s9], [sflag:$0x2] =	stream.linear.gather [hbm4b:s8+s3], $0x80, $0x38;
	[tilespmem:$0x14400] =	vst v63  }
0x10: {  	s26 =	sor.u32 $0x3000, s21;
	_ =	swait.ge [sflag:s4], $0x80  }
0x11: {  	s10 =	sshrl.u32 s26, $0x3;
	[sflag:s4] =	ssyncset.done $0x0  }
0x12: {  	s11 =	simm.s32 $0x180;
	s10 =	sadd.s32 s12, s10;
	[sflag:s4] =	ssyncadd.s32 $0xFFFFFF80  }
0x13: {  	[tilespmem:s11], [sflag:$0x2] =	stream.linear.gather [hbm4b:s10+s3], $0x80, $0x38;
	[tilespmem:$0x14400] =	vst v63  }
0x14: {  	s25 =	sor.u32 $0x4000, s21;
	_ =	swait.ge [sflag:s4], $0x80  }
0x15: {  	s13 =	sshrl.u32 s25, $0x3;
	[sflag:s4] =	ssyncset.done $0x0  }
0x16: {  	s12 =	sadd.s32 s12, s13;
	s13 =	simm.s32 $0x200;
	[sflag:s4] =	ssyncadd.s32 $0xFFFFFF80  }
0x17: {  	[tilespmem:s13], [sflag:$0x2] =	stream.linear.gather [hbm4b:s12+s3], $0x80, $0x38;
	[tilespmem:$0x14400] =	vst v63  }
0x18: {  	_ =	swait.ge [sflag:s4], $0x80  }
0x19: {  	[sflag:s4] =	ssyncset.done $0x0  }
0x1a: {  	s14 =	simm.s32 $0x400;
	[sflag:s4] =	ssyncadd.s32 $0xFFFFFF80  }
0x1b: {  	[tilespmem:s14], [sflag:$0x1] =	stream.indirect.gather [hbm4b:s2+s7], $0x80, s3, s7, $0xb8;
	[tilespmem:$0x14400] =	vst v63  }
0x1c: {  	s15 =	simm.s32 $0x4400  }
0x1d: {  	[tilespmem:s15], [sflag:$0x1] =	stream.indirect.gather [hbm4b:s2+s7], $0x80, s7, s7, $0xb8;
	[tilespmem:$0x14400] =	vst v63  }
0x1e: {  	s16 =	simm.s32 $0x8400  }
0x1f: {  	[tilespmem:s16], [sflag:$0x1] =	stream.indirect.gather [hbm4b:s2+s7], $0x80, s9, s7, $0xb8;
	[tilespmem:$0x14400] =	vst v63  }
0x20: {  	s17 =	simm.s32 $0xC400  }
0x21: {  	[tilespmem:s17], [sflag:$0x1] =	stream.indirect.gather [hbm4b:s2+s7], $0x80, s11, s7, $0xb8;
	[tilespmem:$0x14400] =	vst v63  }
0x22: {  	s18 =	simm.s32 $0x10400;
	s19 =	simm.s32 $0x1  }
0x23: {  	[tilespmem:s18], [sflag:$0x1] =	stream.indirect.gather [hbm4b:s2+s7], $0x80, s13, s7, $0xb8;
	[tilespmem:$0x14400] =	vst v63  }
0x24: {  	_ =	swait.ge [sflag:s19], $0x4000  }
0x25: {  	[sflag:s19] =	ssyncset.done $0x0  }
0x26: {  	[sflag:s19] =	ssyncadd.s32 $0xFFFFC000  }
0x27: {  	_ =	swait.ge [sflag:s19], $0x4000  }
0x28: {  	[sflag:s19] =	ssyncset.done $0x0  }
0x29: {  	[sflag:s19] =	ssyncadd.s32 $0xFFFFC000  }
0x2a: {  	_ =	swait.ge [sflag:s19], $0x4000  }
0x2b: {  	[sflag:s19] =	ssyncset.done $0x0  }
0x2c: {  	[sflag:s19] =	ssyncadd.s32 $0xFFFFC000  }
0x2d: {  	_ =	swait.ge [sflag:s19], $0x4000  }
0x2e: {  	[sflag:s19] =	ssyncset.done $0x0  }
0x2f: {  	[sflag:s19] =	ssyncadd.s32 $0xFFFFC000  }
0x30: {  	_ =	swait.ge [sflag:s19], $0x4000  }
0x31: {  	s28 =	sadd.s32 $0x61200, s20;
	s21 =	sshll.u32 s21, $0x4;
	[sflag:s19] =	ssyncset.done $0x0  }
0x32: {  	s20 =	sadd.s32 s28, s21;
	[sflag:s19] =	ssyncadd.s32 $0xFFFFC000  }
0x33: {  	[hbm4b:s20+s3] =	stream.linear.scatter [tilespmem:s14], [sflag:$0x2], $0x4000, $0x38;
	[tilespmem:$0x14400] =	vst v63  }
0x34: {  	_ =	swait.ge [sflag:s4], $0x4000  }
0x35: {  	s22 =	sshll.u32 s22, $0x4;
	[sflag:s4] =	ssyncset.done $0x0  }
0x36: {  	s21 =	sadd.s32 s28, s22;
	[sflag:s4] =	ssyncadd.s32 $0xFFFFC000  }
0x37: {  	[hbm4b:s21+s3] =	stream.linear.scatter [tilespmem:s15], [sflag:$0x2], $0x4000, $0x38;
	[tilespmem:$0x14400] =	vst v63  }
0x38: {  	_ =	swait.ge [sflag:s4], $0x4000  }
0x39: {  	s29 =	sshll.u32 s24, $0x4;
	[sflag:s4] =	ssyncset.done $0x0  }
0x3a: {  	s31 =	ssub.s32 $0x2, s23;
	s22 =	sadd.s32 s28, s29;
	[sflag:s4] =	ssyncadd.s32 $0xFFFFC000  }
0x3b: {  	[hbm4b:s22+s3] =	stream.linear.scatter [tilespmem:s16], [sflag:$0x2], $0x4000, $0x38;
	[tilespmem:$0x14400] =	vst v63  }
0x3c: {  	s29 =	sshrl.u32 s31, $0x1;
	_ =	swait.ge [sflag:s4], $0x4000  }
0x3d: {  	s30 =	sshll.u32 s26, $0x4;
	s26 =	ssub.s32 s31, s29;
	[sflag:s4] =	ssyncset.done $0x0  }
0x3e: {  	s23 =	sadd.s32 s28, s30;
	s31 =	smax.u32 s26, $0x1;
	[sflag:s4] =	ssyncadd.s32 $0xFFFFC000  }
0x3f: {  	[hbm4b:s23+s3] =	stream.linear.scatter [tilespmem:s17], [sflag:$0x2], $0x4000, $0x38;
	[tilespmem:$0x14400] =	vst v63  }
0x40: {  	p0 =	sne.s32 s31, $0x1;
	_ =	swait.ge [sflag:s4], $0x4000  }
.Ltmp0:
0x41: {  	s30 =	sshll.u32 s25, $0x4;
	[sflag:s4] =	ssyncset.done $0x0;
	(pc) =	sbr.rel @!p0 .LBB2_2-.Ltmp0, $4  }
0x42: {  	s24 =	sadd.s32 s28, s30;
	[sflag:s4] =	ssyncadd.s32 $0xFFFFC000  }
0x43: {  	[hbm4b:s24+s3] =	stream.linear.scatter [tilespmem:s18], [sflag:$0x2], $0x4000, $0x38;
	[tilespmem:$0x14400] =	vst v63  }
0x44: {  	_ =	swait.ge [sflag:s4], $0x4000  }
0x45: {  	s25 =	sadd.s32 $0xFFFFFFFF, s31;
	[sflag:s4] =	ssyncset.done $0x0  }
.LBB2_1:
0x46: {  	p0 =	sne.s32 s25, $0x1;
	s25 =	sadd.s32 $0xFFFFFFFF, s25;
	[sflag:s4] =	ssyncadd.s32 $0xFFFFC000  }
0x47: {  	[tilespmem:s3], [sflag:$0x2] =	stream.linear.gather [hbm4b:s5+s3], $0x80, $0x38;
	[tilespmem:$0x14400] =	vst v63  }
0x48: {  	_ =	swait.ge [sflag:s4], $0x80  }
0x49: {  	[sflag:s4] =	ssyncset.done $0x0  }
0x4a: {  	[sflag:s4] =	ssyncadd.s32 $0xFFFFFF80  }
0x4b: {  	[tilespmem:s7], [sflag:$0x2] =	stream.linear.gather [hbm4b:s6+s3], $0x80, $0x38;
	[tilespmem:$0x14400] =	vst v63  }
0x4c: {  	_ =	swait.ge [sflag:s4], $0x80  }
0x4d: {  	[sflag:s4] =	ssyncset.done $0x0  }
0x4e: {  	[sflag:s4] =	ssyncadd.s32 $0xFFFFFF80  }
0x4f: {  	[tilespmem:s9], [sflag:$0x2] =	stream.linear.gather [hbm4b:s8+s3], $0x80, $0x38;
	[tilespmem:$0x14400] =	vst v63  }
0x50: {  	_ =	swait.ge [sflag:s4], $0x80  }
0x51: {  	[sflag:s4] =	ssyncset.done $0x0  }
0x52: {  	[sflag:s4] =	ssyncadd.s32 $0xFFFFFF80  }
0x53: {  	[tilespmem:s11], [sflag:$0x2] =	stream.linear.gather [hbm4b:s10+s3], $0x80, $0x38;
	[tilespmem:$0x14400] =	vst v63  }
0x54: {  	_ =	swait.ge [sflag:s4], $0x80  }
0x55: {  	[sflag:s4] =	ssyncset.done $0x0  }
0x56: {  	[sflag:s4] =	ssyncadd.s32 $0xFFFFFF80  }
0x57: {  	[tilespmem:s13], [sflag:$0x2] =	stream.linear.gather [hbm4b:s12+s3], $0x80, $0x38;
	[tilespmem:$0x14400] =	vst v63  }
0x58: {  	_ =	swait.ge [sflag:s4], $0x80  }
0x59: {  	[sflag:s4] =	ssyncset.done $0x0  }
0x5a: {  	[sflag:s4] =	ssyncadd.s32 $0xFFFFFF80  }
0x5b: {  	[tilespmem:s14], [sflag:$0x1] =	stream.indirect.gather [hbm4b:s2+s7], $0x80, s3, s7, $0xb8;
	[tilespmem:$0x14400] =	vst v63  }
0x5c: {  	_ = 	snop  }
0x5d: {  	[tilespmem:s15], [sflag:$0x1] =	stream.indirect.gather [hbm4b:s2+s7], $0x80, s7, s7, $0xb8;
	[tilespmem:$0x14400] =	vst v63  }
0x5e: {  	_ = 	snop  }
0x5f: {  	[tilespmem:s16], [sflag:$0x1] =	stream.indirect.gather [hbm4b:s2+s7], $0x80, s9, s7, $0xb8;
	[tilespmem:$0x14400] =	vst v63  }
0x60: {  	_ = 	snop  }
0x61: {  	[tilespmem:s17], [sflag:$0x1] =	stream.indirect.gather [hbm4b:s2+s7], $0x80, s11, s7, $0xb8;
	[tilespmem:$0x14400] =	vst v63  }
0x62: {  	_ = 	snop  }
0x63: {  	[tilespmem:s18], [sflag:$0x1] =	stream.indirect.gather [hbm4b:s2+s7], $0x80, s13, s7, $0xb8;
	[tilespmem:$0x14400] =	vst v63  }
0x64: {  	_ =	swait.ge [sflag:s19], $0x4000  }
0x65: {  	[sflag:s19] =	ssyncset.done $0x0  }
0x66: {  	[sflag:s19] =	ssyncadd.s32 $0xFFFFC000  }
0x67: {  	_ =	swait.ge [sflag:s19], $0x4000  }
0x68: {  	[sflag:s19] =	ssyncset.done $0x0  }
0x69: {  	[sflag:s19] =	ssyncadd.s32 $0xFFFFC000  }
0x6a: {  	_ =	swait.ge [sflag:s19], $0x4000  }
0x6b: {  	[sflag:s19] =	ssyncset.done $0x0  }
0x6c: {  	[sflag:s19] =	ssyncadd.s32 $0xFFFFC000  }
0x6d: {  	_ =	swait.ge [sflag:s19], $0x4000  }
0x6e: {  	[sflag:s19] =	ssyncset.done $0x0  }
0x6f: {  	[sflag:s19] =	ssyncadd.s32 $0xFFFFC000  }
0x70: {  	_ =	swait.ge [sflag:s19], $0x4000  }
0x71: {  	[sflag:s19] =	ssyncset.done $0x0  }
0x72: {  	[sflag:s19] =	ssyncadd.s32 $0xFFFFC000  }
0x73: {  	[hbm4b:s20+s3] =	stream.linear.scatter [tilespmem:s14], [sflag:$0x2], $0x4000, $0x38;
	[tilespmem:$0x14400] =	vst v63  }
0x74: {  	_ =	swait.ge [sflag:s4], $0x4000  }
0x75: {  	[sflag:s4] =	ssyncset.done $0x0  }
0x76: {  	[sflag:s4] =	ssyncadd.s32 $0xFFFFC000  }
0x77: {  	[hbm4b:s21+s3] =	stream.linear.scatter [tilespmem:s15], [sflag:$0x2], $0x4000, $0x38;
	[tilespmem:$0x14400] =	vst v63  }
0x78: {  	_ =	swait.ge [sflag:s4], $0x4000  }
0x79: {  	[sflag:s4] =	ssyncset.done $0x0  }
0x7a: {  	[sflag:s4] =	ssyncadd.s32 $0xFFFFC000  }
0x7b: {  	[hbm4b:s22+s3] =	stream.linear.scatter [tilespmem:s16], [sflag:$0x2], $0x4000, $0x38;
	[tilespmem:$0x14400] =	vst v63  }
0x7c: {  	_ =	swait.ge [sflag:s4], $0x4000  }
0x7d: {  	[sflag:s4] =	ssyncset.done $0x0  }
0x7e: {  	[sflag:s4] =	ssyncadd.s32 $0xFFFFC000  }
0x7f: {  	[hbm4b:s23+s3] =	stream.linear.scatter [tilespmem:s17], [sflag:$0x2], $0x4000, $0x38;
	[tilespmem:$0x14400] =	vst v63  }
0x80: {  	_ =	swait.ge [sflag:s4], $0x4000  }
.Ltmp1:
0x81: {  	[sflag:s4] =	ssyncset.done $0x0;
	(pc) =	sbr.rel @p0 .LBB2_1-.Ltmp1, $4  }
0x82: {  	[sflag:s4] =	ssyncadd.s32 $0xFFFFC000  }
0x83: {  	[hbm4b:s24+s3] =	stream.linear.scatter [tilespmem:s18], [sflag:$0x2], $0x4000, $0x38;
	[tilespmem:$0x14400] =	vst v63  }
0x84: {  	_ =	swait.ge [sflag:s4], $0x4000  }
0x85: {  	[sflag:s4] =	ssyncset.done $0x0  }
.LBB2_2:
0x86: {  	[sflag:s4] =	ssyncadd.s32 $0xFFFFC000  }
0x87: {  	_ =	sfence.sel $0x180000  }
0x88: {  	[bflag:$0x0] =	sbarrier.arrive $0xFFFF  }
0x89: {  	p0 =	sne.s32 s0, $0x0;
	_ =	strace $0x9000004A  }
0x8a: {  	s0 =	sadd.s32 @!p0 $0x100000, s1;
	[bflag:$0x2] =	sbarrier.arrive $0xFFFF  }
0x8b: {  	[sflag:s0] =	ssyncadd.tile.s32 @!p0 $0x1;
	_ =	shalt  }
.Lfunc_end2:
_tile_overlayer_lowered:
.L_overlay_start_2:
0x8c: {  	(tag) =	ssettag $0x2  }
0x8d: {  	s0 =	rddreg [dreg:$0x0];
	s2 =	stileid.u32  }
0x8e: {  	s1 =	rddreg [dreg:$0x1];
	p0 =	sne.s32 s2, $0x0  }
0x8f: {  	s3 =	rddreg [dreg:$0x2];
	[bflag:$0x3] =	sbarrier.arrive $0xFFFF;
	s2 =	simm.s32 @!p0 $0x1C02  }
0x90: {  	[timem:s3], [sflag:s2] =	dma.local @!p0 [hbm:s0], s1  }
0x91: {  	s0 =	simm.s32 @!p0 $0x2  }
0x92: {  	_ =	swait.ge @!p0 [sflag:s0], s1  }
0x93: {  	s1 =	ssub.s32 @!p0 $0x0, s1;
	[sflag:s0] =	ssyncset.done @!p0 $0x0  }
0x94: {  	[sflag:s0] =	ssyncadd.s32 @!p0 s1  }
0x95: {  	[bflag:$0x3] =	sbarrier.arrive $0xFFFF  }
0x96: {  	_ =	shalt  }

// kernel: kernel.25.cloned.1.call-start
scs
__scs_entry_jumppad:
0x0: {  	(pc) =	sbr.rel $0x88, $3  }
0x1: {  	(tag) =	ssettag $0x0;
	lr =	simm.s32 $0x1  }
0x2: {  	[smem:$0x3F97] =	sst lr;
	_ =	strace $0xD0000000  }
0x3: {  	_ = 	snop  }
0x4: {  	_ = 	snop  }
0x5: {  	_ = 	snop  }
0x6: {  	_ = 	snop  }
0x7: {  	_ = 	snop  }
__scs_overlays_trampoline_lowered:
0x8: {  	[smem:$0x3FA6] =	sst s0  }
0x9: {  	[smem:$0x3FA7] =	sst s1  }
0xa: {  	[smem:$0x3FA8] =	sst s2  }
0xb: {  	[smem:$0x3FA9] =	sst s3  }
0xc: {  	[smem:$0x3FAA] =	sst s4  }
0xd: {  	[smem:$0x3FAB] =	sst s5  }
0xe: {  	[smem:$0x3FAC] =	sst s6  }
0xf: {  	[smem:$0x3FAD] =	sst s7  }
0x10: {  	[smem:$0x3FAE] =	sst s8  }
0x11: {  	[smem:$0x3FAF] =	sst s9;
	s0 =	simm.s32 @!p0 $0x0  }
0x12: {  	s1 =	sld [smem:$0x3F95];
	s0 =	simm.s32 @p0 $0x1  }
0x13: {  	[smem:$0x3FB0] =	sst s0;
	s0 =	simm.s32 @!p1 $0x0  }
0x14: {  	s2 =	sld [smem:$0x3F94];
	s0 =	simm.s32 @p1 $0x1  }
0x15: {  	[smem:$0x3FB1] =	sst s0;
	s0 =	simm.s32 @!p2 $0x0  }
0x16: {  	s3 =	sld [smem:$0x3FDB];
	s0 =	simm.s32 @p2 $0x1  }
0x17: {  	s4 =	simm.s32 $0x1BF5;
	[smem:$0x3FB3] =	sst s0  }
0x18: {  	s0 =	sld [smem:$0x3F96];
	_ =	swait.ge [sflag:s4], $0x0  }
0x19: {  	s7 =	sld [smem:$0x3F97]  }
0x1a: {  	s8 =	sadd.s32 $0xFFFFE003, lr  }
0x1b: {  	s9 =	sadd.s32 $0xFFFFFEF7, lr;
	s5 =	simm.s32 $0xFFFFFFFF;
	p2 =	slt.u32 s8, $0xFFFFF086  }
0x1c: {  	p1 =	slt.u32 s9, $0xF7A;
	s5 =	simm.s32 @!p2 $0x0  }
0x1d: {  	s5 =	simm.s32 @p1 $0x1;
	p0 =	seq.s32 s7, s2  }
0x1e: {  	s7 =	smul.u32 @!p0 $0xF7A, s2;
	p2 =	seq.s32 @!p0 s5, $0x0  }
0x1f: {  	s9 =	smul.u32 $0xF7A, s1;
	s8 =	simm.s32 @!p0 $0x1BF5;
	p2 =	por !p2, p0  }
0x20: {  	[sflag:s8] =	ssyncset.s32 @!p0 $0xFFFFF086;
	s6 =	sadd.s32 @!p0 s3, s7;
	s7 =	simm.s32 @!p0 $0x108  }
0x21: {  	s3 =	sadd.s32 s3, s9;
	s6 =	sadd.s32 @!p0 $0x88, s6;
	s7 =	simm.s32 @p2 $0x1082  }
0x22: {  	[simem:s7], [sflag:s8] =	dma.local @!p0 [hbm:s6], $0xF7A  }
0x23: {  	s9 =	sor.u32 $0xD0000000, s2;
	s6 =	simm.s32 $0x108;
	_ =	swait.ge @!p0 [sflag:s8], $0x0  }
0x24: {  	s3 =	sadd.s32 $0x88, s3;
	s6 =	simm.s32 @!p1 $0x1082;
	[sflag:s4] =	ssyncset.s32 $0xFFFFF086  }
0x25: {  	[simem:s6], [sflag:s4] =	dma.local [hbm:s3], $0xF7A  }
0x26: {  	[smem:$0x3F97] =	sst s1;
	(tag) =	ssettag s2;
	_ =	strace s9  }
0x27: {  	s1 =	sld [smem:$0x3FA7]  }
0x28: {  	s2 =	sld [smem:$0x3FA8]  }
0x29: {  	s4 =	sld [smem:$0x3FAA]  }
0x2a: {  	p0 =	seq.s32 s5, $0x0;
	s5 =	sld [smem:$0x3FAB]  }
0x2b: {  	s6 =	sld [smem:$0x3FAC]  }
0x2c: {  	s7 =	sld [smem:$0x3FAD]  }
0x2d: {  	s3 =	simm.s32 $0x108;
	s8 =	sld [smem:$0x3FAE]  }
0x2e: {  	s3 =	simm.s32 @!p0 $0x1082;
	s9 =	sld [smem:$0x3FAF]  }
0x2f: {  	lr =	sadd.s32 s0, s3;
	s0 =	sld [smem:$0x3FA6]  }
0x30: {  	s3 =	sld [smem:$0x3FA9]  }
0x31: {  	[smem:$0x3FB2] =	sst s10  }
0x32: {  	s10 =	sld [smem:$0x3FB0];
	_ =	sdelay $0x3  }
0x33: {  	p0 =	seq.s32 s10, $0x1;
	s10 =	sld [smem:$0x3FB2];
	_ =	sdelay $0x3  }
0x34: {  	[smem:$0x3FB2] =	sst s10  }
0x35: {  	s10 =	sld [smem:$0x3FB1];
	_ =	sdelay $0x3  }
0x36: {  	p1 =	seq.s32 s10, $0x1;
	s10 =	sld [smem:$0x3FB2];
	_ =	sdelay $0x3  }
0x37: {  	[smem:$0x3FB2] =	sst s10  }
0x38: {  	s10 =	sld [smem:$0x3FB3]  }
0x39: {  	_ = 	snop;
	(pc) =	sbr.ind lr, $3  }
0x3a: {  	_ = 	snop  }
0x3b: {  	_ = 	snop  }
0x3c: {  	p2 =	seq.s32 s10, $0x1;
	s10 =	sld [smem:$0x3FB2]  }
0x3d: {  	_ =	shalt  }
0x3e: {  	_ =	shalt  }
0x3f: {  	_ =	shalt  }
0x40: {  	_ =	shalt  }
0x41: {  	_ =	shalt  }
0x42: {  	_ =	shalt  }
0x43: {  	_ =	shalt  }
0x44: {  	_ =	shalt  }
0x45: {  	_ =	shalt  }
0x46: {  	_ =	shalt  }
0x47: {  	_ =	shalt  }
0x48: {  	_ =	shalt  }
0x49: {  	_ =	shalt  }
0x4a: {  	_ =	shalt  }
0x4b: {  	_ =	shalt  }
0x4c: {  	_ =	shalt  }
0x4d: {  	_ =	shalt  }
0x4e: {  	_ =	shalt  }
0x4f: {  	_ =	shalt  }
0x50: {  	_ =	shalt  }
0x51: {  	_ =	shalt  }
0x52: {  	_ =	shalt  }
0x53: {  	_ =	shalt  }
0x54: {  	_ =	shalt  }
0x55: {  	_ =	shalt  }
0x56: {  	_ =	shalt  }
0x57: {  	_ =	shalt  }
0x58: {  	_ =	shalt  }
0x59: {  	_ =	shalt  }
0x5a: {  	_ =	shalt  }
0x5b: {  	_ =	shalt  }
0x5c: {  	_ =	shalt  }
0x5d: {  	_ =	shalt  }
0x5e: {  	_ =	shalt  }
0x5f: {  	_ =	shalt  }
0x60: {  	_ =	shalt  }
0x61: {  	_ =	shalt  }
0x62: {  	_ =	shalt  }
0x63: {  	_ =	shalt  }
0x64: {  	_ =	shalt  }
0x65: {  	_ =	shalt  }
0x66: {  	_ =	shalt  }
0x67: {  	_ =	shalt  }
0x68: {  	_ =	shalt  }
0x69: {  	_ =	shalt  }
0x6a: {  	_ =	shalt  }
0x6b: {  	_ =	shalt  }
0x6c: {  	_ =	shalt  }
0x6d: {  	_ =	shalt  }
0x6e: {  	_ =	shalt  }
0x6f: {  	_ =	shalt  }
0x70: {  	_ =	shalt  }
0x71: {  	_ =	shalt  }
0x72: {  	_ =	shalt  }
0x73: {  	_ =	shalt  }
0x74: {  	_ =	shalt  }
0x75: {  	_ =	shalt  }
0x76: {  	_ =	shalt  }
0x77: {  	_ =	shalt  }
0x78: {  	_ =	shalt  }
0x79: {  	_ =	shalt  }
0x7a: {  	_ =	shalt  }
0x7b: {  	_ =	shalt  }
0x7c: {  	_ =	shalt  }
0x7d: {  	_ =	shalt  }
0x7e: {  	_ =	shalt  }
0x7f: {  	_ =	shalt  }
0x80: {  	_ =	shalt  }
0x81: {  	_ =	shalt  }
0x82: {  	_ =	shalt  }
0x83: {  	_ =	shalt  }
0x84: {  	_ =	shalt  }
0x85: {  	_ =	shalt  }
0x86: {  	_ =	shalt  }
0x87: {  	_ =	shalt  }
.Lfunc_end0:
.L_simem_size_0:
called_computation.1_lowered:
.L_overlay_start_0:
0x88: {  	s2 =	sld [smem:$0x3FD9]  }
0x89: {  	s3 =	sld [smem:$0x3FFE];
	_ =	sdelay $0x1  }
0x8a: {  	s1 =	srdreg.scid  }
0x8b: {  	s0 =	sand.u32 $0x1, s1  }
0x8c: {  	s17 =	sshll.u32 s0, $0xA;
	s2 =	sadd.s32 s3, s2  }
0x8d: {  	s2 =	sadd.s32 s2, s17  }
0x8e: {  	[smem:$0x3FBE] =	sst s2  }
0x8f: {  	_ = 	snop  }
0x90: {  	s18 =	sld [smem:$0x3FD0];
	(tm) =	ssettm $0x1  }
0x91: {  	s19 =	sld [smem:$0x3FFB];
	_ =	sdelay $0x3  }
0x92: {  	_ =	strace s19  }
0x93: {  	s2 =	sld [smem:$0x3FFC];
	_ =	sdelay $0x3  }
0x94: {  	_ =	strace s2  }
0x95: {  	s2 =	sld [smem:$0x3FFD];
	_ =	sdelay $0x3  }
0x96: {  	_ =	strace s2  }
0x97: {  	_ =	strace $0x8FFFFFFF  }
0x98: {  	s20 =	sld [smem:$0x3FDB];
	_ =	sdelay $0x1  }
0x99: {  	s4 =	simm.s32 $_scs_section_size  }
0x9a: {  	s5 =	simm.s32 $_size__tile_overlayer_lowered;
	s6 =	simm.s32 $_tile_overlayer_lowered  }
0x9b: {  	s7 =	simm.s32 $0x1BFF;
	s21 =	sshll.u32 s6, $0x1;
	s4 =	sadd.s32 s4, s20  }
0x9c: {  	s22 =	simm.s32 $0x0;
	s5 =	sshll.u32 s5, $0x1;
	s6 =	sadd.s32 s21, s4  }
0x9d: {  	[timem:s22], [sflag:s7] =	dma.local [hbm:s6], s5  }
0x9e: {  	_ =	swait.ge [sflag:s7], s5  }
0x9f: {  	s5 =	ssub.s32 $0x0, s5;
	[sflag:s7] =	ssyncset.done $0x0  }
0xa0: {  	[sflag:s7] =	ssyncadd.s32 s5;
	_ =	sdelay $0x1  }
0xa1: {  	s23 =	simm.s32 $0x1B8B  }
0xa2: {  	_ =	swait.ge [sflag:s23], $0x1  }
0xa3: {  	[sflag:s23] =	ssyncset.done $0x0  }
0xa4: {  	[sflag:s23] =	ssyncadd.s32 $0xFFFFFFFF  }
0xa5: {  	s5 =	sld [smem:$0x0]  }
0xa6: {  	s6 =	sand.u32 $0xFFFFFFFE, s1  }
0xa7: {  	p0 =	sne.s32 s1, s6  }
0xa8: {  	s6 =	sshll.u32 @p0 s6, $0xE  }
0xa9: {  	s6 =	sadd.s32 @p0 $0x11B8D, s6;
	s7 =	sshll.u32 @p0 s5, $0x11  }
0xaa: {  	s6 =	sor.u32 @p0 s7, s6  }
0xab: {  	[sflag:s6] =	ssyncadd.remote.s32 @p0 $0x1;
	_ =	sdelay $0x1  }
0xac: {  	s6 =	simm.s32 @p0 $0x1B8D  }
0xad: {  	_ =	swait.eq @p0 [sflag:s6], $0x1  }
0xae: {  	[sflag:s6] =	ssyncadd.s32 @p0 $0xFFFFFFFF  }
0xaf: {  	s7 =	sshll.u32 @!p0 s1, $0xE  }
0xb0: {  	s7 =	sor.u32 @!p0 $0x4000, s7;
	s6 =	simm.s32 @!p0 $0x1B8D  }
0xb1: {  	s5 =	sshll.u32 @!p0 s5, $0x11;
	s7 =	sadd.s32 @!p0 $0x11B8D, s7;
	_ =	swait.eq @!p0 [sflag:s6], $0x1  }
0xb2: {  	s5 =	sor.u32 @!p0 s5, s7;
	[sflag:s6] =	ssyncadd.s32 @!p0 $0xFFFFFFFF  }
0xb3: {  	s25 =	simm.s32 $0x1B8E;
	s24 =	sld [smem:$0x3FFE];
	[sflag:s5] =	ssyncadd.remote.s32 @!p0 $0x1  }
0xb4: {  	s26 =	simm.s32 $execute0_lowered;
	[smem:$0x3FD2] =	sst s25  }
0xb5: {  	s6 =	sshll.u32 s26, $0x1;
	_ =	strace $0x8000004F;
	[dreg:$0x1] =	wrdreg $0xFFFFFFFF  }
0xb6: {  	s28 =	simm.s32 $_size_execute0_lowered;
	s4 =	sadd.s32 s4, s6;
	[dreg:$0x0] =	wrdreg $0x0  }
0xb7: {  	s6 =	sshll.u32 s28, $0x1;
	[dreg:$0x2] =	wrdreg s4  }
0xb8: {  	[dreg:$0x3] =	wrdreg s6  }
0xb9: {  	[dreg:$0x4] =	wrdreg $0xC0  }
0xba: {  	_ =	task [dreg:s22], $0x5FFFF  }
0xbb: {  	[dreg:$0x1] =	wrdreg $0xFFFFFFFF  }
0xbc: {  	[dreg:$0x0] =	wrdreg $0x60  }
0xbd: {  	[dreg:$0x2] =	wrdreg s24  }
0xbe: {  	[dreg:$0x3] =	wrdreg s18  }
0xbf: {  	[dreg:$0x4] =	wrdreg $0x9  }
0xc0: {  	_ =	task.clear_ibuf [dreg:s22], $0x5FFFF;
	_ =	strace $0x9000004F  }
0xc1: {  	s29 =	simm.s32 $0x9;
	_ =	strace $0x80000051  }
0xc2: {  	_ =	swait.ge [sflag:s29], $0x1  }
0xc3: {  	[sflag:s29] =	ssyncadd.s32 $0xFFFFFFFF  }
0xc4: {  	_ =	strace $0x90000051  }
0xc5: {  	_ =	sfence  }
0xc6: {  	s30 =	sld [smem:$0x0];
	_ =	sdelay $0x2  }
0xc7: {  	s31 =	sshll.u32 s1, $0xD;
	s1 =	sshrl.u32 s1, $0x2  }
0xc8: {  	s4 =	sand.u32 $0x4000, s31;
	s1 =	sadd.s32 s1, s30  }
0xc9: {  	s0 =	sor.u32 s4, s0;
	s1 =	sshll.u32 s1, $0x11  }
0xca: {  	s0 =	sor.u32 s1, s0  }
0xcb: {  	s0 =	sadd.s32 $0x8F2B, s0  }
0xcc: {  	[sflag:s0] =	ssyncadd.remote.s32 $0x1  }
0xcd: {  	_ =	sfence.sel $0xFFFF  }
0xce: {  	[dreg:$0x0] =	wrdreg $0xFFFFFFFF;
	(pc) =	sbr.abs _section_cstart, $3  }
0xcf: {  	[dreg:$0x1] =	wrdreg $0xFFFFFFFF  }
0xd0: {  	_ =	task.clear_ibuf [dreg:s22], $0x2FFFF;
	_ =	strace $0x9FFFFFFF  }
0xd1: {  	(tm) =	ssettm $0x7FFFFFFF  }
tec
execute0_lowered:
.L_overlay_start_1:
0x0: {  	(tag) =	ssettag $0x1  }
0x1: {  	s1 =	srdreg.scid  }
0x2: {  	s20 =	rddreg [dreg:$0x0];
	s0 =	stileid.u32;
	s23 =	sand.u32 $0x1, s1  }
0x3: {  	s2 =	rddreg [dreg:$0x1];
	s4 =	sshll.u32 s0, $0x8;
	s5 =	sshll.u32 s23, $0x7  }
0x4: {  	s3 =	simm.s32 $0x0;
	s1 =	rddreg [dreg:$0x2];
	s21 =	sor.u32 s5, s4  }
0x5: {  	[smem:$0x7FF] =	sst s3;
	s12 =	sadd.s32 $0x10800, s20;
	s4 =	sshrl.u32 s21, $0x3  }
0x6: {  	_ =	strace $0x80000050;
	s5 =	sadd.s32 s12, s4;
	s4 =	simm.s32 $0x2  }
0x7: {  	[tilespmem:s3], [sflag:$0x2] =	stream.linear.gather [hbm4b:s5+s3], $0x80, $0x38;
	[tilespmem:$0x14400] =	vst v63  }
0x8: {  	s22 =	sor.u32 $0x1000, s21;
	_ =	swait.ge [sflag:s4], $0x80  }
0x9: {  	s6 =	sshrl.u32 s22, $0x3;
	[sflag:s4] =	ssyncset.done $0x0  }
0xa: {  	s7 =	simm.s32 $0x80;
	s6 =	sadd.s32 s12, s6;
	[sflag:s4] =	ssyncadd.s32 $0xFFFFFF80  }
0xb: {  	[tilespmem:s7], [sflag:$0x2] =	stream.linear.gather [hbm4b:s6+s3], $0x80, $0x38;
	[tilespmem:$0x14400] =	vst v63  }
0xc: {  	s24 =	sor.u32 $0x2000, s21;
	_ =	swait.ge [sflag:s4], $0x80  }
0xd: {  	s8 =	sshrl.u32 s24, $0x3;
	[sflag:s4] =	ssyncset.done $0x0  }
0xe: {  	s9 =	simm.s32 $0x100;
	s8 =	sadd.s32 s12, s8;
	[sflag:s4] =	ssyncadd.s32 $0xFFFFFF80  }
0xf: {  	[tilespmem:s9], [sflag:$0x2] =	stream.linear.gather [hbm4b:s8+s3], $0x80, $0x38;
	[tilespmem:$0x14400] =	vst v63  }
0x10: {  	s26 =	sor.u32 $0x3000, s21;
	_ =	swait.ge [sflag:s4], $0x80  }
0x11: {  	s10 =	sshrl.u32 s26, $0x3;
	[sflag:s4] =	ssyncset.done $0x0  }
0x12: {  	s11 =	simm.s32 $0x180;
	s10 =	sadd.s32 s12, s10;
	[sflag:s4] =	ssyncadd.s32 $0xFFFFFF80  }
0x13: {  	[tilespmem:s11], [sflag:$0x2] =	stream.linear.gather [hbm4b:s10+s3], $0x80, $0x38;
	[tilespmem:$0x14400] =	vst v63  }
0x14: {  	s25 =	sor.u32 $0x4000, s21;
	_ =	swait.ge [sflag:s4], $0x80  }
0x15: {  	s13 =	sshrl.u32 s25, $0x3;
	[sflag:s4] =	ssyncset.done $0x0  }
0x16: {  	s12 =	sadd.s32 s12, s13;
	s13 =	simm.s32 $0x200;
	[sflag:s4] =	ssyncadd.s32 $0xFFFFFF80  }
0x17: {  	[tilespmem:s13], [sflag:$0x2] =	stream.linear.gather [hbm4b:s12+s3], $0x80, $0x38;
	[tilespmem:$0x14400] =	vst v63  }
0x18: {  	_ =	swait.ge [sflag:s4], $0x80  }
0x19: {  	[sflag:s4] =	ssyncset.done $0x0  }
0x1a: {  	s14 =	simm.s32 $0x400;
	[sflag:s4] =	ssyncadd.s32 $0xFFFFFF80  }
0x1b: {  	[tilespmem:s14], [sflag:$0x1] =	stream.indirect.gather [hbm4b:s2+s7], $0x80, s3, s7, $0xb8;
	[tilespmem:$0x14400] =	vst v63  }
0x1c: {  	s15 =	simm.s32 $0x4400  }
0x1d: {  	[tilespmem:s15], [sflag:$0x1] =	stream.indirect.gather [hbm4b:s2+s7], $0x80, s7, s7, $0xb8;
	[tilespmem:$0x14400] =	vst v63  }
0x1e: {  	s16 =	simm.s32 $0x8400  }
0x1f: {  	[tilespmem:s16], [sflag:$0x1] =	stream.indirect.gather [hbm4b:s2+s7], $0x80, s9, s7, $0xb8;
	[tilespmem:$0x14400] =	vst v63  }
0x20: {  	s17 =	simm.s32 $0xC400  }
0x21: {  	[tilespmem:s17], [sflag:$0x1] =	stream.indirect.gather [hbm4b:s2+s7], $0x80, s11, s7, $0xb8;
	[tilespmem:$0x14400] =	vst v63  }
0x22: {  	s18 =	simm.s32 $0x10400;
	s19 =	simm.s32 $0x1  }
0x23: {  	[tilespmem:s18], [sflag:$0x1] =	stream.indirect.gather [hbm4b:s2+s7], $0x80, s13, s7, $0xb8;
	[tilespmem:$0x14400] =	vst v63  }
0x24: {  	_ =	swait.ge [sflag:s19], $0x4000  }
0x25: {  	[sflag:s19] =	ssyncset.done $0x0  }
0x26: {  	[sflag:s19] =	ssyncadd.s32 $0xFFFFC000  }
0x27: {  	_ =	swait.ge [sflag:s19], $0x4000  }
0x28: {  	[sflag:s19] =	ssyncset.done $0x0  }
0x29: {  	[sflag:s19] =	ssyncadd.s32 $0xFFFFC000  }
0x2a: {  	_ =	swait.ge [sflag:s19], $0x4000  }
0x2b: {  	[sflag:s19] =	ssyncset.done $0x0  }
0x2c: {  	[sflag:s19] =	ssyncadd.s32 $0xFFFFC000  }
0x2d: {  	_ =	swait.ge [sflag:s19], $0x4000  }
0x2e: {  	[sflag:s19] =	ssyncset.done $0x0  }
0x2f: {  	[sflag:s19] =	ssyncadd.s32 $0xFFFFC000  }
0x30: {  	_ =	swait.ge [sflag:s19], $0x4000  }
0x31: {  	s28 =	sadd.s32 $0x11C00, s20;
	s21 =	sshll.u32 s21, $0x4;
	[sflag:s19] =	ssyncset.done $0x0  }
0x32: {  	s20 =	sadd.s32 s28, s21;
	[sflag:s19] =	ssyncadd.s32 $0xFFFFC000  }
0x33: {  	[hbm4b:s20+s3] =	stream.linear.scatter [tilespmem:s14], [sflag:$0x2], $0x4000, $0x38;
	[tilespmem:$0x14400] =	vst v63  }
0x34: {  	_ =	swait.ge [sflag:s4], $0x4000  }
0x35: {  	s22 =	sshll.u32 s22, $0x4;
	[sflag:s4] =	ssyncset.done $0x0  }
0x36: {  	s21 =	sadd.s32 s28, s22;
	[sflag:s4] =	ssyncadd.s32 $0xFFFFC000  }
0x37: {  	[hbm4b:s21+s3] =	stream.linear.scatter [tilespmem:s15], [sflag:$0x2], $0x4000, $0x38;
	[tilespmem:$0x14400] =	vst v63  }
0x38: {  	_ =	swait.ge [sflag:s4], $0x4000  }
0x39: {  	s29 =	sshll.u32 s24, $0x4;
	[sflag:s4] =	ssyncset.done $0x0  }
0x3a: {  	s31 =	ssub.s32 $0x2, s23;
	s22 =	sadd.s32 s28, s29;
	[sflag:s4] =	ssyncadd.s32 $0xFFFFC000  }
0x3b: {  	[hbm4b:s22+s3] =	stream.linear.scatter [tilespmem:s16], [sflag:$0x2], $0x4000, $0x38;
	[tilespmem:$0x14400] =	vst v63  }
0x3c: {  	s29 =	sshrl.u32 s31, $0x1;
	_ =	swait.ge [sflag:s4], $0x4000  }
0x3d: {  	s30 =	sshll.u32 s26, $0x4;
	s26 =	ssub.s32 s31, s29;
	[sflag:s4] =	ssyncset.done $0x0  }
0x3e: {  	s23 =	sadd.s32 s28, s30;
	s31 =	smax.u32 s26, $0x1;
	[sflag:s4] =	ssyncadd.s32 $0xFFFFC000  }
0x3f: {  	[hbm4b:s23+s3] =	stream.linear.scatter [tilespmem:s17], [sflag:$0x2], $0x4000, $0x38;
	[tilespmem:$0x14400] =	vst v63  }
0x40: {  	p0 =	sne.s32 s31, $0x1;
	_ =	swait.ge [sflag:s4], $0x4000  }
.Ltmp0:
0x41: {  	s30 =	sshll.u32 s25, $0x4;
	[sflag:s4] =	ssyncset.done $0x0;
	(pc) =	sbr.rel @!p0 .LBB2_2-.Ltmp0, $4  }
0x42: {  	s24 =	sadd.s32 s28, s30;
	[sflag:s4] =	ssyncadd.s32 $0xFFFFC000  }
0x43: {  	[hbm4b:s24+s3] =	stream.linear.scatter [tilespmem:s18], [sflag:$0x2], $0x4000, $0x38;
	[tilespmem:$0x14400] =	vst v63  }
0x44: {  	_ =	swait.ge [sflag:s4], $0x4000  }
0x45: {  	s25 =	sadd.s32 $0xFFFFFFFF, s31;
	[sflag:s4] =	ssyncset.done $0x0  }
.LBB2_1:
0x46: {  	p0 =	sne.s32 s25, $0x1;
	s25 =	sadd.s32 $0xFFFFFFFF, s25;
	[sflag:s4] =	ssyncadd.s32 $0xFFFFC000  }
0x47: {  	[tilespmem:s3], [sflag:$0x2] =	stream.linear.gather [hbm4b:s5+s3], $0x80, $0x38;
	[tilespmem:$0x14400] =	vst v63  }
0x48: {  	_ =	swait.ge [sflag:s4], $0x80  }
0x49: {  	[sflag:s4] =	ssyncset.done $0x0  }
0x4a: {  	[sflag:s4] =	ssyncadd.s32 $0xFFFFFF80  }
0x4b: {  	[tilespmem:s7], [sflag:$0x2] =	stream.linear.gather [hbm4b:s6+s3], $0x80, $0x38;
	[tilespmem:$0x14400] =	vst v63  }
0x4c: {  	_ =	swait.ge [sflag:s4], $0x80  }
0x4d: {  	[sflag:s4] =	ssyncset.done $0x0  }
0x4e: {  	[sflag:s4] =	ssyncadd.s32 $0xFFFFFF80  }
0x4f: {  	[tilespmem:s9], [sflag:$0x2] =	stream.linear.gather [hbm4b:s8+s3], $0x80, $0x38;
	[tilespmem:$0x14400] =	vst v63  }
0x50: {  	_ =	swait.ge [sflag:s4], $0x80  }
0x51: {  	[sflag:s4] =	ssyncset.done $0x0  }
0x52: {  	[sflag:s4] =	ssyncadd.s32 $0xFFFFFF80  }
0x53: {  	[tilespmem:s11], [sflag:$0x2] =	stream.linear.gather [hbm4b:s10+s3], $0x80, $0x38;
	[tilespmem:$0x14400] =	vst v63  }
0x54: {  	_ =	swait.ge [sflag:s4], $0x80  }
0x55: {  	[sflag:s4] =	ssyncset.done $0x0  }
0x56: {  	[sflag:s4] =	ssyncadd.s32 $0xFFFFFF80  }
0x57: {  	[tilespmem:s13], [sflag:$0x2] =	stream.linear.gather [hbm4b:s12+s3], $0x80, $0x38;
	[tilespmem:$0x14400] =	vst v63  }
0x58: {  	_ =	swait.ge [sflag:s4], $0x80  }
0x59: {  	[sflag:s4] =	ssyncset.done $0x0  }
0x5a: {  	[sflag:s4] =	ssyncadd.s32 $0xFFFFFF80  }
0x5b: {  	[tilespmem:s14], [sflag:$0x1] =	stream.indirect.gather [hbm4b:s2+s7], $0x80, s3, s7, $0xb8;
	[tilespmem:$0x14400] =	vst v63  }
0x5c: {  	_ = 	snop  }
0x5d: {  	[tilespmem:s15], [sflag:$0x1] =	stream.indirect.gather [hbm4b:s2+s7], $0x80, s7, s7, $0xb8;
	[tilespmem:$0x14400] =	vst v63  }
0x5e: {  	_ = 	snop  }
0x5f: {  	[tilespmem:s16], [sflag:$0x1] =	stream.indirect.gather [hbm4b:s2+s7], $0x80, s9, s7, $0xb8;
	[tilespmem:$0x14400] =	vst v63  }
0x60: {  	_ = 	snop  }
0x61: {  	[tilespmem:s17], [sflag:$0x1] =	stream.indirect.gather [hbm4b:s2+s7], $0x80, s11, s7, $0xb8;
	[tilespmem:$0x14400] =	vst v63  }
0x62: {  	_ = 	snop  }
0x63: {  	[tilespmem:s18], [sflag:$0x1] =	stream.indirect.gather [hbm4b:s2+s7], $0x80, s13, s7, $0xb8;
	[tilespmem:$0x14400] =	vst v63  }
0x64: {  	_ =	swait.ge [sflag:s19], $0x4000  }
0x65: {  	[sflag:s19] =	ssyncset.done $0x0  }
0x66: {  	[sflag:s19] =	ssyncadd.s32 $0xFFFFC000  }
0x67: {  	_ =	swait.ge [sflag:s19], $0x4000  }
0x68: {  	[sflag:s19] =	ssyncset.done $0x0  }
0x69: {  	[sflag:s19] =	ssyncadd.s32 $0xFFFFC000  }
0x6a: {  	_ =	swait.ge [sflag:s19], $0x4000  }
0x6b: {  	[sflag:s19] =	ssyncset.done $0x0  }
0x6c: {  	[sflag:s19] =	ssyncadd.s32 $0xFFFFC000  }
0x6d: {  	_ =	swait.ge [sflag:s19], $0x4000  }
0x6e: {  	[sflag:s19] =	ssyncset.done $0x0  }
0x6f: {  	[sflag:s19] =	ssyncadd.s32 $0xFFFFC000  }
0x70: {  	_ =	swait.ge [sflag:s19], $0x4000  }
0x71: {  	[sflag:s19] =	ssyncset.done $0x0  }
0x72: {  	[sflag:s19] =	ssyncadd.s32 $0xFFFFC000  }
0x73: {  	[hbm4b:s20+s3] =	stream.linear.scatter [tilespmem:s14], [sflag:$0x2], $0x4000, $0x38;
	[tilespmem:$0x14400] =	vst v63  }
0x74: {  	_ =	swait.ge [sflag:s4], $0x4000  }
0x75: {  	[sflag:s4] =	ssyncset.done $0x0  }
0x76: {  	[sflag:s4] =	ssyncadd.s32 $0xFFFFC000  }
0x77: {  	[hbm4b:s21+s3] =	stream.linear.scatter [tilespmem:s15], [sflag:$0x2], $0x4000, $0x38;
	[tilespmem:$0x14400] =	vst v63  }
0x78: {  	_ =	swait.ge [sflag:s4], $0x4000  }
0x79: {  	[sflag:s4] =	ssyncset.done $0x0  }
0x7a: {  	[sflag:s4] =	ssyncadd.s32 $0xFFFFC000  }
0x7b: {  	[hbm4b:s22+s3] =	stream.linear.scatter [tilespmem:s16], [sflag:$0x2], $0x4000, $0x38;
	[tilespmem:$0x14400] =	vst v63  }
0x7c: {  	_ =	swait.ge [sflag:s4], $0x4000  }
0x7d: {  	[sflag:s4] =	ssyncset.done $0x0  }
0x7e: {  	[sflag:s4] =	ssyncadd.s32 $0xFFFFC000  }
0x7f: {  	[hbm4b:s23+s3] =	stream.linear.scatter [tilespmem:s17], [sflag:$0x2], $0x4000, $0x38;
	[tilespmem:$0x14400] =	vst v63  }
0x80: {  	_ =	swait.ge [sflag:s4], $0x4000  }
.Ltmp1:
0x81: {  	[sflag:s4] =	ssyncset.done $0x0;
	(pc) =	sbr.rel @p0 .LBB2_1-.Ltmp1, $4  }
0x82: {  	[sflag:s4] =	ssyncadd.s32 $0xFFFFC000  }
0x83: {  	[hbm4b:s24+s3] =	stream.linear.scatter [tilespmem:s18], [sflag:$0x2], $0x4000, $0x38;
	[tilespmem:$0x14400] =	vst v63  }
0x84: {  	_ =	swait.ge [sflag:s4], $0x4000  }
0x85: {  	[sflag:s4] =	ssyncset.done $0x0  }
.LBB2_2:
0x86: {  	[sflag:s4] =	ssyncadd.s32 $0xFFFFC000  }
0x87: {  	_ =	sfence.sel $0x180000  }
0x88: {  	[bflag:$0x0] =	sbarrier.arrive $0xFFFF  }
0x89: {  	p0 =	sne.s32 s0, $0x0;
	_ =	strace $0x90000050  }
0x8a: {  	s0 =	sadd.s32 @!p0 $0x100000, s1;
	[bflag:$0x2] =	sbarrier.arrive $0xFFFF  }
0x8b: {  	[sflag:s0] =	ssyncadd.tile.s32 @!p0 $0x1;
	_ =	shalt  }
.Lfunc_end2:
_tile_overlayer_lowered:
.L_overlay_start_2:
0x8c: {  	(tag) =	ssettag $0x2  }
0x8d: {  	s0 =	rddreg [dreg:$0x0];
	s2 =	stileid.u32  }
0x8e: {  	s1 =	rddreg [dreg:$0x1];
	p0 =	sne.s32 s2, $0x0  }
0x8f: {  	s3 =	rddreg [dreg:$0x2];
	[bflag:$0x3] =	sbarrier.arrive $0xFFFF;
	s2 =	simm.s32 @!p0 $0x1C02  }
0x90: {  	[timem:s3], [sflag:s2] =	dma.local @!p0 [hbm:s0], s1  }
0x91: {  	s0 =	simm.s32 @!p0 $0x2  }
0x92: {  	_ =	swait.ge @!p0 [sflag:s0], s1  }
0x93: {  	s1 =	ssub.s32 @!p0 $0x0, s1;
	[sflag:s0] =	ssyncset.done @!p0 $0x0  }
0x94: {  	[sflag:s0] =	ssyncadd.s32 @!p0 s1  }
0x95: {  	[bflag:$0x3] =	sbarrier.arrive $0xFFFF  }
0x96: {  	_ =	shalt  }

// kernel: kernel.28.cloned.1.call-start
scs
__scs_entry_jumppad:
0x0: {  	(pc) =	sbr.rel $0x88, $3  }
0x1: {  	(tag) =	ssettag $0x0;
	lr =	simm.s32 $0x1  }
0x2: {  	[smem:$0x3F97] =	sst lr;
	_ =	strace $0xD0000000  }
0x3: {  	_ = 	snop  }
0x4: {  	_ = 	snop  }
0x5: {  	_ = 	snop  }
0x6: {  	_ = 	snop  }
0x7: {  	_ = 	snop  }
__scs_overlays_trampoline_lowered:
0x8: {  	[smem:$0x3FA6] =	sst s0  }
0x9: {  	[smem:$0x3FA7] =	sst s1  }
0xa: {  	[smem:$0x3FA8] =	sst s2  }
0xb: {  	[smem:$0x3FA9] =	sst s3  }
0xc: {  	[smem:$0x3FAA] =	sst s4  }
0xd: {  	[smem:$0x3FAB] =	sst s5  }
0xe: {  	[smem:$0x3FAC] =	sst s6  }
0xf: {  	[smem:$0x3FAD] =	sst s7  }
0x10: {  	[smem:$0x3FAE] =	sst s8  }
0x11: {  	[smem:$0x3FAF] =	sst s9;
	s0 =	simm.s32 @!p0 $0x0  }
0x12: {  	s1 =	sld [smem:$0x3F95];
	s0 =	simm.s32 @p0 $0x1  }
0x13: {  	[smem:$0x3FB0] =	sst s0;
	s0 =	simm.s32 @!p1 $0x0  }
0x14: {  	s2 =	sld [smem:$0x3F94];
	s0 =	simm.s32 @p1 $0x1  }
0x15: {  	[smem:$0x3FB1] =	sst s0;
	s0 =	simm.s32 @!p2 $0x0  }
0x16: {  	s3 =	sld [smem:$0x3FDB];
	s0 =	simm.s32 @p2 $0x1  }
0x17: {  	s4 =	simm.s32 $0x1BF5;
	[smem:$0x3FB3] =	sst s0  }
0x18: {  	s0 =	sld [smem:$0x3F96];
	_ =	swait.ge [sflag:s4], $0x0  }
0x19: {  	s7 =	sld [smem:$0x3F97]  }
0x1a: {  	s8 =	sadd.s32 $0xFFFFE003, lr  }
0x1b: {  	s9 =	sadd.s32 $0xFFFFFEF7, lr;
	s5 =	simm.s32 $0xFFFFFFFF;
	p2 =	slt.u32 s8, $0xFFFFF086  }
0x1c: {  	p1 =	slt.u32 s9, $0xF7A;
	s5 =	simm.s32 @!p2 $0x0  }
0x1d: {  	s5 =	simm.s32 @p1 $0x1;
	p0 =	seq.s32 s7, s2  }
0x1e: {  	s7 =	smul.u32 @!p0 $0xF7A, s2;
	p2 =	seq.s32 @!p0 s5, $0x0  }
0x1f: {  	s9 =	smul.u32 $0xF7A, s1;
	s8 =	simm.s32 @!p0 $0x1BF5;
	p2 =	por !p2, p0  }
0x20: {  	[sflag:s8] =	ssyncset.s32 @!p0 $0xFFFFF086;
	s6 =	sadd.s32 @!p0 s3, s7;
	s7 =	simm.s32 @!p0 $0x108  }
0x21: {  	s3 =	sadd.s32 s3, s9;
	s6 =	sadd.s32 @!p0 $0x88, s6;
	s7 =	simm.s32 @p2 $0x1082  }
0x22: {  	[simem:s7], [sflag:s8] =	dma.local @!p0 [hbm:s6], $0xF7A  }
0x23: {  	s9 =	sor.u32 $0xD0000000, s2;
	s6 =	simm.s32 $0x108;
	_ =	swait.ge @!p0 [sflag:s8], $0x0  }
0x24: {  	s3 =	sadd.s32 $0x88, s3;
	s6 =	simm.s32 @!p1 $0x1082;
	[sflag:s4] =	ssyncset.s32 $0xFFFFF086  }
0x25: {  	[simem:s6], [sflag:s4] =	dma.local [hbm:s3], $0xF7A  }
0x26: {  	[smem:$0x3F97] =	sst s1;
	(tag) =	ssettag s2;
	_ =	strace s9  }
0x27: {  	s1 =	sld [smem:$0x3FA7]  }
0x28: {  	s2 =	sld [smem:$0x3FA8]  }
0x29: {  	s4 =	sld [smem:$0x3FAA]  }
0x2a: {  	p0 =	seq.s32 s5, $0x0;
	s5 =	sld [smem:$0x3FAB]  }
0x2b: {  	s6 =	sld [smem:$0x3FAC]  }
0x2c: {  	s7 =	sld [smem:$0x3FAD]  }
0x2d: {  	s3 =	simm.s32 $0x108;
	s8 =	sld [smem:$0x3FAE]  }
0x2e: {  	s3 =	simm.s32 @!p0 $0x1082;
	s9 =	sld [smem:$0x3FAF]  }
0x2f: {  	lr =	sadd.s32 s0, s3;
	s0 =	sld [smem:$0x3FA6]  }
0x30: {  	s3 =	sld [smem:$0x3FA9]  }
0x31: {  	[smem:$0x3FB2] =	sst s10  }
0x32: {  	s10 =	sld [smem:$0x3FB0];
	_ =	sdelay $0x3  }
0x33: {  	p0 =	seq.s32 s10, $0x1;
	s10 =	sld [smem:$0x3FB2];
	_ =	sdelay $0x3  }
0x34: {  	[smem:$0x3FB2] =	sst s10  }
0x35: {  	s10 =	sld [smem:$0x3FB1];
	_ =	sdelay $0x3  }
0x36: {  	p1 =	seq.s32 s10, $0x1;
	s10 =	sld [smem:$0x3FB2];
	_ =	sdelay $0x3  }
0x37: {  	[smem:$0x3FB2] =	sst s10  }
0x38: {  	s10 =	sld [smem:$0x3FB3]  }
0x39: {  	_ = 	snop;
	(pc) =	sbr.ind lr, $3  }
0x3a: {  	_ = 	snop  }
0x3b: {  	_ = 	snop  }
0x3c: {  	p2 =	seq.s32 s10, $0x1;
	s10 =	sld [smem:$0x3FB2]  }
0x3d: {  	_ =	shalt  }
0x3e: {  	_ =	shalt  }
0x3f: {  	_ =	shalt  }
0x40: {  	_ =	shalt  }
0x41: {  	_ =	shalt  }
0x42: {  	_ =	shalt  }
0x43: {  	_ =	shalt  }
0x44: {  	_ =	shalt  }
0x45: {  	_ =	shalt  }
0x46: {  	_ =	shalt  }
0x47: {  	_ =	shalt  }
0x48: {  	_ =	shalt  }
0x49: {  	_ =	shalt  }
0x4a: {  	_ =	shalt  }
0x4b: {  	_ =	shalt  }
0x4c: {  	_ =	shalt  }
0x4d: {  	_ =	shalt  }
0x4e: {  	_ =	shalt  }
0x4f: {  	_ =	shalt  }
0x50: {  	_ =	shalt  }
0x51: {  	_ =	shalt  }
0x52: {  	_ =	shalt  }
0x53: {  	_ =	shalt  }
0x54: {  	_ =	shalt  }
0x55: {  	_ =	shalt  }
0x56: {  	_ =	shalt  }
0x57: {  	_ =	shalt  }
0x58: {  	_ =	shalt  }
0x59: {  	_ =	shalt  }
0x5a: {  	_ =	shalt  }
0x5b: {  	_ =	shalt  }
0x5c: {  	_ =	shalt  }
0x5d: {  	_ =	shalt  }
0x5e: {  	_ =	shalt  }
0x5f: {  	_ =	shalt  }
0x60: {  	_ =	shalt  }
0x61: {  	_ =	shalt  }
0x62: {  	_ =	shalt  }
0x63: {  	_ =	shalt  }
0x64: {  	_ =	shalt  }
0x65: {  	_ =	shalt  }
0x66: {  	_ =	shalt  }
0x67: {  	_ =	shalt  }
0x68: {  	_ =	shalt  }
0x69: {  	_ =	shalt  }
0x6a: {  	_ =	shalt  }
0x6b: {  	_ =	shalt  }
0x6c: {  	_ =	shalt  }
0x6d: {  	_ =	shalt  }
0x6e: {  	_ =	shalt  }
0x6f: {  	_ =	shalt  }
0x70: {  	_ =	shalt  }
0x71: {  	_ =	shalt  }
0x72: {  	_ =	shalt  }
0x73: {  	_ =	shalt  }
0x74: {  	_ =	shalt  }
0x75: {  	_ =	shalt  }
0x76: {  	_ =	shalt  }
0x77: {  	_ =	shalt  }
0x78: {  	_ =	shalt  }
0x79: {  	_ =	shalt  }
0x7a: {  	_ =	shalt  }
0x7b: {  	_ =	shalt  }
0x7c: {  	_ =	shalt  }
0x7d: {  	_ =	shalt  }
0x7e: {  	_ =	shalt  }
0x7f: {  	_ =	shalt  }
0x80: {  	_ =	shalt  }
0x81: {  	_ =	shalt  }
0x82: {  	_ =	shalt  }
0x83: {  	_ =	shalt  }
0x84: {  	_ =	shalt  }
0x85: {  	_ =	shalt  }
0x86: {  	_ =	shalt  }
0x87: {  	_ =	shalt  }
.Lfunc_end0:
.L_simem_size_0:
called_computation.2_lowered:
.L_overlay_start_0:
0x88: {  	s2 =	sld [smem:$0x3FD9]  }
0x89: {  	s3 =	sld [smem:$0x3FFE];
	_ =	sdelay $0x1  }
0x8a: {  	s1 =	srdreg.scid  }
0x8b: {  	s0 =	sand.u32 $0x1, s1  }
0x8c: {  	s17 =	sshll.u32 s0, $0xA;
	s2 =	sadd.s32 s3, s2  }
0x8d: {  	s2 =	sadd.s32 s2, s17  }
0x8e: {  	[smem:$0x3FBE] =	sst s2  }
0x8f: {  	_ = 	snop  }
0x90: {  	s18 =	sld [smem:$0x3FD0];
	(tm) =	ssettm $0x1  }
0x91: {  	s19 =	sld [smem:$0x3FFB];
	_ =	sdelay $0x3  }
0x92: {  	_ =	strace s19  }
0x93: {  	s2 =	sld [smem:$0x3FFC];
	_ =	sdelay $0x3  }
0x94: {  	_ =	strace s2  }
0x95: {  	s2 =	sld [smem:$0x3FFD];
	_ =	sdelay $0x3  }
0x96: {  	_ =	strace s2  }
0x97: {  	_ =	strace $0x8FFFFFFF  }
0x98: {  	s20 =	sld [smem:$0x3FDB];
	_ =	sdelay $0x1  }
0x99: {  	s4 =	simm.s32 $_scs_section_size  }
0x9a: {  	s5 =	simm.s32 $_size__tile_overlayer_lowered;
	s6 =	simm.s32 $_tile_overlayer_lowered  }
0x9b: {  	s7 =	simm.s32 $0x1BFF;
	s21 =	sshll.u32 s6, $0x1;
	s4 =	sadd.s32 s4, s20  }
0x9c: {  	s22 =	simm.s32 $0x0;
	s5 =	sshll.u32 s5, $0x1;
	s6 =	sadd.s32 s21, s4  }
0x9d: {  	[timem:s22], [sflag:s7] =	dma.local [hbm:s6], s5  }
0x9e: {  	_ =	swait.ge [sflag:s7], s5  }
0x9f: {  	s5 =	ssub.s32 $0x0, s5;
	[sflag:s7] =	ssyncset.done $0x0  }
0xa0: {  	[sflag:s7] =	ssyncadd.s32 s5;
	_ =	sdelay $0x1  }
0xa1: {  	s23 =	simm.s32 $0x1B8B  }
0xa2: {  	_ =	swait.ge [sflag:s23], $0x1  }
0xa3: {  	[sflag:s23] =	ssyncset.done $0x0  }
0xa4: {  	[sflag:s23] =	ssyncadd.s32 $0xFFFFFFFF  }
0xa5: {  	s5 =	sld [smem:$0x0]  }
0xa6: {  	s6 =	sand.u32 $0xFFFFFFFE, s1  }
0xa7: {  	p0 =	sne.s32 s1, s6  }
0xa8: {  	s6 =	sshll.u32 @p0 s6, $0xE  }
0xa9: {  	s6 =	sadd.s32 @p0 $0x11B8D, s6;
	s7 =	sshll.u32 @p0 s5, $0x11  }
0xaa: {  	s6 =	sor.u32 @p0 s7, s6  }
0xab: {  	[sflag:s6] =	ssyncadd.remote.s32 @p0 $0x1;
	_ =	sdelay $0x1  }
0xac: {  	s6 =	simm.s32 @p0 $0x1B8D  }
0xad: {  	_ =	swait.eq @p0 [sflag:s6], $0x1  }
0xae: {  	[sflag:s6] =	ssyncadd.s32 @p0 $0xFFFFFFFF  }
0xaf: {  	s7 =	sshll.u32 @!p0 s1, $0xE  }
0xb0: {  	s7 =	sor.u32 @!p0 $0x4000, s7;
	s6 =	simm.s32 @!p0 $0x1B8D  }
0xb1: {  	s5 =	sshll.u32 @!p0 s5, $0x11;
	s7 =	sadd.s32 @!p0 $0x11B8D, s7;
	_ =	swait.eq @!p0 [sflag:s6], $0x1  }
0xb2: {  	s5 =	sor.u32 @!p0 s5, s7;
	[sflag:s6] =	ssyncadd.s32 @!p0 $0xFFFFFFFF  }
0xb3: {  	s25 =	simm.s32 $0x1B8E;
	s24 =	sld [smem:$0x3FFE];
	[sflag:s5] =	ssyncadd.remote.s32 @!p0 $0x1  }
0xb4: {  	s26 =	simm.s32 $execute0_lowered;
	[smem:$0x3FD2] =	sst s25  }
0xb5: {  	s6 =	sshll.u32 s26, $0x1;
	_ =	strace $0x80000055;
	[dreg:$0x1] =	wrdreg $0xFFFFFFFF  }
0xb6: {  	s28 =	simm.s32 $_size_execute0_lowered;
	s4 =	sadd.s32 s4, s6;
	[dreg:$0x0] =	wrdreg $0x0  }
0xb7: {  	s6 =	sshll.u32 s28, $0x1;
	[dreg:$0x2] =	wrdreg s4  }
0xb8: {  	[dreg:$0x3] =	wrdreg s6  }
0xb9: {  	[dreg:$0x4] =	wrdreg $0xC0  }
0xba: {  	_ =	task [dreg:s22], $0x5FFFF  }
0xbb: {  	[dreg:$0x1] =	wrdreg $0xFFFFFFFF  }
0xbc: {  	[dreg:$0x0] =	wrdreg $0x60  }
0xbd: {  	[dreg:$0x2] =	wrdreg s24  }
0xbe: {  	[dreg:$0x3] =	wrdreg s18  }
0xbf: {  	[dreg:$0x4] =	wrdreg $0x9  }
0xc0: {  	_ =	task.clear_ibuf [dreg:s22], $0x5FFFF;
	_ =	strace $0x90000055  }
0xc1: {  	s29 =	simm.s32 $0x9;
	_ =	strace $0x80000057  }
0xc2: {  	_ =	swait.ge [sflag:s29], $0x1  }
0xc3: {  	[sflag:s29] =	ssyncadd.s32 $0xFFFFFFFF  }
0xc4: {  	_ =	strace $0x90000057  }
0xc5: {  	_ =	sfence  }
0xc6: {  	s30 =	sld [smem:$0x0];
	_ =	sdelay $0x2  }
0xc7: {  	s31 =	sshll.u32 s1, $0xD;
	s1 =	sshrl.u32 s1, $0x2  }
0xc8: {  	s4 =	sand.u32 $0x4000, s31;
	s1 =	sadd.s32 s1, s30  }
0xc9: {  	s0 =	sor.u32 s4, s0;
	s1 =	sshll.u32 s1, $0x11  }
0xca: {  	s0 =	sor.u32 s1, s0  }
0xcb: {  	s0 =	sadd.s32 $0x8F2B, s0  }
0xcc: {  	[sflag:s0] =	ssyncadd.remote.s32 $0x1  }
0xcd: {  	_ =	sfence.sel $0xFFFF  }
0xce: {  	[dreg:$0x0] =	wrdreg $0xFFFFFFFF;
	(pc) =	sbr.abs _section_cstart, $3  }
0xcf: {  	[dreg:$0x1] =	wrdreg $0xFFFFFFFF  }
0xd0: {  	_ =	task.clear_ibuf [dreg:s22], $0x2FFFF;
	_ =	strace $0x9FFFFFFF  }
0xd1: {  	(tm) =	ssettm $0x7FFFFFFF  }
tec
execute0_lowered:
.L_overlay_start_1:
0x0: {  	(tag) =	ssettag $0x1  }
0x1: {  	s1 =	srdreg.scid  }
0x2: {  	s20 =	rddreg [dreg:$0x0];
	s0 =	stileid.u32;
	s23 =	sand.u32 $0x1, s1  }
0x3: {  	s2 =	rddreg [dreg:$0x1];
	s4 =	sshll.u32 s0, $0x8;
	s5 =	sshll.u32 s23, $0x7  }
0x4: {  	s3 =	simm.s32 $0x0;
	s1 =	rddreg [dreg:$0x2];
	s21 =	sor.u32 s5, s4  }
0x5: {  	[smem:$0x7FF] =	sst s3;
	s12 =	sadd.s32 $0x10800, s20;
	s4 =	sshrl.u32 s21, $0x3  }
0x6: {  	_ =	strace $0x80000056;
	s5 =	sadd.s32 s12, s4;
	s4 =	simm.s32 $0x2  }
0x7: {  	[tilespmem:s3], [sflag:$0x2] =	stream.linear.gather [hbm4b:s5+s3], $0x80, $0x38;
	[tilespmem:$0x14400] =	vst v63  }
0x8: {  	s22 =	sor.u32 $0x1000, s21;
	_ =	swait.ge [sflag:s4], $0x80  }
0x9: {  	s6 =	sshrl.u32 s22, $0x3;
	[sflag:s4] =	ssyncset.done $0x0  }
0xa: {  	s7 =	simm.s32 $0x80;
	s6 =	sadd.s32 s12, s6;
	[sflag:s4] =	ssyncadd.s32 $0xFFFFFF80  }
0xb: {  	[tilespmem:s7], [sflag:$0x2] =	stream.linear.gather [hbm4b:s6+s3], $0x80, $0x38;
	[tilespmem:$0x14400] =	vst v63  }
0xc: {  	s24 =	sor.u32 $0x2000, s21;
	_ =	swait.ge [sflag:s4], $0x80  }
0xd: {  	s8 =	sshrl.u32 s24, $0x3;
	[sflag:s4] =	ssyncset.done $0x0  }
0xe: {  	s9 =	simm.s32 $0x100;
	s8 =	sadd.s32 s12, s8;
	[sflag:s4] =	ssyncadd.s32 $0xFFFFFF80  }
0xf: {  	[tilespmem:s9], [sflag:$0x2] =	stream.linear.gather [hbm4b:s8+s3], $0x80, $0x38;
	[tilespmem:$0x14400] =	vst v63  }
0x10: {  	s26 =	sor.u32 $0x3000, s21;
	_ =	swait.ge [sflag:s4], $0x80  }
0x11: {  	s10 =	sshrl.u32 s26, $0x3;
	[sflag:s4] =	ssyncset.done $0x0  }
0x12: {  	s11 =	simm.s32 $0x180;
	s10 =	sadd.s32 s12, s10;
	[sflag:s4] =	ssyncadd.s32 $0xFFFFFF80  }
0x13: {  	[tilespmem:s11], [sflag:$0x2] =	stream.linear.gather [hbm4b:s10+s3], $0x80, $0x38;
	[tilespmem:$0x14400] =	vst v63  }
0x14: {  	s25 =	sor.u32 $0x4000, s21;
	_ =	swait.ge [sflag:s4], $0x80  }
0x15: {  	s13 =	sshrl.u32 s25, $0x3;
	[sflag:s4] =	ssyncset.done $0x0  }
0x16: {  	s12 =	sadd.s32 s12, s13;
	s13 =	simm.s32 $0x200;
	[sflag:s4] =	ssyncadd.s32 $0xFFFFFF80  }
0x17: {  	[tilespmem:s13], [sflag:$0x2] =	stream.linear.gather [hbm4b:s12+s3], $0x80, $0x38;
	[tilespmem:$0x14400] =	vst v63  }
0x18: {  	_ =	swait.ge [sflag:s4], $0x80  }
0x19: {  	[sflag:s4] =	ssyncset.done $0x0  }
0x1a: {  	s14 =	simm.s32 $0x400;
	[sflag:s4] =	ssyncadd.s32 $0xFFFFFF80  }
0x1b: {  	[tilespmem:s14], [sflag:$0x1] =	stream.indirect.gather [hbm4b:s2+s7], $0x80, s3, s7, $0xb8;
	[tilespmem:$0x14400] =	vst v63  }
0x1c: {  	s15 =	simm.s32 $0x4400  }
0x1d: {  	[tilespmem:s15], [sflag:$0x1] =	stream.indirect.gather [hbm4b:s2+s7], $0x80, s7, s7, $0xb8;
	[tilespmem:$0x14400] =	vst v63  }
0x1e: {  	s16 =	simm.s32 $0x8400  }
0x1f: {  	[tilespmem:s16], [sflag:$0x1] =	stream.indirect.gather [hbm4b:s2+s7], $0x80, s9, s7, $0xb8;
	[tilespmem:$0x14400] =	vst v63  }
0x20: {  	s17 =	simm.s32 $0xC400  }
0x21: {  	[tilespmem:s17], [sflag:$0x1] =	stream.indirect.gather [hbm4b:s2+s7], $0x80, s11, s7, $0xb8;
	[tilespmem:$0x14400] =	vst v63  }
0x22: {  	s18 =	simm.s32 $0x10400;
	s19 =	simm.s32 $0x1  }
0x23: {  	[tilespmem:s18], [sflag:$0x1] =	stream.indirect.gather [hbm4b:s2+s7], $0x80, s13, s7, $0xb8;
	[tilespmem:$0x14400] =	vst v63  }
0x24: {  	_ =	swait.ge [sflag:s19], $0x4000  }
0x25: {  	[sflag:s19] =	ssyncset.done $0x0  }
0x26: {  	[sflag:s19] =	ssyncadd.s32 $0xFFFFC000  }
0x27: {  	_ =	swait.ge [sflag:s19], $0x4000  }
0x28: {  	[sflag:s19] =	ssyncset.done $0x0  }
0x29: {  	[sflag:s19] =	ssyncadd.s32 $0xFFFFC000  }
0x2a: {  	_ =	swait.ge [sflag:s19], $0x4000  }
0x2b: {  	[sflag:s19] =	ssyncset.done $0x0  }
0x2c: {  	[sflag:s19] =	ssyncadd.s32 $0xFFFFC000  }
0x2d: {  	_ =	swait.ge [sflag:s19], $0x4000  }
0x2e: {  	[sflag:s19] =	ssyncset.done $0x0  }
0x2f: {  	[sflag:s19] =	ssyncadd.s32 $0xFFFFC000  }
0x30: {  	_ =	swait.ge [sflag:s19], $0x4000  }
0x31: {  	s28 =	sadd.s32 $0x11C00, s20;
	s21 =	sshll.u32 s21, $0x4;
	[sflag:s19] =	ssyncset.done $0x0  }
0x32: {  	s20 =	sadd.s32 s28, s21;
	[sflag:s19] =	ssyncadd.s32 $0xFFFFC000  }
0x33: {  	[hbm4b:s20+s3] =	stream.linear.scatter [tilespmem:s14], [sflag:$0x2], $0x4000, $0x38;
	[tilespmem:$0x14400] =	vst v63  }
0x34: {  	_ =	swait.ge [sflag:s4], $0x4000  }
0x35: {  	s22 =	sshll.u32 s22, $0x4;
	[sflag:s4] =	ssyncset.done $0x0  }
0x36: {  	s21 =	sadd.s32 s28, s22;
	[sflag:s4] =	ssyncadd.s32 $0xFFFFC000  }
0x37: {  	[hbm4b:s21+s3] =	stream.linear.scatter [tilespmem:s15], [sflag:$0x2], $0x4000, $0x38;
	[tilespmem:$0x14400] =	vst v63  }
0x38: {  	_ =	swait.ge [sflag:s4], $0x4000  }
0x39: {  	s29 =	sshll.u32 s24, $0x4;
	[sflag:s4] =	ssyncset.done $0x0  }
0x3a: {  	s31 =	ssub.s32 $0x2, s23;
	s22 =	sadd.s32 s28, s29;
	[sflag:s4] =	ssyncadd.s32 $0xFFFFC000  }
0x3b: {  	[hbm4b:s22+s3] =	stream.linear.scatter [tilespmem:s16], [sflag:$0x2], $0x4000, $0x38;
	[tilespmem:$0x14400] =	vst v63  }
0x3c: {  	s29 =	sshrl.u32 s31, $0x1;
	_ =	swait.ge [sflag:s4], $0x4000  }
0x3d: {  	s30 =	sshll.u32 s26, $0x4;
	s26 =	ssub.s32 s31, s29;
	[sflag:s4] =	ssyncset.done $0x0  }
0x3e: {  	s23 =	sadd.s32 s28, s30;
	s31 =	smax.u32 s26, $0x1;
	[sflag:s4] =	ssyncadd.s32 $0xFFFFC000  }
0x3f: {  	[hbm4b:s23+s3] =	stream.linear.scatter [tilespmem:s17], [sflag:$0x2], $0x4000, $0x38;
	[tilespmem:$0x14400] =	vst v63  }
0x40: {  	p0 =	sne.s32 s31, $0x1;
	_ =	swait.ge [sflag:s4], $0x4000  }
.Ltmp0:
0x41: {  	s30 =	sshll.u32 s25, $0x4;
	[sflag:s4] =	ssyncset.done $0x0;
	(pc) =	sbr.rel @!p0 .LBB2_2-.Ltmp0, $4  }
0x42: {  	s24 =	sadd.s32 s28, s30;
	[sflag:s4] =	ssyncadd.s32 $0xFFFFC000  }
0x43: {  	[hbm4b:s24+s3] =	stream.linear.scatter [tilespmem:s18], [sflag:$0x2], $0x4000, $0x38;
	[tilespmem:$0x14400] =	vst v63  }
0x44: {  	_ =	swait.ge [sflag:s4], $0x4000  }
0x45: {  	s25 =	sadd.s32 $0xFFFFFFFF, s31;
	[sflag:s4] =	ssyncset.done $0x0  }
.LBB2_1:
0x46: {  	p0 =	sne.s32 s25, $0x1;
	s25 =	sadd.s32 $0xFFFFFFFF, s25;
	[sflag:s4] =	ssyncadd.s32 $0xFFFFC000  }
0x47: {  	[tilespmem:s3], [sflag:$0x2] =	stream.linear.gather [hbm4b:s5+s3], $0x80, $0x38;
	[tilespmem:$0x14400] =	vst v63  }
0x48: {  	_ =	swait.ge [sflag:s4], $0x80  }
0x49: {  	[sflag:s4] =	ssyncset.done $0x0  }
0x4a: {  	[sflag:s4] =	ssyncadd.s32 $0xFFFFFF80  }
0x4b: {  	[tilespmem:s7], [sflag:$0x2] =	stream.linear.gather [hbm4b:s6+s3], $0x80, $0x38;
	[tilespmem:$0x14400] =	vst v63  }
0x4c: {  	_ =	swait.ge [sflag:s4], $0x80  }
0x4d: {  	[sflag:s4] =	ssyncset.done $0x0  }
0x4e: {  	[sflag:s4] =	ssyncadd.s32 $0xFFFFFF80  }
0x4f: {  	[tilespmem:s9], [sflag:$0x2] =	stream.linear.gather [hbm4b:s8+s3], $0x80, $0x38;
	[tilespmem:$0x14400] =	vst v63  }
0x50: {  	_ =	swait.ge [sflag:s4], $0x80  }
0x51: {  	[sflag:s4] =	ssyncset.done $0x0  }
0x52: {  	[sflag:s4] =	ssyncadd.s32 $0xFFFFFF80  }
0x53: {  	[tilespmem:s11], [sflag:$0x2] =	stream.linear.gather [hbm4b:s10+s3], $0x80, $0x38;
	[tilespmem:$0x14400] =	vst v63  }
0x54: {  	_ =	swait.ge [sflag:s4], $0x80  }
0x55: {  	[sflag:s4] =	ssyncset.done $0x0  }
0x56: {  	[sflag:s4] =	ssyncadd.s32 $0xFFFFFF80  }
0x57: {  	[tilespmem:s13], [sflag:$0x2] =	stream.linear.gather [hbm4b:s12+s3], $0x80, $0x38;
	[tilespmem:$0x14400] =	vst v63  }
0x58: {  	_ =	swait.ge [sflag:s4], $0x80  }
0x59: {  	[sflag:s4] =	ssyncset.done $0x0  }
0x5a: {  	[sflag:s4] =	ssyncadd.s32 $0xFFFFFF80  }
0x5b: {  	[tilespmem:s14], [sflag:$0x1] =	stream.indirect.gather [hbm4b:s2+s7], $0x80, s3, s7, $0xb8;
	[tilespmem:$0x14400] =	vst v63  }
0x5c: {  	_ = 	snop  }
0x5d: {  	[tilespmem:s15], [sflag:$0x1] =	stream.indirect.gather [hbm4b:s2+s7], $0x80, s7, s7, $0xb8;
	[tilespmem:$0x14400] =	vst v63  }
0x5e: {  	_ = 	snop  }
0x5f: {  	[tilespmem:s16], [sflag:$0x1] =	stream.indirect.gather [hbm4b:s2+s7], $0x80, s9, s7, $0xb8;
	[tilespmem:$0x14400] =	vst v63  }
0x60: {  	_ = 	snop  }
0x61: {  	[tilespmem:s17], [sflag:$0x1] =	stream.indirect.gather [hbm4b:s2+s7], $0x80, s11, s7, $0xb8;
	[tilespmem:$0x14400] =	vst v63  }
0x62: {  	_ = 	snop  }
0x63: {  	[tilespmem:s18], [sflag:$0x1] =	stream.indirect.gather [hbm4b:s2+s7], $0x80, s13, s7, $0xb8;
	[tilespmem:$0x14400] =	vst v63  }
0x64: {  	_ =	swait.ge [sflag:s19], $0x4000  }
0x65: {  	[sflag:s19] =	ssyncset.done $0x0  }
0x66: {  	[sflag:s19] =	ssyncadd.s32 $0xFFFFC000  }
0x67: {  	_ =	swait.ge [sflag:s19], $0x4000  }
0x68: {  	[sflag:s19] =	ssyncset.done $0x0  }
0x69: {  	[sflag:s19] =	ssyncadd.s32 $0xFFFFC000  }
0x6a: {  	_ =	swait.ge [sflag:s19], $0x4000  }
0x6b: {  	[sflag:s19] =	ssyncset.done $0x0  }
0x6c: {  	[sflag:s19] =	ssyncadd.s32 $0xFFFFC000  }
0x6d: {  	_ =	swait.ge [sflag:s19], $0x4000  }
0x6e: {  	[sflag:s19] =	ssyncset.done $0x0  }
0x6f: {  	[sflag:s19] =	ssyncadd.s32 $0xFFFFC000  }
0x70: {  	_ =	swait.ge [sflag:s19], $0x4000  }
0x71: {  	[sflag:s19] =	ssyncset.done $0x0  }
0x72: {  	[sflag:s19] =	ssyncadd.s32 $0xFFFFC000  }
0x73: {  	[hbm4b:s20+s3] =	stream.linear.scatter [tilespmem:s14], [sflag:$0x2], $0x4000, $0x38;
	[tilespmem:$0x14400] =	vst v63  }
0x74: {  	_ =	swait.ge [sflag:s4], $0x4000  }
0x75: {  	[sflag:s4] =	ssyncset.done $0x0  }
0x76: {  	[sflag:s4] =	ssyncadd.s32 $0xFFFFC000  }
0x77: {  	[hbm4b:s21+s3] =	stream.linear.scatter [tilespmem:s15], [sflag:$0x2], $0x4000, $0x38;
	[tilespmem:$0x14400] =	vst v63  }
0x78: {  	_ =	swait.ge [sflag:s4], $0x4000  }
0x79: {  	[sflag:s4] =	ssyncset.done $0x0  }
0x7a: {  	[sflag:s4] =	ssyncadd.s32 $0xFFFFC000  }
0x7b: {  	[hbm4b:s22+s3] =	stream.linear.scatter [tilespmem:s16], [sflag:$0x2], $0x4000, $0x38;
	[tilespmem:$0x14400] =	vst v63  }
0x7c: {  	_ =	swait.ge [sflag:s4], $0x4000  }
0x7d: {  	[sflag:s4] =	ssyncset.done $0x0  }
0x7e: {  	[sflag:s4] =	ssyncadd.s32 $0xFFFFC000  }
0x7f: {  	[hbm4b:s23+s3] =	stream.linear.scatter [tilespmem:s17], [sflag:$0x2], $0x4000, $0x38;
	[tilespmem:$0x14400] =	vst v63  }
0x80: {  	_ =	swait.ge [sflag:s4], $0x4000  }
.Ltmp1:
0x81: {  	[sflag:s4] =	ssyncset.done $0x0;
	(pc) =	sbr.rel @p0 .LBB2_1-.Ltmp1, $4  }
0x82: {  	[sflag:s4] =	ssyncadd.s32 $0xFFFFC000  }
0x83: {  	[hbm4b:s24+s3] =	stream.linear.scatter [tilespmem:s18], [sflag:$0x2], $0x4000, $0x38;
	[tilespmem:$0x14400] =	vst v63  }
0x84: {  	_ =	swait.ge [sflag:s4], $0x4000  }
0x85: {  	[sflag:s4] =	ssyncset.done $0x0  }
.LBB2_2:
0x86: {  	[sflag:s4] =	ssyncadd.s32 $0xFFFFC000  }
0x87: {  	_ =	sfence.sel $0x180000  }
0x88: {  	[bflag:$0x0] =	sbarrier.arrive $0xFFFF  }
0x89: {  	p0 =	sne.s32 s0, $0x0;
	_ =	strace $0x90000056  }
0x8a: {  	s0 =	sadd.s32 @!p0 $0x100000, s1;
	[bflag:$0x2] =	sbarrier.arrive $0xFFFF  }
0x8b: {  	[sflag:s0] =	ssyncadd.tile.s32 @!p0 $0x1;
	_ =	shalt  }
.Lfunc_end2:
_tile_overlayer_lowered:
.L_overlay_start_2:
0x8c: {  	(tag) =	ssettag $0x2  }
0x8d: {  	s0 =	rddreg [dreg:$0x0];
	s2 =	stileid.u32  }
0x8e: {  	s1 =	rddreg [dreg:$0x1];
	p0 =	sne.s32 s2, $0x0  }
0x8f: {  	s3 =	rddreg [dreg:$0x2];
	[bflag:$0x3] =	sbarrier.arrive $0xFFFF;
	s2 =	simm.s32 @!p0 $0x1C02  }
0x90: {  	[timem:s3], [sflag:s2] =	dma.local @!p0 [hbm:s0], s1  }
0x91: {  	s0 =	simm.s32 @!p0 $0x2  }
0x92: {  	_ =	swait.ge @!p0 [sflag:s0], s1  }
0x93: {  	s1 =	ssub.s32 @!p0 $0x0, s1;
	[sflag:s0] =	ssyncset.done @!p0 $0x0  }
0x94: {  	[sflag:s0] =	ssyncadd.s32 @!p0 s1  }
0x95: {  	[bflag:$0x3] =	sbarrier.arrive $0xFFFF  }
0x96: {  	_ =	shalt  }

// kernel: kernel.31.cloned.1.call-start
scs
__scs_entry_jumppad:
0x0: {  	(pc) =	sbr.rel $0x88, $3  }
0x1: {  	(tag) =	ssettag $0x0;
	lr =	simm.s32 $0x1  }
0x2: {  	[smem:$0x3F97] =	sst lr;
	_ =	strace $0xD0000000  }
0x3: {  	_ = 	snop  }
0x4: {  	_ = 	snop  }
0x5: {  	_ = 	snop  }
0x6: {  	_ = 	snop  }
0x7: {  	_ = 	snop  }
__scs_overlays_trampoline_lowered:
0x8: {  	[smem:$0x3FA6] =	sst s0  }
0x9: {  	[smem:$0x3FA7] =	sst s1  }
0xa: {  	[smem:$0x3FA8] =	sst s2  }
0xb: {  	[smem:$0x3FA9] =	sst s3  }
0xc: {  	[smem:$0x3FAA] =	sst s4  }
0xd: {  	[smem:$0x3FAB] =	sst s5  }
0xe: {  	[smem:$0x3FAC] =	sst s6  }
0xf: {  	[smem:$0x3FAD] =	sst s7  }
0x10: {  	[smem:$0x3FAE] =	sst s8  }
0x11: {  	[smem:$0x3FAF] =	sst s9;
	s0 =	simm.s32 @!p0 $0x0  }
0x12: {  	s1 =	sld [smem:$0x3F95];
	s0 =	simm.s32 @p0 $0x1  }
0x13: {  	[smem:$0x3FB0] =	sst s0;
	s0 =	simm.s32 @!p1 $0x0  }
0x14: {  	s2 =	sld [smem:$0x3F94];
	s0 =	simm.s32 @p1 $0x1  }
0x15: {  	[smem:$0x3FB1] =	sst s0;
	s0 =	simm.s32 @!p2 $0x0  }
0x16: {  	s3 =	sld [smem:$0x3FDB];
	s0 =	simm.s32 @p2 $0x1  }
0x17: {  	s4 =	simm.s32 $0x1BF5;
	[smem:$0x3FB3] =	sst s0  }
0x18: {  	s0 =	sld [smem:$0x3F96];
	_ =	swait.ge [sflag:s4], $0x0  }
0x19: {  	s7 =	sld [smem:$0x3F97]  }
0x1a: {  	s8 =	sadd.s32 $0xFFFFE003, lr  }
0x1b: {  	s9 =	sadd.s32 $0xFFFFFEF7, lr;
	s5 =	simm.s32 $0xFFFFFFFF;
	p2 =	slt.u32 s8, $0xFFFFF086  }
0x1c: {  	p1 =	slt.u32 s9, $0xF7A;
	s5 =	simm.s32 @!p2 $0x0  }
0x1d: {  	s5 =	simm.s32 @p1 $0x1;
	p0 =	seq.s32 s7, s2  }
0x1e: {  	s7 =	smul.u32 @!p0 $0xF7A, s2;
	p2 =	seq.s32 @!p0 s5, $0x0  }
0x1f: {  	s9 =	smul.u32 $0xF7A, s1;
	s8 =	simm.s32 @!p0 $0x1BF5;
	p2 =	por !p2, p0  }
0x20: {  	[sflag:s8] =	ssyncset.s32 @!p0 $0xFFFFF086;
	s6 =	sadd.s32 @!p0 s3, s7;
	s7 =	simm.s32 @!p0 $0x108  }
0x21: {  	s3 =	sadd.s32 s3, s9;
	s6 =	sadd.s32 @!p0 $0x88, s6;
	s7 =	simm.s32 @p2 $0x1082  }
0x22: {  	[simem:s7], [sflag:s8] =	dma.local @!p0 [hbm:s6], $0xF7A  }
0x23: {  	s9 =	sor.u32 $0xD0000000, s2;
	s6 =	simm.s32 $0x108;
	_ =	swait.ge @!p0 [sflag:s8], $0x0  }
0x24: {  	s3 =	sadd.s32 $0x88, s3;
	s6 =	simm.s32 @!p1 $0x1082;
	[sflag:s4] =	ssyncset.s32 $0xFFFFF086  }
0x25: {  	[simem:s6], [sflag:s4] =	dma.local [hbm:s3], $0xF7A  }
0x26: {  	[smem:$0x3F97] =	sst s1;
	(tag) =	ssettag s2;
	_ =	strace s9  }
0x27: {  	s1 =	sld [smem:$0x3FA7]  }
0x28: {  	s2 =	sld [smem:$0x3FA8]  }
0x29: {  	s4 =	sld [smem:$0x3FAA]  }
0x2a: {  	p0 =	seq.s32 s5, $0x0;
	s5 =	sld [smem:$0x3FAB]  }
0x2b: {  	s6 =	sld [smem:$0x3FAC]  }
0x2c: {  	s7 =	sld [smem:$0x3FAD]  }
0x2d: {  	s3 =	simm.s32 $0x108;
	s8 =	sld [smem:$0x3FAE]  }
0x2e: {  	s3 =	simm.s32 @!p0 $0x1082;
	s9 =	sld [smem:$0x3FAF]  }
0x2f: {  	lr =	sadd.s32 s0, s3;
	s0 =	sld [smem:$0x3FA6]  }
0x30: {  	s3 =	sld [smem:$0x3FA9]  }
0x31: {  	[smem:$0x3FB2] =	sst s10  }
0x32: {  	s10 =	sld [smem:$0x3FB0];
	_ =	sdelay $0x3  }
0x33: {  	p0 =	seq.s32 s10, $0x1;
	s10 =	sld [smem:$0x3FB2];
	_ =	sdelay $0x3  }
0x34: {  	[smem:$0x3FB2] =	sst s10  }
0x35: {  	s10 =	sld [smem:$0x3FB1];
	_ =	sdelay $0x3  }
0x36: {  	p1 =	seq.s32 s10, $0x1;
	s10 =	sld [smem:$0x3FB2];
	_ =	sdelay $0x3  }
0x37: {  	[smem:$0x3FB2] =	sst s10  }
0x38: {  	s10 =	sld [smem:$0x3FB3]  }
0x39: {  	_ = 	snop;
	(pc) =	sbr.ind lr, $3  }
0x3a: {  	_ = 	snop  }
0x3b: {  	_ = 	snop  }
0x3c: {  	p2 =	seq.s32 s10, $0x1;
	s10 =	sld [smem:$0x3FB2]  }
0x3d: {  	_ =	shalt  }
0x3e: {  	_ =	shalt  }
0x3f: {  	_ =	shalt  }
0x40: {  	_ =	shalt  }
0x41: {  	_ =	shalt  }
0x42: {  	_ =	shalt  }
0x43: {  	_ =	shalt  }
0x44: {  	_ =	shalt  }
0x45: {  	_ =	shalt  }
0x46: {  	_ =	shalt  }
0x47: {  	_ =	shalt  }
0x48: {  	_ =	shalt  }
0x49: {  	_ =	shalt  }
0x4a: {  	_ =	shalt  }
0x4b: {  	_ =	shalt  }
0x4c: {  	_ =	shalt  }
0x4d: {  	_ =	shalt  }
0x4e: {  	_ =	shalt  }
0x4f: {  	_ =	shalt  }
0x50: {  	_ =	shalt  }
0x51: {  	_ =	shalt  }
0x52: {  	_ =	shalt  }
0x53: {  	_ =	shalt  }
0x54: {  	_ =	shalt  }
0x55: {  	_ =	shalt  }
0x56: {  	_ =	shalt  }
0x57: {  	_ =	shalt  }
0x58: {  	_ =	shalt  }
0x59: {  	_ =	shalt  }
0x5a: {  	_ =	shalt  }
0x5b: {  	_ =	shalt  }
0x5c: {  	_ =	shalt  }
0x5d: {  	_ =	shalt  }
0x5e: {  	_ =	shalt  }
0x5f: {  	_ =	shalt  }
0x60: {  	_ =	shalt  }
0x61: {  	_ =	shalt  }
0x62: {  	_ =	shalt  }
0x63: {  	_ =	shalt  }
0x64: {  	_ =	shalt  }
0x65: {  	_ =	shalt  }
0x66: {  	_ =	shalt  }
0x67: {  	_ =	shalt  }
0x68: {  	_ =	shalt  }
0x69: {  	_ =	shalt  }
0x6a: {  	_ =	shalt  }
0x6b: {  	_ =	shalt  }
0x6c: {  	_ =	shalt  }
0x6d: {  	_ =	shalt  }
0x6e: {  	_ =	shalt  }
0x6f: {  	_ =	shalt  }
0x70: {  	_ =	shalt  }
0x71: {  	_ =	shalt  }
0x72: {  	_ =	shalt  }
0x73: {  	_ =	shalt  }
0x74: {  	_ =	shalt  }
0x75: {  	_ =	shalt  }
0x76: {  	_ =	shalt  }
0x77: {  	_ =	shalt  }
0x78: {  	_ =	shalt  }
0x79: {  	_ =	shalt  }
0x7a: {  	_ =	shalt  }
0x7b: {  	_ =	shalt  }
0x7c: {  	_ =	shalt  }
0x7d: {  	_ =	shalt  }
0x7e: {  	_ =	shalt  }
0x7f: {  	_ =	shalt  }
0x80: {  	_ =	shalt  }
0x81: {  	_ =	shalt  }
0x82: {  	_ =	shalt  }
0x83: {  	_ =	shalt  }
0x84: {  	_ =	shalt  }
0x85: {  	_ =	shalt  }
0x86: {  	_ =	shalt  }
0x87: {  	_ =	shalt  }
.Lfunc_end0:
.L_simem_size_0:
called_computation.3_lowered:
.L_overlay_start_0:
0x88: {  	s2 =	sld [smem:$0x3FD9]  }
0x89: {  	s3 =	sld [smem:$0x3FFE];
	_ =	sdelay $0x1  }
0x8a: {  	s1 =	srdreg.scid  }
0x8b: {  	s0 =	sand.u32 $0x1, s1  }
0x8c: {  	s16 =	sshll.u32 s0, $0xA;
	s2 =	sadd.s32 s3, s2  }
0x8d: {  	s2 =	sadd.s32 s2, s16  }
0x8e: {  	[smem:$0x3FBE] =	sst s2  }
0x8f: {  	_ = 	snop  }
0x90: {  	(tm) =	ssettm $0x1  }
0x91: {  	s17 =	sld [smem:$0x3FFB];
	_ =	sdelay $0x3  }
0x92: {  	_ =	strace s17  }
0x93: {  	s2 =	sld [smem:$0x3FFC];
	_ =	sdelay $0x3  }
0x94: {  	_ =	strace s2  }
0x95: {  	s2 =	sld [smem:$0x3FFD];
	_ =	sdelay $0x3  }
0x96: {  	_ =	strace s2  }
0x97: {  	_ =	strace $0x8FFFFFFF  }
0x98: {  	s18 =	sld [smem:$0x3FDB];
	_ =	sdelay $0x1  }
0x99: {  	s19 =	simm.s32 $_scs_section_size  }
0x9a: {  	s4 =	simm.s32 $_size__tile_overlayer_lowered;
	s5 =	simm.s32 $_tile_overlayer_lowered  }
0x9b: {  	s22 =	simm.s32 $0x1BFF;
	s21 =	sshll.u32 s5, $0x1;
	s2 =	sadd.s32 s19, s18  }
0x9c: {  	s6 =	simm.s32 $0x0;
	s20 =	sshll.u32 s4, $0x1;
	s4 =	sadd.s32 s21, s2  }
0x9d: {  	[timem:s6], [sflag:s22] =	dma.local [hbm:s4], s20  }
0x9e: {  	_ =	swait.ge [sflag:s22], s20  }
0x9f: {  	s3 =	ssub.s32 $0x0, s20;
	[sflag:s22] =	ssyncset.done $0x0  }
0xa0: {  	[sflag:s22] =	ssyncadd.s32 s3;
	_ =	sdelay $0x1  }
0xa1: {  	s23 =	simm.s32 $0x1B8B  }
0xa2: {  	_ =	swait.ge [sflag:s23], $0x1  }
0xa3: {  	[sflag:s23] =	ssyncset.done $0x0  }
0xa4: {  	s25 =	simm.s32 $0x1B8E;
	s24 =	sld [smem:$0x3FFE];
	[sflag:s23] =	ssyncadd.s32 $0xFFFFFFFF  }
0xa5: {  	s26 =	simm.s32 $execute0_lowered;
	[smem:$0x3FD2] =	sst s25  }
0xa6: {  	s4 =	sshll.u32 s26, $0x1;
	_ =	strace $0x80000046;
	[dreg:$0x1] =	wrdreg $0xFFFFFFFF  }
0xa7: {  	s28 =	simm.s32 $_size_execute0_lowered;
	s2 =	sadd.s32 s2, s4;
	[dreg:$0x0] =	wrdreg $0x0  }
0xa8: {  	s4 =	sshll.u32 s28, $0x1;
	[dreg:$0x2] =	wrdreg s2  }
0xa9: {  	[dreg:$0x3] =	wrdreg s4  }
0xaa: {  	[dreg:$0x4] =	wrdreg $0xC0  }
0xab: {  	_ =	task [dreg:s6], $0x5FFFF  }
0xac: {  	[dreg:$0x1] =	wrdreg $0xFFFFFFFF  }
0xad: {  	[dreg:$0x0] =	wrdreg $0x60  }
0xae: {  	[dreg:$0x2] =	wrdreg s24  }
0xaf: {  	[dreg:$0x3] =	wrdreg $0xA  }
0xb0: {  	_ =	task.clear_ibuf [dreg:s6], $0x4FFFF;
	_ =	strace $0x90000046  }
0xb1: {  	s29 =	simm.s32 $0xA;
	_ =	strace $0x80000048  }
0xb2: {  	_ =	swait.ge [sflag:s29], $0x1  }
0xb3: {  	[sflag:s29] =	ssyncadd.s32 $0xFFFFFFFF  }
0xb4: {  	_ =	strace $0x90000048  }
0xb5: {  	_ =	sfence  }
0xb6: {  	s30 =	sld [smem:$0x0];
	_ =	sdelay $0x2  }
0xb7: {  	s31 =	sshll.u32 s1, $0xD;
	s1 =	sshrl.u32 s1, $0x2  }
0xb8: {  	s3 =	sand.u32 $0x4000, s31;
	s1 =	sadd.s32 s1, s30  }
0xb9: {  	s0 =	sor.u32 s3, s0;
	s1 =	sshll.u32 s1, $0x11  }
0xba: {  	s0 =	sor.u32 s1, s0  }
0xbb: {  	s0 =	sadd.s32 $0x8F2B, s0  }
0xbc: {  	[sflag:s0] =	ssyncadd.remote.s32 $0x1  }
0xbd: {  	_ =	sfence.sel $0xFFFF  }
0xbe: {  	[dreg:$0x0] =	wrdreg $0xFFFFFFFF;
	(pc) =	sbr.abs _section_cstart, $3  }
0xbf: {  	[dreg:$0x1] =	wrdreg $0xFFFFFFFF  }
0xc0: {  	_ =	task.clear_ibuf [dreg:s6], $0x2FFFF;
	_ =	strace $0x9FFFFFFF  }
0xc1: {  	(tm) =	ssettm $0x7FFFFFFF  }
tec
execute0_lowered:
.L_overlay_start_1:
0x0: {  	(tag) =	ssettag $0x1  }
0x1: {  	s1 =	srdreg.scid  }
0x2: {  	s0 =	stileid.u32;
	s23 =	sand.u32 $0x1, s1  }
0x3: {  	s20 =	rddreg [dreg:$0x0];
	s3 =	sshll.u32 s0, $0x8;
	s4 =	sshll.u32 s23, $0x7  }
0x4: {  	s2 =	simm.s32 $0x0;
	s1 =	rddreg [dreg:$0x1];
	s21 =	sor.u32 s4, s3  }
0x5: {  	[smem:$0x7FF] =	sst s2;
	s11 =	sadd.s32 $0x10800, s20;
	s3 =	sshrl.u32 s21, $0x3  }
0x6: {  	_ =	strace $0x80000047;
	s4 =	sadd.s32 s11, s3;
	s3 =	simm.s32 $0x2  }
0x7: {  	[tilespmem:s2], [sflag:$0x2] =	stream.linear.gather [hbm4b:s4+s2], $0x80, $0x38;
	[tilespmem:$0x14400] =	vst v63  }
0x8: {  	s22 =	sor.u32 $0x1000, s21;
	_ =	swait.ge [sflag:s3], $0x80  }
0x9: {  	s5 =	sshrl.u32 s22, $0x3;
	[sflag:s3] =	ssyncset.done $0x0  }
0xa: {  	s6 =	simm.s32 $0x80;
	s5 =	sadd.s32 s11, s5;
	[sflag:s3] =	ssyncadd.s32 $0xFFFFFF80  }
0xb: {  	[tilespmem:s6], [sflag:$0x2] =	stream.linear.gather [hbm4b:s5+s2], $0x80, $0x38;
	[tilespmem:$0x14400] =	vst v63  }
0xc: {  	s24 =	sor.u32 $0x2000, s21;
	_ =	swait.ge [sflag:s3], $0x80  }
0xd: {  	s7 =	sshrl.u32 s24, $0x3;
	[sflag:s3] =	ssyncset.done $0x0  }
0xe: {  	s8 =	simm.s32 $0x100;
	s7 =	sadd.s32 s11, s7;
	[sflag:s3] =	ssyncadd.s32 $0xFFFFFF80  }
0xf: {  	[tilespmem:s8], [sflag:$0x2] =	stream.linear.gather [hbm4b:s7+s2], $0x80, $0x38;
	[tilespmem:$0x14400] =	vst v63  }
0x10: {  	s26 =	sor.u32 $0x3000, s21;
	_ =	swait.ge [sflag:s3], $0x80  }
0x11: {  	s9 =	sshrl.u32 s26, $0x3;
	[sflag:s3] =	ssyncset.done $0x0  }
0x12: {  	s10 =	simm.s32 $0x180;
	s9 =	sadd.s32 s11, s9;
	[sflag:s3] =	ssyncadd.s32 $0xFFFFFF80  }
0x13: {  	[tilespmem:s10], [sflag:$0x2] =	stream.linear.gather [hbm4b:s9+s2], $0x80, $0x38;
	[tilespmem:$0x14400] =	vst v63  }
0x14: {  	s25 =	sor.u32 $0x4000, s21;
	_ =	swait.ge [sflag:s3], $0x80  }
0x15: {  	s12 =	sshrl.u32 s25, $0x3;
	[sflag:s3] =	ssyncset.done $0x0  }
0x16: {  	s11 =	sadd.s32 s11, s12;
	s12 =	simm.s32 $0x200;
	[sflag:s3] =	ssyncadd.s32 $0xFFFFFF80  }
0x17: {  	[tilespmem:s12], [sflag:$0x2] =	stream.linear.gather [hbm4b:s11+s2], $0x80, $0x38;
	[tilespmem:$0x14400] =	vst v63  }
0x18: {  	_ =	swait.ge [sflag:s3], $0x80  }
0x19: {  	[sflag:s3] =	ssyncset.done $0x0  }
0x1a: {  	s14 =	simm.s32 $0x400;
	s13 =	sadd.s32 $0x800, s20;
	[sflag:s3] =	ssyncadd.s32 $0xFFFFFF80  }
0x1b: {  	[tilespmem:s14], [sflag:$0x1] =	stream.indirect.gather [hbm4b:s13+s6], $0x80, s2, s6, $0xb8;
	[tilespmem:$0x14400] =	vst v63  }
0x1c: {  	s15 =	simm.s32 $0x4400  }
0x1d: {  	[tilespmem:s15], [sflag:$0x1] =	stream.indirect.gather [hbm4b:s13+s6], $0x80, s6, s6, $0xb8;
	[tilespmem:$0x14400] =	vst v63  }
0x1e: {  	s16 =	simm.s32 $0x8400  }
0x1f: {  	[tilespmem:s16], [sflag:$0x1] =	stream.indirect.gather [hbm4b:s13+s6], $0x80, s8, s6, $0xb8;
	[tilespmem:$0x14400] =	vst v63  }
0x20: {  	s17 =	simm.s32 $0xC400  }
0x21: {  	[tilespmem:s17], [sflag:$0x1] =	stream.indirect.gather [hbm4b:s13+s6], $0x80, s10, s6, $0xb8;
	[tilespmem:$0x14400] =	vst v63  }
0x22: {  	s18 =	simm.s32 $0x10400;
	s19 =	simm.s32 $0x1  }
0x23: {  	[tilespmem:s18], [sflag:$0x1] =	stream.indirect.gather [hbm4b:s13+s6], $0x80, s12, s6, $0xb8;
	[tilespmem:$0x14400] =	vst v63  }
0x24: {  	_ =	swait.ge [sflag:s19], $0x4000  }
0x25: {  	[sflag:s19] =	ssyncset.done $0x0  }
0x26: {  	[sflag:s19] =	ssyncadd.s32 $0xFFFFC000  }
0x27: {  	_ =	swait.ge [sflag:s19], $0x4000  }
0x28: {  	[sflag:s19] =	ssyncset.done $0x0  }
0x29: {  	[sflag:s19] =	ssyncadd.s32 $0xFFFFC000  }
0x2a: {  	_ =	swait.ge [sflag:s19], $0x4000  }
0x2b: {  	[sflag:s19] =	ssyncset.done $0x0  }
0x2c: {  	[sflag:s19] =	ssyncadd.s32 $0xFFFFC000  }
0x2d: {  	_ =	swait.ge [sflag:s19], $0x4000  }
0x2e: {  	[sflag:s19] =	ssyncset.done $0x0  }
0x2f: {  	[sflag:s19] =	ssyncadd.s32 $0xFFFFC000  }
0x30: {  	_ =	swait.ge [sflag:s19], $0x4000  }
0x31: {  	s28 =	sadd.s32 $0x11200, s20;
	s21 =	sshll.u32 s21, $0x4;
	[sflag:s19] =	ssyncset.done $0x0  }
0x32: {  	s20 =	sadd.s32 s28, s21;
	[sflag:s19] =	ssyncadd.s32 $0xFFFFC000  }
0x33: {  	[hbm4b:s20+s2] =	stream.linear.scatter [tilespmem:s14], [sflag:$0x2], $0x4000, $0x38;
	[tilespmem:$0x14400] =	vst v63  }
0x34: {  	_ =	swait.ge [sflag:s3], $0x4000  }
0x35: {  	s22 =	sshll.u32 s22, $0x4;
	[sflag:s3] =	ssyncset.done $0x0  }
0x36: {  	s21 =	sadd.s32 s28, s22;
	[sflag:s3] =	ssyncadd.s32 $0xFFFFC000  }
0x37: {  	[hbm4b:s21+s2] =	stream.linear.scatter [tilespmem:s15], [sflag:$0x2], $0x4000, $0x38;
	[tilespmem:$0x14400] =	vst v63  }
0x38: {  	_ =	swait.ge [sflag:s3], $0x4000  }
0x39: {  	s29 =	sshll.u32 s24, $0x4;
	[sflag:s3] =	ssyncset.done $0x0  }
0x3a: {  	s31 =	ssub.s32 $0x2, s23;
	s22 =	sadd.s32 s28, s29;
	[sflag:s3] =	ssyncadd.s32 $0xFFFFC000  }
0x3b: {  	[hbm4b:s22+s2] =	stream.linear.scatter [tilespmem:s16], [sflag:$0x2], $0x4000, $0x38;
	[tilespmem:$0x14400] =	vst v63  }
0x3c: {  	s29 =	sshrl.u32 s31, $0x1;
	_ =	swait.ge [sflag:s3], $0x4000  }
0x3d: {  	s30 =	sshll.u32 s26, $0x4;
	s26 =	ssub.s32 s31, s29;
	[sflag:s3] =	ssyncset.done $0x0  }
0x3e: {  	s23 =	sadd.s32 s28, s30;
	s31 =	smax.u32 s26, $0x1;
	[sflag:s3] =	ssyncadd.s32 $0xFFFFC000  }
0x3f: {  	[hbm4b:s23+s2] =	stream.linear.scatter [tilespmem:s17], [sflag:$0x2], $0x4000, $0x38;
	[tilespmem:$0x14400] =	vst v63  }
0x40: {  	p0 =	sne.s32 s31, $0x1;
	_ =	swait.ge [sflag:s3], $0x4000  }
.Ltmp0:
0x41: {  	s30 =	sshll.u32 s25, $0x4;
	[sflag:s3] =	ssyncset.done $0x0;
	(pc) =	sbr.rel @!p0 .LBB2_2-.Ltmp0, $4  }
0x42: {  	s24 =	sadd.s32 s28, s30;
	[sflag:s3] =	ssyncadd.s32 $0xFFFFC000  }
0x43: {  	[hbm4b:s24+s2] =	stream.linear.scatter [tilespmem:s18], [sflag:$0x2], $0x4000, $0x38;
	[tilespmem:$0x14400] =	vst v63  }
0x44: {  	_ =	swait.ge [sflag:s3], $0x4000  }
0x45: {  	s25 =	sadd.s32 $0xFFFFFFFF, s31;
	[sflag:s3] =	ssyncset.done $0x0  }
.LBB2_1:
0x46: {  	p0 =	sne.s32 s25, $0x1;
	s25 =	sadd.s32 $0xFFFFFFFF, s25;
	[sflag:s3] =	ssyncadd.s32 $0xFFFFC000  }
0x47: {  	[tilespmem:s2], [sflag:$0x2] =	stream.linear.gather [hbm4b:s4+s2], $0x80, $0x38;
	[tilespmem:$0x14400] =	vst v63  }
0x48: {  	_ =	swait.ge [sflag:s3], $0x80  }
0x49: {  	[sflag:s3] =	ssyncset.done $0x0  }
0x4a: {  	[sflag:s3] =	ssyncadd.s32 $0xFFFFFF80  }
0x4b: {  	[tilespmem:s6], [sflag:$0x2] =	stream.linear.gather [hbm4b:s5+s2], $0x80, $0x38;
	[tilespmem:$0x14400] =	vst v63  }
0x4c: {  	_ =	swait.ge [sflag:s3], $0x80  }
0x4d: {  	[sflag:s3] =	ssyncset.done $0x0  }
0x4e: {  	[sflag:s3] =	ssyncadd.s32 $0xFFFFFF80  }
0x4f: {  	[tilespmem:s8], [sflag:$0x2] =	stream.linear.gather [hbm4b:s7+s2], $0x80, $0x38;
	[tilespmem:$0x14400] =	vst v63  }
0x50: {  	_ =	swait.ge [sflag:s3], $0x80  }
0x51: {  	[sflag:s3] =	ssyncset.done $0x0  }
0x52: {  	[sflag:s3] =	ssyncadd.s32 $0xFFFFFF80  }
0x53: {  	[tilespmem:s10], [sflag:$0x2] =	stream.linear.gather [hbm4b:s9+s2], $0x80, $0x38;
	[tilespmem:$0x14400] =	vst v63  }
0x54: {  	_ =	swait.ge [sflag:s3], $0x80  }
0x55: {  	[sflag:s3] =	ssyncset.done $0x0  }
0x56: {  	[sflag:s3] =	ssyncadd.s32 $0xFFFFFF80  }
0x57: {  	[tilespmem:s12], [sflag:$0x2] =	stream.linear.gather [hbm4b:s11+s2], $0x80, $0x38;
	[tilespmem:$0x14400] =	vst v63  }
0x58: {  	_ =	swait.ge [sflag:s3], $0x80  }
0x59: {  	[sflag:s3] =	ssyncset.done $0x0  }
0x5a: {  	[sflag:s3] =	ssyncadd.s32 $0xFFFFFF80  }
0x5b: {  	[tilespmem:s14], [sflag:$0x1] =	stream.indirect.gather [hbm4b:s13+s6], $0x80, s2, s6, $0xb8;
	[tilespmem:$0x14400] =	vst v63  }
0x5c: {  	_ = 	snop  }
0x5d: {  	[tilespmem:s15], [sflag:$0x1] =	stream.indirect.gather [hbm4b:s13+s6], $0x80, s6, s6, $0xb8;
	[tilespmem:$0x14400] =	vst v63  }
0x5e: {  	_ = 	snop  }
0x5f: {  	[tilespmem:s16], [sflag:$0x1] =	stream.indirect.gather [hbm4b:s13+s6], $0x80, s8, s6, $0xb8;
	[tilespmem:$0x14400] =	vst v63  }
0x60: {  	_ = 	snop  }
0x61: {  	[tilespmem:s17], [sflag:$0x1] =	stream.indirect.gather [hbm4b:s13+s6], $0x80, s10, s6, $0xb8;
	[tilespmem:$0x14400] =	vst v63  }
0x62: {  	_ = 	snop  }
0x63: {  	[tilespmem:s18], [sflag:$0x1] =	stream.indirect.gather [hbm4b:s13+s6], $0x80, s12, s6, $0xb8;
	[tilespmem:$0x14400] =	vst v63  }
0x64: {  	_ =	swait.ge [sflag:s19], $0x4000  }
0x65: {  	[sflag:s19] =	ssyncset.done $0x0  }
0x66: {  	[sflag:s19] =	ssyncadd.s32 $0xFFFFC000  }
0x67: {  	_ =	swait.ge [sflag:s19], $0x4000  }
0x68: {  	[sflag:s19] =	ssyncset.done $0x0  }
0x69: {  	[sflag:s19] =	ssyncadd.s32 $0xFFFFC000  }
0x6a: {  	_ =	swait.ge [sflag:s19], $0x4000  }
0x6b: {  	[sflag:s19] =	ssyncset.done $0x0  }
0x6c: {  	[sflag:s19] =	ssyncadd.s32 $0xFFFFC000  }
0x6d: {  	_ =	swait.ge [sflag:s19], $0x4000  }
0x6e: {  	[sflag:s19] =	ssyncset.done $0x0  }
0x6f: {  	[sflag:s19] =	ssyncadd.s32 $0xFFFFC000  }
0x70: {  	_ =	swait.ge [sflag:s19], $0x4000  }
0x71: {  	[sflag:s19] =	ssyncset.done $0x0  }
0x72: {  	[sflag:s19] =	ssyncadd.s32 $0xFFFFC000  }
0x73: {  	[hbm4b:s20+s2] =	stream.linear.scatter [tilespmem:s14], [sflag:$0x2], $0x4000, $0x38;
	[tilespmem:$0x14400] =	vst v63  }
0x74: {  	_ =	swait.ge [sflag:s3], $0x4000  }
0x75: {  	[sflag:s3] =	ssyncset.done $0x0  }
0x76: {  	[sflag:s3] =	ssyncadd.s32 $0xFFFFC000  }
0x77: {  	[hbm4b:s21+s2] =	stream.linear.scatter [tilespmem:s15], [sflag:$0x2], $0x4000, $0x38;
	[tilespmem:$0x14400] =	vst v63  }
0x78: {  	_ =	swait.ge [sflag:s3], $0x4000  }
0x79: {  	[sflag:s3] =	ssyncset.done $0x0  }
0x7a: {  	[sflag:s3] =	ssyncadd.s32 $0xFFFFC000  }
0x7b: {  	[hbm4b:s22+s2] =	stream.linear.scatter [tilespmem:s16], [sflag:$0x2], $0x4000, $0x38;
	[tilespmem:$0x14400] =	vst v63  }
0x7c: {  	_ =	swait.ge [sflag:s3], $0x4000  }
0x7d: {  	[sflag:s3] =	ssyncset.done $0x0  }
0x7e: {  	[sflag:s3] =	ssyncadd.s32 $0xFFFFC000  }
0x7f: {  	[hbm4b:s23+s2] =	stream.linear.scatter [tilespmem:s17], [sflag:$0x2], $0x4000, $0x38;
	[tilespmem:$0x14400] =	vst v63  }
0x80: {  	_ =	swait.ge [sflag:s3], $0x4000  }
.Ltmp1:
0x81: {  	[sflag:s3] =	ssyncset.done $0x0;
	(pc) =	sbr.rel @p0 .LBB2_1-.Ltmp1, $4  }
0x82: {  	[sflag:s3] =	ssyncadd.s32 $0xFFFFC000  }
0x83: {  	[hbm4b:s24+s2] =	stream.linear.scatter [tilespmem:s18], [sflag:$0x2], $0x4000, $0x38;
	[tilespmem:$0x14400] =	vst v63  }
0x84: {  	_ =	swait.ge [sflag:s3], $0x4000  }
0x85: {  	[sflag:s3] =	ssyncset.done $0x0  }
.LBB2_2:
0x86: {  	[sflag:s3] =	ssyncadd.s32 $0xFFFFC000  }
0x87: {  	_ =	sfence.sel $0x180000  }
0x88: {  	[bflag:$0x0] =	sbarrier.arrive $0xFFFF  }
0x89: {  	p0 =	sne.s32 s0, $0x0;
	_ =	strace $0x90000047  }
0x8a: {  	s0 =	sadd.s32 @!p0 $0x100000, s1;
	[bflag:$0x2] =	sbarrier.arrive $0xFFFF  }
0x8b: {  	[sflag:s0] =	ssyncadd.tile.s32 @!p0 $0x1;
	_ =	shalt  }
.Lfunc_end2:
_tile_overlayer_lowered:
.L_overlay_start_2:
0x8c: {  	(tag) =	ssettag $0x2  }
0x8d: {  	s0 =	rddreg [dreg:$0x0];
	s2 =	stileid.u32  }
0x8e: {  	s1 =	rddreg [dreg:$0x1];
	p0 =	sne.s32 s2, $0x0  }
0x8f: {  	s3 =	rddreg [dreg:$0x2];
	[bflag:$0x3] =	sbarrier.arrive $0xFFFF;
	s2 =	simm.s32 @!p0 $0x1C02  }
0x90: {  	[timem:s3], [sflag:s2] =	dma.local @!p0 [hbm:s0], s1  }
0x91: {  	s0 =	simm.s32 @!p0 $0x2  }
0x92: {  	_ =	swait.ge @!p0 [sflag:s0], s1  }
0x93: {  	s1 =	ssub.s32 @!p0 $0x0, s1;
	[sflag:s0] =	ssyncset.done @!p0 $0x0  }
0x94: {  	[sflag:s0] =	ssyncadd.s32 @!p0 s1  }
0x95: {  	[bflag:$0x3] =	sbarrier.arrive $0xFFFF  }
0x96: {  	_ =	shalt  }

// kernel: kernel.34.cloned.1.call-start
scs
__scs_entry_jumppad:
0x0: {  	(pc) =	sbr.rel $0x88, $3  }
0x1: {  	(tag) =	ssettag $0x0;
	lr =	simm.s32 $0x1  }
0x2: {  	[smem:$0x3F97] =	sst lr;
	_ =	strace $0xD0000000  }
0x3: {  	_ = 	snop  }
0x4: {  	_ = 	snop  }
0x5: {  	_ = 	snop  }
0x6: {  	_ = 	snop  }
0x7: {  	_ = 	snop  }
__scs_overlays_trampoline_lowered:
0x8: {  	[smem:$0x3FA6] =	sst s0  }
0x9: {  	[smem:$0x3FA7] =	sst s1  }
0xa: {  	[smem:$0x3FA8] =	sst s2  }
0xb: {  	[smem:$0x3FA9] =	sst s3  }
0xc: {  	[smem:$0x3FAA] =	sst s4  }
0xd: {  	[smem:$0x3FAB] =	sst s5  }
0xe: {  	[smem:$0x3FAC] =	sst s6  }
0xf: {  	[smem:$0x3FAD] =	sst s7  }
0x10: {  	[smem:$0x3FAE] =	sst s8  }
0x11: {  	[smem:$0x3FAF] =	sst s9;
	s0 =	simm.s32 @!p0 $0x0  }
0x12: {  	s1 =	sld [smem:$0x3F95];
	s0 =	simm.s32 @p0 $0x1  }
0x13: {  	[smem:$0x3FB0] =	sst s0;
	s0 =	simm.s32 @!p1 $0x0  }
0x14: {  	s2 =	sld [smem:$0x3F94];
	s0 =	simm.s32 @p1 $0x1  }
0x15: {  	[smem:$0x3FB1] =	sst s0;
	s0 =	simm.s32 @!p2 $0x0  }
0x16: {  	s3 =	sld [smem:$0x3FDB];
	s0 =	simm.s32 @p2 $0x1  }
0x17: {  	s4 =	simm.s32 $0x1BF5;
	[smem:$0x3FB3] =	sst s0  }
0x18: {  	s0 =	sld [smem:$0x3F96];
	_ =	swait.ge [sflag:s4], $0x0  }
0x19: {  	s7 =	sld [smem:$0x3F97]  }
0x1a: {  	s8 =	sadd.s32 $0xFFFFE003, lr  }
0x1b: {  	s9 =	sadd.s32 $0xFFFFFEF7, lr;
	s5 =	simm.s32 $0xFFFFFFFF;
	p2 =	slt.u32 s8, $0xFFFFF086  }
0x1c: {  	p1 =	slt.u32 s9, $0xF7A;
	s5 =	simm.s32 @!p2 $0x0  }
0x1d: {  	s5 =	simm.s32 @p1 $0x1;
	p0 =	seq.s32 s7, s2  }
0x1e: {  	s7 =	smul.u32 @!p0 $0xF7A, s2;
	p2 =	seq.s32 @!p0 s5, $0x0  }
0x1f: {  	s9 =	smul.u32 $0xF7A, s1;
	s8 =	simm.s32 @!p0 $0x1BF5;
	p2 =	por !p2, p0  }
0x20: {  	[sflag:s8] =	ssyncset.s32 @!p0 $0xFFFFF086;
	s6 =	sadd.s32 @!p0 s3, s7;
	s7 =	simm.s32 @!p0 $0x108  }
0x21: {  	s3 =	sadd.s32 s3, s9;
	s6 =	sadd.s32 @!p0 $0x88, s6;
	s7 =	simm.s32 @p2 $0x1082  }
0x22: {  	[simem:s7], [sflag:s8] =	dma.local @!p0 [hbm:s6], $0xF7A  }
0x23: {  	s9 =	sor.u32 $0xD0000000, s2;
	s6 =	simm.s32 $0x108;
	_ =	swait.ge @!p0 [sflag:s8], $0x0  }
0x24: {  	s3 =	sadd.s32 $0x88, s3;
	s6 =	simm.s32 @!p1 $0x1082;
	[sflag:s4] =	ssyncset.s32 $0xFFFFF086  }
0x25: {  	[simem:s6], [sflag:s4] =	dma.local [hbm:s3], $0xF7A  }
0x26: {  	[smem:$0x3F97] =	sst s1;
	(tag) =	ssettag s2;
	_ =	strace s9  }
0x27: {  	s1 =	sld [smem:$0x3FA7]  }
0x28: {  	s2 =	sld [smem:$0x3FA8]  }
0x29: {  	s4 =	sld [smem:$0x3FAA]  }
0x2a: {  	p0 =	seq.s32 s5, $0x0;
	s5 =	sld [smem:$0x3FAB]  }
0x2b: {  	s6 =	sld [smem:$0x3FAC]  }
0x2c: {  	s7 =	sld [smem:$0x3FAD]  }
0x2d: {  	s3 =	simm.s32 $0x108;
	s8 =	sld [smem:$0x3FAE]  }
0x2e: {  	s3 =	simm.s32 @!p0 $0x1082;
	s9 =	sld [smem:$0x3FAF]  }
0x2f: {  	lr =	sadd.s32 s0, s3;
	s0 =	sld [smem:$0x3FA6]  }
0x30: {  	s3 =	sld [smem:$0x3FA9]  }
0x31: {  	[smem:$0x3FB2] =	sst s10  }
0x32: {  	s10 =	sld [smem:$0x3FB0];
	_ =	sdelay $0x3  }
0x33: {  	p0 =	seq.s32 s10, $0x1;
	s10 =	sld [smem:$0x3FB2];
	_ =	sdelay $0x3  }
0x34: {  	[smem:$0x3FB2] =	sst s10  }
0x35: {  	s10 =	sld [smem:$0x3FB1];
	_ =	sdelay $0x3  }
0x36: {  	p1 =	seq.s32 s10, $0x1;
	s10 =	sld [smem:$0x3FB2];
	_ =	sdelay $0x3  }
0x37: {  	[smem:$0x3FB2] =	sst s10  }
0x38: {  	s10 =	sld [smem:$0x3FB3]  }
0x39: {  	_ = 	snop;
	(pc) =	sbr.ind lr, $3  }
0x3a: {  	_ = 	snop  }
0x3b: {  	_ = 	snop  }
0x3c: {  	p2 =	seq.s32 s10, $0x1;
	s10 =	sld [smem:$0x3FB2]  }
0x3d: {  	_ =	shalt  }
0x3e: {  	_ =	shalt  }
0x3f: {  	_ =	shalt  }
0x40: {  	_ =	shalt  }
0x41: {  	_ =	shalt  }
0x42: {  	_ =	shalt  }
0x43: {  	_ =	shalt  }
0x44: {  	_ =	shalt  }
0x45: {  	_ =	shalt  }
0x46: {  	_ =	shalt  }
0x47: {  	_ =	shalt  }
0x48: {  	_ =	shalt  }
0x49: {  	_ =	shalt  }
0x4a: {  	_ =	shalt  }
0x4b: {  	_ =	shalt  }
0x4c: {  	_ =	shalt  }
0x4d: {  	_ =	shalt  }
0x4e: {  	_ =	shalt  }
0x4f: {  	_ =	shalt  }
0x50: {  	_ =	shalt  }
0x51: {  	_ =	shalt  }
0x52: {  	_ =	shalt  }
0x53: {  	_ =	shalt  }
0x54: {  	_ =	shalt  }
0x55: {  	_ =	shalt  }
0x56: {  	_ =	shalt  }
0x57: {  	_ =	shalt  }
0x58: {  	_ =	shalt  }
0x59: {  	_ =	shalt  }
0x5a: {  	_ =	shalt  }
0x5b: {  	_ =	shalt  }
0x5c: {  	_ =	shalt  }
0x5d: {  	_ =	shalt  }
0x5e: {  	_ =	shalt  }
0x5f: {  	_ =	shalt  }
0x60: {  	_ =	shalt  }
0x61: {  	_ =	shalt  }
0x62: {  	_ =	shalt  }
0x63: {  	_ =	shalt  }
0x64: {  	_ =	shalt  }
0x65: {  	_ =	shalt  }
0x66: {  	_ =	shalt  }
0x67: {  	_ =	shalt  }
0x68: {  	_ =	shalt  }
0x69: {  	_ =	shalt  }
0x6a: {  	_ =	shalt  }
0x6b: {  	_ =	shalt  }
0x6c: {  	_ =	shalt  }
0x6d: {  	_ =	shalt  }
0x6e: {  	_ =	shalt  }
0x6f: {  	_ =	shalt  }
0x70: {  	_ =	shalt  }
0x71: {  	_ =	shalt  }
0x72: {  	_ =	shalt  }
0x73: {  	_ =	shalt  }
0x74: {  	_ =	shalt  }
0x75: {  	_ =	shalt  }
0x76: {  	_ =	shalt  }
0x77: {  	_ =	shalt  }
0x78: {  	_ =	shalt  }
0x79: {  	_ =	shalt  }
0x7a: {  	_ =	shalt  }
0x7b: {  	_ =	shalt  }
0x7c: {  	_ =	shalt  }
0x7d: {  	_ =	shalt  }
0x7e: {  	_ =	shalt  }
0x7f: {  	_ =	shalt  }
0x80: {  	_ =	shalt  }
0x81: {  	_ =	shalt  }
0x82: {  	_ =	shalt  }
0x83: {  	_ =	shalt  }
0x84: {  	_ =	shalt  }
0x85: {  	_ =	shalt  }
0x86: {  	_ =	shalt  }
0x87: {  	_ =	shalt  }
.Lfunc_end0:
.L_simem_size_0:
called_computation.4_lowered:
.L_overlay_start_0:
0x88: {  	s2 =	sld [smem:$0x3FD9]  }
0x89: {  	s3 =	sld [smem:$0x3FFE];
	_ =	sdelay $0x1  }
0x8a: {  	s1 =	srdreg.scid  }
0x8b: {  	s0 =	sand.u32 $0x1, s1  }
0x8c: {  	s17 =	sshll.u32 s0, $0xA;
	s2 =	sadd.s32 s3, s2  }
0x8d: {  	s2 =	sadd.s32 s2, s17  }
0x8e: {  	[smem:$0x3FBE] =	sst s2  }
0x8f: {  	_ = 	snop  }
0x90: {  	(tm) =	ssettm $0x1  }
0x91: {  	s18 =	sld [smem:$0x3FFB];
	_ =	sdelay $0x3  }
0x92: {  	_ =	strace s18  }
0x93: {  	s2 =	sld [smem:$0x3FFC];
	_ =	sdelay $0x3  }
0x94: {  	_ =	strace s2  }
0x95: {  	s2 =	sld [smem:$0x3FFD];
	_ =	sdelay $0x3  }
0x96: {  	_ =	strace s2  }
0x97: {  	_ =	strace $0x8FFFFFFF  }
0x98: {  	s19 =	sld [smem:$0x3FDB];
	_ =	sdelay $0x1  }
0x99: {  	s20 =	simm.s32 $_scs_section_size  }
0x9a: {  	s4 =	simm.s32 $_size__tile_overlayer_lowered;
	s5 =	simm.s32 $_tile_overlayer_lowered  }
0x9b: {  	s6 =	simm.s32 $0x1BFF;
	s21 =	sshll.u32 s5, $0x1;
	s3 =	sadd.s32 s20, s19  }
0x9c: {  	s22 =	simm.s32 $0x0;
	s4 =	sshll.u32 s4, $0x1;
	s5 =	sadd.s32 s21, s3  }
0x9d: {  	[timem:s22], [sflag:s6] =	dma.local [hbm:s5], s4  }
0x9e: {  	_ =	swait.ge [sflag:s6], s4  }
0x9f: {  	s4 =	ssub.s32 $0x0, s4;
	[sflag:s6] =	ssyncset.done $0x0  }
0xa0: {  	[sflag:s6] =	ssyncadd.s32 s4;
	_ =	sdelay $0x1  }
0xa1: {  	s23 =	simm.s32 $0x1B8B  }
0xa2: {  	_ =	swait.ge [sflag:s23], $0x1  }
0xa3: {  	[sflag:s23] =	ssyncset.done $0x0  }
0xa4: {  	[sflag:s23] =	ssyncadd.s32 $0xFFFFFFFF  }
0xa5: {  	s4 =	sld [smem:$0x0]  }
0xa6: {  	s5 =	sand.u32 $0xFFFFFFFE, s1  }
0xa7: {  	p0 =	sne.s32 s1, s5  }
0xa8: {  	s5 =	sshll.u32 @p0 s5, $0xE  }
0xa9: {  	s5 =	sadd.s32 @p0 $0x11B8D, s5;
	s6 =	sshll.u32 @p0 s4, $0x11  }
0xaa: {  	s5 =	sor.u32 @p0 s6, s5  }
0xab: {  	[sflag:s5] =	ssyncadd.remote.s32 @p0 $0x1;
	_ =	sdelay $0x1  }
0xac: {  	s5 =	simm.s32 @p0 $0x1B8D  }
0xad: {  	_ =	swait.eq @p0 [sflag:s5], $0x1  }
0xae: {  	[sflag:s5] =	ssyncadd.s32 @p0 $0xFFFFFFFF  }
0xaf: {  	s6 =	sshll.u32 @!p0 s1, $0xE  }
0xb0: {  	s6 =	sor.u32 @!p0 $0x4000, s6;
	s5 =	simm.s32 @!p0 $0x1B8D  }
0xb1: {  	s4 =	sshll.u32 @!p0 s4, $0x11;
	s6 =	sadd.s32 @!p0 $0x11B8D, s6;
	_ =	swait.eq @!p0 [sflag:s5], $0x1  }
0xb2: {  	s4 =	sor.u32 @!p0 s4, s6;
	[sflag:s5] =	ssyncadd.s32 @!p0 $0xFFFFFFFF  }
0xb3: {  	s25 =	simm.s32 $0x1B8E;
	s24 =	sld [smem:$0x3FFE];
	[sflag:s4] =	ssyncadd.remote.s32 @!p0 $0x1  }
0xb4: {  	s26 =	simm.s32 $execute0_lowered;
	[smem:$0x3FD2] =	sst s25  }
0xb5: {  	s5 =	sshll.u32 s26, $0x1;
	_ =	strace $0x8000004C;
	[dreg:$0x1] =	wrdreg $0xFFFFFFFF  }
0xb6: {  	s28 =	simm.s32 $_size_execute0_lowered;
	s3 =	sadd.s32 s3, s5;
	[dreg:$0x0] =	wrdreg $0x0  }
0xb7: {  	s5 =	sshll.u32 s28, $0x1;
	[dreg:$0x2] =	wrdreg s3  }
0xb8: {  	[dreg:$0x3] =	wrdreg s5  }
0xb9: {  	[dreg:$0x4] =	wrdreg $0xC0  }
0xba: {  	_ =	task [dreg:s22], $0x5FFFF  }
0xbb: {  	[dreg:$0x1] =	wrdreg $0xFFFFFFFF  }
0xbc: {  	[dreg:$0x0] =	wrdreg $0x60  }
0xbd: {  	[dreg:$0x2] =	wrdreg s24  }
0xbe: {  	[dreg:$0x3] =	wrdreg $0xA  }
0xbf: {  	_ =	task.clear_ibuf [dreg:s22], $0x4FFFF;
	_ =	strace $0x9000004C  }
0xc0: {  	s29 =	simm.s32 $0xA;
	_ =	strace $0x8000004E  }
0xc1: {  	_ =	swait.ge [sflag:s29], $0x1  }
0xc2: {  	[sflag:s29] =	ssyncadd.s32 $0xFFFFFFFF  }
0xc3: {  	_ =	strace $0x9000004E  }
0xc4: {  	_ =	sfence  }
0xc5: {  	s30 =	sld [smem:$0x0];
	_ =	sdelay $0x2  }
0xc6: {  	s31 =	sshll.u32 s1, $0xD;
	s1 =	sshrl.u32 s1, $0x2  }
0xc7: {  	s4 =	sand.u32 $0x4000, s31;
	s1 =	sadd.s32 s1, s30  }
0xc8: {  	s0 =	sor.u32 s4, s0;
	s1 =	sshll.u32 s1, $0x11  }
0xc9: {  	s0 =	sor.u32 s1, s0  }
0xca: {  	s0 =	sadd.s32 $0x8F2B, s0  }
0xcb: {  	[sflag:s0] =	ssyncadd.remote.s32 $0x1  }
0xcc: {  	_ =	sfence.sel $0xFFFF  }
0xcd: {  	[dreg:$0x0] =	wrdreg $0xFFFFFFFF;
	(pc) =	sbr.abs _section_cstart, $3  }
0xce: {  	[dreg:$0x1] =	wrdreg $0xFFFFFFFF  }
0xcf: {  	_ =	task.clear_ibuf [dreg:s22], $0x2FFFF;
	_ =	strace $0x9FFFFFFF  }
0xd0: {  	(tm) =	ssettm $0x7FFFFFFF  }
0xd1: {  	_ =	shalt  }
tec
execute0_lowered:
.L_overlay_start_1:
0x0: {  	(tag) =	ssettag $0x1  }
0x1: {  	s1 =	srdreg.scid  }
0x2: {  	s0 =	stileid.u32;
	s23 =	sand.u32 $0x1, s1  }
0x3: {  	s20 =	rddreg [dreg:$0x0];
	s3 =	sshll.u32 s0, $0x8;
	s4 =	sshll.u32 s23, $0x7  }
0x4: {  	s2 =	simm.s32 $0x0;
	s1 =	rddreg [dreg:$0x1];
	s21 =	sor.u32 s4, s3  }
0x5: {  	[smem:$0x7FF] =	sst s2;
	s11 =	sadd.s32 $0x11200, s20;
	s3 =	sshrl.u32 s21, $0x3  }
0x6: {  	_ =	strace $0x8000004D;
	s4 =	sadd.s32 s11, s3;
	s3 =	simm.s32 $0x2  }
0x7: {  	[tilespmem:s2], [sflag:$0x2] =	stream.linear.gather [hbm4b:s4+s2], $0x80, $0x38;
	[tilespmem:$0x14400] =	vst v63  }
0x8: {  	s22 =	sor.u32 $0x1000, s21;
	_ =	swait.ge [sflag:s3], $0x80  }
0x9: {  	s5 =	sshrl.u32 s22, $0x3;
	[sflag:s3] =	ssyncset.done $0x0  }
0xa: {  	s6 =	simm.s32 $0x80;
	s5 =	sadd.s32 s11, s5;
	[sflag:s3] =	ssyncadd.s32 $0xFFFFFF80  }
0xb: {  	[tilespmem:s6], [sflag:$0x2] =	stream.linear.gather [hbm4b:s5+s2], $0x80, $0x38;
	[tilespmem:$0x14400] =	vst v63  }
0xc: {  	s24 =	sor.u32 $0x2000, s21;
	_ =	swait.ge [sflag:s3], $0x80  }
0xd: {  	s7 =	sshrl.u32 s24, $0x3;
	[sflag:s3] =	ssyncset.done $0x0  }
0xe: {  	s8 =	simm.s32 $0x100;
	s7 =	sadd.s32 s11, s7;
	[sflag:s3] =	ssyncadd.s32 $0xFFFFFF80  }
0xf: {  	[tilespmem:s8], [sflag:$0x2] =	stream.linear.gather [hbm4b:s7+s2], $0x80, $0x38;
	[tilespmem:$0x14400] =	vst v63  }
0x10: {  	s26 =	sor.u32 $0x3000, s21;
	_ =	swait.ge [sflag:s3], $0x80  }
0x11: {  	s9 =	sshrl.u32 s26, $0x3;
	[sflag:s3] =	ssyncset.done $0x0  }
0x12: {  	s10 =	simm.s32 $0x180;
	s9 =	sadd.s32 s11, s9;
	[sflag:s3] =	ssyncadd.s32 $0xFFFFFF80  }
0x13: {  	[tilespmem:s10], [sflag:$0x2] =	stream.linear.gather [hbm4b:s9+s2], $0x80, $0x38;
	[tilespmem:$0x14400] =	vst v63  }
0x14: {  	s25 =	sor.u32 $0x4000, s21;
	_ =	swait.ge [sflag:s3], $0x80  }
0x15: {  	s12 =	sshrl.u32 s25, $0x3;
	[sflag:s3] =	ssyncset.done $0x0  }
0x16: {  	s11 =	sadd.s32 s11, s12;
	s12 =	simm.s32 $0x200;
	[sflag:s3] =	ssyncadd.s32 $0xFFFFFF80  }
0x17: {  	[tilespmem:s12], [sflag:$0x2] =	stream.linear.gather [hbm4b:s11+s2], $0x80, $0x38;
	[tilespmem:$0x14400] =	vst v63  }
0x18: {  	_ =	swait.ge [sflag:s3], $0x80  }
0x19: {  	[sflag:s3] =	ssyncset.done $0x0  }
0x1a: {  	s14 =	simm.s32 $0x400;
	s13 =	sadd.s32 $0x800, s20;
	[sflag:s3] =	ssyncadd.s32 $0xFFFFFF80  }
0x1b: {  	[tilespmem:s14], [sflag:$0x1] =	stream.indirect.gather [hbm4b:s13+s6], $0x80, s2, s6, $0xb8;
	[tilespmem:$0x14400] =	vst v63  }
0x1c: {  	s15 =	simm.s32 $0x4400  }
0x1d: {  	[tilespmem:s15], [sflag:$0x1] =	stream.indirect.gather [hbm4b:s13+s6], $0x80, s6, s6, $0xb8;
	[tilespmem:$0x14400] =	vst v63  }
0x1e: {  	s16 =	simm.s32 $0x8400  }
0x1f: {  	[tilespmem:s16], [sflag:$0x1] =	stream.indirect.gather [hbm4b:s13+s6], $0x80, s8, s6, $0xb8;
	[tilespmem:$0x14400] =	vst v63  }
0x20: {  	s17 =	simm.s32 $0xC400  }
0x21: {  	[tilespmem:s17], [sflag:$0x1] =	stream.indirect.gather [hbm4b:s13+s6], $0x80, s10, s6, $0xb8;
	[tilespmem:$0x14400] =	vst v63  }
0x22: {  	s18 =	simm.s32 $0x10400;
	s19 =	simm.s32 $0x1  }
0x23: {  	[tilespmem:s18], [sflag:$0x1] =	stream.indirect.gather [hbm4b:s13+s6], $0x80, s12, s6, $0xb8;
	[tilespmem:$0x14400] =	vst v63  }
0x24: {  	_ =	swait.ge [sflag:s19], $0x4000  }
0x25: {  	[sflag:s19] =	ssyncset.done $0x0  }
0x26: {  	[sflag:s19] =	ssyncadd.s32 $0xFFFFC000  }
0x27: {  	_ =	swait.ge [sflag:s19], $0x4000  }
0x28: {  	[sflag:s19] =	ssyncset.done $0x0  }
0x29: {  	[sflag:s19] =	ssyncadd.s32 $0xFFFFC000  }
0x2a: {  	_ =	swait.ge [sflag:s19], $0x4000  }
0x2b: {  	[sflag:s19] =	ssyncset.done $0x0  }
0x2c: {  	[sflag:s19] =	ssyncadd.s32 $0xFFFFC000  }
0x2d: {  	_ =	swait.ge [sflag:s19], $0x4000  }
0x2e: {  	[sflag:s19] =	ssyncset.done $0x0  }
0x2f: {  	[sflag:s19] =	ssyncadd.s32 $0xFFFFC000  }
0x30: {  	_ =	swait.ge [sflag:s19], $0x4000  }
0x31: {  	s28 =	sadd.s32 $0xB1200, s20;
	s21 =	sshll.u32 s21, $0x4;
	[sflag:s19] =	ssyncset.done $0x0  }
0x32: {  	s20 =	sadd.s32 s28, s21;
	[sflag:s19] =	ssyncadd.s32 $0xFFFFC000  }
0x33: {  	[hbm4b:s20+s2] =	stream.linear.scatter [tilespmem:s14], [sflag:$0x2], $0x4000, $0x38;
	[tilespmem:$0x14400] =	vst v63  }
0x34: {  	_ =	swait.ge [sflag:s3], $0x4000  }
0x35: {  	s22 =	sshll.u32 s22, $0x4;
	[sflag:s3] =	ssyncset.done $0x0  }
0x36: {  	s21 =	sadd.s32 s28, s22;
	[sflag:s3] =	ssyncadd.s32 $0xFFFFC000  }
0x37: {  	[hbm4b:s21+s2] =	stream.linear.scatter [tilespmem:s15], [sflag:$0x2], $0x4000, $0x38;
	[tilespmem:$0x14400] =	vst v63  }
0x38: {  	_ =	swait.ge [sflag:s3], $0x4000  }
0x39: {  	s29 =	sshll.u32 s24, $0x4;
	[sflag:s3] =	ssyncset.done $0x0  }
0x3a: {  	s31 =	ssub.s32 $0x2, s23;
	s22 =	sadd.s32 s28, s29;
	[sflag:s3] =	ssyncadd.s32 $0xFFFFC000  }
0x3b: {  	[hbm4b:s22+s2] =	stream.linear.scatter [tilespmem:s16], [sflag:$0x2], $0x4000, $0x38;
	[tilespmem:$0x14400] =	vst v63  }
0x3c: {  	s29 =	sshrl.u32 s31, $0x1;
	_ =	swait.ge [sflag:s3], $0x4000  }
0x3d: {  	s30 =	sshll.u32 s26, $0x4;
	s26 =	ssub.s32 s31, s29;
	[sflag:s3] =	ssyncset.done $0x0  }
0x3e: {  	s23 =	sadd.s32 s28, s30;
	s31 =	smax.u32 s26, $0x1;
	[sflag:s3] =	ssyncadd.s32 $0xFFFFC000  }
0x3f: {  	[hbm4b:s23+s2] =	stream.linear.scatter [tilespmem:s17], [sflag:$0x2], $0x4000, $0x38;
	[tilespmem:$0x14400] =	vst v63  }
0x40: {  	p0 =	sne.s32 s31, $0x1;
	_ =	swait.ge [sflag:s3], $0x4000  }
.Ltmp0:
0x41: {  	s30 =	sshll.u32 s25, $0x4;
	[sflag:s3] =	ssyncset.done $0x0;
	(pc) =	sbr.rel @!p0 .LBB2_2-.Ltmp0, $4  }
0x42: {  	s24 =	sadd.s32 s28, s30;
	[sflag:s3] =	ssyncadd.s32 $0xFFFFC000  }
0x43: {  	[hbm4b:s24+s2] =	stream.linear.scatter [tilespmem:s18], [sflag:$0x2], $0x4000, $0x38;
	[tilespmem:$0x14400] =	vst v63  }
0x44: {  	_ =	swait.ge [sflag:s3], $0x4000  }
0x45: {  	s25 =	sadd.s32 $0xFFFFFFFF, s31;
	[sflag:s3] =	ssyncset.done $0x0  }
.LBB2_1:
0x46: {  	p0 =	sne.s32 s25, $0x1;
	s25 =	sadd.s32 $0xFFFFFFFF, s25;
	[sflag:s3] =	ssyncadd.s32 $0xFFFFC000  }
0x47: {  	[tilespmem:s2], [sflag:$0x2] =	stream.linear.gather [hbm4b:s4+s2], $0x80, $0x38;
	[tilespmem:$0x14400] =	vst v63  }
0x48: {  	_ =	swait.ge [sflag:s3], $0x80  }
0x49: {  	[sflag:s3] =	ssyncset.done $0x0  }
0x4a: {  	[sflag:s3] =	ssyncadd.s32 $0xFFFFFF80  }
0x4b: {  	[tilespmem:s6], [sflag:$0x2] =	stream.linear.gather [hbm4b:s5+s2], $0x80, $0x38;
	[tilespmem:$0x14400] =	vst v63  }
0x4c: {  	_ =	swait.ge [sflag:s3], $0x80  }
0x4d: {  	[sflag:s3] =	ssyncset.done $0x0  }
0x4e: {  	[sflag:s3] =	ssyncadd.s32 $0xFFFFFF80  }
0x4f: {  	[tilespmem:s8], [sflag:$0x2] =	stream.linear.gather [hbm4b:s7+s2], $0x80, $0x38;
	[tilespmem:$0x14400] =	vst v63  }
0x50: {  	_ =	swait.ge [sflag:s3], $0x80  }
0x51: {  	[sflag:s3] =	ssyncset.done $0x0  }
0x52: {  	[sflag:s3] =	ssyncadd.s32 $0xFFFFFF80  }
0x53: {  	[tilespmem:s10], [sflag:$0x2] =	stream.linear.gather [hbm4b:s9+s2], $0x80, $0x38;
	[tilespmem:$0x14400] =	vst v63  }
0x54: {  	_ =	swait.ge [sflag:s3], $0x80  }
0x55: {  	[sflag:s3] =	ssyncset.done $0x0  }
0x56: {  	[sflag:s3] =	ssyncadd.s32 $0xFFFFFF80  }
0x57: {  	[tilespmem:s12], [sflag:$0x2] =	stream.linear.gather [hbm4b:s11+s2], $0x80, $0x38;
	[tilespmem:$0x14400] =	vst v63  }
0x58: {  	_ =	swait.ge [sflag:s3], $0x80  }
0x59: {  	[sflag:s3] =	ssyncset.done $0x0  }
0x5a: {  	[sflag:s3] =	ssyncadd.s32 $0xFFFFFF80  }
0x5b: {  	[tilespmem:s14], [sflag:$0x1] =	stream.indirect.gather [hbm4b:s13+s6], $0x80, s2, s6, $0xb8;
	[tilespmem:$0x14400] =	vst v63  }
0x5c: {  	_ = 	snop  }
0x5d: {  	[tilespmem:s15], [sflag:$0x1] =	stream.indirect.gather [hbm4b:s13+s6], $0x80, s6, s6, $0xb8;
	[tilespmem:$0x14400] =	vst v63  }
0x5e: {  	_ = 	snop  }
0x5f: {  	[tilespmem:s16], [sflag:$0x1] =	stream.indirect.gather [hbm4b:s13+s6], $0x80, s8, s6, $0xb8;
	[tilespmem:$0x14400] =	vst v63  }
0x60: {  	_ = 	snop  }
0x61: {  	[tilespmem:s17], [sflag:$0x1] =	stream.indirect.gather [hbm4b:s13+s6], $0x80, s10, s6, $0xb8;
	[tilespmem:$0x14400] =	vst v63  }
0x62: {  	_ = 	snop  }
0x63: {  	[tilespmem:s18], [sflag:$0x1] =	stream.indirect.gather [hbm4b:s13+s6], $0x80, s12, s6, $0xb8;
	[tilespmem:$0x14400] =	vst v63  }
0x64: {  	_ =	swait.ge [sflag:s19], $0x4000  }
0x65: {  	[sflag:s19] =	ssyncset.done $0x0  }
0x66: {  	[sflag:s19] =	ssyncadd.s32 $0xFFFFC000  }
0x67: {  	_ =	swait.ge [sflag:s19], $0x4000  }
0x68: {  	[sflag:s19] =	ssyncset.done $0x0  }
0x69: {  	[sflag:s19] =	ssyncadd.s32 $0xFFFFC000  }
0x6a: {  	_ =	swait.ge [sflag:s19], $0x4000  }
0x6b: {  	[sflag:s19] =	ssyncset.done $0x0  }
0x6c: {  	[sflag:s19] =	ssyncadd.s32 $0xFFFFC000  }
0x6d: {  	_ =	swait.ge [sflag:s19], $0x4000  }
0x6e: {  	[sflag:s19] =	ssyncset.done $0x0  }
0x6f: {  	[sflag:s19] =	ssyncadd.s32 $0xFFFFC000  }
0x70: {  	_ =	swait.ge [sflag:s19], $0x4000  }
0x71: {  	[sflag:s19] =	ssyncset.done $0x0  }
0x72: {  	[sflag:s19] =	ssyncadd.s32 $0xFFFFC000  }
0x73: {  	[hbm4b:s20+s2] =	stream.linear.scatter [tilespmem:s14], [sflag:$0x2], $0x4000, $0x38;
	[tilespmem:$0x14400] =	vst v63  }
0x74: {  	_ =	swait.ge [sflag:s3], $0x4000  }
0x75: {  	[sflag:s3] =	ssyncset.done $0x0  }
0x76: {  	[sflag:s3] =	ssyncadd.s32 $0xFFFFC000  }
0x77: {  	[hbm4b:s21+s2] =	stream.linear.scatter [tilespmem:s15], [sflag:$0x2], $0x4000, $0x38;
	[tilespmem:$0x14400] =	vst v63  }
0x78: {  	_ =	swait.ge [sflag:s3], $0x4000  }
0x79: {  	[sflag:s3] =	ssyncset.done $0x0  }
0x7a: {  	[sflag:s3] =	ssyncadd.s32 $0xFFFFC000  }
0x7b: {  	[hbm4b:s22+s2] =	stream.linear.scatter [tilespmem:s16], [sflag:$0x2], $0x4000, $0x38;
	[tilespmem:$0x14400] =	vst v63  }
0x7c: {  	_ =	swait.ge [sflag:s3], $0x4000  }
0x7d: {  	[sflag:s3] =	ssyncset.done $0x0  }
0x7e: {  	[sflag:s3] =	ssyncadd.s32 $0xFFFFC000  }
0x7f: {  	[hbm4b:s23+s2] =	stream.linear.scatter [tilespmem:s17], [sflag:$0x2], $0x4000, $0x38;
	[tilespmem:$0x14400] =	vst v63  }
0x80: {  	_ =	swait.ge [sflag:s3], $0x4000  }
.Ltmp1:
0x81: {  	[sflag:s3] =	ssyncset.done $0x0;
	(pc) =	sbr.rel @p0 .LBB2_1-.Ltmp1, $4  }
0x82: {  	[sflag:s3] =	ssyncadd.s32 $0xFFFFC000  }
0x83: {  	[hbm4b:s24+s2] =	stream.linear.scatter [tilespmem:s18], [sflag:$0x2], $0x4000, $0x38;
	[tilespmem:$0x14400] =	vst v63  }
0x84: {  	_ =	swait.ge [sflag:s3], $0x4000  }
0x85: {  	[sflag:s3] =	ssyncset.done $0x0  }
.LBB2_2:
0x86: {  	[sflag:s3] =	ssyncadd.s32 $0xFFFFC000  }
0x87: {  	_ =	sfence.sel $0x180000  }
0x88: {  	[bflag:$0x0] =	sbarrier.arrive $0xFFFF  }
0x89: {  	p0 =	sne.s32 s0, $0x0;
	_ =	strace $0x9000004D  }
0x8a: {  	s0 =	sadd.s32 @!p0 $0x100000, s1;
	[bflag:$0x2] =	sbarrier.arrive $0xFFFF  }
0x8b: {  	[sflag:s0] =	ssyncadd.tile.s32 @!p0 $0x1;
	_ =	shalt  }
.Lfunc_end2:
_tile_overlayer_lowered:
.L_overlay_start_2:
0x8c: {  	(tag) =	ssettag $0x2  }
0x8d: {  	s0 =	rddreg [dreg:$0x0];
	s2 =	stileid.u32  }
0x8e: {  	s1 =	rddreg [dreg:$0x1];
	p0 =	sne.s32 s2, $0x0  }
0x8f: {  	s3 =	rddreg [dreg:$0x2];
	[bflag:$0x3] =	sbarrier.arrive $0xFFFF;
	s2 =	simm.s32 @!p0 $0x1C02  }
0x90: {  	[timem:s3], [sflag:s2] =	dma.local @!p0 [hbm:s0], s1  }
0x91: {  	s0 =	simm.s32 @!p0 $0x2  }
0x92: {  	_ =	swait.ge @!p0 [sflag:s0], s1  }
0x93: {  	s1 =	ssub.s32 @!p0 $0x0, s1;
	[sflag:s0] =	ssyncset.done @!p0 $0x0  }
0x94: {  	[sflag:s0] =	ssyncadd.s32 @!p0 s1  }
0x95: {  	[bflag:$0x3] =	sbarrier.arrive $0xFFFF  }
0x96: {  	_ =	shalt  }

// kernel: kernel.37.cloned.1.call-start
scs
__scs_entry_jumppad:
0x0: {  	(pc) =	sbr.rel $0x88, $3  }
0x1: {  	(tag) =	ssettag $0x0;
	lr =	simm.s32 $0x1  }
0x2: {  	[smem:$0x3F97] =	sst lr;
	_ =	strace $0xD0000000  }
0x3: {  	_ = 	snop  }
0x4: {  	_ = 	snop  }
0x5: {  	_ = 	snop  }
0x6: {  	_ = 	snop  }
0x7: {  	_ = 	snop  }
__scs_overlays_trampoline_lowered:
0x8: {  	[smem:$0x3FA6] =	sst s0  }
0x9: {  	[smem:$0x3FA7] =	sst s1  }
0xa: {  	[smem:$0x3FA8] =	sst s2  }
0xb: {  	[smem:$0x3FA9] =	sst s3  }
0xc: {  	[smem:$0x3FAA] =	sst s4  }
0xd: {  	[smem:$0x3FAB] =	sst s5  }
0xe: {  	[smem:$0x3FAC] =	sst s6  }
0xf: {  	[smem:$0x3FAD] =	sst s7  }
0x10: {  	[smem:$0x3FAE] =	sst s8  }
0x11: {  	[smem:$0x3FAF] =	sst s9;
	s0 =	simm.s32 @!p0 $0x0  }
0x12: {  	s1 =	sld [smem:$0x3F95];
	s0 =	simm.s32 @p0 $0x1  }
0x13: {  	[smem:$0x3FB0] =	sst s0;
	s0 =	simm.s32 @!p1 $0x0  }
0x14: {  	s2 =	sld [smem:$0x3F94];
	s0 =	simm.s32 @p1 $0x1  }
0x15: {  	[smem:$0x3FB1] =	sst s0;
	s0 =	simm.s32 @!p2 $0x0  }
0x16: {  	s3 =	sld [smem:$0x3FDB];
	s0 =	simm.s32 @p2 $0x1  }
0x17: {  	s4 =	simm.s32 $0x1BF5;
	[smem:$0x3FB3] =	sst s0  }
0x18: {  	s0 =	sld [smem:$0x3F96];
	_ =	swait.ge [sflag:s4], $0x0  }
0x19: {  	s7 =	sld [smem:$0x3F97]  }
0x1a: {  	s8 =	sadd.s32 $0xFFFFE003, lr  }
0x1b: {  	s9 =	sadd.s32 $0xFFFFFEF7, lr;
	s5 =	simm.s32 $0xFFFFFFFF;
	p2 =	slt.u32 s8, $0xFFFFF086  }
0x1c: {  	p1 =	slt.u32 s9, $0xF7A;
	s5 =	simm.s32 @!p2 $0x0  }
0x1d: {  	s5 =	simm.s32 @p1 $0x1;
	p0 =	seq.s32 s7, s2  }
0x1e: {  	s7 =	smul.u32 @!p0 $0xF7A, s2;
	p2 =	seq.s32 @!p0 s5, $0x0  }
0x1f: {  	s9 =	smul.u32 $0xF7A, s1;
	s8 =	simm.s32 @!p0 $0x1BF5;
	p2 =	por !p2, p0  }
0x20: {  	[sflag:s8] =	ssyncset.s32 @!p0 $0xFFFFF086;
	s6 =	sadd.s32 @!p0 s3, s7;
	s7 =	simm.s32 @!p0 $0x108  }
0x21: {  	s3 =	sadd.s32 s3, s9;
	s6 =	sadd.s32 @!p0 $0x88, s6;
	s7 =	simm.s32 @p2 $0x1082  }
0x22: {  	[simem:s7], [sflag:s8] =	dma.local @!p0 [hbm:s6], $0xF7A  }
0x23: {  	s9 =	sor.u32 $0xD0000000, s2;
	s6 =	simm.s32 $0x108;
	_ =	swait.ge @!p0 [sflag:s8], $0x0  }
0x24: {  	s3 =	sadd.s32 $0x88, s3;
	s6 =	simm.s32 @!p1 $0x1082;
	[sflag:s4] =	ssyncset.s32 $0xFFFFF086  }
0x25: {  	[simem:s6], [sflag:s4] =	dma.local [hbm:s3], $0xF7A  }
0x26: {  	[smem:$0x3F97] =	sst s1;
	(tag) =	ssettag s2;
	_ =	strace s9  }
0x27: {  	s1 =	sld [smem:$0x3FA7]  }
0x28: {  	s2 =	sld [smem:$0x3FA8]  }
0x29: {  	s4 =	sld [smem:$0x3FAA]  }
0x2a: {  	p0 =	seq.s32 s5, $0x0;
	s5 =	sld [smem:$0x3FAB]  }
0x2b: {  	s6 =	sld [smem:$0x3FAC]  }
0x2c: {  	s7 =	sld [smem:$0x3FAD]  }
0x2d: {  	s3 =	simm.s32 $0x108;
	s8 =	sld [smem:$0x3FAE]  }
0x2e: {  	s3 =	simm.s32 @!p0 $0x1082;
	s9 =	sld [smem:$0x3FAF]  }
0x2f: {  	lr =	sadd.s32 s0, s3;
	s0 =	sld [smem:$0x3FA6]  }
0x30: {  	s3 =	sld [smem:$0x3FA9]  }
0x31: {  	[smem:$0x3FB2] =	sst s10  }
0x32: {  	s10 =	sld [smem:$0x3FB0];
	_ =	sdelay $0x3  }
0x33: {  	p0 =	seq.s32 s10, $0x1;
	s10 =	sld [smem:$0x3FB2];
	_ =	sdelay $0x3  }
0x34: {  	[smem:$0x3FB2] =	sst s10  }
0x35: {  	s10 =	sld [smem:$0x3FB1];
	_ =	sdelay $0x3  }
0x36: {  	p1 =	seq.s32 s10, $0x1;
	s10 =	sld [smem:$0x3FB2];
	_ =	sdelay $0x3  }
0x37: {  	[smem:$0x3FB2] =	sst s10  }
0x38: {  	s10 =	sld [smem:$0x3FB3]  }
0x39: {  	_ = 	snop;
	(pc) =	sbr.ind lr, $3  }
0x3a: {  	_ = 	snop  }
0x3b: {  	_ = 	snop  }
0x3c: {  	p2 =	seq.s32 s10, $0x1;
	s10 =	sld [smem:$0x3FB2]  }
0x3d: {  	_ =	shalt  }
0x3e: {  	_ =	shalt  }
0x3f: {  	_ =	shalt  }
0x40: {  	_ =	shalt  }
0x41: {  	_ =	shalt  }
0x42: {  	_ =	shalt  }
0x43: {  	_ =	shalt  }
0x44: {  	_ =	shalt  }
0x45: {  	_ =	shalt  }
0x46: {  	_ =	shalt  }
0x47: {  	_ =	shalt  }
0x48: {  	_ =	shalt  }
0x49: {  	_ =	shalt  }
0x4a: {  	_ =	shalt  }
0x4b: {  	_ =	shalt  }
0x4c: {  	_ =	shalt  }
0x4d: {  	_ =	shalt  }
0x4e: {  	_ =	shalt  }
0x4f: {  	_ =	shalt  }
0x50: {  	_ =	shalt  }
0x51: {  	_ =	shalt  }
0x52: {  	_ =	shalt  }
0x53: {  	_ =	shalt  }
0x54: {  	_ =	shalt  }
0x55: {  	_ =	shalt  }
0x56: {  	_ =	shalt  }
0x57: {  	_ =	shalt  }
0x58: {  	_ =	shalt  }
0x59: {  	_ =	shalt  }
0x5a: {  	_ =	shalt  }
0x5b: {  	_ =	shalt  }
0x5c: {  	_ =	shalt  }
0x5d: {  	_ =	shalt  }
0x5e: {  	_ =	shalt  }
0x5f: {  	_ =	shalt  }
0x60: {  	_ =	shalt  }
0x61: {  	_ =	shalt  }
0x62: {  	_ =	shalt  }
0x63: {  	_ =	shalt  }
0x64: {  	_ =	shalt  }
0x65: {  	_ =	shalt  }
0x66: {  	_ =	shalt  }
0x67: {  	_ =	shalt  }
0x68: {  	_ =	shalt  }
0x69: {  	_ =	shalt  }
0x6a: {  	_ =	shalt  }
0x6b: {  	_ =	shalt  }
0x6c: {  	_ =	shalt  }
0x6d: {  	_ =	shalt  }
0x6e: {  	_ =	shalt  }
0x6f: {  	_ =	shalt  }
0x70: {  	_ =	shalt  }
0x71: {  	_ =	shalt  }
0x72: {  	_ =	shalt  }
0x73: {  	_ =	shalt  }
0x74: {  	_ =	shalt  }
0x75: {  	_ =	shalt  }
0x76: {  	_ =	shalt  }
0x77: {  	_ =	shalt  }
0x78: {  	_ =	shalt  }
0x79: {  	_ =	shalt  }
0x7a: {  	_ =	shalt  }
0x7b: {  	_ =	shalt  }
0x7c: {  	_ =	shalt  }
0x7d: {  	_ =	shalt  }
0x7e: {  	_ =	shalt  }
0x7f: {  	_ =	shalt  }
0x80: {  	_ =	shalt  }
0x81: {  	_ =	shalt  }
0x82: {  	_ =	shalt  }
0x83: {  	_ =	shalt  }
0x84: {  	_ =	shalt  }
0x85: {  	_ =	shalt  }
0x86: {  	_ =	shalt  }
0x87: {  	_ =	shalt  }
.Lfunc_end0:
.L_simem_size_0:
called_computation.5_lowered:
.L_overlay_start_0:
0x88: {  	s2 =	sld [smem:$0x3FD9]  }
0x89: {  	s3 =	sld [smem:$0x3FFE];
	_ =	sdelay $0x1  }
0x8a: {  	s1 =	srdreg.scid  }
0x8b: {  	s0 =	sand.u32 $0x1, s1  }
0x8c: {  	s17 =	sshll.u32 s0, $0xA;
	s2 =	sadd.s32 s3, s2  }
0x8d: {  	s2 =	sadd.s32 s2, s17  }
0x8e: {  	[smem:$0x3FBE] =	sst s2  }
0x8f: {  	_ = 	snop  }
0x90: {  	(tm) =	ssettm $0x1  }
0x91: {  	s18 =	sld [smem:$0x3FFB];
	_ =	sdelay $0x3  }
0x92: {  	_ =	strace s18  }
0x93: {  	s2 =	sld [smem:$0x3FFC];
	_ =	sdelay $0x3  }
0x94: {  	_ =	strace s2  }
0x95: {  	s2 =	sld [smem:$0x3FFD];
	_ =	sdelay $0x3  }
0x96: {  	_ =	strace s2  }
0x97: {  	_ =	strace $0x8FFFFFFF  }
0x98: {  	s19 =	sld [smem:$0x3FDB];
	_ =	sdelay $0x1  }
0x99: {  	s20 =	simm.s32 $_scs_section_size  }
0x9a: {  	s4 =	simm.s32 $_size__tile_overlayer_lowered;
	s5 =	simm.s32 $_tile_overlayer_lowered  }
0x9b: {  	s6 =	simm.s32 $0x1BFF;
	s21 =	sshll.u32 s5, $0x1;
	s3 =	sadd.s32 s20, s19  }
0x9c: {  	s22 =	simm.s32 $0x0;
	s4 =	sshll.u32 s4, $0x1;
	s5 =	sadd.s32 s21, s3  }
0x9d: {  	[timem:s22], [sflag:s6] =	dma.local [hbm:s5], s4  }
0x9e: {  	_ =	swait.ge [sflag:s6], s4  }
0x9f: {  	s4 =	ssub.s32 $0x0, s4;
	[sflag:s6] =	ssyncset.done $0x0  }
0xa0: {  	[sflag:s6] =	ssyncadd.s32 s4;
	_ =	sdelay $0x1  }
0xa1: {  	s23 =	simm.s32 $0x1B8B  }
0xa2: {  	_ =	swait.ge [sflag:s23], $0x1  }
0xa3: {  	[sflag:s23] =	ssyncset.done $0x0  }
0xa4: {  	[sflag:s23] =	ssyncadd.s32 $0xFFFFFFFF  }
0xa5: {  	s4 =	sld [smem:$0x0]  }
0xa6: {  	s5 =	sand.u32 $0xFFFFFFFE, s1  }
0xa7: {  	p0 =	sne.s32 s1, s5  }
0xa8: {  	s5 =	sshll.u32 @p0 s5, $0xE  }
0xa9: {  	s5 =	sadd.s32 @p0 $0x11B8D, s5;
	s6 =	sshll.u32 @p0 s4, $0x11  }
0xaa: {  	s5 =	sor.u32 @p0 s6, s5  }
0xab: {  	[sflag:s5] =	ssyncadd.remote.s32 @p0 $0x1;
	_ =	sdelay $0x1  }
0xac: {  	s5 =	simm.s32 @p0 $0x1B8D  }
0xad: {  	_ =	swait.eq @p0 [sflag:s5], $0x1  }
0xae: {  	[sflag:s5] =	ssyncadd.s32 @p0 $0xFFFFFFFF  }
0xaf: {  	s6 =	sshll.u32 @!p0 s1, $0xE  }
0xb0: {  	s6 =	sor.u32 @!p0 $0x4000, s6;
	s5 =	simm.s32 @!p0 $0x1B8D  }
0xb1: {  	s4 =	sshll.u32 @!p0 s4, $0x11;
	s6 =	sadd.s32 @!p0 $0x11B8D, s6;
	_ =	swait.eq @!p0 [sflag:s5], $0x1  }
0xb2: {  	s4 =	sor.u32 @!p0 s4, s6;
	[sflag:s5] =	ssyncadd.s32 @!p0 $0xFFFFFFFF  }
0xb3: {  	s25 =	simm.s32 $0x1B8E;
	s24 =	sld [smem:$0x3FFE];
	[sflag:s4] =	ssyncadd.remote.s32 @!p0 $0x1  }
0xb4: {  	s26 =	simm.s32 $execute0_lowered;
	[smem:$0x3FD2] =	sst s25  }
0xb5: {  	s5 =	sshll.u32 s26, $0x1;
	_ =	strace $0x80000052;
	[dreg:$0x1] =	wrdreg $0xFFFFFFFF  }
0xb6: {  	s28 =	simm.s32 $_size_execute0_lowered;
	s3 =	sadd.s32 s3, s5;
	[dreg:$0x0] =	wrdreg $0x0  }
0xb7: {  	s5 =	sshll.u32 s28, $0x1;
	[dreg:$0x2] =	wrdreg s3  }
0xb8: {  	[dreg:$0x3] =	wrdreg s5  }
0xb9: {  	[dreg:$0x4] =	wrdreg $0xC0  }
0xba: {  	_ =	task [dreg:s22], $0x5FFFF  }
0xbb: {  	[dreg:$0x1] =	wrdreg $0xFFFFFFFF  }
0xbc: {  	[dreg:$0x0] =	wrdreg $0x60  }
0xbd: {  	[dreg:$0x2] =	wrdreg s24  }
0xbe: {  	[dreg:$0x3] =	wrdreg $0xA  }
0xbf: {  	_ =	task.clear_ibuf [dreg:s22], $0x4FFFF;
	_ =	strace $0x90000052  }
0xc0: {  	s29 =	simm.s32 $0xA;
	_ =	strace $0x80000054  }
0xc1: {  	_ =	swait.ge [sflag:s29], $0x1  }
0xc2: {  	[sflag:s29] =	ssyncadd.s32 $0xFFFFFFFF  }
0xc3: {  	_ =	strace $0x90000054  }
0xc4: {  	_ =	sfence  }
0xc5: {  	s30 =	sld [smem:$0x0];
	_ =	sdelay $0x2  }
0xc6: {  	s31 =	sshll.u32 s1, $0xD;
	s1 =	sshrl.u32 s1, $0x2  }
0xc7: {  	s4 =	sand.u32 $0x4000, s31;
	s1 =	sadd.s32 s1, s30  }
0xc8: {  	s0 =	sor.u32 s4, s0;
	s1 =	sshll.u32 s1, $0x11  }
0xc9: {  	s0 =	sor.u32 s1, s0  }
0xca: {  	s0 =	sadd.s32 $0x8F2B, s0  }
0xcb: {  	[sflag:s0] =	ssyncadd.remote.s32 $0x1  }
0xcc: {  	_ =	sfence.sel $0xFFFF  }
0xcd: {  	[dreg:$0x0] =	wrdreg $0xFFFFFFFF;
	(pc) =	sbr.abs _section_cstart, $3  }
0xce: {  	[dreg:$0x1] =	wrdreg $0xFFFFFFFF  }
0xcf: {  	_ =	task.clear_ibuf [dreg:s22], $0x2FFFF;
	_ =	strace $0x9FFFFFFF  }
0xd0: {  	(tm) =	ssettm $0x7FFFFFFF  }
0xd1: {  	_ =	shalt  }
tec
execute0_lowered:
.L_overlay_start_1:
0x0: {  	(tag) =	ssettag $0x1  }
0x1: {  	s1 =	srdreg.scid  }
0x2: {  	s0 =	stileid.u32;
	s23 =	sand.u32 $0x1, s1  }
0x3: {  	s20 =	rddreg [dreg:$0x0];
	s3 =	sshll.u32 s0, $0x8;
	s4 =	sshll.u32 s23, $0x7  }
0x4: {  	s2 =	simm.s32 $0x0;
	s1 =	rddreg [dreg:$0x1];
	s21 =	sor.u32 s4, s3  }
0x5: {  	[smem:$0x7FF] =	sst s2;
	s11 =	sadd.s32 $0x11200, s20;
	s3 =	sshrl.u32 s21, $0x3  }
0x6: {  	_ =	strace $0x80000053;
	s4 =	sadd.s32 s11, s3;
	s3 =	simm.s32 $0x2  }
0x7: {  	[tilespmem:s2], [sflag:$0x2] =	stream.linear.gather [hbm4b:s4+s2], $0x80, $0x38;
	[tilespmem:$0x14400] =	vst v63  }
0x8: {  	s22 =	sor.u32 $0x1000, s21;
	_ =	swait.ge [sflag:s3], $0x80  }
0x9: {  	s5 =	sshrl.u32 s22, $0x3;
	[sflag:s3] =	ssyncset.done $0x0  }
0xa: {  	s6 =	simm.s32 $0x80;
	s5 =	sadd.s32 s11, s5;
	[sflag:s3] =	ssyncadd.s32 $0xFFFFFF80  }
0xb: {  	[tilespmem:s6], [sflag:$0x2] =	stream.linear.gather [hbm4b:s5+s2], $0x80, $0x38;
	[tilespmem:$0x14400] =	vst v63  }
0xc: {  	s24 =	sor.u32 $0x2000, s21;
	_ =	swait.ge [sflag:s3], $0x80  }
0xd: {  	s7 =	sshrl.u32 s24, $0x3;
	[sflag:s3] =	ssyncset.done $0x0  }
0xe: {  	s8 =	simm.s32 $0x100;
	s7 =	sadd.s32 s11, s7;
	[sflag:s3] =	ssyncadd.s32 $0xFFFFFF80  }
0xf: {  	[tilespmem:s8], [sflag:$0x2] =	stream.linear.gather [hbm4b:s7+s2], $0x80, $0x38;
	[tilespmem:$0x14400] =	vst v63  }
0x10: {  	s26 =	sor.u32 $0x3000, s21;
	_ =	swait.ge [sflag:s3], $0x80  }
0x11: {  	s9 =	sshrl.u32 s26, $0x3;
	[sflag:s3] =	ssyncset.done $0x0  }
0x12: {  	s10 =	simm.s32 $0x180;
	s9 =	sadd.s32 s11, s9;
	[sflag:s3] =	ssyncadd.s32 $0xFFFFFF80  }
0x13: {  	[tilespmem:s10], [sflag:$0x2] =	stream.linear.gather [hbm4b:s9+s2], $0x80, $0x38;
	[tilespmem:$0x14400] =	vst v63  }
0x14: {  	s25 =	sor.u32 $0x4000, s21;
	_ =	swait.ge [sflag:s3], $0x80  }
0x15: {  	s12 =	sshrl.u32 s25, $0x3;
	[sflag:s3] =	ssyncset.done $0x0  }
0x16: {  	s11 =	sadd.s32 s11, s12;
	s12 =	simm.s32 $0x200;
	[sflag:s3] =	ssyncadd.s32 $0xFFFFFF80  }
0x17: {  	[tilespmem:s12], [sflag:$0x2] =	stream.linear.gather [hbm4b:s11+s2], $0x80, $0x38;
	[tilespmem:$0x14400] =	vst v63  }
0x18: {  	_ =	swait.ge [sflag:s3], $0x80  }
0x19: {  	[sflag:s3] =	ssyncset.done $0x0  }
0x1a: {  	s14 =	simm.s32 $0x400;
	s13 =	sadd.s32 $0x800, s20;
	[sflag:s3] =	ssyncadd.s32 $0xFFFFFF80  }
0x1b: {  	[tilespmem:s14], [sflag:$0x1] =	stream.indirect.gather [hbm4b:s13+s6], $0x80, s2, s6, $0xb8;
	[tilespmem:$0x14400] =	vst v63  }
0x1c: {  	s15 =	simm.s32 $0x4400  }
0x1d: {  	[tilespmem:s15], [sflag:$0x1] =	stream.indirect.gather [hbm4b:s13+s6], $0x80, s6, s6, $0xb8;
	[tilespmem:$0x14400] =	vst v63  }
0x1e: {  	s16 =	simm.s32 $0x8400  }
0x1f: {  	[tilespmem:s16], [sflag:$0x1] =	stream.indirect.gather [hbm4b:s13+s6], $0x80, s8, s6, $0xb8;
	[tilespmem:$0x14400] =	vst v63  }
0x20: {  	s17 =	simm.s32 $0xC400  }
0x21: {  	[tilespmem:s17], [sflag:$0x1] =	stream.indirect.gather [hbm4b:s13+s6], $0x80, s10, s6, $0xb8;
	[tilespmem:$0x14400] =	vst v63  }
0x22: {  	s18 =	simm.s32 $0x10400;
	s19 =	simm.s32 $0x1  }
0x23: {  	[tilespmem:s18], [sflag:$0x1] =	stream.indirect.gather [hbm4b:s13+s6], $0x80, s12, s6, $0xb8;
	[tilespmem:$0x14400] =	vst v63  }
0x24: {  	_ =	swait.ge [sflag:s19], $0x4000  }
0x25: {  	[sflag:s19] =	ssyncset.done $0x0  }
0x26: {  	[sflag:s19] =	ssyncadd.s32 $0xFFFFC000  }
0x27: {  	_ =	swait.ge [sflag:s19], $0x4000  }
0x28: {  	[sflag:s19] =	ssyncset.done $0x0  }
0x29: {  	[sflag:s19] =	ssyncadd.s32 $0xFFFFC000  }
0x2a: {  	_ =	swait.ge [sflag:s19], $0x4000  }
0x2b: {  	[sflag:s19] =	ssyncset.done $0x0  }
0x2c: {  	[sflag:s19] =	ssyncadd.s32 $0xFFFFC000  }
0x2d: {  	_ =	swait.ge [sflag:s19], $0x4000  }
0x2e: {  	[sflag:s19] =	ssyncset.done $0x0  }
0x2f: {  	[sflag:s19] =	ssyncadd.s32 $0xFFFFC000  }
0x30: {  	_ =	swait.ge [sflag:s19], $0x4000  }
0x31: {  	s28 =	sadd.s32 $0x61C00, s20;
	s21 =	sshll.u32 s21, $0x4;
	[sflag:s19] =	ssyncset.done $0x0  }
0x32: {  	s20 =	sadd.s32 s28, s21;
	[sflag:s19] =	ssyncadd.s32 $0xFFFFC000  }
0x33: {  	[hbm4b:s20+s2] =	stream.linear.scatter [tilespmem:s14], [sflag:$0x2], $0x4000, $0x38;
	[tilespmem:$0x14400] =	vst v63  }
0x34: {  	_ =	swait.ge [sflag:s3], $0x4000  }
0x35: {  	s22 =	sshll.u32 s22, $0x4;
	[sflag:s3] =	ssyncset.done $0x0  }
0x36: {  	s21 =	sadd.s32 s28, s22;
	[sflag:s3] =	ssyncadd.s32 $0xFFFFC000  }
0x37: {  	[hbm4b:s21+s2] =	stream.linear.scatter [tilespmem:s15], [sflag:$0x2], $0x4000, $0x38;
	[tilespmem:$0x14400] =	vst v63  }
0x38: {  	_ =	swait.ge [sflag:s3], $0x4000  }
0x39: {  	s29 =	sshll.u32 s24, $0x4;
	[sflag:s3] =	ssyncset.done $0x0  }
0x3a: {  	s31 =	ssub.s32 $0x2, s23;
	s22 =	sadd.s32 s28, s29;
	[sflag:s3] =	ssyncadd.s32 $0xFFFFC000  }
0x3b: {  	[hbm4b:s22+s2] =	stream.linear.scatter [tilespmem:s16], [sflag:$0x2], $0x4000, $0x38;
	[tilespmem:$0x14400] =	vst v63  }
0x3c: {  	s29 =	sshrl.u32 s31, $0x1;
	_ =	swait.ge [sflag:s3], $0x4000  }
0x3d: {  	s30 =	sshll.u32 s26, $0x4;
	s26 =	ssub.s32 s31, s29;
	[sflag:s3] =	ssyncset.done $0x0  }
0x3e: {  	s23 =	sadd.s32 s28, s30;
	s31 =	smax.u32 s26, $0x1;
	[sflag:s3] =	ssyncadd.s32 $0xFFFFC000  }
0x3f: {  	[hbm4b:s23+s2] =	stream.linear.scatter [tilespmem:s17], [sflag:$0x2], $0x4000, $0x38;
	[tilespmem:$0x14400] =	vst v63  }
0x40: {  	p0 =	sne.s32 s31, $0x1;
	_ =	swait.ge [sflag:s3], $0x4000  }
.Ltmp0:
0x41: {  	s30 =	sshll.u32 s25, $0x4;
	[sflag:s3] =	ssyncset.done $0x0;
	(pc) =	sbr.rel @!p0 .LBB2_2-.Ltmp0, $4  }
0x42: {  	s24 =	sadd.s32 s28, s30;
	[sflag:s3] =	ssyncadd.s32 $0xFFFFC000  }
0x43: {  	[hbm4b:s24+s2] =	stream.linear.scatter [tilespmem:s18], [sflag:$0x2], $0x4000, $0x38;
	[tilespmem:$0x14400] =	vst v63  }
0x44: {  	_ =	swait.ge [sflag:s3], $0x4000  }
0x45: {  	s25 =	sadd.s32 $0xFFFFFFFF, s31;
	[sflag:s3] =	ssyncset.done $0x0  }
.LBB2_1:
0x46: {  	p0 =	sne.s32 s25, $0x1;
	s25 =	sadd.s32 $0xFFFFFFFF, s25;
	[sflag:s3] =	ssyncadd.s32 $0xFFFFC000  }
0x47: {  	[tilespmem:s2], [sflag:$0x2] =	stream.linear.gather [hbm4b:s4+s2], $0x80, $0x38;
	[tilespmem:$0x14400] =	vst v63  }
0x48: {  	_ =	swait.ge [sflag:s3], $0x80  }
0x49: {  	[sflag:s3] =	ssyncset.done $0x0  }
0x4a: {  	[sflag:s3] =	ssyncadd.s32 $0xFFFFFF80  }
0x4b: {  	[tilespmem:s6], [sflag:$0x2] =	stream.linear.gather [hbm4b:s5+s2], $0x80, $0x38;
	[tilespmem:$0x14400] =	vst v63  }
0x4c: {  	_ =	swait.ge [sflag:s3], $0x80  }
0x4d: {  	[sflag:s3] =	ssyncset.done $0x0  }
0x4e: {  	[sflag:s3] =	ssyncadd.s32 $0xFFFFFF80  }
0x4f: {  	[tilespmem:s8], [sflag:$0x2] =	stream.linear.gather [hbm4b:s7+s2], $0x80, $0x38;
	[tilespmem:$0x14400] =	vst v63  }
0x50: {  	_ =	swait.ge [sflag:s3], $0x80  }
0x51: {  	[sflag:s3] =	ssyncset.done $0x0  }
0x52: {  	[sflag:s3] =	ssyncadd.s32 $0xFFFFFF80  }
0x53: {  	[tilespmem:s10], [sflag:$0x2] =	stream.linear.gather [hbm4b:s9+s2], $0x80, $0x38;
	[tilespmem:$0x14400] =	vst v63  }
0x54: {  	_ =	swait.ge [sflag:s3], $0x80  }
0x55: {  	[sflag:s3] =	ssyncset.done $0x0  }
0x56: {  	[sflag:s3] =	ssyncadd.s32 $0xFFFFFF80  }
0x57: {  	[tilespmem:s12], [sflag:$0x2] =	stream.linear.gather [hbm4b:s11+s2], $0x80, $0x38;
	[tilespmem:$0x14400] =	vst v63  }
0x58: {  	_ =	swait.ge [sflag:s3], $0x80  }
0x59: {  	[sflag:s3] =	ssyncset.done $0x0  }
0x5a: {  	[sflag:s3] =	ssyncadd.s32 $0xFFFFFF80  }
0x5b: {  	[tilespmem:s14], [sflag:$0x1] =	stream.indirect.gather [hbm4b:s13+s6], $0x80, s2, s6, $0xb8;
	[tilespmem:$0x14400] =	vst v63  }
0x5c: {  	_ = 	snop  }
0x5d: {  	[tilespmem:s15], [sflag:$0x1] =	stream.indirect.gather [hbm4b:s13+s6], $0x80, s6, s6, $0xb8;
	[tilespmem:$0x14400] =	vst v63  }
0x5e: {  	_ = 	snop  }
0x5f: {  	[tilespmem:s16], [sflag:$0x1] =	stream.indirect.gather [hbm4b:s13+s6], $0x80, s8, s6, $0xb8;
	[tilespmem:$0x14400] =	vst v63  }
0x60: {  	_ = 	snop  }
0x61: {  	[tilespmem:s17], [sflag:$0x1] =	stream.indirect.gather [hbm4b:s13+s6], $0x80, s10, s6, $0xb8;
	[tilespmem:$0x14400] =	vst v63  }
0x62: {  	_ = 	snop  }
0x63: {  	[tilespmem:s18], [sflag:$0x1] =	stream.indirect.gather [hbm4b:s13+s6], $0x80, s12, s6, $0xb8;
	[tilespmem:$0x14400] =	vst v63  }
0x64: {  	_ =	swait.ge [sflag:s19], $0x4000  }
0x65: {  	[sflag:s19] =	ssyncset.done $0x0  }
0x66: {  	[sflag:s19] =	ssyncadd.s32 $0xFFFFC000  }
0x67: {  	_ =	swait.ge [sflag:s19], $0x4000  }
0x68: {  	[sflag:s19] =	ssyncset.done $0x0  }
0x69: {  	[sflag:s19] =	ssyncadd.s32 $0xFFFFC000  }
0x6a: {  	_ =	swait.ge [sflag:s19], $0x4000  }
0x6b: {  	[sflag:s19] =	ssyncset.done $0x0  }
0x6c: {  	[sflag:s19] =	ssyncadd.s32 $0xFFFFC000  }
0x6d: {  	_ =	swait.ge [sflag:s19], $0x4000  }
0x6e: {  	[sflag:s19] =	ssyncset.done $0x0  }
0x6f: {  	[sflag:s19] =	ssyncadd.s32 $0xFFFFC000  }
0x70: {  	_ =	swait.ge [sflag:s19], $0x4000  }
0x71: {  	[sflag:s19] =	ssyncset.done $0x0  }
0x72: {  	[sflag:s19] =	ssyncadd.s32 $0xFFFFC000  }
0x73: {  	[hbm4b:s20+s2] =	stream.linear.scatter [tilespmem:s14], [sflag:$0x2], $0x4000, $0x38;
	[tilespmem:$0x14400] =	vst v63  }
0x74: {  	_ =	swait.ge [sflag:s3], $0x4000  }
0x75: {  	[sflag:s3] =	ssyncset.done $0x0  }
0x76: {  	[sflag:s3] =	ssyncadd.s32 $0xFFFFC000  }
0x77: {  	[hbm4b:s21+s2] =	stream.linear.scatter [tilespmem:s15], [sflag:$0x2], $0x4000, $0x38;
	[tilespmem:$0x14400] =	vst v63  }
0x78: {  	_ =	swait.ge [sflag:s3], $0x4000  }
0x79: {  	[sflag:s3] =	ssyncset.done $0x0  }
0x7a: {  	[sflag:s3] =	ssyncadd.s32 $0xFFFFC000  }
0x7b: {  	[hbm4b:s22+s2] =	stream.linear.scatter [tilespmem:s16], [sflag:$0x2], $0x4000, $0x38;
	[tilespmem:$0x14400] =	vst v63  }
0x7c: {  	_ =	swait.ge [sflag:s3], $0x4000  }
0x7d: {  	[sflag:s3] =	ssyncset.done $0x0  }
0x7e: {  	[sflag:s3] =	ssyncadd.s32 $0xFFFFC000  }
0x7f: {  	[hbm4b:s23+s2] =	stream.linear.scatter [tilespmem:s17], [sflag:$0x2], $0x4000, $0x38;
	[tilespmem:$0x14400] =	vst v63  }
0x80: {  	_ =	swait.ge [sflag:s3], $0x4000  }
.Ltmp1:
0x81: {  	[sflag:s3] =	ssyncset.done $0x0;
	(pc) =	sbr.rel @p0 .LBB2_1-.Ltmp1, $4  }
0x82: {  	[sflag:s3] =	ssyncadd.s32 $0xFFFFC000  }
0x83: {  	[hbm4b:s24+s2] =	stream.linear.scatter [tilespmem:s18], [sflag:$0x2], $0x4000, $0x38;
	[tilespmem:$0x14400] =	vst v63  }
0x84: {  	_ =	swait.ge [sflag:s3], $0x4000  }
0x85: {  	[sflag:s3] =	ssyncset.done $0x0  }
.LBB2_2:
0x86: {  	[sflag:s3] =	ssyncadd.s32 $0xFFFFC000  }
0x87: {  	_ =	sfence.sel $0x180000  }
0x88: {  	[bflag:$0x0] =	sbarrier.arrive $0xFFFF  }
0x89: {  	p0 =	sne.s32 s0, $0x0;
	_ =	strace $0x90000053  }
0x8a: {  	s0 =	sadd.s32 @!p0 $0x100000, s1;
	[bflag:$0x2] =	sbarrier.arrive $0xFFFF  }
0x8b: {  	[sflag:s0] =	ssyncadd.tile.s32 @!p0 $0x1;
	_ =	shalt  }
.Lfunc_end2:
_tile_overlayer_lowered:
.L_overlay_start_2:
0x8c: {  	(tag) =	ssettag $0x2  }
0x8d: {  	s0 =	rddreg [dreg:$0x0];
	s2 =	stileid.u32  }
0x8e: {  	s1 =	rddreg [dreg:$0x1];
	p0 =	sne.s32 s2, $0x0  }
0x8f: {  	s3 =	rddreg [dreg:$0x2];
	[bflag:$0x3] =	sbarrier.arrive $0xFFFF;
	s2 =	simm.s32 @!p0 $0x1C02  }
0x90: {  	[timem:s3], [sflag:s2] =	dma.local @!p0 [hbm:s0], s1  }
0x91: {  	s0 =	simm.s32 @!p0 $0x2  }
0x92: {  	_ =	swait.ge @!p0 [sflag:s0], s1  }
0x93: {  	s1 =	ssub.s32 @!p0 $0x0, s1;
	[sflag:s0] =	ssyncset.done @!p0 $0x0  }
0x94: {  	[sflag:s0] =	ssyncadd.s32 @!p0 s1  }
0x95: {  	[bflag:$0x3] =	sbarrier.arrive $0xFFFF  }
0x96: {  	_ =	shalt  }

</sc_bundles>
